<compile_context>
chip_gen: v7x
topology: tpu7x:2x2x1
jax: 0.10.2.dev20260603
libtpu: 0.0.44.dev20260713+nightly
codegen_flags: <defaults>
</compile_context>

<pallas_src>
import functools

import jax
import jax.numpy as jnp
from jax import lax
from jax.experimental import pallas as pl
from jax.experimental.pallas import tpu as pltpu
from jax.experimental.pallas import tpu_sc as plsc

F32 = jnp.float32
N = 10000
E = 320000
D = 128
DE = 16
HID = 64
L = 4
G = 64
NS_NODES = 10000
ES = 160000

K = 128
SB = 4
NSC = 2
NSUB = 16
NW = NSC * NSUB
CPT = 80
CPT_S = 40
NCH = NW * CPT
NCH_S = NW * CPT_S
E_PAD = NCH * K
ES_PAD = NCH_S * K
NROWS = 10112
RPT = NROWS // NSUB


def _sc_edge_pass(hw, ep, src2d, dst2d, cpt, with_ep):
    nsteps = cpt // SB
    mesh = plsc.VectorSubcoreMesh(core_axis_name="c", subcore_axis_name="s")

    scratch = [
        pltpu.VMEM((cpt, K), jnp.int32),
        pltpu.VMEM((cpt, K), jnp.int32),
        pltpu.VMEM((SB * K, HID), F32),
    ]
    if with_ep:
        scratch.append(pltpu.VMEM((SB * K // 2, 2 * HID), F32))
    scratch += [
        pltpu.VMEM_SHARED((NROWS, HID), F32),
        pltpu.SemaphoreType.DMA,
        pltpu.SemaphoreType.DMA,
    ]

    def body(*refs):
        if with_ep:
            (hw_hbm, ep_hbm, src_hbm, dst_hbm, out_hbm,
             src_all, dst_all, rows_v, ep_v, agg_sh, sem_g, sem_e) = refs
        else:
            (hw_hbm, src_hbm, dst_hbm, out_hbm,
             src_all, dst_all, rows_v, agg_sh, sem_g, sem_e) = refs
        m_v = rows_v
        c = lax.axis_index("c")
        s = lax.axis_index("s")
        w = c * NSUB + s

        def zero_row(i, _):
            for jj in range(0, HID, 16):
                m_v[i, pl.ds(jj, 16)] = jnp.zeros((16,), F32)
            return 0
        lax.fori_loop(0, SB * K, zero_row, 0)
        base = s * RPT
        pltpu.sync_copy(m_v, agg_sh.at[pl.ds(base, SB * K)])
        rem = RPT - SB * K
        pltpu.sync_copy(m_v.at[pl.ds(0, rem)], agg_sh.at[pl.ds(base + SB * K, rem)])
        plsc.subcore_barrier()

        pltpu.sync_copy(src_hbm.at[pl.ds(w * cpt, cpt)], src_all)
        pltpu.sync_copy(dst_hbm.at[pl.ds(w * cpt, cpt)], dst_all)

        def step(t, _):
            q0 = w * cpt + t * SB
            descs = []
            for b in range(SB):
                descs.append(pltpu.async_copy(
                    hw_hbm.at[src_all.at[t * SB + b]],
                    rows_v.at[pl.ds(b * K, K)], sem_g))
            if with_ep:
                ep_desc = pltpu.async_copy(
                    ep_hbm.at[pl.ds(q0 * (K // 2), SB * K // 2)], ep_v, sem_e)
            for d in descs:
                d.wait()
            if with_ep:
                ep_desc.wait()

                def combine(p, _):
                    for h in range(2):
                        for jj in range(0, HID, 16):
                            m_v[2 * p + h, pl.ds(jj, 16)] = jnp.maximum(
                                rows_v[2 * p + h, pl.ds(jj, 16)]
                                + ep_v[p, pl.ds(h * HID + jj, 16)],
                                jnp.zeros((16,), F32))
                    return 0
                lax.fori_loop(0, SB * K // 2, combine, 0)
            for b in range(SB):
                pltpu.sync_copy(m_v.at[pl.ds(b * K, K)],
                                agg_sh.at[dst_all.at[t * SB + b]], add=True)
            return 0
        lax.fori_loop(0, nsteps, step, 0)

        plsc.subcore_barrier()
        pltpu.sync_copy(agg_sh.at[pl.ds(base, RPT)],
                        out_hbm.at[c, pl.ds(base, RPT)])

    run = functools.partial(
        pl.kernel,
        out_type=jax.ShapeDtypeStruct((NSC, NROWS, HID), F32),
        mesh=mesh,
        scratch_types=scratch,
        compiler_params=pltpu.CompilerParams(use_tc_tiling_on_sc=False),
    )(body)
    if with_ep:
        return run(hw, ep, src2d, dst2d)
    return run(hw, src2d, dst2d)


def _embed_body(nf_ref, snf_ref, wn_ref, bn_ref, a0_ref, ws_ref, bs_ref,
                h_ref, hw_ref, hs_ref):
    h0 = jnp.dot(nf_ref[...], wn_ref[...], preferred_element_type=F32) + bn_ref[...]
    h_ref[...] = h0
    hw_ref[...] = jnp.dot(h0, a0_ref[...], preferred_element_type=F32)
    hs_ref[...] = jnp.maximum(
        jnp.dot(snf_ref[...], ws_ref[...], preferred_element_type=F32) + bs_ref[...],
        0.0)


def _ep_body(ef_ref, we_ref, wb_ref, be_ref, bm_ref, *out_refs):
    ef = ef_ref[...]
    z = jnp.zeros((DE, HID), F32)
    for l in range(L):
        wb = wb_ref[l]
        m = jnp.dot(we_ref[...], wb, preferred_element_type=F32)
        m2 = jnp.concatenate(
            [jnp.concatenate([m, z], axis=1),
             jnp.concatenate([z, m], axis=1)], axis=0)
        cst = jnp.dot(be_ref[...], wb, preferred_element_type=F32) + bm_ref[l]
        cst2 = jnp.concatenate([cst, cst], axis=1)
        out_refs[l][...] = jnp.dot(ef, m2, preferred_element_type=F32) + cst2


def _make_update(need_hw):
    def body(*refs):
        if need_hw:
            (h_ref, p_ref, ut_ref, ub_ref, b_ref, a_ref, ho_ref, hwo_ref) = refs
        else:
            (h_ref, p_ref, ut_ref, ub_ref, b_ref, ho_ref) = refs
        h = h_ref[...]
        agg = p_ref[0, :N // 2, :] + p_ref[1, :N // 2, :]
        u = jnp.maximum(
            jnp.dot(h, ut_ref[...], preferred_element_type=F32)
            + jnp.dot(agg, ub_ref[...], preferred_element_type=F32)
            + b_ref[...], 0.0)
        hn = h + u
        ho_ref[...] = hn
        if need_hw:
            hwo_ref[...] = jnp.dot(hn, a_ref[...], preferred_element_type=F32)
    return body


def _final_body(h_ref, hs0_ref, ps_ref, ohp_ref, ohsp_ref, wl_ref, bl_ref,
                wot_ref, wos_ref, bo_ref, out_ref):
    h = h_ref[...]
    hs = hs0_ref[...] + ps_ref[0, :N // 2, :] + ps_ref[1, :N // 2, :]
    m1 = lax.dot_general(ohp_ref[...], h, (((0,), (0,)), ((), ())),
                         preferred_element_type=F32)
    g = m1[:G, :HID] + m1[G:, HID:]
    m2 = lax.dot_general(ohsp_ref[...], hs, (((0,), (0,)), ((), ())),
                         preferred_element_type=F32)
    gs = m2[:G, :HID] + m2[G:, HID:]
    for l in range(2):
        g = jnp.maximum(
            jnp.dot(g, wl_ref[l], preferred_element_type=F32) + bl_ref[l], 0.0)
    out_ref[...] = (jnp.dot(g, wot_ref[...], preferred_element_type=F32)
                    + jnp.dot(gs, wos_ref[...], preferred_element_type=F32)
                    + bo_ref[...])


def kernel(node_feats, edge_feats, edge_index, batch_ids, solv_node_feats,
           solv_edge_index, solv_batch_ids, W_node, b_node, W_edge, b_edge,
           W_msg, b_msg, W_upd, b_upd, W_lin, b_lin, W_solv, b_solv,
           W_out, b_out):
    src = edge_index[0].astype(jnp.int32)
    dst = edge_index[1].astype(jnp.int32)
    pad = E_PAD - E
    pad_src = (jnp.arange(pad, dtype=jnp.int32) * 37) % N
    pad_dst = N + (jnp.arange(pad, dtype=jnp.int32) % (NROWS - N))
    src2d = jnp.concatenate([src, pad_src]).reshape(NCH, K)
    dst2d = jnp.concatenate([dst, pad_dst]).reshape(NCH, K)

    s_src = solv_edge_index[0].astype(jnp.int32)
    s_dst = solv_edge_index[1].astype(jnp.int32)
    pad_s = ES_PAD - ES
    pad_ssrc = (jnp.arange(pad_s, dtype=jnp.int32) * 37) % NS_NODES
    pad_sdst = N + (jnp.arange(pad_s, dtype=jnp.int32) % (NROWS - N))
    ssrc2d = jnp.concatenate([s_src, pad_ssrc]).reshape(NCH_S, K)
    sdst2d = jnp.concatenate([s_dst, pad_sdst]).reshape(NCH_S, K)

    def bd(w):
        z = jnp.zeros_like(w)
        return jnp.concatenate(
            [jnp.concatenate([w, z], axis=1),
             jnp.concatenate([z, w], axis=1)], axis=0)

    a_all = W_msg[:, :HID, :]
    wb_all = W_msg[:, HID:, :]
    a2 = [bd(a_all[l]) for l in range(L)]
    ut2 = [bd(W_upd[l, :HID, :]) for l in range(L)]
    ub2 = [bd(W_upd[l, HID:, :]) for l in range(L)]
    bu2 = [jnp.concatenate([b_upd[l], b_upd[l]]).reshape(1, 2 * HID)
           for l in range(L)]
    NP = N // 2
    NR2 = NROWS // 2

    h, hw, hs0 = pl.pallas_call(
        _embed_body,
        out_shape=[jax.ShapeDtypeStruct((NP, 2 * HID), F32),
                   jax.ShapeDtypeStruct((NP, 2 * HID), F32),
                   jax.ShapeDtypeStruct((NP, 2 * HID), F32)],
    )(node_feats.reshape(NP, 2 * D), solv_node_feats.reshape(NP, 2 * D),
      bd(W_node), jnp.concatenate([b_node, b_node]).reshape(1, 2 * HID),
      a2[0], bd(W_solv), jnp.concatenate([b_solv, b_solv]).reshape(1, 2 * HID))

    BE = 2048
    EPH = E_PAD // 2
    ef_pair = jnp.concatenate(
        [edge_feats, jnp.zeros((pad, DE), F32)], axis=0).reshape(EPH, 2 * DE)
    ep_all = pl.pallas_call(
        _ep_body,
        grid=(EPH // BE,),
        in_specs=[pl.BlockSpec((BE, 2 * DE), lambda i: (i, 0)),
                  pl.BlockSpec((DE, HID), lambda i: (0, 0)),
                  pl.BlockSpec((L, HID, HID), lambda i: (0, 0, 0)),
                  pl.BlockSpec((1, HID), lambda i: (0, 0)),
                  pl.BlockSpec((L, 1, HID), lambda i: (0, 0, 0))],
        out_specs=[pl.BlockSpec((BE, 2 * HID), lambda i: (i, 0))] * L,
        out_shape=[jax.ShapeDtypeStruct((EPH, 2 * HID), F32)] * L,
    )(ef_pair, W_edge, wb_all, b_edge.reshape(1, HID),
      b_msg.reshape(L, 1, HID))

    for l in range(L):
        part = _sc_edge_pass(hw.reshape(N, HID), ep_all[l], src2d, dst2d,
                             CPT, True)
        need_hw = l < L - 1
        outs = [jax.ShapeDtypeStruct((NP, 2 * HID), F32)]
        args = [h, part.reshape(NSC, NR2, 2 * HID), ut2[l], ub2[l], bu2[l]]
        if need_hw:
            outs.append(jax.ShapeDtypeStruct((NP, 2 * HID), F32))
            args.append(a2[l + 1])
        res = pl.pallas_call(_make_update(need_hw), out_shape=outs)(*args)
        if need_hw:
            h, hw = res
        else:
            h = res[0]

    ps = _sc_edge_pass(hs0.reshape(N, HID), None, ssrc2d, sdst2d, CPT_S, False)

    garange = jnp.arange(G, dtype=jnp.int32)[None, :]
    ohp = (batch_ids.astype(jnp.int32)[:, None] == garange).astype(F32)
    ohsp = (solv_batch_ids.astype(jnp.int32)[:, None] == garange).astype(F32)
    out = pl.pallas_call(
        _final_body,
        out_shape=jax.ShapeDtypeStruct((G, 1), F32),
    )(h, hs0, ps.reshape(NSC, NR2, 2 * HID), ohp.reshape(NP, 2 * G),
      ohsp.reshape(NP, 2 * G),
      W_lin, b_lin.reshape(2, 1, HID), W_out[:HID], W_out[HID:],
      b_out.reshape(1, 1))
    return out

# --- scband reference (transcript-rebuilt; emitter-appended) ---
"""Pipeline reference for scband-network-50027779064049 (READ-ONLY COPY).

The authoritative reference and input builder live on the scoring server;
editing this copy changes nothing except your own understanding.
"""

import jax, jax.numpy as jnp
import numpy as np

HID = 64
L = 4
G = 64
TARGET = 1

def setup_inputs(seed: int = 0) -> dict:
    key = jax.random.key(seed)
    ks = jax.random.split(key, 16)
    N, E, D, DE = 10000, 320000, 128, 16
    Ns, Es, Ds = 10000, 160000, 128
    s = 0.05
    inp = {}
    inp["node_feats"] = jax.random.normal(ks[0], (N, D), jnp.float32)
    inp["edge_feats"] = jax.random.normal(ks[1], (E, DE), jnp.float32)
    inp["edge_index"] = jax.random.randint(ks[2], (2, E), 0, N)
    inp["batch_ids"] = jnp.sort(jax.random.randint(ks[3], (N,), 0, G))
    inp["solv_node_feats"] = jax.random.normal(ks[4], (Ns, Ds), jnp.float32)
    inp["solv_edge_index"] = jax.random.randint(ks[5], (2, Es), 0, Ns)
    inp["solv_batch_ids"] = jnp.sort(jax.random.randint(ks[6], (Ns,), 0, G))
    # learned parameters
    inp["W_node"] = jax.random.normal(ks[7], (D, HID), jnp.float32) * s
    inp["b_node"] = jnp.zeros((HID,), jnp.float32)
    inp["W_edge"] = jax.random.normal(ks[8], (DE, HID), jnp.float32) * s
    inp["b_edge"] = jnp.zeros((HID,), jnp.float32)
    inp["W_msg"] = jax.random.normal(ks[9], (L, 2 * HID, HID), jnp.float32) * s
    inp["b_msg"] = jnp.zeros((L, HID), jnp.float32)
    inp["W_upd"] = jax.random.normal(ks[10], (L, 2 * HID, HID), jnp.float32) * s
    inp["b_upd"] = jnp.zeros((L, HID), jnp.float32)
    inp["W_lin"] = jax.random.normal(ks[11], (2, HID, HID), jnp.float32) * s
    inp["b_lin"] = jnp.zeros((2, HID), jnp.float32)
    inp["W_solv"] = jax.random.normal(ks[12], (Ds, HID), jnp.float32) * s
    inp["b_solv"] = jnp.zeros((HID,), jnp.float32)
    inp["W_out"] = jax.random.normal(ks[13], (2 * HID, TARGET), jnp.float32) * s
    inp["b_out"] = jnp.zeros((TARGET,), jnp.float32)
    return inp

def reference(node_feats, edge_feats, edge_index, batch_ids,
              solv_node_feats, solv_edge_index, solv_batch_ids,
              W_node, b_node, W_edge, b_edge, W_msg, b_msg, W_upd, b_upd,
              W_lin, b_lin, W_solv, b_solv, W_out, b_out):
    src, dst = edge_index[0], edge_index[1]
    # node / edge embeddings
    h = node_feats @ W_node + b_node
    e = edge_feats @ W_edge + b_edge
    N = h.shape[0]
    # MPNN layers: edge-conditioned message + sum aggregation + residual update
    for l in range(L):
        m_in = jnp.concatenate([h[src], e], axis=-1)
        m = jax.nn.relu(m_in @ W_msg[l] + b_msg[l])
        agg = jax.ops.segment_sum(m, dst, num_segments=N)
        u_in = jnp.concatenate([h, agg], axis=-1)
        h = h + jax.nn.relu(u_in @ W_upd[l] + b_upd[l])
    # SumPooling over graphs
    g = jax.ops.segment_sum(h, batch_ids, num_segments=G)
    # Linears MLP (2 layers)
    for l in range(2):
        g = jax.nn.relu(g @ W_lin[l] + b_lin[l])
    # SolventLayer: embed solvent nodes, one-hop aggregation, pool, fuse, project
    hs = jax.nn.relu(solv_node_feats @ W_solv + b_solv)
    s_src, s_dst = solv_edge_index[0], solv_edge_index[1]
    hs = hs + jax.ops.segment_sum(hs[s_src], s_dst, num_segments=hs.shape[0])
    gs = jax.ops.segment_sum(hs, solv_batch_ids, num_segments=G)
    out = jnp.concatenate([g, gs], axis=-1) @ W_out + b_out
    return out

if __name__ == "__main__":
    import jax
    _d = setup_inputs()
    print(jax.jit(kernel)(*tuple(_d.values())))

</pallas_src>

<mosaic_0001>
#map = affine_map<(d0, d1) -> (0, 0)>
#map1 = affine_map<(d0, d1) -> (0, 0, 0)>
module attributes {stable_mosaic.version = 14 : i64} {
  func.func @body(%arg0: i32, %arg1: i32, %arg2: memref<10000x64xf32, #tpu.memory_space<hbm>>, %arg3: memref<163840x128xf32, #tpu.memory_space<hbm>>, %arg4: memref<2560x128xi32, #tpu.memory_space<hbm>>, %arg5: memref<2560x128xi32, #tpu.memory_space<hbm>>, %arg6: memref<2x10112x64xf32, #tpu.memory_space<hbm>>, %arg7: memref<80x128xi32, #tpu.memory_space<vmem>>, %arg8: memref<80x128xi32, #tpu.memory_space<vmem>>, %arg9: memref<512x64xf32, #tpu.memory_space<vmem>>, %arg10: memref<256x128xf32, #tpu.memory_space<vmem>>, %arg11: memref<10112x64xf32, #tpu.memory_space<vmem_shared>>, %arg12: memref<!tpu.dma_semaphore, #tpu.memory_space<semaphore_mem>>, %arg13: memref<!tpu.dma_semaphore, #tpu.memory_space<semaphore_mem>>) attributes {dimension_semantics = [#tpu.dimension_semantics<core_parallel>, #tpu.dimension_semantics<subcore_parallel>], iteration_bounds = array<i64: 2, 16>, scalar_prefetch = 0 : i64, scratch_operands = 7 : i64, tpu.core_type = #tpu.core_type<sc_vector_subcore>, window_params = [{transform_indices = #map}, {transform_indices = #map}, {transform_indices = #map}, {transform_indices = #map}, {transform_indices = #map1}]} {
    %mul3A = arith.constant 16 : i32
    %mul3A_0 = arith.muli %arg0, %mul3A : i32
    %add3A = arith.addi %mul3A_0, %arg1 : i32
    %scan3A = arith.constant 0 : i32
    %scan3A_1 = arith.constant 0 : i32
    %scan3A_2 = arith.constant 512 : i32
    %scan3A_3 = arith.addi %scan3A_1, %scan3A_2 : i32
    %scan3A_4 = arith.constant 1 : i32
    %scan3A_5 = scf.for %scan3A_23 = %scan3A_1 to %scan3A_3 step %scan3A_4 iter_args(%scan3A_24 = %scan3A) -> (i32)  : i32 {
      %broadcast_in_dim3A = arith.constant 0.000000e+00 : f32
      %broadcast_in_dim3A_25 = vector.broadcast %broadcast_in_dim3A : f32 to vector<16xf32>
      %swap3A = arith.index_cast %scan3A_23 : i32 to index
      %swap3A_26 = arith.constant 0 : index
      %swap3A_27 = tpu.vector_load %arg9[%swap3A, %swap3A_26] {strides = array<i32>} : memref<512x64xf32, #tpu.memory_space<vmem>>, vector<1x16xf32>,
      %swap3A_28 = vector.shape_cast %swap3A_27 : vector<1x16xf32> to vector<16xf32>
      %swap3A_29 = vector.shape_cast %broadcast_in_dim3A_25 : vector<16xf32> to vector<1x16xf32>
      tpu.vector_store %arg9[%swap3A, %swap3A_26], %swap3A_29 {strides = array<i32>} : memref<512x64xf32, #tpu.memory_space<vmem>>, vector<1x16xf32>,
      %broadcast_in_dim3A_30 = arith.constant 0.000000e+00 : f32
      %broadcast_in_dim3A_31 = vector.broadcast %broadcast_in_dim3A_30 : f32 to vector<16xf32>
      %swap3A_32 = arith.index_cast %scan3A_23 : i32 to index
      %swap3A_33 = arith.constant 16 : index
      %swap3A_34 = tpu.vector_load %arg9[%swap3A_32, %swap3A_33] {strides = array<i32>} : memref<512x64xf32, #tpu.memory_space<vmem>>, vector<1x16xf32>,
      %swap3A_35 = vector.shape_cast %swap3A_34 : vector<1x16xf32> to vector<16xf32>
      %swap3A_36 = vector.shape_cast %broadcast_in_dim3A_31 : vector<16xf32> to vector<1x16xf32>
      tpu.vector_store %arg9[%swap3A_32, %swap3A_33], %swap3A_36 {strides = array<i32>} : memref<512x64xf32, #tpu.memory_space<vmem>>, vector<1x16xf32>,
      %broadcast_in_dim3A_37 = arith.constant 0.000000e+00 : f32
      %broadcast_in_dim3A_38 = vector.broadcast %broadcast_in_dim3A_37 : f32 to vector<16xf32>
      %swap3A_39 = arith.index_cast %scan3A_23 : i32 to index
      %swap3A_40 = arith.constant 32 : index
      %swap3A_41 = tpu.vector_load %arg9[%swap3A_39, %swap3A_40] {strides = array<i32>} : memref<512x64xf32, #tpu.memory_space<vmem>>, vector<1x16xf32>,
      %swap3A_42 = vector.shape_cast %swap3A_41 : vector<1x16xf32> to vector<16xf32>
      %swap3A_43 = vector.shape_cast %broadcast_in_dim3A_38 : vector<16xf32> to vector<1x16xf32>
      tpu.vector_store %arg9[%swap3A_39, %swap3A_40], %swap3A_43 {strides = array<i32>} : memref<512x64xf32, #tpu.memory_space<vmem>>, vector<1x16xf32>,
      %broadcast_in_dim3A_44 = arith.constant 0.000000e+00 : f32
      %broadcast_in_dim3A_45 = vector.broadcast %broadcast_in_dim3A_44 : f32 to vector<16xf32>
      %swap3A_46 = arith.index_cast %scan3A_23 : i32 to index
      %swap3A_47 = arith.constant 48 : index
      %swap3A_48 = tpu.vector_load %arg9[%swap3A_46, %swap3A_47] {strides = array<i32>} : memref<512x64xf32, #tpu.memory_space<vmem>>, vector<1x16xf32>,
      %swap3A_49 = vector.shape_cast %swap3A_48 : vector<1x16xf32> to vector<16xf32>
      %swap3A_50 = vector.shape_cast %broadcast_in_dim3A_45 : vector<16xf32> to vector<1x16xf32>
      tpu.vector_store %arg9[%swap3A_46, %swap3A_47], %swap3A_50 {strides = array<i32>} : memref<512x64xf32, #tpu.memory_space<vmem>>, vector<1x16xf32>,
      %scan3A_51 = arith.constant 0 : i32
      scf.yield %scan3A_51 : i32
    }
    %scan3A_6 = arith.constant 512 : i32
    %mul3A_7 = arith.constant 632 : i32
    %mul3A_8 = arith.muli %arg1, %mul3A_7 : i32
    "tpu.region"() ({
      %run_scoped3A = tpu.sem_alloc : memref<!tpu.dma_semaphore, #tpu.memory_space<semaphore_mem>>
      %dma_start3A = arith.constant 0 : i32
      %dma_start3A_23 = tpu.memref_slice %arg11[%mul3A_8, %dma_start3A] : memref<10112x64xf32, #tpu.memory_space<vmem_shared>> -> memref<512x64xf32, #tpu.memory_space<vmem_shared>>
      %dma_start3A_24 = arith.constant 0 : i32
      %dma_start3A_25 = tpu.memref_slice %arg11[%mul3A_8, %dma_start3A_24] : memref<10112x64xf32, #tpu.memory_space<vmem_shared>> -> memref<512x64xf32, #tpu.memory_space<vmem_shared>>
      tpu.enqueue_dma source(%arg9 : memref<512x64xf32, #tpu.memory_space<vmem>>) target(%dma_start3A_25 : memref<512x64xf32, #tpu.memory_space<vmem_shared>>) target_semaphore(%run_scoped3A : memref<!tpu.dma_semaphore, #tpu.memory_space<semaphore_mem>>)
      %dma_wait3A = arith.constant 0 : i32
      %dma_wait3A_26 = tpu.memref_slice %arg11[%mul3A_8, %dma_wait3A] : memref<10112x64xf32, #tpu.memory_space<vmem_shared>> -> memref<512x64xf32, #tpu.memory_space<vmem_shared>>
      %dma_wait3A_27 = arith.constant 0 : i32
      %dma_wait3A_28 = tpu.memref_slice %arg11[%mul3A_8, %dma_wait3A_27] : memref<10112x64xf32, #tpu.memory_space<vmem_shared>> -> memref<512x64xf32, #tpu.memory_space<vmem_shared>>
      tpu.wait_dma2 semaphore(%run_scoped3A : memref<!tpu.dma_semaphore, #tpu.memory_space<semaphore_mem>>) src(%arg9 : memref<512x64xf32, #tpu.memory_space<vmem>>) dst(%dma_wait3A_28 : memref<512x64xf32, #tpu.memory_space<vmem_shared>>)
      tpu.yield
    }) : () -> ()
    %add3A_9 = arith.constant 512 : i32
    %add3A_10 = arith.addi %mul3A_8, %add3A_9 : i32
    "tpu.region"() ({
      %run_scoped3A = tpu.sem_alloc : memref<!tpu.dma_semaphore, #tpu.memory_space<semaphore_mem>>
      %dma_start3A = arith.constant 0 : i32
      %dma_start3A_23 = arith.constant 0 : i32
      %dma_start3A_24 = tpu.memref_slice %arg9[%dma_start3A, %dma_start3A_23] : memref<512x64xf32, #tpu.memory_space<vmem>> -> memref<120x64xf32, #tpu.memory_space<vmem>>
      %dma_start3A_25 = arith.constant 0 : i32
      %dma_start3A_26 = tpu.memref_slice %arg11[%add3A_10, %dma_start3A_25] : memref<10112x64xf32, #tpu.memory_space<vmem_shared>> -> memref<120x64xf32, #tpu.memory_space<vmem_shared>>
      %dma_start3A_27 = arith.constant 0 : i32
      %dma_start3A_28 = tpu.memref_slice %arg11[%add3A_10, %dma_start3A_27] : memref<10112x64xf32, #tpu.memory_space<vmem_shared>> -> memref<120x64xf32, #tpu.memory_space<vmem_shared>>
      %dma_start3A_29 = arith.constant 0 : i32
      %dma_start3A_30 = arith.constant 0 : i32
      %dma_start3A_31 = tpu.memref_slice %arg9[%dma_start3A_29, %dma_start3A_30] : memref<512x64xf32, #tpu.memory_space<vmem>> -> memref<120x64xf32, #tpu.memory_space<vmem>>
      tpu.enqueue_dma source(%dma_start3A_31 : memref<120x64xf32, #tpu.memory_space<vmem>>) target(%dma_start3A_28 : memref<120x64xf32, #tpu.memory_space<vmem_shared>>) target_semaphore(%run_scoped3A : memref<!tpu.dma_semaphore, #tpu.memory_space<semaphore_mem>>)
      %dma_wait3A = arith.constant 0 : i32
      %dma_wait3A_32 = arith.constant 0 : i32
      %dma_wait3A_33 = tpu.memref_slice %arg9[%dma_wait3A, %dma_wait3A_32] : memref<512x64xf32, #tpu.memory_space<vmem>> -> memref<120x64xf32, #tpu.memory_space<vmem>>
      %dma_wait3A_34 = arith.constant 0 : i32
      %dma_wait3A_35 = tpu.memref_slice %arg11[%add3A_10, %dma_wait3A_34] : memref<10112x64xf32, #tpu.memory_space<vmem_shared>> -> memref<120x64xf32, #tpu.memory_space<vmem_shared>>
      %dma_wait3A_36 = arith.constant 0 : i32
      %dma_wait3A_37 = tpu.memref_slice %arg11[%add3A_10, %dma_wait3A_36] : memref<10112x64xf32, #tpu.memory_space<vmem_shared>> -> memref<120x64xf32, #tpu.memory_space<vmem_shared>>
      %dma_wait3A_38 = arith.constant 0 : i32
      %dma_wait3A_39 = arith.constant 0 : i32
      %dma_wait3A_40 = tpu.memref_slice %arg9[%dma_wait3A_38, %dma_wait3A_39] : memref<512x64xf32, #tpu.memory_space<vmem>> -> memref<120x64xf32, #tpu.memory_space<vmem>>
      tpu.wait_dma2 semaphore(%run_scoped3A : memref<!tpu.dma_semaphore, #tpu.memory_space<semaphore_mem>>) src(%dma_wait3A_40 : memref<120x64xf32, #tpu.memory_space<vmem>>) dst(%dma_wait3A_37 : memref<120x64xf32, #tpu.memory_space<vmem_shared>>)
      tpu.yield
    }) : () -> ()
    %barrier3A = arith.constant 0 : index
    tpu.barrier barrier_id(%barrier3A)
    %mul3A_11 = arith.constant 80 : i32
    %mul3A_12 = arith.muli %add3A, %mul3A_11 : i32
    "tpu.region"() ({
      %run_scoped3A = tpu.sem_alloc : memref<!tpu.dma_semaphore, #tpu.memory_space<semaphore_mem>>
      %dma_start3A = arith.constant 0 : i32
      %dma_start3A_23 = tpu.memref_slice %arg4[%mul3A_12, %dma_start3A] : memref<2560x128xi32, #tpu.memory_space<hbm>> -> memref<80x128xi32, #tpu.memory_space<hbm>>
      %dma_start3A_24 = arith.constant 0 : i32
      %dma_start3A_25 = tpu.memref_slice %arg4[%mul3A_12, %dma_start3A_24] : memref<2560x128xi32, #tpu.memory_space<hbm>> -> memref<80x128xi32, #tpu.memory_space<hbm>>
      tpu.enqueue_dma source(%dma_start3A_25 : memref<80x128xi32, #tpu.memory_space<hbm>>) target(%arg7 : memref<80x128xi32, #tpu.memory_space<vmem>>) target_semaphore(%run_scoped3A : memref<!tpu.dma_semaphore, #tpu.memory_space<semaphore_mem>>)
      %dma_wait3A = arith.constant 0 : i32
      %dma_wait3A_26 = tpu.memref_slice %arg4[%mul3A_12, %dma_wait3A] : memref<2560x128xi32, #tpu.memory_space<hbm>> -> memref<80x128xi32, #tpu.memory_space<hbm>>
      %dma_wait3A_27 = arith.constant 0 : i32
      %dma_wait3A_28 = tpu.memref_slice %arg4[%mul3A_12, %dma_wait3A_27] : memref<2560x128xi32, #tpu.memory_space<hbm>> -> memref<80x128xi32, #tpu.memory_space<hbm>>
      tpu.wait_dma2 semaphore(%run_scoped3A : memref<!tpu.dma_semaphore, #tpu.memory_space<semaphore_mem>>) src(%dma_wait3A_28 : memref<80x128xi32, #tpu.memory_space<hbm>>) dst(%arg7 : memref<80x128xi32, #tpu.memory_space<vmem>>)
      tpu.yield
    }) : () -> ()
    %mul3A_13 = arith.constant 80 : i32
    %mul3A_14 = arith.muli %add3A, %mul3A_13 : i32
    "tpu.region"() ({
      %run_scoped3A = tpu.sem_alloc : memref<!tpu.dma_semaphore, #tpu.memory_space<semaphore_mem>>
      %dma_start3A = arith.constant 0 : i32
      %dma_start3A_23 = tpu.memref_slice %arg5[%mul3A_14, %dma_start3A] : memref<2560x128xi32, #tpu.memory_space<hbm>> -> memref<80x128xi32, #tpu.memory_space<hbm>>
      %dma_start3A_24 = arith.constant 0 : i32
      %dma_start3A_25 = tpu.memref_slice %arg5[%mul3A_14, %dma_start3A_24] : memref<2560x128xi32, #tpu.memory_space<hbm>> -> memref<80x128xi32, #tpu.memory_space<hbm>>
      tpu.enqueue_dma source(%dma_start3A_25 : memref<80x128xi32, #tpu.memory_space<hbm>>) target(%arg8 : memref<80x128xi32, #tpu.memory_space<vmem>>) target_semaphore(%run_scoped3A : memref<!tpu.dma_semaphore, #tpu.memory_space<semaphore_mem>>)
      %dma_wait3A = arith.constant 0 : i32
      %dma_wait3A_26 = tpu.memref_slice %arg5[%mul3A_14, %dma_wait3A] : memref<2560x128xi32, #tpu.memory_space<hbm>> -> memref<80x128xi32, #tpu.memory_space<hbm>>
      %dma_wait3A_27 = arith.constant 0 : i32
      %dma_wait3A_28 = tpu.memref_slice %arg5[%mul3A_14, %dma_wait3A_27] : memref<2560x128xi32, #tpu.memory_space<hbm>> -> memref<80x128xi32, #tpu.memory_space<hbm>>
      tpu.wait_dma2 semaphore(%run_scoped3A : memref<!tpu.dma_semaphore, #tpu.memory_space<semaphore_mem>>) src(%dma_wait3A_28 : memref<80x128xi32, #tpu.memory_space<hbm>>) dst(%arg8 : memref<80x128xi32, #tpu.memory_space<vmem>>)
      tpu.yield
    }) : () -> ()
    %scan3A_15 = arith.constant 0 : i32
    %scan3A_16 = arith.constant 0 : i32
    %scan3A_17 = arith.constant 20 : i32
    %scan3A_18 = arith.addi %scan3A_16, %scan3A_17 : i32
    %scan3A_19 = arith.constant 1 : i32
    %scan3A_20 = scf.for %scan3A_23 = %scan3A_16 to %scan3A_18 step %scan3A_19 iter_args(%scan3A_24 = %scan3A_15) -> (i32)  : i32 {
      %mul3A_25 = arith.constant 80 : i32
      %mul3A_26 = arith.muli %add3A, %mul3A_25 : i32
      %mul3A_27 = arith.constant 4 : i32
      %mul3A_28 = arith.muli %scan3A_23, %mul3A_27 : i32
      %add3A_29 = arith.addi %mul3A_26, %mul3A_28 : i32
      %mul3A_30 = arith.constant 4 : i32
      %mul3A_31 = arith.muli %scan3A_23, %mul3A_30 : i32
      %add3A_32 = arith.constant 0 : i32
      %add3A_33 = arith.addi %mul3A_31, %add3A_32 : i32
      %dma_start3A = arith.constant 0 : i32
      %dma_start3A_34 = arith.constant 0 : i32
      %dma_start3A_35 = tpu.memref_slice %arg9[%dma_start3A, %dma_start3A_34] : memref<512x64xf32, #tpu.memory_space<vmem>> -> memref<128x64xf32, #tpu.memory_space<vmem>>
      %dma_start3A_36 = arith.constant 0 : i32
      %dma_start3A_37 = tpu.memref_slice %arg7[%add3A_33, %dma_start3A_36] : memref<80x128xi32, #tpu.memory_space<vmem>> -> memref<1x128xi32, #tpu.memory_space<vmem>>
      %dma_start3A_38 = tpu.memref_squeeze %dma_start3A_37 : memref<1x128xi32, #tpu.memory_space<vmem>> -> memref<128xi32, #tpu.memory_space<vmem>>
      %dma_start3A_39 = arith.constant 0 : i32
      %dma_start3A_40 = arith.constant 0 : i32
      %dma_start3A_41 = tpu.memref_slice %arg2[%dma_start3A_39, %dma_start3A_40] : memref<10000x64xf32, #tpu.memory_space<hbm>> -> memref<10000x64xf32, #tpu.memory_space<hbm>>
      tpu.enqueue_indirect_dma source(%dma_start3A_41 : memref<10000x64xf32, #tpu.memory_space<hbm>>) target(%dma_start3A_35 : memref<128x64xf32, #tpu.memory_space<vmem>>) offsets(%dma_start3A_38 : memref<128xi32, #tpu.memory_space<vmem>>) semaphore(%arg12 : memref<!tpu.dma_semaphore, #tpu.memory_space<semaphore_mem>>)
      %mul3A_42 = arith.constant 4 : i32
      %mul3A_43 = arith.muli %scan3A_23, %mul3A_42 : i32
      %add3A_44 = arith.constant 1 : i32
      %add3A_45 = arith.addi %mul3A_43, %add3A_44 : i32
      %dma_start3A_46 = arith.constant 128 : i32
      %dma_start3A_47 = arith.constant 0 : i32
      %dma_start3A_48 = tpu.memref_slice %arg9[%dma_start3A_46, %dma_start3A_47] : memref<512x64xf32, #tpu.memory_space<vmem>> -> memref<128x64xf32, #tpu.memory_space<vmem>>
      %dma_start3A_49 = arith.constant 0 : i32
      %dma_start3A_50 = tpu.memref_slice %arg7[%add3A_45, %dma_start3A_49] : memref<80x128xi32, #tpu.memory_space<vmem>> -> memref<1x128xi32, #tpu.memory_space<vmem>>
      %dma_start3A_51 = tpu.memref_squeeze %dma_start3A_50 : memref<1x128xi32, #tpu.memory_space<vmem>> -> memref<128xi32, #tpu.memory_space<vmem>>
      %dma_start3A_52 = arith.constant 0 : i32
      %dma_start3A_53 = arith.constant 0 : i32
      %dma_start3A_54 = tpu.memref_slice %arg2[%dma_start3A_52, %dma_start3A_53] : memref<10000x64xf32, #tpu.memory_space<hbm>> -> memref<10000x64xf32, #tpu.memory_space<hbm>>
      tpu.enqueue_indirect_dma source(%dma_start3A_54 : memref<10000x64xf32, #tpu.memory_space<hbm>>) target(%dma_start3A_48 : memref<128x64xf32, #tpu.memory_space<vmem>>) offsets(%dma_start3A_51 : memref<128xi32, #tpu.memory_space<vmem>>) semaphore(%arg12 : memref<!tpu.dma_semaphore, #tpu.memory_space<semaphore_mem>>)
      %mul3A_55 = arith.constant 4 : i32
      %mul3A_56 = arith.muli %scan3A_23, %mul3A_55 : i32
      %add3A_57 = arith.constant 2 : i32
      %add3A_58 = arith.addi %mul3A_56, %add3A_57 : i32
      %dma_start3A_59 = arith.constant 256 : i32
      %dma_start3A_60 = arith.constant 0 : i32
      %dma_start3A_61 = tpu.memref_slice %arg9[%dma_start3A_59, %dma_start3A_60] : memref<512x64xf32, #tpu.memory_space<vmem>> -> memref<128x64xf32, #tpu.memory_space<vmem>>
      %dma_start3A_62 = arith.constant 0 : i32
      %dma_start3A_63 = tpu.memref_slice %arg7[%add3A_58, %dma_start3A_62] : memref<80x128xi32, #tpu.memory_space<vmem>> -> memref<1x128xi32, #tpu.memory_space<vmem>>
      %dma_start3A_64 = tpu.memref_squeeze %dma_start3A_63 : memref<1x128xi32, #tpu.memory_space<vmem>> -> memref<128xi32, #tpu.memory_space<vmem>>
      %dma_start3A_65 = arith.constant 0 : i32
      %dma_start3A_66 = arith.constant 0 : i32
      %dma_start3A_67 = tpu.memref_slice %arg2[%dma_start3A_65, %dma_start3A_66] : memref<10000x64xf32, #tpu.memory_space<hbm>> -> memref<10000x64xf32, #tpu.memory_space<hbm>>
      tpu.enqueue_indirect_dma source(%dma_start3A_67 : memref<10000x64xf32, #tpu.memory_space<hbm>>) target(%dma_start3A_61 : memref<128x64xf32, #tpu.memory_space<vmem>>) offsets(%dma_start3A_64 : memref<128xi32, #tpu.memory_space<vmem>>) semaphore(%arg12 : memref<!tpu.dma_semaphore, #tpu.memory_space<semaphore_mem>>)
      %mul3A_68 = arith.constant 4 : i32
      %mul3A_69 = arith.muli %scan3A_23, %mul3A_68 : i32
      %add3A_70 = arith.constant 3 : i32
      %add3A_71 = arith.addi %mul3A_69, %add3A_70 : i32
      %dma_start3A_72 = arith.constant 384 : i32
      %dma_start3A_73 = arith.constant 0 : i32
      %dma_start3A_74 = tpu.memref_slice %arg9[%dma_start3A_72, %dma_start3A_73] : memref<512x64xf32, #tpu.memory_space<vmem>> -> memref<128x64xf32, #tpu.memory_space<vmem>>
      %dma_start3A_75 = arith.constant 0 : i32
      %dma_start3A_76 = tpu.memref_slice %arg7[%add3A_71, %dma_start3A_75] : memref<80x128xi32, #tpu.memory_space<vmem>> -> memref<1x128xi32, #tpu.memory_space<vmem>>
      %dma_start3A_77 = tpu.memref_squeeze %dma_start3A_76 : memref<1x128xi32, #tpu.memory_space<vmem>> -> memref<128xi32, #tpu.memory_space<vmem>>
      %dma_start3A_78 = arith.constant 0 : i32
      %dma_start3A_79 = arith.constant 0 : i32
      %dma_start3A_80 = tpu.memref_slice %arg2[%dma_start3A_78, %dma_start3A_79] : memref<10000x64xf32, #tpu.memory_space<hbm>> -> memref<10000x64xf32, #tpu.memory_space<hbm>>
      tpu.enqueue_indirect_dma source(%dma_start3A_80 : memref<10000x64xf32, #tpu.memory_space<hbm>>) target(%dma_start3A_74 : memref<128x64xf32, #tpu.memory_space<vmem>>) offsets(%dma_start3A_77 : memref<128xi32, #tpu.memory_space<vmem>>) semaphore(%arg12 : memref<!tpu.dma_semaphore, #tpu.memory_space<semaphore_mem>>)
      %mul3A_81 = arith.constant 64 : i32
      %mul3A_82 = arith.muli %add3A_29, %mul3A_81 : i32
      %dma_start3A_83 = arith.constant 0 : i32
      %dma_start3A_84 = tpu.memref_slice %arg3[%mul3A_82, %dma_start3A_83] : memref<163840x128xf32, #tpu.memory_space<hbm>> -> memref<256x128xf32, #tpu.memory_space<hbm>>
      %dma_start3A_85 = arith.constant 0 : i32
      %dma_start3A_86 = tpu.memref_slice %arg3[%mul3A_82, %dma_start3A_85] : memref<163840x128xf32, #tpu.memory_space<hbm>> -> memref<256x128xf32, #tpu.memory_space<hbm>>
      tpu.enqueue_dma source(%dma_start3A_86 : memref<256x128xf32, #tpu.memory_space<hbm>>) target(%arg10 : memref<256x128xf32, #tpu.memory_space<vmem>>) target_semaphore(%arg13 : memref<!tpu.dma_semaphore, #tpu.memory_space<semaphore_mem>>)
      %dma_wait3A = arith.constant 0 : i32
      %dma_wait3A_87 = arith.constant 0 : i32
      %dma_wait3A_88 = tpu.memref_slice %arg9[%dma_wait3A, %dma_wait3A_87] : memref<512x64xf32, #tpu.memory_space<vmem>> -> memref<128x64xf32, #tpu.memory_space<vmem>>
      %dma_wait3A_89 = arith.constant 0 : i32
      %dma_wait3A_90 = tpu.memref_slice %arg7[%add3A_33, %dma_wait3A_89] : memref<80x128xi32, #tpu.memory_space<vmem>> -> memref<1x128xi32, #tpu.memory_space<vmem>>
      %dma_wait3A_91 = tpu.memref_squeeze %dma_wait3A_90 : memref<1x128xi32, #tpu.memory_space<vmem>> -> memref<128xi32, #tpu.memory_space<vmem>>
      %dma_wait3A_92 = arith.constant 0 : i32
      %dma_wait3A_93 = arith.constant 0 : i32
      %dma_wait3A_94 = tpu.memref_slice %arg2[%dma_wait3A_92, %dma_wait3A_93] : memref<10000x64xf32, #tpu.memory_space<hbm>> -> memref<10000x64xf32, #tpu.memory_space<hbm>>
      tpu.wait_indirect_dma semaphore(%arg12 : memref<!tpu.dma_semaphore, #tpu.memory_space<semaphore_mem>>) src(%dma_wait3A_94 : memref<10000x64xf32, #tpu.memory_space<hbm>>) dst(%dma_wait3A_88 : memref<128x64xf32, #tpu.memory_space<vmem>>)
      %dma_wait3A_95 = arith.constant 128 : i32
      %dma_wait3A_96 = arith.constant 0 : i32
      %dma_wait3A_97 = tpu.memref_slice %arg9[%dma_wait3A_95, %dma_wait3A_96] : memref<512x64xf32, #tpu.memory_space<vmem>> -> memref<128x64xf32, #tpu.memory_space<vmem>>
      %dma_wait3A_98 = arith.constant 0 : i32
      %dma_wait3A_99 = tpu.memref_slice %arg7[%add3A_45, %dma_wait3A_98] : memref<80x128xi32, #tpu.memory_space<vmem>> -> memref<1x128xi32, #tpu.memory_space<vmem>>
      %dma_wait3A_100 = tpu.memref_squeeze %dma_wait3A_99 : memref<1x128xi32, #tpu.memory_space<vmem>> -> memref<128xi32, #tpu.memory_space<vmem>>
      %dma_wait3A_101 = arith.constant 0 : i32
      %dma_wait3A_102 = arith.constant 0 : i32
      %dma_wait3A_103 = tpu.memref_slice %arg2[%dma_wait3A_101, %dma_wait3A_102] : memref<10000x64xf32, #tpu.memory_space<hbm>> -> memref<10000x64xf32, #tpu.memory_space<hbm>>
      tpu.wait_indirect_dma semaphore(%arg12 : memref<!tpu.dma_semaphore, #tpu.memory_space<semaphore_mem>>) src(%dma_wait3A_103 : memref<10000x64xf32, #tpu.memory_space<hbm>>) dst(%dma_wait3A_97 : memref<128x64xf32, #tpu.memory_space<vmem>>)
      %dma_wait3A_104 = arith.constant 256 : i32
      %dma_wait3A_105 = arith.constant 0 : i32
      %dma_wait3A_106 = tpu.memref_slice %arg9[%dma_wait3A_104, %dma_wait3A_105] : memref<512x64xf32, #tpu.memory_space<vmem>> -> memref<128x64xf32, #tpu.memory_space<vmem>>
      %dma_wait3A_107 = arith.constant 0 : i32
      %dma_wait3A_108 = tpu.memref_slice %arg7[%add3A_58, %dma_wait3A_107] : memref<80x128xi32, #tpu.memory_space<vmem>> -> memref<1x128xi32, #tpu.memory_space<vmem>>
      %dma_wait3A_109 = tpu.memref_squeeze %dma_wait3A_108 : memref<1x128xi32, #tpu.memory_space<vmem>> -> memref<128xi32, #tpu.memory_space<vmem>>
      %dma_wait3A_110 = arith.constant 0 : i32
      %dma_wait3A_111 = arith.constant 0 : i32
      %dma_wait3A_112 = tpu.memref_slice %arg2[%dma_wait3A_110, %dma_wait3A_111] : memref<10000x64xf32, #tpu.memory_space<hbm>> -> memref<10000x64xf32, #tpu.memory_space<hbm>>
      tpu.wait_indirect_dma semaphore(%arg12 : memref<!tpu.dma_semaphore, #tpu.memory_space<semaphore_mem>>) src(%dma_wait3A_112 : memref<10000x64xf32, #tpu.memory_space<hbm>>) dst(%dma_wait3A_106 : memref<128x64xf32, #tpu.memory_space<vmem>>)
      %dma_wait3A_113 = arith.constant 384 : i32
      %dma_wait3A_114 = arith.constant 0 : i32
      %dma_wait3A_115 = tpu.memref_slice %arg9[%dma_wait3A_113, %dma_wait3A_114] : memref<512x64xf32, #tpu.memory_space<vmem>> -> memref<128x64xf32, #tpu.memory_space<vmem>>
      %dma_wait3A_116 = arith.constant 0 : i32
      %dma_wait3A_117 = tpu.memref_slice %arg7[%add3A_71, %dma_wait3A_116] : memref<80x128xi32, #tpu.memory_space<vmem>> -> memref<1x128xi32, #tpu.memory_space<vmem>>
      %dma_wait3A_118 = tpu.memref_squeeze %dma_wait3A_117 : memref<1x128xi32, #tpu.memory_space<vmem>> -> memref<128xi32, #tpu.memory_space<vmem>>
      %dma_wait3A_119 = arith.constant 0 : i32
      %dma_wait3A_120 = arith.constant 0 : i32
      %dma_wait3A_121 = tpu.memref_slice %arg2[%dma_wait3A_119, %dma_wait3A_120] : memref<10000x64xf32, #tpu.memory_space<hbm>> -> memref<10000x64xf32, #tpu.memory_space<hbm>>
      tpu.wait_indirect_dma semaphore(%arg12 : memref<!tpu.dma_semaphore, #tpu.memory_space<semaphore_mem>>) src(%dma_wait3A_121 : memref<10000x64xf32, #tpu.memory_space<hbm>>) dst(%dma_wait3A_115 : memref<128x64xf32, #tpu.memory_space<vmem>>)
      %dma_wait3A_122 = arith.constant 0 : i32
      %dma_wait3A_123 = tpu.memref_slice %arg3[%mul3A_82, %dma_wait3A_122] : memref<163840x128xf32, #tpu.memory_space<hbm>> -> memref<256x128xf32, #tpu.memory_space<hbm>>
      %dma_wait3A_124 = arith.constant 0 : i32
      %dma_wait3A_125 = tpu.memref_slice %arg3[%mul3A_82, %dma_wait3A_124] : memref<163840x128xf32, #tpu.memory_space<hbm>> -> memref<256x128xf32, #tpu.memory_space<hbm>>
      tpu.wait_dma2 semaphore(%arg13 : memref<!tpu.dma_semaphore, #tpu.memory_space<semaphore_mem>>) src(%dma_wait3A_125 : memref<256x128xf32, #tpu.memory_space<hbm>>) dst(%arg10 : memref<256x128xf32, #tpu.memory_space<vmem>>)
      %scan3A_126 = arith.constant 0 : i32
      %scan3A_127 = arith.constant 0 : i32
      %scan3A_128 = arith.constant 256 : i32
      %scan3A_129 = arith.addi %scan3A_127, %scan3A_128 : i32
      %scan3A_130 = arith.constant 1 : i32
      %scan3A_131 = scf.for %scan3A_150 = %scan3A_127 to %scan3A_129 step %scan3A_130 iter_args(%scan3A_151 = %scan3A_126) -> (i32)  : i32 {
        %mul3A_152 = arith.constant 2 : i32
        %mul3A_153 = arith.muli %mul3A_152, %scan3A_150 : i32
        %add3A_154 = arith.constant 0 : i32
        %add3A_155 = arith.addi %mul3A_153, %add3A_154 : i32
        %get3A = arith.index_cast %add3A_155 : i32 to index
        %get3A_156 = arith.constant 0 : index
        %get3A_157 = tpu.vector_load %arg9[%get3A, %get3A_156] {strides = array<i32>} : memref<512x64xf32, #tpu.memory_space<vmem>>, vector<1x16xf32>,
        %get3A_158 = vector.shape_cast %get3A_157 : vector<1x16xf32> to vector<16xf32>
        %get3A_159 = arith.index_cast %scan3A_150 : i32 to index
        %get3A_160 = arith.constant 0 : index
        %get3A_161 = tpu.vector_load %arg10[%get3A_159, %get3A_160] {strides = array<i32>} : memref<256x128xf32, #tpu.memory_space<vmem>>, vector<1x16xf32>,
        %get3A_162 = vector.shape_cast %get3A_161 : vector<1x16xf32> to vector<16xf32>
        %add3A_163 = arith.addf %get3A_158, %get3A_162 : vector<16xf32>
        %broadcast_in_dim3A = arith.constant 0.000000e+00 : f32
        %broadcast_in_dim3A_164 = vector.broadcast %broadcast_in_dim3A : f32 to vector<16xf32>
        %max3A = arith.maximumf %add3A_163, %broadcast_in_dim3A_164 : vector<16xf32>
        %mul3A_165 = arith.constant 2 : i32
        %mul3A_166 = arith.muli %mul3A_165, %scan3A_150 : i32
        %add3A_167 = arith.constant 0 : i32
        %add3A_168 = arith.addi %mul3A_166, %add3A_167 : i32
        %swap3A = arith.index_cast %add3A_168 : i32 to index
        %swap3A_169 = arith.constant 0 : index
        %swap3A_170 = tpu.vector_load %arg9[%swap3A, %swap3A_169] {strides = array<i32>} : memref<512x64xf32, #tpu.memory_space<vmem>>, vector<1x16xf32>,
        %swap3A_171 = vector.shape_cast %swap3A_170 : vector<1x16xf32> to vector<16xf32>
        %swap3A_172 = vector.shape_cast %max3A : vector<16xf32> to vector<1x16xf32>
        tpu.vector_store %arg9[%swap3A, %swap3A_169], %swap3A_172 {strides = array<i32>} : memref<512x64xf32, #tpu.memory_space<vmem>>, vector<1x16xf32>,
        %mul3A_173 = arith.constant 2 : i32
        %mul3A_174 = arith.muli %mul3A_173, %scan3A_150 : i32
        %add3A_175 = arith.constant 0 : i32
        %add3A_176 = arith.addi %mul3A_174, %add3A_175 : i32
        %get3A_177 = arith.index_cast %add3A_176 : i32 to index
        %get3A_178 = arith.constant 16 : index
        %get3A_179 = tpu.vector_load %arg9[%get3A_177, %get3A_178] {strides = array<i32>} : memref<512x64xf32, #tpu.memory_space<vmem>>, vector<1x16xf32>,
        %get3A_180 = vector.shape_cast %get3A_179 : vector<1x16xf32> to vector<16xf32>
        %get3A_181 = arith.index_cast %scan3A_150 : i32 to index
        %get3A_182 = arith.constant 16 : index
        %get3A_183 = tpu.vector_load %arg10[%get3A_181, %get3A_182] {strides = array<i32>} : memref<256x128xf32, #tpu.memory_space<vmem>>, vector<1x16xf32>,
        %get3A_184 = vector.shape_cast %get3A_183 : vector<1x16xf32> to vector<16xf32>
        %add3A_185 = arith.addf %get3A_180, %get3A_184 : vector<16xf32>
        %broadcast_in_dim3A_186 = arith.constant 0.000000e+00 : f32
        %broadcast_in_dim3A_187 = vector.broadcast %broadcast_in_dim3A_186 : f32 to vector<16xf32>
        %max3A_188 = arith.maximumf %add3A_185, %broadcast_in_dim3A_187 : vector<16xf32>
        %mul3A_189 = arith.constant 2 : i32
        %mul3A_190 = arith.muli %mul3A_189, %scan3A_150 : i32
        %add3A_191 = arith.constant 0 : i32
        %add3A_192 = arith.addi %mul3A_190, %add3A_191 : i32
        %swap3A_193 = arith.index_cast %add3A_192 : i32 to index
        %swap3A_194 = arith.constant 16 : index
        %swap3A_195 = tpu.vector_load %arg9[%swap3A_193, %swap3A_194] {strides = array<i32>} : memref<512x64xf32, #tpu.memory_space<vmem>>, vector<1x16xf32>,
        %swap3A_196 = vector.shape_cast %swap3A_195 : vector<1x16xf32> to vector<16xf32>
        %swap3A_197 = vector.shape_cast %max3A_188 : vector<16xf32> to vector<1x16xf32>
        tpu.vector_store %arg9[%swap3A_193, %swap3A_194], %swap3A_197 {strides = array<i32>} : memref<512x64xf32, #tpu.memory_space<vmem>>, vector<1x16xf32>,
        %mul3A_198 = arith.constant 2 : i32
        %mul3A_199 = arith.muli %mul3A_198, %scan3A_150 : i32
        %add3A_200 = arith.constant 0 : i32
        %add3A_201 = arith.addi %mul3A_199, %add3A_200 : i32
        %get3A_202 = arith.index_cast %add3A_201 : i32 to index
        %get3A_203 = arith.constant 32 : index
        %get3A_204 = tpu.vector_load %arg9[%get3A_202, %get3A_203] {strides = array<i32>} : memref<512x64xf32, #tpu.memory_space<vmem>>, vector<1x16xf32>,
        %get3A_205 = vector.shape_cast %get3A_204 : vector<1x16xf32> to vector<16xf32>
        %get3A_206 = arith.index_cast %scan3A_150 : i32 to index
        %get3A_207 = arith.constant 32 : index
        %get3A_208 = tpu.vector_load %arg10[%get3A_206, %get3A_207] {strides = array<i32>} : memref<256x128xf32, #tpu.memory_space<vmem>>, vector<1x16xf32>,
        %get3A_209 = vector.shape_cast %get3A_208 : vector<1x16xf32> to vector<16xf32>
        %add3A_210 = arith.addf %get3A_205, %get3A_209 : vector<16xf32>
        %broadcast_in_dim3A_211 = arith.constant 0.000000e+00 : f32
        %broadcast_in_dim3A_212 = vector.broadcast %broadcast_in_dim3A_211 : f32 to vector<16xf32>
        %max3A_213 = arith.maximumf %add3A_210, %broadcast_in_dim3A_212 : vector<16xf32>
        %mul3A_214 = arith.constant 2 : i32
        %mul3A_215 = arith.muli %mul3A_214, %scan3A_150 : i32
        %add3A_216 = arith.constant 0 : i32
        %add3A_217 = arith.addi %mul3A_215, %add3A_216 : i32
        %swap3A_218 = arith.index_cast %add3A_217 : i32 to index
        %swap3A_219 = arith.constant 32 : index
        %swap3A_220 = tpu.vector_load %arg9[%swap3A_218, %swap3A_219] {strides = array<i32>} : memref<512x64xf32, #tpu.memory_space<vmem>>, vector<1x16xf32>,
        %swap3A_221 = vector.shape_cast %swap3A_220 : vector<1x16xf32> to vector<16xf32>
        %swap3A_222 = vector.shape_cast %max3A_213 : vector<16xf32> to vector<1x16xf32>
        tpu.vector_store %arg9[%swap3A_218, %swap3A_219], %swap3A_222 {strides = array<i32>} : memref<512x64xf32, #tpu.memory_space<vmem>>, vector<1x16xf32>,
        %mul3A_223 = arith.constant 2 : i32
        %mul3A_224 = arith.muli %mul3A_223, %scan3A_150 : i32
        %add3A_225 = arith.constant 0 : i32
        %add3A_226 = arith.addi %mul3A_224, %add3A_225 : i32
        %get3A_227 = arith.index_cast %add3A_226 : i32 to index
        %get3A_228 = arith.constant 48 : index
        %get3A_229 = tpu.vector_load %arg9[%get3A_227, %get3A_228] {strides = array<i32>} : memref<512x64xf32, #tpu.memory_space<vmem>>, vector<1x16xf32>,
        %get3A_230 = vector.shape_cast %get3A_229 : vector<1x16xf32> to vector<16xf32>
        %get3A_231 = arith.index_cast %scan3A_150 : i32 to index
        %get3A_232 = arith.constant 48 : index
        %get3A_233 = tpu.vector_load %arg10[%get3A_231, %get3A_232] {strides = array<i32>} : memref<256x128xf32, #tpu.memory_space<vmem>>, vector<1x16xf32>,
        %get3A_234 = vector.shape_cast %get3A_233 : vector<1x16xf32> to vector<16xf32>
        %add3A_235 = arith.addf %get3A_230, %get3A_234 : vector<16xf32>
        %broadcast_in_dim3A_236 = arith.constant 0.000000e+00 : f32
        %broadcast_in_dim3A_237 = vector.broadcast %broadcast_in_dim3A_236 : f32 to vector<16xf32>
        %max3A_238 = arith.maximumf %add3A_235, %broadcast_in_dim3A_237 : vector<16xf32>
        %mul3A_239 = arith.constant 2 : i32
        %mul3A_240 = arith.muli %mul3A_239, %scan3A_150 : i32
        %add3A_241 = arith.constant 0 : i32
        %add3A_242 = arith.addi %mul3A_240, %add3A_241 : i32
        %swap3A_243 = arith.index_cast %add3A_242 : i32 to index
        %swap3A_244 = arith.constant 48 : index
        %swap3A_245 = tpu.vector_load %arg9[%swap3A_243, %swap3A_244] {strides = array<i32>} : memref<512x64xf32, #tpu.memory_space<vmem>>, vector<1x16xf32>,
        %swap3A_246 = vector.shape_cast %swap3A_245 : vector<1x16xf32> to vector<16xf32>
        %swap3A_247 = vector.shape_cast %max3A_238 : vector<16xf32> to vector<1x16xf32>
        tpu.vector_store %arg9[%swap3A_243, %swap3A_244], %swap3A_247 {strides = array<i32>} : memref<512x64xf32, #tpu.memory_space<vmem>>, vector<1x16xf32>,
        %mul3A_248 = arith.constant 2 : i32
        %mul3A_249 = arith.muli %mul3A_248, %scan3A_150 : i32
        %add3A_250 = arith.constant 1 : i32
        %add3A_251 = arith.addi %mul3A_249, %add3A_250 : i32
        %get3A_252 = arith.index_cast %add3A_251 : i32 to index
        %get3A_253 = arith.constant 0 : index
        %get3A_254 = tpu.vector_load %arg9[%get3A_252, %get3A_253] {strides = array<i32>} : memref<512x64xf32, #tpu.memory_space<vmem>>, vector<1x16xf32>,
        %get3A_255 = vector.shape_cast %get3A_254 : vector<1x16xf32> to vector<16xf32>
        %get3A_256 = arith.index_cast %scan3A_150 : i32 to index
        %get3A_257 = arith.constant 64 : index
        %get3A_258 = tpu.vector_load %arg10[%get3A_256, %get3A_257] {strides = array<i32>} : memref<256x128xf32, #tpu.memory_space<vmem>>, vector<1x16xf32>,
        %get3A_259 = vector.shape_cast %get3A_258 : vector<1x16xf32> to vector<16xf32>
        %add3A_260 = arith.addf %get3A_255, %get3A_259 : vector<16xf32>
        %broadcast_in_dim3A_261 = arith.constant 0.000000e+00 : f32
        %broadcast_in_dim3A_262 = vector.broadcast %broadcast_in_dim3A_261 : f32 to vector<16xf32>
        %max3A_263 = arith.maximumf %add3A_260, %broadcast_in_dim3A_262 : vector<16xf32>
        %mul3A_264 = arith.constant 2 : i32
        %mul3A_265 = arith.muli %mul3A_264, %scan3A_150 : i32
        %add3A_266 = arith.constant 1 : i32
        %add3A_267 = arith.addi %mul3A_265, %add3A_266 : i32
        %swap3A_268 = arith.index_cast %add3A_267 : i32 to index
        %swap3A_269 = arith.constant 0 : index
        %swap3A_270 = tpu.vector_load %arg9[%swap3A_268, %swap3A_269] {strides = array<i32>} : memref<512x64xf32, #tpu.memory_space<vmem>>, vector<1x16xf32>,
        %swap3A_271 = vector.shape_cast %swap3A_270 : vector<1x16xf32> to vector<16xf32>
        %swap3A_272 = vector.shape_cast %max3A_263 : vector<16xf32> to vector<1x16xf32>
        tpu.vector_store %arg9[%swap3A_268, %swap3A_269], %swap3A_272 {strides = array<i32>} : memref<512x64xf32, #tpu.memory_space<vmem>>, vector<1x16xf32>,
        %mul3A_273 = arith.constant 2 : i32
        %mul3A_274 = arith.muli %mul3A_273, %scan3A_150 : i32
        %add3A_275 = arith.constant 1 : i32
        %add3A_276 = arith.addi %mul3A_274, %add3A_275 : i32
        %get3A_277 = arith.index_cast %add3A_276 : i32 to index
        %get3A_278 = arith.constant 16 : index
        %get3A_279 = tpu.vector_load %arg9[%get3A_277, %get3A_278] {strides = array<i32>} : memref<512x64xf32, #tpu.memory_space<vmem>>, vector<1x16xf32>,
        %get3A_280 = vector.shape_cast %get3A_279 : vector<1x16xf32> to vector<16xf32>
        %get3A_281 = arith.index_cast %scan3A_150 : i32 to index
        %get3A_282 = arith.constant 80 : index
        %get3A_283 = tpu.vector_load %arg10[%get3A_281, %get3A_282] {strides = array<i32>} : memref<256x128xf32, #tpu.memory_space<vmem>>, vector<1x16xf32>,
        %get3A_284 = vector.shape_cast %get3A_283 : vector<1x16xf32> to vector<16xf32>
        %add3A_285 = arith.addf %get3A_280, %get3A_284 : vector<16xf32>
        %broadcast_in_dim3A_286 = arith.constant 0.000000e+00 : f32
        %broadcast_in_dim3A_287 = vector.broadcast %broadcast_in_dim3A_286 : f32 to vector<16xf32>
        %max3A_288 = arith.maximumf %add3A_285, %broadcast_in_dim3A_287 : vector<16xf32>
        %mul3A_289 = arith.constant 2 : i32
        %mul3A_290 = arith.muli %mul3A_289, %scan3A_150 : i32
        %add3A_291 = arith.constant 1 : i32
        %add3A_292 = arith.addi %mul3A_290, %add3A_291 : i32
        %swap3A_293 = arith.index_cast %add3A_292 : i32 to index
        %swap3A_294 = arith.constant 16 : index
        %swap3A_295 = tpu.vector_load %arg9[%swap3A_293, %swap3A_294] {strides = array<i32>} : memref<512x64xf32, #tpu.memory_space<vmem>>, vector<1x16xf32>,
        %swap3A_296 = vector.shape_cast %swap3A_295 : vector<1x16xf32> to vector<16xf32>
        %swap3A_297 = vector.shape_cast %max3A_288 : vector<16xf32> to vector<1x16xf32>
        tpu.vector_store %arg9[%swap3A_293, %swap3A_294], %swap3A_297 {strides = array<i32>} : memref<512x64xf32, #tpu.memory_space<vmem>>, vector<1x16xf32>,
        %mul3A_298 = arith.constant 2 : i32
        %mul3A_299 = arith.muli %mul3A_298, %scan3A_150 : i32
        %add3A_300 = arith.constant 1 : i32
        %add3A_301 = arith.addi %mul3A_299, %add3A_300 : i32
        %get3A_302 = arith.index_cast %add3A_301 : i32 to index
        %get3A_303 = arith.constant 32 : index
        %get3A_304 = tpu.vector_load %arg9[%get3A_302, %get3A_303] {strides = array<i32>} : memref<512x64xf32, #tpu.memory_space<vmem>>, vector<1x16xf32>,
        %get3A_305 = vector.shape_cast %get3A_304 : vector<1x16xf32> to vector<16xf32>
        %get3A_306 = arith.index_cast %scan3A_150 : i32 to index
        %get3A_307 = arith.constant 96 : index
        %get3A_308 = tpu.vector_load %arg10[%get3A_306, %get3A_307] {strides = array<i32>} : memref<256x128xf32, #tpu.memory_space<vmem>>, vector<1x16xf32>,
        %get3A_309 = vector.shape_cast %get3A_308 : vector<1x16xf32> to vector<16xf32>
        %add3A_310 = arith.addf %get3A_305, %get3A_309 : vector<16xf32>
        %broadcast_in_dim3A_311 = arith.constant 0.000000e+00 : f32
        %broadcast_in_dim3A_312 = vector.broadcast %broadcast_in_dim3A_311 : f32 to vector<16xf32>
        %max3A_313 = arith.maximumf %add3A_310, %broadcast_in_dim3A_312 : vector<16xf32>
        %mul3A_314 = arith.constant 2 : i32
        %mul3A_315 = arith.muli %mul3A_314, %scan3A_150 : i32
        %add3A_316 = arith.constant 1 : i32
        %add3A_317 = arith.addi %mul3A_315, %add3A_316 : i32
        %swap3A_318 = arith.index_cast %add3A_317 : i32 to index
        %swap3A_319 = arith.constant 32 : index
        %swap3A_320 = tpu.vector_load %arg9[%swap3A_318, %swap3A_319] {strides = array<i32>} : memref<512x64xf32, #tpu.memory_space<vmem>>, vector<1x16xf32>,
        %swap3A_321 = vector.shape_cast %swap3A_320 : vector<1x16xf32> to vector<16xf32>
        %swap3A_322 = vector.shape_cast %max3A_313 : vector<16xf32> to vector<1x16xf32>
        tpu.vector_store %arg9[%swap3A_318, %swap3A_319], %swap3A_322 {strides = array<i32>} : memref<512x64xf32, #tpu.memory_space<vmem>>, vector<1x16xf32>,
        %mul3A_323 = arith.constant 2 : i32
        %mul3A_324 = arith.muli %mul3A_323, %scan3A_150 : i32
        %add3A_325 = arith.constant 1 : i32
        %add3A_326 = arith.addi %mul3A_324, %add3A_325 : i32
        %get3A_327 = arith.index_cast %add3A_326 : i32 to index
        %get3A_328 = arith.constant 48 : index
        %get3A_329 = tpu.vector_load %arg9[%get3A_327, %get3A_328] {strides = array<i32>} : memref<512x64xf32, #tpu.memory_space<vmem>>, vector<1x16xf32>,
        %get3A_330 = vector.shape_cast %get3A_329 : vector<1x16xf32> to vector<16xf32>
        %get3A_331 = arith.index_cast %scan3A_150 : i32 to index
        %get3A_332 = arith.constant 112 : index
        %get3A_333 = tpu.vector_load %arg10[%get3A_331, %get3A_332] {strides = array<i32>} : memref<256x128xf32, #tpu.memory_space<vmem>>, vector<1x16xf32>,
        %get3A_334 = vector.shape_cast %get3A_333 : vector<1x16xf32> to vector<16xf32>
        %add3A_335 = arith.addf %get3A_330, %get3A_334 : vector<16xf32>
        %broadcast_in_dim3A_336 = arith.constant 0.000000e+00 : f32
        %broadcast_in_dim3A_337 = vector.broadcast %broadcast_in_dim3A_336 : f32 to vector<16xf32>
        %max3A_338 = arith.maximumf %add3A_335, %broadcast_in_dim3A_337 : vector<16xf32>
        %mul3A_339 = arith.constant 2 : i32
        %mul3A_340 = arith.muli %mul3A_339, %scan3A_150 : i32
        %add3A_341 = arith.constant 1 : i32
        %add3A_342 = arith.addi %mul3A_340, %add3A_341 : i32
        %swap3A_343 = arith.index_cast %add3A_342 : i32 to index
        %swap3A_344 = arith.constant 48 : index
        %swap3A_345 = tpu.vector_load %arg9[%swap3A_343, %swap3A_344] {strides = array<i32>} : memref<512x64xf32, #tpu.memory_space<vmem>>, vector<1x16xf32>,
        %swap3A_346 = vector.shape_cast %swap3A_345 : vector<1x16xf32> to vector<16xf32>
        %swap3A_347 = vector.shape_cast %max3A_338 : vector<16xf32> to vector<1x16xf32>
        tpu.vector_store %arg9[%swap3A_343, %swap3A_344], %swap3A_347 {strides = array<i32>} : memref<512x64xf32, #tpu.memory_space<vmem>>, vector<1x16xf32>,
        %scan3A_348 = arith.constant 0 : i32
        scf.yield %scan3A_348 : i32
      }
      %scan3A_132 = arith.constant 256 : i32
      %mul3A_133 = arith.constant 4 : i32
      %mul3A_134 = arith.muli %scan3A_23, %mul3A_133 : i32
      %add3A_135 = arith.constant 0 : i32
      %add3A_136 = arith.addi %mul3A_134, %add3A_135 : i32
      "tpu.region"() ({
        %run_scoped3A = tpu.sem_alloc : memref<!tpu.dma_semaphore, #tpu.memory_space<semaphore_mem>>
        %dma_start3A_150 = arith.constant 0 : i32
        %dma_start3A_151 = arith.constant 0 : i32
        %dma_start3A_152 = tpu.memref_slice %arg9[%dma_start3A_150, %dma_start3A_151] : memref<512x64xf32, #tpu.memory_space<vmem>> -> memref<128x64xf32, #tpu.memory_space<vmem>>
        %dma_start3A_153 = arith.constant 0 : i32
        %dma_start3A_154 = tpu.memref_slice %arg8[%add3A_136, %dma_start3A_153] : memref<80x128xi32, #tpu.memory_space<vmem>> -> memref<1x128xi32, #tpu.memory_space<vmem>>
        %dma_start3A_155 = tpu.memref_squeeze %dma_start3A_154 : memref<1x128xi32, #tpu.memory_space<vmem>> -> memref<128xi32, #tpu.memory_space<vmem>>
        %dma_start3A_156 = arith.constant 0 : i32
        %dma_start3A_157 = arith.constant 0 : i32
        %dma_start3A_158 = tpu.memref_slice %arg11[%dma_start3A_156, %dma_start3A_157] : memref<10112x64xf32, #tpu.memory_space<vmem_shared>> -> memref<10112x64xf32, #tpu.memory_space<vmem_shared>>
        tpu.enqueue_indirect_dma source(%dma_start3A_152 : memref<128x64xf32, #tpu.memory_space<vmem>>) target(%dma_start3A_158 : memref<10112x64xf32, #tpu.memory_space<vmem_shared>>) offsets(%dma_start3A_155 : memref<128xi32, #tpu.memory_space<vmem>>) semaphore(%run_scoped3A : memref<!tpu.dma_semaphore, #tpu.memory_space<semaphore_mem>>) {add = true}
        %dma_wait3A_159 = arith.constant 0 : i32
        %dma_wait3A_160 = arith.constant 0 : i32
        %dma_wait3A_161 = tpu.memref_slice %arg9[%dma_wait3A_159, %dma_wait3A_160] : memref<512x64xf32, #tpu.memory_space<vmem>> -> memref<128x64xf32, #tpu.memory_space<vmem>>
        %dma_wait3A_162 = arith.constant 0 : i32
        %dma_wait3A_163 = tpu.memref_slice %arg8[%add3A_136, %dma_wait3A_162] : memref<80x128xi32, #tpu.memory_space<vmem>> -> memref<1x128xi32, #tpu.memory_space<vmem>>
        %dma_wait3A_164 = tpu.memref_squeeze %dma_wait3A_163 : memref<1x128xi32, #tpu.memory_space<vmem>> -> memref<128xi32, #tpu.memory_space<vmem>>
        %dma_wait3A_165 = arith.constant 0 : i32
        %dma_wait3A_166 = arith.constant 0 : i32
        %dma_wait3A_167 = tpu.memref_slice %arg11[%dma_wait3A_165, %dma_wait3A_166] : memref<10112x64xf32, #tpu.memory_space<vmem_shared>> -> memref<10112x64xf32, #tpu.memory_space<vmem_shared>>
        tpu.wait_indirect_dma semaphore(%run_scoped3A : memref<!tpu.dma_semaphore, #tpu.memory_space<semaphore_mem>>) src(%dma_wait3A_161 : memref<128x64xf32, #tpu.memory_space<vmem>>) dst(%dma_wait3A_167 : memref<10112x64xf32, #tpu.memory_space<vmem_shared>>)
        tpu.yield
      }) : () -> ()
      %mul3A_137 = arith.constant 4 : i32
      %mul3A_138 = arith.muli %scan3A_23, %mul3A_137 : i32
      %add3A_139 = arith.constant 1 : i32
      %add3A_140 = arith.addi %mul3A_138, %add3A_139 : i32
      "tpu.region"() ({
        %run_scoped3A = tpu.sem_alloc : memref<!tpu.dma_semaphore, #tpu.memory_space<semaphore_mem>>
        %dma_start3A_150 = arith.constant 128 : i32
        %dma_start3A_151 = arith.constant 0 : i32
        %dma_start3A_152 = tpu.memref_slice %arg9[%dma_start3A_150, %dma_start3A_151] : memref<512x64xf32, #tpu.memory_space<vmem>> -> memref<128x64xf32, #tpu.memory_space<vmem>>
        %dma_start3A_153 = arith.constant 0 : i32
        %dma_start3A_154 = tpu.memref_slice %arg8[%add3A_140, %dma_start3A_153] : memref<80x128xi32, #tpu.memory_space<vmem>> -> memref<1x128xi32, #tpu.memory_space<vmem>>
        %dma_start3A_155 = tpu.memref_squeeze %dma_start3A_154 : memref<1x128xi32, #tpu.memory_space<vmem>> -> memref<128xi32, #tpu.memory_space<vmem>>
        %dma_start3A_156 = arith.constant 0 : i32
        %dma_start3A_157 = arith.constant 0 : i32
        %dma_start3A_158 = tpu.memref_slice %arg11[%dma_start3A_156, %dma_start3A_157] : memref<10112x64xf32, #tpu.memory_space<vmem_shared>> -> memref<10112x64xf32, #tpu.memory_space<vmem_shared>>
        tpu.enqueue_indirect_dma source(%dma_start3A_152 : memref<128x64xf32, #tpu.memory_space<vmem>>) target(%dma_start3A_158 : memref<10112x64xf32, #tpu.memory_space<vmem_shared>>) offsets(%dma_start3A_155 : memref<128xi32, #tpu.memory_space<vmem>>) semaphore(%run_scoped3A : memref<!tpu.dma_semaphore, #tpu.memory_space<semaphore_mem>>) {add = true}
        %dma_wait3A_159 = arith.constant 128 : i32
        %dma_wait3A_160 = arith.constant 0 : i32
        %dma_wait3A_161 = tpu.memref_slice %arg9[%dma_wait3A_159, %dma_wait3A_160] : memref<512x64xf32, #tpu.memory_space<vmem>> -> memref<128x64xf32, #tpu.memory_space<vmem>>
        %dma_wait3A_162 = arith.constant 0 : i32
        %dma_wait3A_163 = tpu.memref_slice %arg8[%add3A_140, %dma_wait3A_162] : memref<80x128xi32, #tpu.memory_space<vmem>> -> memref<1x128xi32, #tpu.memory_space<vmem>>
        %dma_wait3A_164 = tpu.memref_squeeze %dma_wait3A_163 : memref<1x128xi32, #tpu.memory_space<vmem>> -> memref<128xi32, #tpu.memory_space<vmem>>
        %dma_wait3A_165 = arith.constant 0 : i32
        %dma_wait3A_166 = arith.constant 0 : i32
        %dma_wait3A_167 = tpu.memref_slice %arg11[%dma_wait3A_165, %dma_wait3A_166] : memref<10112x64xf32, #tpu.memory_space<vmem_shared>> -> memref<10112x64xf32, #tpu.memory_space<vmem_shared>>
        tpu.wait_indirect_dma semaphore(%run_scoped3A : memref<!tpu.dma_semaphore, #tpu.memory_space<semaphore_mem>>) src(%dma_wait3A_161 : memref<128x64xf32, #tpu.memory_space<vmem>>) dst(%dma_wait3A_167 : memref<10112x64xf32, #tpu.memory_space<vmem_shared>>)
        tpu.yield
      }) : () -> ()
      %mul3A_141 = arith.constant 4 : i32
      %mul3A_142 = arith.muli %scan3A_23, %mul3A_141 : i32
      %add3A_143 = arith.constant 2 : i32
      %add3A_144 = arith.addi %mul3A_142, %add3A_143 : i32
      "tpu.region"() ({
        %run_scoped3A = tpu.sem_alloc : memref<!tpu.dma_semaphore, #tpu.memory_space<semaphore_mem>>
        %dma_start3A_150 = arith.constant 256 : i32
        %dma_start3A_151 = arith.constant 0 : i32
        %dma_start3A_152 = tpu.memref_slice %arg9[%dma_start3A_150, %dma_start3A_151] : memref<512x64xf32, #tpu.memory_space<vmem>> -> memref<128x64xf32, #tpu.memory_space<vmem>>
        %dma_start3A_153 = arith.constant 0 : i32
        %dma_start3A_154 = tpu.memref_slice %arg8[%add3A_144, %dma_start3A_153] : memref<80x128xi32, #tpu.memory_space<vmem>> -> memref<1x128xi32, #tpu.memory_space<vmem>>
        %dma_start3A_155 = tpu.memref_squeeze %dma_start3A_154 : memref<1x128xi32, #tpu.memory_space<vmem>> -> memref<128xi32, #tpu.memory_space<vmem>>
        %dma_start3A_156 = arith.constant 0 : i32
        %dma_start3A_157 = arith.constant 0 : i32
        %dma_start3A_158 = tpu.memref_slice %arg11[%dma_start3A_156, %dma_start3A_157] : memref<10112x64xf32, #tpu.memory_space<vmem_shared>> -> memref<10112x64xf32, #tpu.memory_space<vmem_shared>>
        tpu.enqueue_indirect_dma source(%dma_start3A_152 : memref<128x64xf32, #tpu.memory_space<vmem>>) target(%dma_start3A_158 : memref<10112x64xf32, #tpu.memory_space<vmem_shared>>) offsets(%dma_start3A_155 : memref<128xi32, #tpu.memory_space<vmem>>) semaphore(%run_scoped3A : memref<!tpu.dma_semaphore, #tpu.memory_space<semaphore_mem>>) {add = true}
        %dma_wait3A_159 = arith.constant 256 : i32
        %dma_wait3A_160 = arith.constant 0 : i32
        %dma_wait3A_161 = tpu.memref_slice %arg9[%dma_wait3A_159, %dma_wait3A_160] : memref<512x64xf32, #tpu.memory_space<vmem>> -> memref<128x64xf32, #tpu.memory_space<vmem>>
        %dma_wait3A_162 = arith.constant 0 : i32
        %dma_wait3A_163 = tpu.memref_slice %arg8[%add3A_144, %dma_wait3A_162] : memref<80x128xi32, #tpu.memory_space<vmem>> -> memref<1x128xi32, #tpu.memory_space<vmem>>
        %dma_wait3A_164 = tpu.memref_squeeze %dma_wait3A_163 : memref<1x128xi32, #tpu.memory_space<vmem>> -> memref<128xi32, #tpu.memory_space<vmem>>
        %dma_wait3A_165 = arith.constant 0 : i32
        %dma_wait3A_166 = arith.constant 0 : i32
        %dma_wait3A_167 = tpu.memref_slice %arg11[%dma_wait3A_165, %dma_wait3A_166] : memref<10112x64xf32, #tpu.memory_space<vmem_shared>> -> memref<10112x64xf32, #tpu.memory_space<vmem_shared>>
        tpu.wait_indirect_dma semaphore(%run_scoped3A : memref<!tpu.dma_semaphore, #tpu.memory_space<semaphore_mem>>) src(%dma_wait3A_161 : memref<128x64xf32, #tpu.memory_space<vmem>>) dst(%dma_wait3A_167 : memref<10112x64xf32, #tpu.memory_space<vmem_shared>>)
        tpu.yield
      }) : () -> ()
      %mul3A_145 = arith.constant 4 : i32
      %mul3A_146 = arith.muli %scan3A_23, %mul3A_145 : i32
      %add3A_147 = arith.constant 3 : i32
      %add3A_148 = arith.addi %mul3A_146, %add3A_147 : i32
      "tpu.region"() ({
        %run_scoped3A = tpu.sem_alloc : memref<!tpu.dma_semaphore, #tpu.memory_space<semaphore_mem>>
        %dma_start3A_150 = arith.constant 384 : i32
        %dma_start3A_151 = arith.constant 0 : i32
        %dma_start3A_152 = tpu.memref_slice %arg9[%dma_start3A_150, %dma_start3A_151] : memref<512x64xf32, #tpu.memory_space<vmem>> -> memref<128x64xf32, #tpu.memory_space<vmem>>
        %dma_start3A_153 = arith.constant 0 : i32
        %dma_start3A_154 = tpu.memref_slice %arg8[%add3A_148, %dma_start3A_153] : memref<80x128xi32, #tpu.memory_space<vmem>> -> memref<1x128xi32, #tpu.memory_space<vmem>>
        %dma_start3A_155 = tpu.memref_squeeze %dma_start3A_154 : memref<1x128xi32, #tpu.memory_space<vmem>> -> memref<128xi32, #tpu.memory_space<vmem>>
        %dma_start3A_156 = arith.constant 0 : i32
        %dma_start3A_157 = arith.constant 0 : i32
        %dma_start3A_158 = tpu.memref_slice %arg11[%dma_start3A_156, %dma_start3A_157] : memref<10112x64xf32, #tpu.memory_space<vmem_shared>> -> memref<10112x64xf32, #tpu.memory_space<vmem_shared>>
        tpu.enqueue_indirect_dma source(%dma_start3A_152 : memref<128x64xf32, #tpu.memory_space<vmem>>) target(%dma_start3A_158 : memref<10112x64xf32, #tpu.memory_space<vmem_shared>>) offsets(%dma_start3A_155 : memref<128xi32, #tpu.memory_space<vmem>>) semaphore(%run_scoped3A : memref<!tpu.dma_semaphore, #tpu.memory_space<semaphore_mem>>) {add = true}
        %dma_wait3A_159 = arith.constant 384 : i32
        %dma_wait3A_160 = arith.constant 0 : i32
        %dma_wait3A_161 = tpu.memref_slice %arg9[%dma_wait3A_159, %dma_wait3A_160] : memref<512x64xf32, #tpu.memory_space<vmem>> -> memref<128x64xf32, #tpu.memory_space<vmem>>
        %dma_wait3A_162 = arith.constant 0 : i32
        %dma_wait3A_163 = tpu.memref_slice %arg8[%add3A_148, %dma_wait3A_162] : memref<80x128xi32, #tpu.memory_space<vmem>> -> memref<1x128xi32, #tpu.memory_space<vmem>>
        %dma_wait3A_164 = tpu.memref_squeeze %dma_wait3A_163 : memref<1x128xi32, #tpu.memory_space<vmem>> -> memref<128xi32, #tpu.memory_space<vmem>>
        %dma_wait3A_165 = arith.constant 0 : i32
        %dma_wait3A_166 = arith.constant 0 : i32
        %dma_wait3A_167 = tpu.memref_slice %arg11[%dma_wait3A_165, %dma_wait3A_166] : memref<10112x64xf32, #tpu.memory_space<vmem_shared>> -> memref<10112x64xf32, #tpu.memory_space<vmem_shared>>
        tpu.wait_indirect_dma semaphore(%run_scoped3A : memref<!tpu.dma_semaphore, #tpu.memory_space<semaphore_mem>>) src(%dma_wait3A_161 : memref<128x64xf32, #tpu.memory_space<vmem>>) dst(%dma_wait3A_167 : memref<10112x64xf32, #tpu.memory_space<vmem_shared>>)
        tpu.yield
      }) : () -> ()
      %scan3A_149 = arith.constant 0 : i32
      scf.yield %scan3A_149 : i32
    }
    %scan3A_21 = arith.constant 20 : i32
    %barrier3A_22 = arith.constant 0 : index
    tpu.barrier barrier_id(%barrier3A_22)
    "tpu.region"() ({
      %run_scoped3A = tpu.sem_alloc : memref<!tpu.dma_semaphore, #tpu.memory_space<semaphore_mem>>
      %dma_start3A = arith.constant 0 : i32
      %dma_start3A_23 = tpu.memref_slice %arg6[%arg0, %mul3A_8, %dma_start3A] : memref<2x10112x64xf32, #tpu.memory_space<hbm>> -> memref<1x632x64xf32, #tpu.memory_space<hbm>>
      %dma_start3A_24 = tpu.memref_squeeze %dma_start3A_23 : memref<1x632x64xf32, #tpu.memory_space<hbm>> -> memref<632x64xf32, #tpu.memory_space<hbm>>
      %dma_start3A_25 = arith.constant 0 : i32
      %dma_start3A_26 = tpu.memref_slice %arg11[%mul3A_8, %dma_start3A_25] : memref<10112x64xf32, #tpu.memory_space<vmem_shared>> -> memref<632x64xf32, #tpu.memory_space<vmem_shared>>
      tpu.enqueue_dma source(%dma_start3A_26 : memref<632x64xf32, #tpu.memory_space<vmem_shared>>) target(%dma_start3A_24 : memref<632x64xf32, #tpu.memory_space<hbm>>) target_semaphore(%run_scoped3A : memref<!tpu.dma_semaphore, #tpu.memory_space<semaphore_mem>>)
      %dma_wait3A = arith.constant 0 : i32
      %dma_wait3A_27 = tpu.memref_slice %arg6[%arg0, %mul3A_8, %dma_wait3A] : memref<2x10112x64xf32, #tpu.memory_space<hbm>> -> memref<1x632x64xf32, #tpu.memory_space<hbm>>
      %dma_wait3A_28 = tpu.memref_squeeze %dma_wait3A_27 : memref<1x632x64xf32, #tpu.memory_space<hbm>> -> memref<632x64xf32, #tpu.memory_space<hbm>>
      %dma_wait3A_29 = arith.constant 0 : i32
      %dma_wait3A_30 = tpu.memref_slice %arg11[%mul3A_8, %dma_wait3A_29] : memref<10112x64xf32, #tpu.memory_space<vmem_shared>> -> memref<632x64xf32, #tpu.memory_space<vmem_shared>>
      tpu.wait_dma2 semaphore(%run_scoped3A : memref<!tpu.dma_semaphore, #tpu.memory_space<semaphore_mem>>) src(%dma_wait3A_30 : memref<632x64xf32, #tpu.memory_space<vmem_shared>>) dst(%dma_wait3A_28 : memref<632x64xf32, #tpu.memory_space<hbm>>)
      tpu.yield
    }) : () -> ()
    return
  }
}

#map = affine_map<(d0, d1) -> (0, 0)>
#map1 = affine_map<(d0, d1) -> (0, 0, 0)>
module attributes {stable_mosaic.version = 14 : i64} {
  func.func @body(%arg0: i32, %arg1: i32, %arg2: memref<10000x64xf32, #tpu.memory_space<hbm>>, %arg3: memref<163840x128xf32, #tpu.memory_space<hbm>>, %arg4: memref<2560x128xi32, #tpu.memory_space<hbm>>, %arg5: memref<2560x128xi32, #tpu.memory_space<hbm>>, %arg6: memref<2x10112x64xf32, #tpu.memory_space<hbm>>, %arg7: memref<80x128xi32, #tpu.memory_space<vmem>>, %arg8: memref<80x128xi32, #tpu.memory_space<vmem>>, %arg9: memref<512x64xf32, #tpu.memory_space<vmem>>, %arg10: memref<256x128xf32, #tpu.memory_space<vmem>>, %arg11: memref<10112x64xf32, #tpu.memory_space<vmem_shared>>, %arg12: memref<!tpu.dma_semaphore, #tpu.memory_space<semaphore_mem>>, %arg13: memref<!tpu.dma_semaphore, #tpu.memory_space<semaphore_mem>>) attributes {dimension_semantics = [#tpu.dimension_semantics<core_parallel>, #tpu.dimension_semantics<subcore_parallel>], iteration_bounds = array<i64: 2, 16>, scalar_prefetch = 0 : i64, scratch_operands = 7 : i64, tpu.core_type = #tpu.core_type<sc_vector_subcore>, window_params = [{transform_indices = #map}, {transform_indices = #map}, {transform_indices = #map}, {transform_indices = #map}, {transform_indices = #map1}]} {
    %mul3A = arith.constant 16 : i32
    %mul3A_0 = arith.muli %arg0, %mul3A : i32
    %add3A = arith.addi %mul3A_0, %arg1 : i32
    %scan3A = arith.constant 0 : i32
    %scan3A_1 = arith.constant 0 : i32
    %scan3A_2 = arith.constant 512 : i32
    %scan3A_3 = arith.addi %scan3A_1, %scan3A_2 : i32
    %scan3A_4 = arith.constant 1 : i32
    %scan3A_5 = scf.for %scan3A_23 = %scan3A_1 to %scan3A_3 step %scan3A_4 iter_args(%scan3A_24 = %scan3A) -> (i32)  : i32 {
      %broadcast_in_dim3A = arith.constant 0.000000e+00 : f32
      %broadcast_in_dim3A_25 = vector.broadcast %broadcast_in_dim3A : f32 to vector<16xf32>
      %swap3A = arith.index_cast %scan3A_23 : i32 to index
      %swap3A_26 = arith.constant 0 : index
      %swap3A_27 = tpu.vector_load %arg9[%swap3A, %swap3A_26] {strides = array<i32>} : memref<512x64xf32, #tpu.memory_space<vmem>>, vector<1x16xf32>,
      %swap3A_28 = vector.shape_cast %swap3A_27 : vector<1x16xf32> to vector<16xf32>
      %swap3A_29 = vector.shape_cast %broadcast_in_dim3A_25 : vector<16xf32> to vector<1x16xf32>
      tpu.vector_store %arg9[%swap3A, %swap3A_26], %swap3A_29 {strides = array<i32>} : memref<512x64xf32, #tpu.memory_space<vmem>>, vector<1x16xf32>,
      %broadcast_in_dim3A_30 = arith.constant 0.000000e+00 : f32
      %broadcast_in_dim3A_31 = vector.broadcast %broadcast_in_dim3A_30 : f32 to vector<16xf32>
      %swap3A_32 = arith.index_cast %scan3A_23 : i32 to index
      %swap3A_33 = arith.constant 16 : index
      %swap3A_34 = tpu.vector_load %arg9[%swap3A_32, %swap3A_33] {strides = array<i32>} : memref<512x64xf32, #tpu.memory_space<vmem>>, vector<1x16xf32>,
      %swap3A_35 = vector.shape_cast %swap3A_34 : vector<1x16xf32> to vector<16xf32>
      %swap3A_36 = vector.shape_cast %broadcast_in_dim3A_31 : vector<16xf32> to vector<1x16xf32>
      tpu.vector_store %arg9[%swap3A_32, %swap3A_33], %swap3A_36 {strides = array<i32>} : memref<512x64xf32, #tpu.memory_space<vmem>>, vector<1x16xf32>,
      %broadcast_in_dim3A_37 = arith.constant 0.000000e+00 : f32
      %broadcast_in_dim3A_38 = vector.broadcast %broadcast_in_dim3A_37 : f32 to vector<16xf32>
      %swap3A_39 = arith.index_cast %scan3A_23 : i32 to index
      %swap3A_40 = arith.constant 32 : index
      %swap3A_41 = tpu.vector_load %arg9[%swap3A_39, %swap3A_40] {strides = array<i32>} : memref<512x64xf32, #tpu.memory_space<vmem>>, vector<1x16xf32>,
      %swap3A_42 = vector.shape_cast %swap3A_41 : vector<1x16xf32> to vector<16xf32>
      %swap3A_43 = vector.shape_cast %broadcast_in_dim3A_38 : vector<16xf32> to vector<1x16xf32>
      tpu.vector_store %arg9[%swap3A_39, %swap3A_40], %swap3A_43 {strides = array<i32>} : memref<512x64xf32, #tpu.memory_space<vmem>>, vector<1x16xf32>,
      %broadcast_in_dim3A_44 = arith.constant 0.000000e+00 : f32
      %broadcast_in_dim3A_45 = vector.broadcast %broadcast_in_dim3A_44 : f32 to vector<16xf32>
      %swap3A_46 = arith.index_cast %scan3A_23 : i32 to index
      %swap3A_47 = arith.constant 48 : index
      %swap3A_48 = tpu.vector_load %arg9[%swap3A_46, %swap3A_47] {strides = array<i32>} : memref<512x64xf32, #tpu.memory_space<vmem>>, vector<1x16xf32>,
      %swap3A_49 = vector.shape_cast %swap3A_48 : vector<1x16xf32> to vector<16xf32>
      %swap3A_50 = vector.shape_cast %broadcast_in_dim3A_45 : vector<16xf32> to vector<1x16xf32>
      tpu.vector_store %arg9[%swap3A_46, %swap3A_47], %swap3A_50 {strides = array<i32>} : memref<512x64xf32, #tpu.memory_space<vmem>>, vector<1x16xf32>,
      %scan3A_51 = arith.constant 0 : i32
      scf.yield %scan3A_51 : i32
    }
    %scan3A_6 = arith.constant 512 : i32
    %mul3A_7 = arith.constant 632 : i32
    %mul3A_8 = arith.muli %arg1, %mul3A_7 : i32
    "tpu.region"() ({
      %run_scoped3A = tpu.sem_alloc : memref<!tpu.dma_semaphore, #tpu.memory_space<semaphore_mem>>
      %dma_start3A = arith.constant 0 : i32
      %dma_start3A_23 = tpu.memref_slice %arg11[%mul3A_8, %dma_start3A] : memref<10112x64xf32, #tpu.memory_space<vmem_shared>> -> memref<512x64xf32, #tpu.memory_space<vmem_shared>>
      %dma_start3A_24 = arith.constant 0 : i32
      %dma_start3A_25 = tpu.memref_slice %arg11[%mul3A_8, %dma_start3A_24] : memref<10112x64xf32, #tpu.memory_space<vmem_shared>> -> memref<512x64xf32, #tpu.memory_space<vmem_shared>>
      tpu.enqueue_dma source(%arg9 : memref<512x64xf32, #tpu.memory_space<vmem>>) target(%dma_start3A_25 : memref<512x64xf32, #tpu.memory_space<vmem_shared>>) target_semaphore(%run_scoped3A : memref<!tpu.dma_semaphore, #tpu.memory_space<semaphore_mem>>)
      %dma_wait3A = arith.constant 0 : i32
      %dma_wait3A_26 = tpu.memref_slice %arg11[%mul3A_8, %dma_wait3A] : memref<10112x64xf32, #tpu.memory_space<vmem_shared>> -> memref<512x64xf32, #tpu.memory_space<vmem_shared>>
      %dma_wait3A_27 = arith.constant 0 : i32
      %dma_wait3A_28 = tpu.memref_slice %arg11[%mul3A_8, %dma_wait3A_27] : memref<10112x64xf32, #tpu.memory_space<vmem_shared>> -> memref<512x64xf32, #tpu.memory_space<vmem_shared>>
      tpu.wait_dma2 semaphore(%run_scoped3A : memref<!tpu.dma_semaphore, #tpu.memory_space<semaphore_mem>>) src(%arg9 : memref<512x64xf32, #tpu.memory_space<vmem>>) dst(%dma_wait3A_28 : memref<512x64xf32, #tpu.memory_space<vmem_shared>>)
      tpu.yield
    }) : () -> ()
    %add3A_9 = arith.constant 512 : i32
    %add3A_10 = arith.addi %mul3A_8, %add3A_9 : i32
    "tpu.region"() ({
      %run_scoped3A = tpu.sem_alloc : memref<!tpu.dma_semaphore, #tpu.memory_space<semaphore_mem>>
      %dma_start3A = arith.constant 0 : i32
      %dma_start3A_23 = arith.constant 0 : i32
      %dma_start3A_24 = tpu.memref_slice %arg9[%dma_start3A, %dma_start3A_23] : memref<512x64xf32, #tpu.memory_space<vmem>> -> memref<120x64xf32, #tpu.memory_space<vmem>>
      %dma_start3A_25 = arith.constant 0 : i32
      %dma_start3A_26 = tpu.memref_slice %arg11[%add3A_10, %dma_start3A_25] : memref<10112x64xf32, #tpu.memory_space<vmem_shared>> -> memref<120x64xf32, #tpu.memory_space<vmem_shared>>
      %dma_start3A_27 = arith.constant 0 : i32
      %dma_start3A_28 = tpu.memref_slice %arg11[%add3A_10, %dma_start3A_27] : memref<10112x64xf32, #tpu.memory_space<vmem_shared>> -> memref<120x64xf32, #tpu.memory_space<vmem_shared>>
      %dma_start3A_29 = arith.constant 0 : i32
      %dma_start3A_30 = arith.constant 0 : i32
      %dma_start3A_31 = tpu.memref_slice %arg9[%dma_start3A_29, %dma_start3A_30] : memref<512x64xf32, #tpu.memory_space<vmem>> -> memref<120x64xf32, #tpu.memory_space<vmem>>
      tpu.enqueue_dma source(%dma_start3A_31 : memref<120x64xf32, #tpu.memory_space<vmem>>) target(%dma_start3A_28 : memref<120x64xf32, #tpu.memory_space<vmem_shared>>) target_semaphore(%run_scoped3A : memref<!tpu.dma_semaphore, #tpu.memory_space<semaphore_mem>>)
      %dma_wait3A = arith.constant 0 : i32
      %dma_wait3A_32 = arith.constant 0 : i32
      %dma_wait3A_33 = tpu.memref_slice %arg9[%dma_wait3A, %dma_wait3A_32] : memref<512x64xf32, #tpu.memory_space<vmem>> -> memref<120x64xf32, #tpu.memory_space<vmem>>
      %dma_wait3A_34 = arith.constant 0 : i32
      %dma_wait3A_35 = tpu.memref_slice %arg11[%add3A_10, %dma_wait3A_34] : memref<10112x64xf32, #tpu.memory_space<vmem_shared>> -> memref<120x64xf32, #tpu.memory_space<vmem_shared>>
      %dma_wait3A_36 = arith.constant 0 : i32
      %dma_wait3A_37 = tpu.memref_slice %arg11[%add3A_10, %dma_wait3A_36] : memref<10112x64xf32, #tpu.memory_space<vmem_shared>> -> memref<120x64xf32, #tpu.memory_space<vmem_shared>>
      %dma_wait3A_38 = arith.constant 0 : i32
      %dma_wait3A_39 = arith.constant 0 : i32
      %dma_wait3A_40 = tpu.memref_slice %arg9[%dma_wait3A_38, %dma_wait3A_39] : memref<512x64xf32, #tpu.memory_space<vmem>> -> memref<120x64xf32, #tpu.memory_space<vmem>>
      tpu.wait_dma2 semaphore(%run_scoped3A : memref<!tpu.dma_semaphore, #tpu.memory_space<semaphore_mem>>) src(%dma_wait3A_40 : memref<120x64xf32, #tpu.memory_space<vmem>>) dst(%dma_wait3A_37 : memref<120x64xf32, #tpu.memory_space<vmem_shared>>)
      tpu.yield
    }) : () -> ()
    %barrier3A = arith.constant 0 : index
    tpu.barrier barrier_id(%barrier3A)
    %mul3A_11 = arith.constant 80 : i32
    %mul3A_12 = arith.muli %add3A, %mul3A_11 : i32
    "tpu.region"() ({
      %run_scoped3A = tpu.sem_alloc : memref<!tpu.dma_semaphore, #tpu.memory_space<semaphore_mem>>
      %dma_start3A = arith.constant 0 : i32
      %dma_start3A_23 = tpu.memref_slice %arg4[%mul3A_12, %dma_start3A] : memref<2560x128xi32, #tpu.memory_space<hbm>> -> memref<80x128xi32, #tpu.memory_space<hbm>>
      %dma_start3A_24 = arith.constant 0 : i32
      %dma_start3A_25 = tpu.memref_slice %arg4[%mul3A_12, %dma_start3A_24] : memref<2560x128xi32, #tpu.memory_space<hbm>> -> memref<80x128xi32, #tpu.memory_space<hbm>>
      tpu.enqueue_dma source(%dma_start3A_25 : memref<80x128xi32, #tpu.memory_space<hbm>>) target(%arg7 : memref<80x128xi32, #tpu.memory_space<vmem>>) target_semaphore(%run_scoped3A : memref<!tpu.dma_semaphore, #tpu.memory_space<semaphore_mem>>)
      %dma_wait3A = arith.constant 0 : i32
      %dma_wait3A_26 = tpu.memref_slice %arg4[%mul3A_12, %dma_wait3A] : memref<2560x128xi32, #tpu.memory_space<hbm>> -> memref<80x128xi32, #tpu.memory_space<hbm>>
      %dma_wait3A_27 = arith.constant 0 : i32
      %dma_wait3A_28 = tpu.memref_slice %arg4[%mul3A_12, %dma_wait3A_27] : memref<2560x128xi32, #tpu.memory_space<hbm>> -> memref<80x128xi32, #tpu.memory_space<hbm>>
      tpu.wait_dma2 semaphore(%run_scoped3A : memref<!tpu.dma_semaphore, #tpu.memory_space<semaphore_mem>>) src(%dma_wait3A_28 : memref<80x128xi32, #tpu.memory_space<hbm>>) dst(%arg7 : memref<80x128xi32, #tpu.memory_space<vmem>>)
      tpu.yield
    }) : () -> ()
    %mul3A_13 = arith.constant 80 : i32
    %mul3A_14 = arith.muli %add3A, %mul3A_13 : i32
    "tpu.region"() ({
      %run_scoped3A = tpu.sem_alloc : memref<!tpu.dma_semaphore, #tpu.memory_space<semaphore_mem>>
      %dma_start3A = arith.constant 0 : i32
      %dma_start3A_23 = tpu.memref_slice %arg5[%mul3A_14, %dma_start3A] : memref<2560x128xi32, #tpu.memory_space<hbm>> -> memref<80x128xi32, #tpu.memory_space<hbm>>
      %dma_start3A_24 = arith.constant 0 : i32
      %dma_start3A_25 = tpu.memref_slice %arg5[%mul3A_14, %dma_start3A_24] : memref<2560x128xi32, #tpu.memory_space<hbm>> -> memref<80x128xi32, #tpu.memory_space<hbm>>
      tpu.enqueue_dma source(%dma_start3A_25 : memref<80x128xi32, #tpu.memory_space<hbm>>) target(%arg8 : memref<80x128xi32, #tpu.memory_space<vmem>>) target_semaphore(%run_scoped3A : memref<!tpu.dma_semaphore, #tpu.memory_space<semaphore_mem>>)
      %dma_wait3A = arith.constant 0 : i32
      %dma_wait3A_26 = tpu.memref_slice %arg5[%mul3A_14, %dma_wait3A] : memref<2560x128xi32, #tpu.memory_space<hbm>> -> memref<80x128xi32, #tpu.memory_space<hbm>>
      %dma_wait3A_27 = arith.constant 0 : i32
      %dma_wait3A_28 = tpu.memref_slice %arg5[%mul3A_14, %dma_wait3A_27] : memref<2560x128xi32, #tpu.memory_space<hbm>> -> memref<80x128xi32, #tpu.memory_space<hbm>>
      tpu.wait_dma2 semaphore(%run_scoped3A : memref<!tpu.dma_semaphore, #tpu.memory_space<semaphore_mem>>) src(%dma_wait3A_28 : memref<80x128xi32, #tpu.memory_space<hbm>>) dst(%arg8 : memref<80x128xi32, #tpu.memory_space<vmem>>)
      tpu.yield
    }) : () -> ()
    %scan3A_15 = arith.constant 0 : i32
    %scan3A_16 = arith.constant 0 : i32
    %scan3A_17 = arith.constant 20 : i32
    %scan3A_18 = arith.addi %scan3A_16, %scan3A_17 : i32
    %scan3A_19 = arith.constant 1 : i32
    %scan3A_20 = scf.for %scan3A_23 = %scan3A_16 to %scan3A_18 step %scan3A_19 iter_args(%scan3A_24 = %scan3A_15) -> (i32)  : i32 {
      %mul3A_25 = arith.constant 80 : i32
      %mul3A_26 = arith.muli %add3A, %mul3A_25 : i32
      %mul3A_27 = arith.constant 4 : i32
      %mul3A_28 = arith.muli %scan3A_23, %mul3A_27 : i32
      %add3A_29 = arith.addi %mul3A_26, %mul3A_28 : i32
      %mul3A_30 = arith.constant 4 : i32
      %mul3A_31 = arith.muli %scan3A_23, %mul3A_30 : i32
      %add3A_32 = arith.constant 0 : i32
      %add3A_33 = arith.addi %mul3A_31, %add3A_32 : i32
      %dma_start3A = arith.constant 0 : i32
      %dma_start3A_34 = arith.constant 0 : i32
      %dma_start3A_35 = tpu.memref_slice %arg9[%dma_start3A, %dma_start3A_34] : memref<512x64xf32, #tpu.memory_space<vmem>> -> memref<128x64xf32, #tpu.memory_space<vmem>>
      %dma_start3A_36 = arith.constant 0 : i32
      %dma_start3A_37 = tpu.memref_slice %arg7[%add3A_33, %dma_start3A_36] : memref<80x128xi32, #tpu.memory_space<vmem>> -> memref<1x128xi32, #tpu.memory_space<vmem>>
      %dma_start3A_38 = tpu.memref_squeeze %dma_start3A_37 : memref<1x128xi32, #tpu.memory_space<vmem>> -> memref<128xi32, #tpu.memory_space<vmem>>
      %dma_start3A_39 = arith.constant 0 : i32
      %dma_start3A_40 = arith.constant 0 : i32
      %dma_start3A_41 = tpu.memref_slice %arg2[%dma_start3A_39, %dma_start3A_40] : memref<10000x64xf32, #tpu.memory_space<hbm>> -> memref<10000x64xf32, #tpu.memory_space<hbm>>
      tpu.enqueue_indirect_dma source(%dma_start3A_41 : memref<10000x64xf32, #tpu.memory_space<hbm>>) target(%dma_start3A_35 : memref<128x64xf32, #tpu.memory_space<vmem>>) offsets(%dma_start3A_38 : memref<128xi32, #tpu.memory_space<vmem>>) semaphore(%arg12 : memref<!tpu.dma_semaphore, #tpu.memory_space<semaphore_mem>>)
      %mul3A_42 = arith.constant 4 : i32
      %mul3A_43 = arith.muli %scan3A_23, %mul3A_42 : i32
      %add3A_44 = arith.constant 1 : i32
      %add3A_45 = arith.addi %mul3A_43, %add3A_44 : i32
      %dma_start3A_46 = arith.constant 128 : i32
      %dma_start3A_47 = arith.constant 0 : i32
      %dma_start3A_48 = tpu.memref_slice %arg9[%dma_start3A_46, %dma_start3A_47] : memref<512x64xf32, #tpu.memory_space<vmem>> -> memref<128x64xf32, #tpu.memory_space<vmem>>
      %dma_start3A_49 = arith.constant 0 : i32
      %dma_start3A_50 = tpu.memref_slice %arg7[%add3A_45, %dma_start3A_49] : memref<80x128xi32, #tpu.memory_space<vmem>> -> memref<1x128xi32, #tpu.memory_space<vmem>>
      %dma_start3A_51 = tpu.memref_squeeze %dma_start3A_50 : memref<1x128xi32, #tpu.memory_space<vmem>> -> memref<128xi32, #tpu.memory_space<vmem>>
      %dma_start3A_52 = arith.constant 0 : i32
      %dma_start3A_53 = arith.constant 0 : i32
      %dma_start3A_54 = tpu.memref_slice %arg2[%dma_start3A_52, %dma_start3A_53] : memref<10000x64xf32, #tpu.memory_space<hbm>> -> memref<10000x64xf32, #tpu.memory_space<hbm>>
      tpu.enqueue_indirect_dma source(%dma_start3A_54 : memref<10000x64xf32, #tpu.memory_space<hbm>>) target(%dma_start3A_48 : memref<128x64xf32, #tpu.memory_space<vmem>>) offsets(%dma_start3A_51 : memref<128xi32, #tpu.memory_space<vmem>>) semaphore(%arg12 : memref<!tpu.dma_semaphore, #tpu.memory_space<semaphore_mem>>)
      %mul3A_55 = arith.constant 4 : i32
      %mul3A_56 = arith.muli %scan3A_23, %mul3A_55 : i32
      %add3A_57 = arith.constant 2 : i32
      %add3A_58 = arith.addi %mul3A_56, %add3A_57 : i32
      %dma_start3A_59 = arith.constant 256 : i32
      %dma_start3A_60 = arith.constant 0 : i32
      %dma_start3A_61 = tpu.memref_slice %arg9[%dma_start3A_59, %dma_start3A_60] : memref<512x64xf32, #tpu.memory_space<vmem>> -> memref<128x64xf32, #tpu.memory_space<vmem>>
      %dma_start3A_62 = arith.constant 0 : i32
      %dma_start3A_63 = tpu.memref_slice %arg7[%add3A_58, %dma_start3A_62] : memref<80x128xi32, #tpu.memory_space<vmem>> -> memref<1x128xi32, #tpu.memory_space<vmem>>
      %dma_start3A_64 = tpu.memref_squeeze %dma_start3A_63 : memref<1x128xi32, #tpu.memory_space<vmem>> -> memref<128xi32, #tpu.memory_space<vmem>>
      %dma_start3A_65 = arith.constant 0 : i32
      %dma_start3A_66 = arith.constant 0 : i32
      %dma_start3A_67 = tpu.memref_slice %arg2[%dma_start3A_65, %dma_start3A_66] : memref<10000x64xf32, #tpu.memory_space<hbm>> -> memref<10000x64xf32, #tpu.memory_space<hbm>>
      tpu.enqueue_indirect_dma source(%dma_start3A_67 : memref<10000x64xf32, #tpu.memory_space<hbm>>) target(%dma_start3A_61 : memref<128x64xf32, #tpu.memory_space<vmem>>) offsets(%dma_start3A_64 : memref<128xi32, #tpu.memory_space<vmem>>) semaphore(%arg12 : memref<!tpu.dma_semaphore, #tpu.memory_space<semaphore_mem>>)
      %mul3A_68 = arith.constant 4 : i32
      %mul3A_69 = arith.muli %scan3A_23, %mul3A_68 : i32
      %add3A_70 = arith.constant 3 : i32
      %add3A_71 = arith.addi %mul3A_69, %add3A_70 : i32
      %dma_start3A_72 = arith.constant 384 : i32
      %dma_start3A_73 = arith.constant 0 : i32
      %dma_start3A_74 = tpu.memref_slice %arg9[%dma_start3A_72, %dma_start3A_73] : memref<512x64xf32, #tpu.memory_space<vmem>> -> memref<128x64xf32, #tpu.memory_space<vmem>>
      %dma_start3A_75 = arith.constant 0 : i32
      %dma_start3A_76 = tpu.memref_slice %arg7[%add3A_71, %dma_start3A_75] : memref<80x128xi32, #tpu.memory_space<vmem>> -> memref<1x128xi32, #tpu.memory_space<vmem>>
      %dma_start3A_77 = tpu.memref_squeeze %dma_start3A_76 : memref<1x128xi32, #tpu.memory_space<vmem>> -> memref<128xi32, #tpu.memory_space<vmem>>
      %dma_start3A_78 = arith.constant 0 : i32
      %dma_start3A_79 = arith.constant 0 : i32
      %dma_start3A_80 = tpu.memref_slice %arg2[%dma_start3A_78, %dma_start3A_79] : memref<10000x64xf32, #tpu.memory_space<hbm>> -> memref<10000x64xf32, #tpu.memory_space<hbm>>
      tpu.enqueue_indirect_dma source(%dma_start3A_80 : memref<10000x64xf32, #tpu.memory_space<hbm>>) target(%dma_start3A_74 : memref<128x64xf32, #tpu.memory_space<vmem>>) offsets(%dma_start3A_77 : memref<128xi32, #tpu.memory_space<vmem>>) semaphore(%arg12 : memref<!tpu.dma_semaphore, #tpu.memory_space<semaphore_mem>>)
      %mul3A_81 = arith.constant 64 : i32
      %mul3A_82 = arith.muli %add3A_29, %mul3A_81 : i32
      %dma_start3A_83 = arith.constant 0 : i32
      %dma_start3A_84 = tpu.memref_slice %arg3[%mul3A_82, %dma_start3A_83] : memref<163840x128xf32, #tpu.memory_space<hbm>> -> memref<256x128xf32, #tpu.memory_space<hbm>>
      %dma_start3A_85 = arith.constant 0 : i32
      %dma_start3A_86 = tpu.memref_slice %arg3[%mul3A_82, %dma_start3A_85] : memref<163840x128xf32, #tpu.memory_space<hbm>> -> memref<256x128xf32, #tpu.memory_space<hbm>>
      tpu.enqueue_dma source(%dma_start3A_86 : memref<256x128xf32, #tpu.memory_space<hbm>>) target(%arg10 : memref<256x128xf32, #tpu.memory_space<vmem>>) target_semaphore(%arg13 : memref<!tpu.dma_semaphore, #tpu.memory_space<semaphore_mem>>)
      %dma_wait3A = arith.constant 0 : i32
      %dma_wait3A_87 = arith.constant 0 : i32
      %dma_wait3A_88 = tpu.memref_slice %arg9[%dma_wait3A, %dma_wait3A_87] : memref<512x64xf32, #tpu.memory_space<vmem>> -> memref<128x64xf32, #tpu.memory_space<vmem>>
      %dma_wait3A_89 = arith.constant 0 : i32
      %dma_wait3A_90 = tpu.memref_slice %arg7[%add3A_33, %dma_wait3A_89] : memref<80x128xi32, #tpu.memory_space<vmem>> -> memref<1x128xi32, #tpu.memory_space<vmem>>
      %dma_wait3A_91 = tpu.memref_squeeze %dma_wait3A_90 : memref<1x128xi32, #tpu.memory_space<vmem>> -> memref<128xi32, #tpu.memory_space<vmem>>
      %dma_wait3A_92 = arith.constant 0 : i32
      %dma_wait3A_93 = arith.constant 0 : i32
      %dma_wait3A_94 = tpu.memref_slice %arg2[%dma_wait3A_92, %dma_wait3A_93] : memref<10000x64xf32, #tpu.memory_space<hbm>> -> memref<10000x64xf32, #tpu.memory_space<hbm>>
      tpu.wait_indirect_dma semaphore(%arg12 : memref<!tpu.dma_semaphore, #tpu.memory_space<semaphore_mem>>) src(%dma_wait3A_94 : memref<10000x64xf32, #tpu.memory_space<hbm>>) dst(%dma_wait3A_88 : memref<128x64xf32, #tpu.memory_space<vmem>>)
      %dma_wait3A_95 = arith.constant 128 : i32
      %dma_wait3A_96 = arith.constant 0 : i32
      %dma_wait3A_97 = tpu.memref_slice %arg9[%dma_wait3A_95, %dma_wait3A_96] : memref<512x64xf32, #tpu.memory_space<vmem>> -> memref<128x64xf32, #tpu.memory_space<vmem>>
      %dma_wait3A_98 = arith.constant 0 : i32
      %dma_wait3A_99 = tpu.memref_slice %arg7[%add3A_45, %dma_wait3A_98] : memref<80x128xi32, #tpu.memory_space<vmem>> -> memref<1x128xi32, #tpu.memory_space<vmem>>
      %dma_wait3A_100 = tpu.memref_squeeze %dma_wait3A_99 : memref<1x128xi32, #tpu.memory_space<vmem>> -> memref<128xi32, #tpu.memory_space<vmem>>
      %dma_wait3A_101 = arith.constant 0 : i32
      %dma_wait3A_102 = arith.constant 0 : i32
      %dma_wait3A_103 = tpu.memref_slice %arg2[%dma_wait3A_101, %dma_wait3A_102] : memref<10000x64xf32, #tpu.memory_space<hbm>> -> memref<10000x64xf32, #tpu.memory_space<hbm>>
      tpu.wait_indirect_dma semaphore(%arg12 : memref<!tpu.dma_semaphore, #tpu.memory_space<semaphore_mem>>) src(%dma_wait3A_103 : memref<10000x64xf32, #tpu.memory_space<hbm>>) dst(%dma_wait3A_97 : memref<128x64xf32, #tpu.memory_space<vmem>>)
      %dma_wait3A_104 = arith.constant 256 : i32
      %dma_wait3A_105 = arith.constant 0 : i32
      %dma_wait3A_106 = tpu.memref_slice %arg9[%dma_wait3A_104, %dma_wait3A_105] : memref<512x64xf32, #tpu.memory_space<vmem>> -> memref<128x64xf32, #tpu.memory_space<vmem>>
      %dma_wait3A_107 = arith.constant 0 : i32
      %dma_wait3A_108 = tpu.memref_slice %arg7[%add3A_58, %dma_wait3A_107] : memref<80x128xi32, #tpu.memory_space<vmem>> -> memref<1x128xi32, #tpu.memory_space<vmem>>
      %dma_wait3A_109 = tpu.memref_squeeze %dma_wait3A_108 : memref<1x128xi32, #tpu.memory_space<vmem>> -> memref<128xi32, #tpu.memory_space<vmem>>
      %dma_wait3A_110 = arith.constant 0 : i32
      %dma_wait3A_111 = arith.constant 0 : i32
      %dma_wait3A_112 = tpu.memref_slice %arg2[%dma_wait3A_110, %dma_wait3A_111] : memref<10000x64xf32, #tpu.memory_space<hbm>> -> memref<10000x64xf32, #tpu.memory_space<hbm>>
      tpu.wait_indirect_dma semaphore(%arg12 : memref<!tpu.dma_semaphore, #tpu.memory_space<semaphore_mem>>) src(%dma_wait3A_112 : memref<10000x64xf32, #tpu.memory_space<hbm>>) dst(%dma_wait3A_106 : memref<128x64xf32, #tpu.memory_space<vmem>>)
      %dma_wait3A_113 = arith.constant 384 : i32
      %dma_wait3A_114 = arith.constant 0 : i32
      %dma_wait3A_115 = tpu.memref_slice %arg9[%dma_wait3A_113, %dma_wait3A_114] : memref<512x64xf32, #tpu.memory_space<vmem>> -> memref<128x64xf32, #tpu.memory_space<vmem>>
      %dma_wait3A_116 = arith.constant 0 : i32
      %dma_wait3A_117 = tpu.memref_slice %arg7[%add3A_71, %dma_wait3A_116] : memref<80x128xi32, #tpu.memory_space<vmem>> -> memref<1x128xi32, #tpu.memory_space<vmem>>
      %dma_wait3A_118 = tpu.memref_squeeze %dma_wait3A_117 : memref<1x128xi32, #tpu.memory_space<vmem>> -> memref<128xi32, #tpu.memory_space<vmem>>
      %dma_wait3A_119 = arith.constant 0 : i32
      %dma_wait3A_120 = arith.constant 0 : i32
      %dma_wait3A_121 = tpu.memref_slice %arg2[%dma_wait3A_119, %dma_wait3A_120] : memref<10000x64xf32, #tpu.memory_space<hbm>> -> memref<10000x64xf32, #tpu.memory_space<hbm>>
      tpu.wait_indirect_dma semaphore(%arg12 : memref<!tpu.dma_semaphore, #tpu.memory_space<semaphore_mem>>) src(%dma_wait3A_121 : memref<10000x64xf32, #tpu.memory_space<hbm>>) dst(%dma_wait3A_115 : memref<128x64xf32, #tpu.memory_space<vmem>>)
      %dma_wait3A_122 = arith.constant 0 : i32
      %dma_wait3A_123 = tpu.memref_slice %arg3[%mul3A_82, %dma_wait3A_122] : memref<163840x128xf32, #tpu.memory_space<hbm>> -> memref<256x128xf32, #tpu.memory_space<hbm>>
      %dma_wait3A_124 = arith.constant 0 : i32
      %dma_wait3A_125 = tpu.memref_slice %arg3[%mul3A_82, %dma_wait3A_124] : memref<163840x128xf32, #tpu.memory_space<hbm>> -> memref<256x128xf32, #tpu.memory_space<hbm>>
      tpu.wait_dma2 semaphore(%arg13 : memref<!tpu.dma_semaphore, #tpu.memory_space<semaphore_mem>>) src(%dma_wait3A_125 : memref<256x128xf32, #tpu.memory_space<hbm>>) dst(%arg10 : memref<256x128xf32, #tpu.memory_space<vmem>>)
      %scan3A_126 = arith.constant 0 : i32
      %scan3A_127 = arith.constant 0 : i32
      %scan3A_128 = arith.constant 256 : i32
      %scan3A_129 = arith.addi %scan3A_127, %scan3A_128 : i32
      %scan3A_130 = arith.constant 1 : i32
      %scan3A_131 = scf.for %scan3A_150 = %scan3A_127 to %scan3A_129 step %scan3A_130 iter_args(%scan3A_151 = %scan3A_126) -> (i32)  : i32 {
        %mul3A_152 = arith.constant 2 : i32
        %mul3A_153 = arith.muli %mul3A_152, %scan3A_150 : i32
        %add3A_154 = arith.constant 0 : i32
        %add3A_155 = arith.addi %mul3A_153, %add3A_154 : i32
        %get3A = arith.index_cast %add3A_155 : i32 to index
        %get3A_156 = arith.constant 0 : index
        %get3A_157 = tpu.vector_load %arg9[%get3A, %get3A_156] {strides = array<i32>} : memref<512x64xf32, #tpu.memory_space<vmem>>, vector<1x16xf32>,
        %get3A_158 = vector.shape_cast %get3A_157 : vector<1x16xf32> to vector<16xf32>
        %get3A_159 = arith.index_cast %scan3A_150 : i32 to index
        %get3A_160 = arith.constant 0 : index
        %get3A_161 = tpu.vector_load %arg10[%get3A_159, %get3A_160] {strides = array<i32>} : memref<256x128xf32, #tpu.memory_space<vmem>>, vector<1x16xf32>,
        %get3A_162 = vector.shape_cast %get3A_161 : vector<1x16xf32> to vector<16xf32>
        %add3A_163 = arith.addf %get3A_158, %get3A_162 : vector<16xf32>
        %broadcast_in_dim3A = arith.constant 0.000000e+00 : f32
        %broadcast_in_dim3A_164 = vector.broadcast %broadcast_in_dim3A : f32 to vector<16xf32>
        %max3A = arith.maximumf %add3A_163, %broadcast_in_dim3A_164 : vector<16xf32>
        %mul3A_165 = arith.constant 2 : i32
        %mul3A_166 = arith.muli %mul3A_165, %scan3A_150 : i32
        %add3A_167 = arith.constant 0 : i32
        %add3A_168 = arith.addi %mul3A_166, %add3A_167 : i32
        %swap3A = arith.index_cast %add3A_168 : i32 to index
        %swap3A_169 = arith.constant 0 : index
        %swap3A_170 = tpu.vector_load %arg9[%swap3A, %swap3A_169] {strides = array<i32>} : memref<512x64xf32, #tpu.memory_space<vmem>>, vector<1x16xf32>,
        %swap3A_171 = vector.shape_cast %swap3A_170 : vector<1x16xf32> to vector<16xf32>
        %swap3A_172 = vector.shape_cast %max3A : vector<16xf32> to vector<1x16xf32>
        tpu.vector_store %arg9[%swap3A, %swap3A_169], %swap3A_172 {strides = array<i32>} : memref<512x64xf32, #tpu.memory_space<vmem>>, vector<1x16xf32>,
        %mul3A_173 = arith.constant 2 : i32
        %mul3A_174 = arith.muli %mul3A_173, %scan3A_150 : i32
        %add3A_175 = arith.constant 0 : i32
        %add3A_176 = arith.addi %mul3A_174, %add3A_175 : i32
        %get3A_177 = arith.index_cast %add3A_176 : i32 to index
        %get3A_178 = arith.constant 16 : index
        %get3A_179 = tpu.vector_load %arg9[%get3A_177, %get3A_178] {strides = array<i32>} : memref<512x64xf32, #tpu.memory_space<vmem>>, vector<1x16xf32>,
        %get3A_180 = vector.shape_cast %get3A_179 : vector<1x16xf32> to vector<16xf32>
        %get3A_181 = arith.index_cast %scan3A_150 : i32 to index
        %get3A_182 = arith.constant 16 : index
        %get3A_183 = tpu.vector_load %arg10[%get3A_181, %get3A_182] {strides = array<i32>} : memref<256x128xf32, #tpu.memory_space<vmem>>, vector<1x16xf32>,
        %get3A_184 = vector.shape_cast %get3A_183 : vector<1x16xf32> to vector<16xf32>
        %add3A_185 = arith.addf %get3A_180, %get3A_184 : vector<16xf32>
        %broadcast_in_dim3A_186 = arith.constant 0.000000e+00 : f32
        %broadcast_in_dim3A_187 = vector.broadcast %broadcast_in_dim3A_186 : f32 to vector<16xf32>
        %max3A_188 = arith.maximumf %add3A_185, %broadcast_in_dim3A_187 : vector<16xf32>
        %mul3A_189 = arith.constant 2 : i32
        %mul3A_190 = arith.muli %mul3A_189, %scan3A_150 : i32
        %add3A_191 = arith.constant 0 : i32
        %add3A_192 = arith.addi %mul3A_190, %add3A_191 : i32
        %swap3A_193 = arith.index_cast %add3A_192 : i32 to index
        %swap3A_194 = arith.constant 16 : index
        %swap3A_195 = tpu.vector_load %arg9[%swap3A_193, %swap3A_194] {strides = array<i32>} : memref<512x64xf32, #tpu.memory_space<vmem>>, vector<1x16xf32>,
        %swap3A_196 = vector.shape_cast %swap3A_195 : vector<1x16xf32> to vector<16xf32>
        %swap3A_197 = vector.shape_cast %max3A_188 : vector<16xf32> to vector<1x16xf32>
        tpu.vector_store %arg9[%swap3A_193, %swap3A_194], %swap3A_197 {strides = array<i32>} : memref<512x64xf32, #tpu.memory_space<vmem>>, vector<1x16xf32>,
        %mul3A_198 = arith.constant 2 : i32
        %mul3A_199 = arith.muli %mul3A_198, %scan3A_150 : i32
        %add3A_200 = arith.constant 0 : i32
        %add3A_201 = arith.addi %mul3A_199, %add3A_200 : i32
        %get3A_202 = arith.index_cast %add3A_201 : i32 to index
        %get3A_203 = arith.constant 32 : index
        %get3A_204 = tpu.vector_load %arg9[%get3A_202, %get3A_203] {strides = array<i32>} : memref<512x64xf32, #tpu.memory_space<vmem>>, vector<1x16xf32>,
        %get3A_205 = vector.shape_cast %get3A_204 : vector<1x16xf32> to vector<16xf32>
        %get3A_206 = arith.index_cast %scan3A_150 : i32 to index
        %get3A_207 = arith.constant 32 : index
        %get3A_208 = tpu.vector_load %arg10[%get3A_206, %get3A_207] {strides = array<i32>} : memref<256x128xf32, #tpu.memory_space<vmem>>, vector<1x16xf32>,
        %get3A_209 = vector.shape_cast %get3A_208 : vector<1x16xf32> to vector<16xf32>
        %add3A_210 = arith.addf %get3A_205, %get3A_209 : vector<16xf32>
        %broadcast_in_dim3A_211 = arith.constant 0.000000e+00 : f32
        %broadcast_in_dim3A_212 = vector.broadcast %broadcast_in_dim3A_211 : f32 to vector<16xf32>
        %max3A_213 = arith.maximumf %add3A_210, %broadcast_in_dim3A_212 : vector<16xf32>
        %mul3A_214 = arith.constant 2 : i32
        %mul3A_215 = arith.muli %mul3A_214, %scan3A_150 : i32
        %add3A_216 = arith.constant 0 : i32
        %add3A_217 = arith.addi %mul3A_215, %add3A_216 : i32
        %swap3A_218 = arith.index_cast %add3A_217 : i32 to index
        %swap3A_219 = arith.constant 32 : index
        %swap3A_220 = tpu.vector_load %arg9[%swap3A_218, %swap3A_219] {strides = array<i32>} : memref<512x64xf32, #tpu.memory_space<vmem>>, vector<1x16xf32>,
        %swap3A_221 = vector.shape_cast %swap3A_220 : vector<1x16xf32> to vector<16xf32>
        %swap3A_222 = vector.shape_cast %max3A_213 : vector<16xf32> to vector<1x16xf32>
        tpu.vector_store %arg9[%swap3A_218, %swap3A_219], %swap3A_222 {strides = array<i32>} : memref<512x64xf32, #tpu.memory_space<vmem>>, vector<1x16xf32>,
        %mul3A_223 = arith.constant 2 : i32
        %mul3A_224 = arith.muli %mul3A_223, %scan3A_150 : i32
        %add3A_225 = arith.constant 0 : i32
        %add3A_226 = arith.addi %mul3A_224, %add3A_225 : i32
        %get3A_227 = arith.index_cast %add3A_226 : i32 to index
        %get3A_228 = arith.constant 48 : index
        %get3A_229 = tpu.vector_load %arg9[%get3A_227, %get3A_228] {strides = array<i32>} : memref<512x64xf32, #tpu.memory_space<vmem>>, vector<1x16xf32>,
        %get3A_230 = vector.shape_cast %get3A_229 : vector<1x16xf32> to vector<16xf32>
        %get3A_231 = arith.index_cast %scan3A_150 : i32 to index
        %get3A_232 = arith.constant 48 : index
        %get3A_233 = tpu.vector_load %arg10[%get3A_231, %get3A_232] {strides = array<i32>} : memref<256x128xf32, #tpu.memory_space<vmem>>, vector<1x16xf32>,
        %get3A_234 = vector.shape_cast %get3A_233 : vector<1x16xf32> to vector<16xf32>
        %add3A_235 = arith.addf %get3A_230, %get3A_234 : vector<16xf32>
        %broadcast_in_dim3A_236 = arith.constant 0.000000e+00 : f32
        %broadcast_in_dim3A_237 = vector.broadcast %broadcast_in_dim3A_236 : f32 to vector<16xf32>
        %max3A_238 = arith.maximumf %add3A_235, %broadcast_in_dim3A_237 : vector<16xf32>
        %mul3A_239 = arith.constant 2 : i32
        %mul3A_240 = arith.muli %mul3A_239, %scan3A_150 : i32
        %add3A_241 = arith.constant 0 : i32
        %add3A_242 = arith.addi %mul3A_240, %add3A_241 : i32
        %swap3A_243 = arith.index_cast %add3A_242 : i32 to index
        %swap3A_244 = arith.constant 48 : index
        %swap3A_245 = tpu.vector_load %arg9[%swap3A_243, %swap3A_244] {strides = array<i32>} : memref<512x64xf32, #tpu.memory_space<vmem>>, vector<1x16xf32>,
        %swap3A_246 = vector.shape_cast %swap3A_245 : vector<1x16xf32> to vector<16xf32>
        %swap3A_247 = vector.shape_cast %max3A_238 : vector<16xf32> to vector<1x16xf32>
        tpu.vector_store %arg9[%swap3A_243, %swap3A_244], %swap3A_247 {strides = array<i32>} : memref<512x64xf32, #tpu.memory_space<vmem>>, vector<1x16xf32>,
        %mul3A_248 = arith.constant 2 : i32
        %mul3A_249 = arith.muli %mul3A_248, %scan3A_150 : i32
        %add3A_250 = arith.constant 1 : i32
        %add3A_251 = arith.addi %mul3A_249, %add3A_250 : i32
        %get3A_252 = arith.index_cast %add3A_251 : i32 to index
        %get3A_253 = arith.constant 0 : index
        %get3A_254 = tpu.vector_load %arg9[%get3A_252, %get3A_253] {strides = array<i32>} : memref<512x64xf32, #tpu.memory_space<vmem>>, vector<1x16xf32>,
        %get3A_255 = vector.shape_cast %get3A_254 : vector<1x16xf32> to vector<16xf32>
        %get3A_256 = arith.index_cast %scan3A_150 : i32 to index
        %get3A_257 = arith.constant 64 : index
        %get3A_258 = tpu.vector_load %arg10[%get3A_256, %get3A_257] {strides = array<i32>} : memref<256x128xf32, #tpu.memory_space<vmem>>, vector<1x16xf32>,
        %get3A_259 = vector.shape_cast %get3A_258 : vector<1x16xf32> to vector<16xf32>
        %add3A_260 = arith.addf %get3A_255, %get3A_259 : vector<16xf32>
        %broadcast_in_dim3A_261 = arith.constant 0.000000e+00 : f32
        %broadcast_in_dim3A_262 = vector.broadcast %broadcast_in_dim3A_261 : f32 to vector<16xf32>
        %max3A_263 = arith.maximumf %add3A_260, %broadcast_in_dim3A_262 : vector<16xf32>
        %mul3A_264 = arith.constant 2 : i32
        %mul3A_265 = arith.muli %mul3A_264, %scan3A_150 : i32
        %add3A_266 = arith.constant 1 : i32
        %add3A_267 = arith.addi %mul3A_265, %add3A_266 : i32
        %swap3A_268 = arith.index_cast %add3A_267 : i32 to index
        %swap3A_269 = arith.constant 0 : index
        %swap3A_270 = tpu.vector_load %arg9[%swap3A_268, %swap3A_269] {strides = array<i32>} : memref<512x64xf32, #tpu.memory_space<vmem>>, vector<1x16xf32>,
        %swap3A_271 = vector.shape_cast %swap3A_270 : vector<1x16xf32> to vector<16xf32>
        %swap3A_272 = vector.shape_cast %max3A_263 : vector<16xf32> to vector<1x16xf32>
        tpu.vector_store %arg9[%swap3A_268, %swap3A_269], %swap3A_272 {strides = array<i32>} : memref<512x64xf32, #tpu.memory_space<vmem>>, vector<1x16xf32>,
        %mul3A_273 = arith.constant 2 : i32
        %mul3A_274 = arith.muli %mul3A_273, %scan3A_150 : i32
        %add3A_275 = arith.constant 1 : i32
        %add3A_276 = arith.addi %mul3A_274, %add3A_275 : i32
        %get3A_277 = arith.index_cast %add3A_276 : i32 to index
        %get3A_278 = arith.constant 16 : index
        %get3A_279 = tpu.vector_load %arg9[%get3A_277, %get3A_278] {strides = array<i32>} : memref<512x64xf32, #tpu.memory_space<vmem>>, vector<1x16xf32>,
        %get3A_280 = vector.shape_cast %get3A_279 : vector<1x16xf32> to vector<16xf32>
        %get3A_281 = arith.index_cast %scan3A_150 : i32 to index
        %get3A_282 = arith.constant 80 : index
        %get3A_283 = tpu.vector_load %arg10[%get3A_281, %get3A_282] {strides = array<i32>} : memref<256x128xf32, #tpu.memory_space<vmem>>, vector<1x16xf32>,
        %get3A_284 = vector.shape_cast %get3A_283 : vector<1x16xf32> to vector<16xf32>
        %add3A_285 = arith.addf %get3A_280, %get3A_284 : vector<16xf32>
        %broadcast_in_dim3A_286 = arith.constant 0.000000e+00 : f32
        %broadcast_in_dim3A_287 = vector.broadcast %broadcast_in_dim3A_286 : f32 to vector<16xf32>
        %max3A_288 = arith.maximumf %add3A_285, %broadcast_in_dim3A_287 : vector<16xf32>
        %mul3A_289 = arith.constant 2 : i32
        %mul3A_290 = arith.muli %mul3A_289, %scan3A_150 : i32
        %add3A_291 = arith.constant 1 : i32
        %add3A_292 = arith.addi %mul3A_290, %add3A_291 : i32
        %swap3A_293 = arith.index_cast %add3A_292 : i32 to index
        %swap3A_294 = arith.constant 16 : index
        %swap3A_295 = tpu.vector_load %arg9[%swap3A_293, %swap3A_294] {strides = array<i32>} : memref<512x64xf32, #tpu.memory_space<vmem>>, vector<1x16xf32>,
        %swap3A_296 = vector.shape_cast %swap3A_295 : vector<1x16xf32> to vector<16xf32>
        %swap3A_297 = vector.shape_cast %max3A_288 : vector<16xf32> to vector<1x16xf32>
        tpu.vector_store %arg9[%swap3A_293, %swap3A_294], %swap3A_297 {strides = array<i32>} : memref<512x64xf32, #tpu.memory_space<vmem>>, vector<1x16xf32>,
        %mul3A_298 = arith.constant 2 : i32
        %mul3A_299 = arith.muli %mul3A_298, %scan3A_150 : i32
        %add3A_300 = arith.constant 1 : i32
        %add3A_301 = arith.addi %mul3A_299, %add3A_300 : i32
        %get3A_302 = arith.index_cast %add3A_301 : i32 to index
        %get3A_303 = arith.constant 32 : index
        %get3A_304 = tpu.vector_load %arg9[%get3A_302, %get3A_303] {strides = array<i32>} : memref<512x64xf32, #tpu.memory_space<vmem>>, vector<1x16xf32>,
        %get3A_305 = vector.shape_cast %get3A_304 : vector<1x16xf32> to vector<16xf32>
        %get3A_306 = arith.index_cast %scan3A_150 : i32 to index
        %get3A_307 = arith.constant 96 : index
        %get3A_308 = tpu.vector_load %arg10[%get3A_306, %get3A_307] {strides = array<i32>} : memref<256x128xf32, #tpu.memory_space<vmem>>, vector<1x16xf32>,
        %get3A_309 = vector.shape_cast %get3A_308 : vector<1x16xf32> to vector<16xf32>
        %add3A_310 = arith.addf %get3A_305, %get3A_309 : vector<16xf32>
        %broadcast_in_dim3A_311 = arith.constant 0.000000e+00 : f32
        %broadcast_in_dim3A_312 = vector.broadcast %broadcast_in_dim3A_311 : f32 to vector<16xf32>
        %max3A_313 = arith.maximumf %add3A_310, %broadcast_in_dim3A_312 : vector<16xf32>
        %mul3A_314 = arith.constant 2 : i32
        %mul3A_315 = arith.muli %mul3A_314, %scan3A_150 : i32
        %add3A_316 = arith.constant 1 : i32
        %add3A_317 = arith.addi %mul3A_315, %add3A_316 : i32
        %swap3A_318 = arith.index_cast %add3A_317 : i32 to index
        %swap3A_319 = arith.constant 32 : index
        %swap3A_320 = tpu.vector_load %arg9[%swap3A_318, %swap3A_319] {strides = array<i32>} : memref<512x64xf32, #tpu.memory_space<vmem>>, vector<1x16xf32>,
        %swap3A_321 = vector.shape_cast %swap3A_320 : vector<1x16xf32> to vector<16xf32>
        %swap3A_322 = vector.shape_cast %max3A_313 : vector<16xf32> to vector<1x16xf32>
        tpu.vector_store %arg9[%swap3A_318, %swap3A_319], %swap3A_322 {strides = array<i32>} : memref<512x64xf32, #tpu.memory_space<vmem>>, vector<1x16xf32>,
        %mul3A_323 = arith.constant 2 : i32
        %mul3A_324 = arith.muli %mul3A_323, %scan3A_150 : i32
        %add3A_325 = arith.constant 1 : i32
        %add3A_326 = arith.addi %mul3A_324, %add3A_325 : i32
        %get3A_327 = arith.index_cast %add3A_326 : i32 to index
        %get3A_328 = arith.constant 48 : index
        %get3A_329 = tpu.vector_load %arg9[%get3A_327, %get3A_328] {strides = array<i32>} : memref<512x64xf32, #tpu.memory_space<vmem>>, vector<1x16xf32>,
        %get3A_330 = vector.shape_cast %get3A_329 : vector<1x16xf32> to vector<16xf32>
        %get3A_331 = arith.index_cast %scan3A_150 : i32 to index
        %get3A_332 = arith.constant 112 : index
        %get3A_333 = tpu.vector_load %arg10[%get3A_331, %get3A_332] {strides = array<i32>} : memref<256x128xf32, #tpu.memory_space<vmem>>, vector<1x16xf32>,
        %get3A_334 = vector.shape_cast %get3A_333 : vector<1x16xf32> to vector<16xf32>
        %add3A_335 = arith.addf %get3A_330, %get3A_334 : vector<16xf32>
        %broadcast_in_dim3A_336 = arith.constant 0.000000e+00 : f32
        %broadcast_in_dim3A_337 = vector.broadcast %broadcast_in_dim3A_336 : f32 to vector<16xf32>
        %max3A_338 = arith.maximumf %add3A_335, %broadcast_in_dim3A_337 : vector<16xf32>
        %mul3A_339 = arith.constant 2 : i32
        %mul3A_340 = arith.muli %mul3A_339, %scan3A_150 : i32
        %add3A_341 = arith.constant 1 : i32
        %add3A_342 = arith.addi %mul3A_340, %add3A_341 : i32
        %swap3A_343 = arith.index_cast %add3A_342 : i32 to index
        %swap3A_344 = arith.constant 48 : index
        %swap3A_345 = tpu.vector_load %arg9[%swap3A_343, %swap3A_344] {strides = array<i32>} : memref<512x64xf32, #tpu.memory_space<vmem>>, vector<1x16xf32>,
        %swap3A_346 = vector.shape_cast %swap3A_345 : vector<1x16xf32> to vector<16xf32>
        %swap3A_347 = vector.shape_cast %max3A_338 : vector<16xf32> to vector<1x16xf32>
        tpu.vector_store %arg9[%swap3A_343, %swap3A_344], %swap3A_347 {strides = array<i32>} : memref<512x64xf32, #tpu.memory_space<vmem>>, vector<1x16xf32>,
        %scan3A_348 = arith.constant 0 : i32
        scf.yield %scan3A_348 : i32
      }
      %scan3A_132 = arith.constant 256 : i32
      %mul3A_133 = arith.constant 4 : i32
      %mul3A_134 = arith.muli %scan3A_23, %mul3A_133 : i32
      %add3A_135 = arith.constant 0 : i32
      %add3A_136 = arith.addi %mul3A_134, %add3A_135 : i32
      "tpu.region"() ({
        %run_scoped3A = tpu.sem_alloc : memref<!tpu.dma_semaphore, #tpu.memory_space<semaphore_mem>>
        %dma_start3A_150 = arith.constant 0 : i32
        %dma_start3A_151 = arith.constant 0 : i32
        %dma_start3A_152 = tpu.memref_slice %arg9[%dma_start3A_150, %dma_start3A_151] : memref<512x64xf32, #tpu.memory_space<vmem>> -> memref<128x64xf32, #tpu.memory_space<vmem>>
        %dma_start3A_153 = arith.constant 0 : i32
        %dma_start3A_154 = tpu.memref_slice %arg8[%add3A_136, %dma_start3A_153] : memref<80x128xi32, #tpu.memory_space<vmem>> -> memref<1x128xi32, #tpu.memory_space<vmem>>
        %dma_start3A_155 = tpu.memref_squeeze %dma_start3A_154 : memref<1x128xi32, #tpu.memory_space<vmem>> -> memref<128xi32, #tpu.memory_space<vmem>>
        %dma_start3A_156 = arith.constant 0 : i32
        %dma_start3A_157 = arith.constant 0 : i32
        %dma_start3A_158 = tpu.memref_slice %arg11[%dma_start3A_156, %dma_start3A_157] : memref<10112x64xf32, #tpu.memory_space<vmem_shared>> -> memref<10112x64xf32, #tpu.memory_space<vmem_shared>>
        tpu.enqueue_indirect_dma source(%dma_start3A_152 : memref<128x64xf32, #tpu.memory_space<vmem>>) target(%dma_start3A_158 : memref<10112x64xf32, #tpu.memory_space<vmem_shared>>) offsets(%dma_start3A_155 : memref<128xi32, #tpu.memory_space<vmem>>) semaphore(%run_scoped3A : memref<!tpu.dma_semaphore, #tpu.memory_space<semaphore_mem>>) {add = true}
        %dma_wait3A_159 = arith.constant 0 : i32
        %dma_wait3A_160 = arith.constant 0 : i32
        %dma_wait3A_161 = tpu.memref_slice %arg9[%dma_wait3A_159, %dma_wait3A_160] : memref<512x64xf32, #tpu.memory_space<vmem>> -> memref<128x64xf32, #tpu.memory_space<vmem>>
        %dma_wait3A_162 = arith.constant 0 : i32
        %dma_wait3A_163 = tpu.memref_slice %arg8[%add3A_136, %dma_wait3A_162] : memref<80x128xi32, #tpu.memory_space<vmem>> -> memref<1x128xi32, #tpu.memory_space<vmem>>
        %dma_wait3A_164 = tpu.memref_squeeze %dma_wait3A_163 : memref<1x128xi32, #tpu.memory_space<vmem>> -> memref<128xi32, #tpu.memory_space<vmem>>
        %dma_wait3A_165 = arith.constant 0 : i32
        %dma_wait3A_166 = arith.constant 0 : i32
        %dma_wait3A_167 = tpu.memref_slice %arg11[%dma_wait3A_165, %dma_wait3A_166] : memref<10112x64xf32, #tpu.memory_space<vmem_shared>> -> memref<10112x64xf32, #tpu.memory_space<vmem_shared>>
        tpu.wait_indirect_dma semaphore(%run_scoped3A : memref<!tpu.dma_semaphore, #tpu.memory_space<semaphore_mem>>) src(%dma_wait3A_161 : memref<128x64xf32, #tpu.memory_space<vmem>>) dst(%dma_wait3A_167 : memref<10112x64xf32, #tpu.memory_space<vmem_shared>>)
        tpu.yield
      }) : () -> ()
      %mul3A_137 = arith.constant 4 : i32
      %mul3A_138 = arith.muli %scan3A_23, %mul3A_137 : i32
      %add3A_139 = arith.constant 1 : i32
      %add3A_140 = arith.addi %mul3A_138, %add3A_139 : i32
      "tpu.region"() ({
        %run_scoped3A = tpu.sem_alloc : memref<!tpu.dma_semaphore, #tpu.memory_space<semaphore_mem>>
        %dma_start3A_150 = arith.constant 128 : i32
        %dma_start3A_151 = arith.constant 0 : i32
        %dma_start3A_152 = tpu.memref_slice %arg9[%dma_start3A_150, %dma_start3A_151] : memref<512x64xf32, #tpu.memory_space<vmem>> -> memref<128x64xf32, #tpu.memory_space<vmem>>
        %dma_start3A_153 = arith.constant 0 : i32
        %dma_start3A_154 = tpu.memref_slice %arg8[%add3A_140, %dma_start3A_153] : memref<80x128xi32, #tpu.memory_space<vmem>> -> memref<1x128xi32, #tpu.memory_space<vmem>>
        %dma_start3A_155 = tpu.memref_squeeze %dma_start3A_154 : memref<1x128xi32, #tpu.memory_space<vmem>> -> memref<128xi32, #tpu.memory_space<vmem>>
        %dma_start3A_156 = arith.constant 0 : i32
        %dma_start3A_157 = arith.constant 0 : i32
        %dma_start3A_158 = tpu.memref_slice %arg11[%dma_start3A_156, %dma_start3A_157] : memref<10112x64xf32, #tpu.memory_space<vmem_shared>> -> memref<10112x64xf32, #tpu.memory_space<vmem_shared>>
        tpu.enqueue_indirect_dma source(%dma_start3A_152 : memref<128x64xf32, #tpu.memory_space<vmem>>) target(%dma_start3A_158 : memref<10112x64xf32, #tpu.memory_space<vmem_shared>>) offsets(%dma_start3A_155 : memref<128xi32, #tpu.memory_space<vmem>>) semaphore(%run_scoped3A : memref<!tpu.dma_semaphore, #tpu.memory_space<semaphore_mem>>) {add = true}
        %dma_wait3A_159 = arith.constant 128 : i32
        %dma_wait3A_160 = arith.constant 0 : i32
        %dma_wait3A_161 = tpu.memref_slice %arg9[%dma_wait3A_159, %dma_wait3A_160] : memref<512x64xf32, #tpu.memory_space<vmem>> -> memref<128x64xf32, #tpu.memory_space<vmem>>
        %dma_wait3A_162 = arith.constant 0 : i32
        %dma_wait3A_163 = tpu.memref_slice %arg8[%add3A_140, %dma_wait3A_162] : memref<80x128xi32, #tpu.memory_space<vmem>> -> memref<1x128xi32, #tpu.memory_space<vmem>>
        %dma_wait3A_164 = tpu.memref_squeeze %dma_wait3A_163 : memref<1x128xi32, #tpu.memory_space<vmem>> -> memref<128xi32, #tpu.memory_space<vmem>>
        %dma_wait3A_165 = arith.constant 0 : i32
        %dma_wait3A_166 = arith.constant 0 : i32
        %dma_wait3A_167 = tpu.memref_slice %arg11[%dma_wait3A_165, %dma_wait3A_166] : memref<10112x64xf32, #tpu.memory_space<vmem_shared>> -> memref<10112x64xf32, #tpu.memory_space<vmem_shared>>
        tpu.wait_indirect_dma semaphore(%run_scoped3A : memref<!tpu.dma_semaphore, #tpu.memory_space<semaphore_mem>>) src(%dma_wait3A_161 : memref<128x64xf32, #tpu.memory_space<vmem>>) dst(%dma_wait3A_167 : memref<10112x64xf32, #tpu.memory_space<vmem_shared>>)
        tpu.yield
      }) : () -> ()
      %mul3A_141 = arith.constant 4 : i32
      %mul3A_142 = arith.muli %scan3A_23, %mul3A_141 : i32
      %add3A_143 = arith.constant 2 : i32
      %add3A_144 = arith.addi %mul3A_142, %add3A_143 : i32
      "tpu.region"() ({
        %run_scoped3A = tpu.sem_alloc : memref<!tpu.dma_semaphore, #tpu.memory_space<semaphore_mem>>
        %dma_start3A_150 = arith.constant 256 : i32
        %dma_start3A_151 = arith.constant 0 : i32
        %dma_start3A_152 = tpu.memref_slice %arg9[%dma_start3A_150, %dma_start3A_151] : memref<512x64xf32, #tpu.memory_space<vmem>> -> memref<128x64xf32, #tpu.memory_space<vmem>>
        %dma_start3A_153 = arith.constant 0 : i32
        %dma_start3A_154 = tpu.memref_slice %arg8[%add3A_144, %dma_start3A_153] : memref<80x128xi32, #tpu.memory_space<vmem>> -> memref<1x128xi32, #tpu.memory_space<vmem>>
        %dma_start3A_155 = tpu.memref_squeeze %dma_start3A_154 : memref<1x128xi32, #tpu.memory_space<vmem>> -> memref<128xi32, #tpu.memory_space<vmem>>
        %dma_start3A_156 = arith.constant 0 : i32
        %dma_start3A_157 = arith.constant 0 : i32
        %dma_start3A_158 = tpu.memref_slice %arg11[%dma_start3A_156, %dma_start3A_157] : memref<10112x64xf32, #tpu.memory_space<vmem_shared>> -> memref<10112x64xf32, #tpu.memory_space<vmem_shared>>
        tpu.enqueue_indirect_dma source(%dma_start3A_152 : memref<128x64xf32, #tpu.memory_space<vmem>>) target(%dma_start3A_158 : memref<10112x64xf32, #tpu.memory_space<vmem_shared>>) offsets(%dma_start3A_155 : memref<128xi32, #tpu.memory_space<vmem>>) semaphore(%run_scoped3A : memref<!tpu.dma_semaphore, #tpu.memory_space<semaphore_mem>>) {add = true}
        %dma_wait3A_159 = arith.constant 256 : i32
        %dma_wait3A_160 = arith.constant 0 : i32
        %dma_wait3A_161 = tpu.memref_slice %arg9[%dma_wait3A_159, %dma_wait3A_160] : memref<512x64xf32, #tpu.memory_space<vmem>> -> memref<128x64xf32, #tpu.memory_space<vmem>>
        %dma_wait3A_162 = arith.constant 0 : i32
        %dma_wait3A_163 = tpu.memref_slice %arg8[%add3A_144, %dma_wait3A_162] : memref<80x128xi32, #tpu.memory_space<vmem>> -> memref<1x128xi32, #tpu.memory_space<vmem>>
        %dma_wait3A_164 = tpu.memref_squeeze %dma_wait3A_163 : memref<1x128xi32, #tpu.memory_space<vmem>> -> memref<128xi32, #tpu.memory_space<vmem>>
        %dma_wait3A_165 = arith.constant 0 : i32
        %dma_wait3A_166 = arith.constant 0 : i32
        %dma_wait3A_167 = tpu.memref_slice %arg11[%dma_wait3A_165, %dma_wait3A_166] : memref<10112x64xf32, #tpu.memory_space<vmem_shared>> -> memref<10112x64xf32, #tpu.memory_space<vmem_shared>>
        tpu.wait_indirect_dma semaphore(%run_scoped3A : memref<!tpu.dma_semaphore, #tpu.memory_space<semaphore_mem>>) src(%dma_wait3A_161 : memref<128x64xf32, #tpu.memory_space<vmem>>) dst(%dma_wait3A_167 : memref<10112x64xf32, #tpu.memory_space<vmem_shared>>)
        tpu.yield
      }) : () -> ()
      %mul3A_145 = arith.constant 4 : i32
      %mul3A_146 = arith.muli %scan3A_23, %mul3A_145 : i32
      %add3A_147 = arith.constant 3 : i32
      %add3A_148 = arith.addi %mul3A_146, %add3A_147 : i32
      "tpu.region"() ({
        %run_scoped3A = tpu.sem_alloc : memref<!tpu.dma_semaphore, #tpu.memory_space<semaphore_mem>>
        %dma_start3A_150 = arith.constant 384 : i32
        %dma_start3A_151 = arith.constant 0 : i32
        %dma_start3A_152 = tpu.memref_slice %arg9[%dma_start3A_150, %dma_start3A_151] : memref<512x64xf32, #tpu.memory_space<vmem>> -> memref<128x64xf32, #tpu.memory_space<vmem>>
        %dma_start3A_153 = arith.constant 0 : i32
        %dma_start3A_154 = tpu.memref_slice %arg8[%add3A_148, %dma_start3A_153] : memref<80x128xi32, #tpu.memory_space<vmem>> -> memref<1x128xi32, #tpu.memory_space<vmem>>
        %dma_start3A_155 = tpu.memref_squeeze %dma_start3A_154 : memref<1x128xi32, #tpu.memory_space<vmem>> -> memref<128xi32, #tpu.memory_space<vmem>>
        %dma_start3A_156 = arith.constant 0 : i32
        %dma_start3A_157 = arith.constant 0 : i32
        %dma_start3A_158 = tpu.memref_slice %arg11[%dma_start3A_156, %dma_start3A_157] : memref<10112x64xf32, #tpu.memory_space<vmem_shared>> -> memref<10112x64xf32, #tpu.memory_space<vmem_shared>>
        tpu.enqueue_indirect_dma source(%dma_start3A_152 : memref<128x64xf32, #tpu.memory_space<vmem>>) target(%dma_start3A_158 : memref<10112x64xf32, #tpu.memory_space<vmem_shared>>) offsets(%dma_start3A_155 : memref<128xi32, #tpu.memory_space<vmem>>) semaphore(%run_scoped3A : memref<!tpu.dma_semaphore, #tpu.memory_space<semaphore_mem>>) {add = true}
        %dma_wait3A_159 = arith.constant 384 : i32
        %dma_wait3A_160 = arith.constant 0 : i32
        %dma_wait3A_161 = tpu.memref_slice %arg9[%dma_wait3A_159, %dma_wait3A_160] : memref<512x64xf32, #tpu.memory_space<vmem>> -> memref<128x64xf32, #tpu.memory_space<vmem>>
        %dma_wait3A_162 = arith.constant 0 : i32
        %dma_wait3A_163 = tpu.memref_slice %arg8[%add3A_148, %dma_wait3A_162] : memref<80x128xi32, #tpu.memory_space<vmem>> -> memref<1x128xi32, #tpu.memory_space<vmem>>
        %dma_wait3A_164 = tpu.memref_squeeze %dma_wait3A_163 : memref<1x128xi32, #tpu.memory_space<vmem>> -> memref<128xi32, #tpu.memory_space<vmem>>
        %dma_wait3A_165 = arith.constant 0 : i32
        %dma_wait3A_166 = arith.constant 0 : i32
        %dma_wait3A_167 = tpu.memref_slice %arg11[%dma_wait3A_165, %dma_wait3A_166] : memref<10112x64xf32, #tpu.memory_space<vmem_shared>> -> memref<10112x64xf32, #tpu.memory_space<vmem_shared>>
        tpu.wait_indirect_dma semaphore(%run_scoped3A : memref<!tpu.dma_semaphore, #tpu.memory_space<semaphore_mem>>) src(%dma_wait3A_161 : memref<128x64xf32, #tpu.memory_space<vmem>>) dst(%dma_wait3A_167 : memref<10112x64xf32, #tpu.memory_space<vmem_shared>>)
        tpu.yield
      }) : () -> ()
      %scan3A_149 = arith.constant 0 : i32
      scf.yield %scan3A_149 : i32
    }
    %scan3A_21 = arith.constant 20 : i32
    %barrier3A_22 = arith.constant 0 : index
    tpu.barrier barrier_id(%barrier3A_22)
    "tpu.region"() ({
      %run_scoped3A = tpu.sem_alloc : memref<!tpu.dma_semaphore, #tpu.memory_space<semaphore_mem>>
      %dma_start3A = arith.constant 0 : i32
      %dma_start3A_23 = tpu.memref_slice %arg6[%arg0, %mul3A_8, %dma_start3A] : memref<2x10112x64xf32, #tpu.memory_space<hbm>> -> memref<1x632x64xf32, #tpu.memory_space<hbm>>
      %dma_start3A_24 = tpu.memref_squeeze %dma_start3A_23 : memref<1x632x64xf32, #tpu.memory_space<hbm>> -> memref<632x64xf32, #tpu.memory_space<hbm>>
      %dma_start3A_25 = arith.constant 0 : i32
      %dma_start3A_26 = tpu.memref_slice %arg11[%mul3A_8, %dma_start3A_25] : memref<10112x64xf32, #tpu.memory_space<vmem_shared>> -> memref<632x64xf32, #tpu.memory_space<vmem_shared>>
      tpu.enqueue_dma source(%dma_start3A_26 : memref<632x64xf32, #tpu.memory_space<vmem_shared>>) target(%dma_start3A_24 : memref<632x64xf32, #tpu.memory_space<hbm>>) target_semaphore(%run_scoped3A : memref<!tpu.dma_semaphore, #tpu.memory_space<semaphore_mem>>)
      %dma_wait3A = arith.constant 0 : i32
      %dma_wait3A_27 = tpu.memref_slice %arg6[%arg0, %mul3A_8, %dma_wait3A] : memref<2x10112x64xf32, #tpu.memory_space<hbm>> -> memref<1x632x64xf32, #tpu.memory_space<hbm>>
      %dma_wait3A_28 = tpu.memref_squeeze %dma_wait3A_27 : memref<1x632x64xf32, #tpu.memory_space<hbm>> -> memref<632x64xf32, #tpu.memory_space<hbm>>
      %dma_wait3A_29 = arith.constant 0 : i32
      %dma_wait3A_30 = tpu.memref_slice %arg11[%mul3A_8, %dma_wait3A_29] : memref<10112x64xf32, #tpu.memory_space<vmem_shared>> -> memref<632x64xf32, #tpu.memory_space<vmem_shared>>
      tpu.wait_dma2 semaphore(%run_scoped3A : memref<!tpu.dma_semaphore, #tpu.memory_space<semaphore_mem>>) src(%dma_wait3A_30 : memref<632x64xf32, #tpu.memory_space<vmem_shared>>) dst(%dma_wait3A_28 : memref<632x64xf32, #tpu.memory_space<hbm>>)
      tpu.yield
    }) : () -> ()
    return
  }
}

#map = affine_map<(d0, d1) -> (0, 0)>
#map1 = affine_map<(d0, d1) -> (0, 0, 0)>
module attributes {stable_mosaic.version = 14 : i64} {
  func.func @body(%arg0: i32, %arg1: i32, %arg2: memref<10000x64xf32, #tpu.memory_space<hbm>>, %arg3: memref<163840x128xf32, #tpu.memory_space<hbm>>, %arg4: memref<2560x128xi32, #tpu.memory_space<hbm>>, %arg5: memref<2560x128xi32, #tpu.memory_space<hbm>>, %arg6: memref<2x10112x64xf32, #tpu.memory_space<hbm>>, %arg7: memref<80x128xi32, #tpu.memory_space<vmem>>, %arg8: memref<80x128xi32, #tpu.memory_space<vmem>>, %arg9: memref<512x64xf32, #tpu.memory_space<vmem>>, %arg10: memref<256x128xf32, #tpu.memory_space<vmem>>, %arg11: memref<10112x64xf32, #tpu.memory_space<vmem_shared>>, %arg12: memref<!tpu.dma_semaphore, #tpu.memory_space<semaphore_mem>>, %arg13: memref<!tpu.dma_semaphore, #tpu.memory_space<semaphore_mem>>) attributes {dimension_semantics = [#tpu.dimension_semantics<core_parallel>, #tpu.dimension_semantics<subcore_parallel>], iteration_bounds = array<i64: 2, 16>, scalar_prefetch = 0 : i64, scratch_operands = 7 : i64, tpu.core_type = #tpu.core_type<sc_vector_subcore>, window_params = [{transform_indices = #map}, {transform_indices = #map}, {transform_indices = #map}, {transform_indices = #map}, {transform_indices = #map1}]} {
    %mul3A = arith.constant 16 : i32
    %mul3A_0 = arith.muli %arg0, %mul3A : i32
    %add3A = arith.addi %mul3A_0, %arg1 : i32
    %scan3A = arith.constant 0 : i32
    %scan3A_1 = arith.constant 0 : i32
    %scan3A_2 = arith.constant 512 : i32
    %scan3A_3 = arith.addi %scan3A_1, %scan3A_2 : i32
    %scan3A_4 = arith.constant 1 : i32
    %scan3A_5 = scf.for %scan3A_23 = %scan3A_1 to %scan3A_3 step %scan3A_4 iter_args(%scan3A_24 = %scan3A) -> (i32)  : i32 {
      %broadcast_in_dim3A = arith.constant 0.000000e+00 : f32
      %broadcast_in_dim3A_25 = vector.broadcast %broadcast_in_dim3A : f32 to vector<16xf32>
      %swap3A = arith.index_cast %scan3A_23 : i32 to index
      %swap3A_26 = arith.constant 0 : index
      %swap3A_27 = tpu.vector_load %arg9[%swap3A, %swap3A_26] {strides = array<i32>} : memref<512x64xf32, #tpu.memory_space<vmem>>, vector<1x16xf32>,
      %swap3A_28 = vector.shape_cast %swap3A_27 : vector<1x16xf32> to vector<16xf32>
      %swap3A_29 = vector.shape_cast %broadcast_in_dim3A_25 : vector<16xf32> to vector<1x16xf32>
      tpu.vector_store %arg9[%swap3A, %swap3A_26], %swap3A_29 {strides = array<i32>} : memref<512x64xf32, #tpu.memory_space<vmem>>, vector<1x16xf32>,
      %broadcast_in_dim3A_30 = arith.constant 0.000000e+00 : f32
      %broadcast_in_dim3A_31 = vector.broadcast %broadcast_in_dim3A_30 : f32 to vector<16xf32>
      %swap3A_32 = arith.index_cast %scan3A_23 : i32 to index
      %swap3A_33 = arith.constant 16 : index
      %swap3A_34 = tpu.vector_load %arg9[%swap3A_32, %swap3A_33] {strides = array<i32>} : memref<512x64xf32, #tpu.memory_space<vmem>>, vector<1x16xf32>,
      %swap3A_35 = vector.shape_cast %swap3A_34 : vector<1x16xf32> to vector<16xf32>
      %swap3A_36 = vector.shape_cast %broadcast_in_dim3A_31 : vector<16xf32> to vector<1x16xf32>
      tpu.vector_store %arg9[%swap3A_32, %swap3A_33], %swap3A_36 {strides = array<i32>} : memref<512x64xf32, #tpu.memory_space<vmem>>, vector<1x16xf32>,
      %broadcast_in_dim3A_37 = arith.constant 0.000000e+00 : f32
      %broadcast_in_dim3A_38 = vector.broadcast %broadcast_in_dim3A_37 : f32 to vector<16xf32>
      %swap3A_39 = arith.index_cast %scan3A_23 : i32 to index
      %swap3A_40 = arith.constant 32 : index
      %swap3A_41 = tpu.vector_load %arg9[%swap3A_39, %swap3A_40] {strides = array<i32>} : memref<512x64xf32, #tpu.memory_space<vmem>>, vector<1x16xf32>,
      %swap3A_42 = vector.shape_cast %swap3A_41 : vector<1x16xf32> to vector<16xf32>
      %swap3A_43 = vector.shape_cast %broadcast_in_dim3A_38 : vector<16xf32> to vector<1x16xf32>
      tpu.vector_store %arg9[%swap3A_39, %swap3A_40], %swap3A_43 {strides = array<i32>} : memref<512x64xf32, #tpu.memory_space<vmem>>, vector<1x16xf32>,
      %broadcast_in_dim3A_44 = arith.constant 0.000000e+00 : f32
      %broadcast_in_dim3A_45 = vector.broadcast %broadcast_in_dim3A_44 : f32 to vector<16xf32>
      %swap3A_46 = arith.index_cast %scan3A_23 : i32 to index
      %swap3A_47 = arith.constant 48 : index
      %swap3A_48 = tpu.vector_load %arg9[%swap3A_46, %swap3A_47] {strides = array<i32>} : memref<512x64xf32, #tpu.memory_space<vmem>>, vector<1x16xf32>,
      %swap3A_49 = vector.shape_cast %swap3A_48 : vector<1x16xf32> to vector<16xf32>
      %swap3A_50 = vector.shape_cast %broadcast_in_dim3A_45 : vector<16xf32> to vector<1x16xf32>
      tpu.vector_store %arg9[%swap3A_46, %swap3A_47], %swap3A_50 {strides = array<i32>} : memref<512x64xf32, #tpu.memory_space<vmem>>, vector<1x16xf32>,
      %scan3A_51 = arith.constant 0 : i32
      scf.yield %scan3A_51 : i32
    }
    %scan3A_6 = arith.constant 512 : i32
    %mul3A_7 = arith.constant 632 : i32
    %mul3A_8 = arith.muli %arg1, %mul3A_7 : i32
    "tpu.region"() ({
      %run_scoped3A = tpu.sem_alloc : memref<!tpu.dma_semaphore, #tpu.memory_space<semaphore_mem>>
      %dma_start3A = arith.constant 0 : i32
      %dma_start3A_23 = tpu.memref_slice %arg11[%mul3A_8, %dma_start3A] : memref<10112x64xf32, #tpu.memory_space<vmem_shared>> -> memref<512x64xf32, #tpu.memory_space<vmem_shared>>
      %dma_start3A_24 = arith.constant 0 : i32
      %dma_start3A_25 = tpu.memref_slice %arg11[%mul3A_8, %dma_start3A_24] : memref<10112x64xf32, #tpu.memory_space<vmem_shared>> -> memref<512x64xf32, #tpu.memory_space<vmem_shared>>
      tpu.enqueue_dma source(%arg9 : memref<512x64xf32, #tpu.memory_space<vmem>>) target(%dma_start3A_25 : memref<512x64xf32, #tpu.memory_space<vmem_shared>>) target_semaphore(%run_scoped3A : memref<!tpu.dma_semaphore, #tpu.memory_space<semaphore_mem>>)
      %dma_wait3A = arith.constant 0 : i32
      %dma_wait3A_26 = tpu.memref_slice %arg11[%mul3A_8, %dma_wait3A] : memref<10112x64xf32, #tpu.memory_space<vmem_shared>> -> memref<512x64xf32, #tpu.memory_space<vmem_shared>>
      %dma_wait3A_27 = arith.constant 0 : i32
      %dma_wait3A_28 = tpu.memref_slice %arg11[%mul3A_8, %dma_wait3A_27] : memref<10112x64xf32, #tpu.memory_space<vmem_shared>> -> memref<512x64xf32, #tpu.memory_space<vmem_shared>>
      tpu.wait_dma2 semaphore(%run_scoped3A : memref<!tpu.dma_semaphore, #tpu.memory_space<semaphore_mem>>) src(%arg9 : memref<512x64xf32, #tpu.memory_space<vmem>>) dst(%dma_wait3A_28 : memref<512x64xf32, #tpu.memory_space<vmem_shared>>)
      tpu.yield
    }) : () -> ()
    %add3A_9 = arith.constant 512 : i32
    %add3A_10 = arith.addi %mul3A_8, %add3A_9 : i32
    "tpu.region"() ({
      %run_scoped3A = tpu.sem_alloc : memref<!tpu.dma_semaphore, #tpu.memory_space<semaphore_mem>>
      %dma_start3A = arith.constant 0 : i32
      %dma_start3A_23 = arith.constant 0 : i32
      %dma_start3A_24 = tpu.memref_slice %arg9[%dma_start3A, %dma_start3A_23] : memref<512x64xf32, #tpu.memory_space<vmem>> -> memref<120x64xf32, #tpu.memory_space<vmem>>
      %dma_start3A_25 = arith.constant 0 : i32
      %dma_start3A_26 = tpu.memref_slice %arg11[%add3A_10, %dma_start3A_25] : memref<10112x64xf32, #tpu.memory_space<vmem_shared>> -> memref<120x64xf32, #tpu.memory_space<vmem_shared>>
      %dma_start3A_27 = arith.constant 0 : i32
      %dma_start3A_28 = tpu.memref_slice %arg11[%add3A_10, %dma_start3A_27] : memref<10112x64xf32, #tpu.memory_space<vmem_shared>> -> memref<120x64xf32, #tpu.memory_space<vmem_shared>>
      %dma_start3A_29 = arith.constant 0 : i32
      %dma_start3A_30 = arith.constant 0 : i32
      %dma_start3A_31 = tpu.memref_slice %arg9[%dma_start3A_29, %dma_start3A_30] : memref<512x64xf32, #tpu.memory_space<vmem>> -> memref<120x64xf32, #tpu.memory_space<vmem>>
      tpu.enqueue_dma source(%dma_start3A_31 : memref<120x64xf32, #tpu.memory_space<vmem>>) target(%dma_start3A_28 : memref<120x64xf32, #tpu.memory_space<vmem_shared>>) target_semaphore(%run_scoped3A : memref<!tpu.dma_semaphore, #tpu.memory_space<semaphore_mem>>)
      %dma_wait3A = arith.constant 0 : i32
      %dma_wait3A_32 = arith.constant 0 : i32
      %dma_wait3A_33 = tpu.memref_slice %arg9[%dma_wait3A, %dma_wait3A_32] : memref<512x64xf32, #tpu.memory_space<vmem>> -> memref<120x64xf32, #tpu.memory_space<vmem>>
      %dma_wait3A_34 = arith.constant 0 : i32
      %dma_wait3A_35 = tpu.memref_slice %arg11[%add3A_10, %dma_wait3A_34] : memref<10112x64xf32, #tpu.memory_space<vmem_shared>> -> memref<120x64xf32, #tpu.memory_space<vmem_shared>>
      %dma_wait3A_36 = arith.constant 0 : i32
      %dma_wait3A_37 = tpu.memref_slice %arg11[%add3A_10, %dma_wait3A_36] : memref<10112x64xf32, #tpu.memory_space<vmem_shared>> -> memref<120x64xf32, #tpu.memory_space<vmem_shared>>
      %dma_wait3A_38 = arith.constant 0 : i32
      %dma_wait3A_39 = arith.constant 0 : i32
      %dma_wait3A_40 = tpu.memref_slice %arg9[%dma_wait3A_38, %dma_wait3A_39] : memref<512x64xf32, #tpu.memory_space<vmem>> -> memref<120x64xf32, #tpu.memory_space<vmem>>
      tpu.wait_dma2 semaphore(%run_scoped3A : memref<!tpu.dma_semaphore, #tpu.memory_space<semaphore_mem>>) src(%dma_wait3A_40 : memref<120x64xf32, #tpu.memory_space<vmem>>) dst(%dma_wait3A_37 : memref<120x64xf32, #tpu.memory_space<vmem_shared>>)
      tpu.yield
    }) : () -> ()
    %barrier3A = arith.constant 0 : index
    tpu.barrier barrier_id(%barrier3A)
    %mul3A_11 = arith.constant 80 : i32
    %mul3A_12 = arith.muli %add3A, %mul3A_11 : i32
    "tpu.region"() ({
      %run_scoped3A = tpu.sem_alloc : memref<!tpu.dma_semaphore, #tpu.memory_space<semaphore_mem>>
      %dma_start3A = arith.constant 0 : i32
      %dma_start3A_23 = tpu.memref_slice %arg4[%mul3A_12, %dma_start3A] : memref<2560x128xi32, #tpu.memory_space<hbm>> -> memref<80x128xi32, #tpu.memory_space<hbm>>
      %dma_start3A_24 = arith.constant 0 : i32
      %dma_start3A_25 = tpu.memref_slice %arg4[%mul3A_12, %dma_start3A_24] : memref<2560x128xi32, #tpu.memory_space<hbm>> -> memref<80x128xi32, #tpu.memory_space<hbm>>
      tpu.enqueue_dma source(%dma_start3A_25 : memref<80x128xi32, #tpu.memory_space<hbm>>) target(%arg7 : memref<80x128xi32, #tpu.memory_space<vmem>>) target_semaphore(%run_scoped3A : memref<!tpu.dma_semaphore, #tpu.memory_space<semaphore_mem>>)
      %dma_wait3A = arith.constant 0 : i32
      %dma_wait3A_26 = tpu.memref_slice %arg4[%mul3A_12, %dma_wait3A] : memref<2560x128xi32, #tpu.memory_space<hbm>> -> memref<80x128xi32, #tpu.memory_space<hbm>>
      %dma_wait3A_27 = arith.constant 0 : i32
      %dma_wait3A_28 = tpu.memref_slice %arg4[%mul3A_12, %dma_wait3A_27] : memref<2560x128xi32, #tpu.memory_space<hbm>> -> memref<80x128xi32, #tpu.memory_space<hbm>>
      tpu.wait_dma2 semaphore(%run_scoped3A : memref<!tpu.dma_semaphore, #tpu.memory_space<semaphore_mem>>) src(%dma_wait3A_28 : memref<80x128xi32, #tpu.memory_space<hbm>>) dst(%arg7 : memref<80x128xi32, #tpu.memory_space<vmem>>)
      tpu.yield
    }) : () -> ()
    %mul3A_13 = arith.constant 80 : i32
    %mul3A_14 = arith.muli %add3A, %mul3A_13 : i32
    "tpu.region"() ({
      %run_scoped3A = tpu.sem_alloc : memref<!tpu.dma_semaphore, #tpu.memory_space<semaphore_mem>>
      %dma_start3A = arith.constant 0 : i32
      %dma_start3A_23 = tpu.memref_slice %arg5[%mul3A_14, %dma_start3A] : memref<2560x128xi32, #tpu.memory_space<hbm>> -> memref<80x128xi32, #tpu.memory_space<hbm>>
      %dma_start3A_24 = arith.constant 0 : i32
      %dma_start3A_25 = tpu.memref_slice %arg5[%mul3A_14, %dma_start3A_24] : memref<2560x128xi32, #tpu.memory_space<hbm>> -> memref<80x128xi32, #tpu.memory_space<hbm>>
      tpu.enqueue_dma source(%dma_start3A_25 : memref<80x128xi32, #tpu.memory_space<hbm>>) target(%arg8 : memref<80x128xi32, #tpu.memory_space<vmem>>) target_semaphore(%run_scoped3A : memref<!tpu.dma_semaphore, #tpu.memory_space<semaphore_mem>>)
      %dma_wait3A = arith.constant 0 : i32
      %dma_wait3A_26 = tpu.memref_slice %arg5[%mul3A_14, %dma_wait3A] : memref<2560x128xi32, #tpu.memory_space<hbm>> -> memref<80x128xi32, #tpu.memory_space<hbm>>
      %dma_wait3A_27 = arith.constant 0 : i32
      %dma_wait3A_28 = tpu.memref_slice %arg5[%mul3A_14, %dma_wait3A_27] : memref<2560x128xi32, #tpu.memory_space<hbm>> -> memref<80x128xi32, #tpu.memory_space<hbm>>
      tpu.wait_dma2 semaphore(%run_scoped3A : memref<!tpu.dma_semaphore, #tpu.memory_space<semaphore_mem>>) src(%dma_wait3A_28 : memref<80x128xi32, #tpu.memory_space<hbm>>) dst(%arg8 : memref<80x128xi32, #tpu.memory_space<vmem>>)
      tpu.yield
    }) : () -> ()
    %scan3A_15 = arith.constant 0 : i32
    %scan3A_16 = arith.constant 0 : i32
    %scan3A_17 = arith.constant 20 : i32
    %scan3A_18 = arith.addi %scan3A_16, %scan3A_17 : i32
    %scan3A_19 = arith.constant 1 : i32
    %scan3A_20 = scf.for %scan3A_23 = %scan3A_16 to %scan3A_18 step %scan3A_19 iter_args(%scan3A_24 = %scan3A_15) -> (i32)  : i32 {
      %mul3A_25 = arith.constant 80 : i32
      %mul3A_26 = arith.muli %add3A, %mul3A_25 : i32
      %mul3A_27 = arith.constant 4 : i32
      %mul3A_28 = arith.muli %scan3A_23, %mul3A_27 : i32
      %add3A_29 = arith.addi %mul3A_26, %mul3A_28 : i32
      %mul3A_30 = arith.constant 4 : i32
      %mul3A_31 = arith.muli %scan3A_23, %mul3A_30 : i32
      %add3A_32 = arith.constant 0 : i32
      %add3A_33 = arith.addi %mul3A_31, %add3A_32 : i32
      %dma_start3A = arith.constant 0 : i32
      %dma_start3A_34 = arith.constant 0 : i32
      %dma_start3A_35 = tpu.memref_slice %arg9[%dma_start3A, %dma_start3A_34] : memref<512x64xf32, #tpu.memory_space<vmem>> -> memref<128x64xf32, #tpu.memory_space<vmem>>
      %dma_start3A_36 = arith.constant 0 : i32
      %dma_start3A_37 = tpu.memref_slice %arg7[%add3A_33, %dma_start3A_36] : memref<80x128xi32, #tpu.memory_space<vmem>> -> memref<1x128xi32, #tpu.memory_space<vmem>>
      %dma_start3A_38 = tpu.memref_squeeze %dma_start3A_37 : memref<1x128xi32, #tpu.memory_space<vmem>> -> memref<128xi32, #tpu.memory_space<vmem>>
      %dma_start3A_39 = arith.constant 0 : i32
      %dma_start3A_40 = arith.constant 0 : i32
      %dma_start3A_41 = tpu.memref_slice %arg2[%dma_start3A_39, %dma_start3A_40] : memref<10000x64xf32, #tpu.memory_space<hbm>> -> memref<10000x64xf32, #tpu.memory_space<hbm>>
      tpu.enqueue_indirect_dma source(%dma_start3A_41 : memref<10000x64xf32, #tpu.memory_space<hbm>>) target(%dma_start3A_35 : memref<128x64xf32, #tpu.memory_space<vmem>>) offsets(%dma_start3A_38 : memref<128xi32, #tpu.memory_space<vmem>>) semaphore(%arg12 : memref<!tpu.dma_semaphore, #tpu.memory_space<semaphore_mem>>)
      %mul3A_42 = arith.constant 4 : i32
      %mul3A_43 = arith.muli %scan3A_23, %mul3A_42 : i32
      %add3A_44 = arith.constant 1 : i32
      %add3A_45 = arith.addi %mul3A_43, %add3A_44 : i32
      %dma_start3A_46 = arith.constant 128 : i32
      %dma_start3A_47 = arith.constant 0 : i32
      %dma_start3A_48 = tpu.memref_slice %arg9[%dma_start3A_46, %dma_start3A_47] : memref<512x64xf32, #tpu.memory_space<vmem>> -> memref<128x64xf32, #tpu.memory_space<vmem>>
      %dma_start3A_49 = arith.constant 0 : i32
      %dma_start3A_50 = tpu.memref_slice %arg7[%add3A_45, %dma_start3A_49] : memref<80x128xi32, #tpu.memory_space<vmem>> -> memref<1x128xi32, #tpu.memory_space<vmem>>
      %dma_start3A_51 = tpu.memref_squeeze %dma_start3A_50 : memref<1x128xi32, #tpu.memory_space<vmem>> -> memref<128xi32, #tpu.memory_space<vmem>>
      %dma_start3A_52 = arith.constant 0 : i32
      %dma_start3A_53 = arith.constant 0 : i32
      %dma_start3A_54 = tpu.memref_slice %arg2[%dma_start3A_52, %dma_start3A_53] : memref<10000x64xf32, #tpu.memory_space<hbm>> -> memref<10000x64xf32, #tpu.memory_space<hbm>>
      tpu.enqueue_indirect_dma source(%dma_start3A_54 : memref<10000x64xf32, #tpu.memory_space<hbm>>) target(%dma_start3A_48 : memref<128x64xf32, #tpu.memory_space<vmem>>) offsets(%dma_start3A_51 : memref<128xi32, #tpu.memory_space<vmem>>) semaphore(%arg12 : memref<!tpu.dma_semaphore, #tpu.memory_space<semaphore_mem>>)
      %mul3A_55 = arith.constant 4 : i32
      %mul3A_56 = arith.muli %scan3A_23, %mul3A_55 : i32
      %add3A_57 = arith.constant 2 : i32
      %add3A_58 = arith.addi %mul3A_56, %add3A_57 : i32
      %dma_start3A_59 = arith.constant 256 : i32
      %dma_start3A_60 = arith.constant 0 : i32
      %dma_start3A_61 = tpu.memref_slice %arg9[%dma_start3A_59, %dma_start3A_60] : memref<512x64xf32, #tpu.memory_space<vmem>> -> memref<128x64xf32, #tpu.memory_space<vmem>>
      %dma_start3A_62 = arith.constant 0 : i32
      %dma_start3A_63 = tpu.memref_slice %arg7[%add3A_58, %dma_start3A_62] : memref<80x128xi32, #tpu.memory_space<vmem>> -> memref<1x128xi32, #tpu.memory_space<vmem>>
      %dma_start3A_64 = tpu.memref_squeeze %dma_start3A_63 : memref<1x128xi32, #tpu.memory_space<vmem>> -> memref<128xi32, #tpu.memory_space<vmem>>
      %dma_start3A_65 = arith.constant 0 : i32
      %dma_start3A_66 = arith.constant 0 : i32
      %dma_start3A_67 = tpu.memref_slice %arg2[%dma_start3A_65, %dma_start3A_66] : memref<10000x64xf32, #tpu.memory_space<hbm>> -> memref<10000x64xf32, #tpu.memory_space<hbm>>
      tpu.enqueue_indirect_dma source(%dma_start3A_67 : memref<10000x64xf32, #tpu.memory_space<hbm>>) target(%dma_start3A_61 : memref<128x64xf32, #tpu.memory_space<vmem>>) offsets(%dma_start3A_64 : memref<128xi32, #tpu.memory_space<vmem>>) semaphore(%arg12 : memref<!tpu.dma_semaphore, #tpu.memory_space<semaphore_mem>>)
      %mul3A_68 = arith.constant 4 : i32
      %mul3A_69 = arith.muli %scan3A_23, %mul3A_68 : i32
      %add3A_70 = arith.constant 3 : i32
      %add3A_71 = arith.addi %mul3A_69, %add3A_70 : i32
      %dma_start3A_72 = arith.constant 384 : i32
      %dma_start3A_73 = arith.constant 0 : i32
      %dma_start3A_74 = tpu.memref_slice %arg9[%dma_start3A_72, %dma_start3A_73] : memref<512x64xf32, #tpu.memory_space<vmem>> -> memref<128x64xf32, #tpu.memory_space<vmem>>
      %dma_start3A_75 = arith.constant 0 : i32
      %dma_start3A_76 = tpu.memref_slice %arg7[%add3A_71, %dma_start3A_75] : memref<80x128xi32, #tpu.memory_space<vmem>> -> memref<1x128xi32, #tpu.memory_space<vmem>>
      %dma_start3A_77 = tpu.memref_squeeze %dma_start3A_76 : memref<1x128xi32, #tpu.memory_space<vmem>> -> memref<128xi32, #tpu.memory_space<vmem>>
      %dma_start3A_78 = arith.constant 0 : i32
      %dma_start3A_79 = arith.constant 0 : i32
      %dma_start3A_80 = tpu.memref_slice %arg2[%dma_start3A_78, %dma_start3A_79] : memref<10000x64xf32, #tpu.memory_space<hbm>> -> memref<10000x64xf32, #tpu.memory_space<hbm>>
      tpu.enqueue_indirect_dma source(%dma_start3A_80 : memref<10000x64xf32, #tpu.memory_space<hbm>>) target(%dma_start3A_74 : memref<128x64xf32, #tpu.memory_space<vmem>>) offsets(%dma_start3A_77 : memref<128xi32, #tpu.memory_space<vmem>>) semaphore(%arg12 : memref<!tpu.dma_semaphore, #tpu.memory_space<semaphore_mem>>)
      %mul3A_81 = arith.constant 64 : i32
      %mul3A_82 = arith.muli %add3A_29, %mul3A_81 : i32
      %dma_start3A_83 = arith.constant 0 : i32
      %dma_start3A_84 = tpu.memref_slice %arg3[%mul3A_82, %dma_start3A_83] : memref<163840x128xf32, #tpu.memory_space<hbm>> -> memref<256x128xf32, #tpu.memory_space<hbm>>
      %dma_start3A_85 = arith.constant 0 : i32
      %dma_start3A_86 = tpu.memref_slice %arg3[%mul3A_82, %dma_start3A_85] : memref<163840x128xf32, #tpu.memory_space<hbm>> -> memref<256x128xf32, #tpu.memory_space<hbm>>
      tpu.enqueue_dma source(%dma_start3A_86 : memref<256x128xf32, #tpu.memory_space<hbm>>) target(%arg10 : memref<256x128xf32, #tpu.memory_space<vmem>>) target_semaphore(%arg13 : memref<!tpu.dma_semaphore, #tpu.memory_space<semaphore_mem>>)
      %dma_wait3A = arith.constant 0 : i32
      %dma_wait3A_87 = arith.constant 0 : i32
      %dma_wait3A_88 = tpu.memref_slice %arg9[%dma_wait3A, %dma_wait3A_87] : memref<512x64xf32, #tpu.memory_space<vmem>> -> memref<128x64xf32, #tpu.memory_space<vmem>>
      %dma_wait3A_89 = arith.constant 0 : i32
      %dma_wait3A_90 = tpu.memref_slice %arg7[%add3A_33, %dma_wait3A_89] : memref<80x128xi32, #tpu.memory_space<vmem>> -> memref<1x128xi32, #tpu.memory_space<vmem>>
      %dma_wait3A_91 = tpu.memref_squeeze %dma_wait3A_90 : memref<1x128xi32, #tpu.memory_space<vmem>> -> memref<128xi32, #tpu.memory_space<vmem>>
      %dma_wait3A_92 = arith.constant 0 : i32
      %dma_wait3A_93 = arith.constant 0 : i32
      %dma_wait3A_94 = tpu.memref_slice %arg2[%dma_wait3A_92, %dma_wait3A_93] : memref<10000x64xf32, #tpu.memory_space<hbm>> -> memref<10000x64xf32, #tpu.memory_space<hbm>>
      tpu.wait_indirect_dma semaphore(%arg12 : memref<!tpu.dma_semaphore, #tpu.memory_space<semaphore_mem>>) src(%dma_wait3A_94 : memref<10000x64xf32, #tpu.memory_space<hbm>>) dst(%dma_wait3A_88 : memref<128x64xf32, #tpu.memory_space<vmem>>)
      %dma_wait3A_95 = arith.constant 128 : i32
      %dma_wait3A_96 = arith.constant 0 : i32
      %dma_wait3A_97 = tpu.memref_slice %arg9[%dma_wait3A_95, %dma_wait3A_96] : memref<512x64xf32, #tpu.memory_space<vmem>> -> memref<128x64xf32, #tpu.memory_space<vmem>>
      %dma_wait3A_98 = arith.constant 0 : i32
      %dma_wait3A_99 = tpu.memref_slice %arg7[%add3A_45, %dma_wait3A_98] : memref<80x128xi32, #tpu.memory_space<vmem>> -> memref<1x128xi32, #tpu.memory_space<vmem>>
      %dma_wait3A_100 = tpu.memref_squeeze %dma_wait3A_99 : memref<1x128xi32, #tpu.memory_space<vmem>> -> memref<128xi32, #tpu.memory_space<vmem>>
      %dma_wait3A_101 = arith.constant 0 : i32
      %dma_wait3A_102 = arith.constant 0 : i32
      %dma_wait3A_103 = tpu.memref_slice %arg2[%dma_wait3A_101, %dma_wait3A_102] : memref<10000x64xf32, #tpu.memory_space<hbm>> -> memref<10000x64xf32, #tpu.memory_space<hbm>>
      tpu.wait_indirect_dma semaphore(%arg12 : memref<!tpu.dma_semaphore, #tpu.memory_space<semaphore_mem>>) src(%dma_wait3A_103 : memref<10000x64xf32, #tpu.memory_space<hbm>>) dst(%dma_wait3A_97 : memref<128x64xf32, #tpu.memory_space<vmem>>)
      %dma_wait3A_104 = arith.constant 256 : i32
      %dma_wait3A_105 = arith.constant 0 : i32
      %dma_wait3A_106 = tpu.memref_slice %arg9[%dma_wait3A_104, %dma_wait3A_105] : memref<512x64xf32, #tpu.memory_space<vmem>> -> memref<128x64xf32, #tpu.memory_space<vmem>>
      %dma_wait3A_107 = arith.constant 0 : i32
      %dma_wait3A_108 = tpu.memref_slice %arg7[%add3A_58, %dma_wait3A_107] : memref<80x128xi32, #tpu.memory_space<vmem>> -> memref<1x128xi32, #tpu.memory_space<vmem>>
      %dma_wait3A_109 = tpu.memref_squeeze %dma_wait3A_108 : memref<1x128xi32, #tpu.memory_space<vmem>> -> memref<128xi32, #tpu.memory_space<vmem>>
      %dma_wait3A_110 = arith.constant 0 : i32
      %dma_wait3A_111 = arith.constant 0 : i32
      %dma_wait3A_112 = tpu.memref_slice %arg2[%dma_wait3A_110, %dma_wait3A_111] : memref<10000x64xf32, #tpu.memory_space<hbm>> -> memref<10000x64xf32, #tpu.memory_space<hbm>>
      tpu.wait_indirect_dma semaphore(%arg12 : memref<!tpu.dma_semaphore, #tpu.memory_space<semaphore_mem>>) src(%dma_wait3A_112 : memref<10000x64xf32, #tpu.memory_space<hbm>>) dst(%dma_wait3A_106 : memref<128x64xf32, #tpu.memory_space<vmem>>)
      %dma_wait3A_113 = arith.constant 384 : i32
      %dma_wait3A_114 = arith.constant 0 : i32
      %dma_wait3A_115 = tpu.memref_slice %arg9[%dma_wait3A_113, %dma_wait3A_114] : memref<512x64xf32, #tpu.memory_space<vmem>> -> memref<128x64xf32, #tpu.memory_space<vmem>>
      %dma_wait3A_116 = arith.constant 0 : i32
      %dma_wait3A_117 = tpu.memref_slice %arg7[%add3A_71, %dma_wait3A_116] : memref<80x128xi32, #tpu.memory_space<vmem>> -> memref<1x128xi32, #tpu.memory_space<vmem>>
      %dma_wait3A_118 = tpu.memref_squeeze %dma_wait3A_117 : memref<1x128xi32, #tpu.memory_space<vmem>> -> memref<128xi32, #tpu.memory_space<vmem>>
      %dma_wait3A_119 = arith.constant 0 : i32
      %dma_wait3A_120 = arith.constant 0 : i32
      %dma_wait3A_121 = tpu.memref_slice %arg2[%dma_wait3A_119, %dma_wait3A_120] : memref<10000x64xf32, #tpu.memory_space<hbm>> -> memref<10000x64xf32, #tpu.memory_space<hbm>>
      tpu.wait_indirect_dma semaphore(%arg12 : memref<!tpu.dma_semaphore, #tpu.memory_space<semaphore_mem>>) src(%dma_wait3A_121 : memref<10000x64xf32, #tpu.memory_space<hbm>>) dst(%dma_wait3A_115 : memref<128x64xf32, #tpu.memory_space<vmem>>)
      %dma_wait3A_122 = arith.constant 0 : i32
      %dma_wait3A_123 = tpu.memref_slice %arg3[%mul3A_82, %dma_wait3A_122] : memref<163840x128xf32, #tpu.memory_space<hbm>> -> memref<256x128xf32, #tpu.memory_space<hbm>>
      %dma_wait3A_124 = arith.constant 0 : i32
      %dma_wait3A_125 = tpu.memref_slice %arg3[%mul3A_82, %dma_wait3A_124] : memref<163840x128xf32, #tpu.memory_space<hbm>> -> memref<256x128xf32, #tpu.memory_space<hbm>>
      tpu.wait_dma2 semaphore(%arg13 : memref<!tpu.dma_semaphore, #tpu.memory_space<semaphore_mem>>) src(%dma_wait3A_125 : memref<256x128xf32, #tpu.memory_space<hbm>>) dst(%arg10 : memref<256x128xf32, #tpu.memory_space<vmem>>)
      %scan3A_126 = arith.constant 0 : i32
      %scan3A_127 = arith.constant 0 : i32
      %scan3A_128 = arith.constant 256 : i32
      %scan3A_129 = arith.addi %scan3A_127, %scan3A_128 : i32
      %scan3A_130 = arith.constant 1 : i32
      %scan3A_131 = scf.for %scan3A_150 = %scan3A_127 to %scan3A_129 step %scan3A_130 iter_args(%scan3A_151 = %scan3A_126) -> (i32)  : i32 {
        %mul3A_152 = arith.constant 2 : i32
        %mul3A_153 = arith.muli %mul3A_152, %scan3A_150 : i32
        %add3A_154 = arith.constant 0 : i32
        %add3A_155 = arith.addi %mul3A_153, %add3A_154 : i32
        %get3A = arith.index_cast %add3A_155 : i32 to index
        %get3A_156 = arith.constant 0 : index
        %get3A_157 = tpu.vector_load %arg9[%get3A, %get3A_156] {strides = array<i32>} : memref<512x64xf32, #tpu.memory_space<vmem>>, vector<1x16xf32>,
        %get3A_158 = vector.shape_cast %get3A_157 : vector<1x16xf32> to vector<16xf32>
        %get3A_159 = arith.index_cast %scan3A_150 : i32 to index
        %get3A_160 = arith.constant 0 : index
        %get3A_161 = tpu.vector_load %arg10[%get3A_159, %get3A_160] {strides = array<i32>} : memref<256x128xf32, #tpu.memory_space<vmem>>, vector<1x16xf32>,
        %get3A_162 = vector.shape_cast %get3A_161 : vector<1x16xf32> to vector<16xf32>
        %add3A_163 = arith.addf %get3A_158, %get3A_162 : vector<16xf32>
        %broadcast_in_dim3A = arith.constant 0.000000e+00 : f32
        %broadcast_in_dim3A_164 = vector.broadcast %broadcast_in_dim3A : f32 to vector<16xf32>
        %max3A = arith.maximumf %add3A_163, %broadcast_in_dim3A_164 : vector<16xf32>
        %mul3A_165 = arith.constant 2 : i32
        %mul3A_166 = arith.muli %mul3A_165, %scan3A_150 : i32
        %add3A_167 = arith.constant 0 : i32
        %add3A_168 = arith.addi %mul3A_166, %add3A_167 : i32
        %swap3A = arith.index_cast %add3A_168 : i32 to index
        %swap3A_169 = arith.constant 0 : index
        %swap3A_170 = tpu.vector_load %arg9[%swap3A, %swap3A_169] {strides = array<i32>} : memref<512x64xf32, #tpu.memory_space<vmem>>, vector<1x16xf32>,
        %swap3A_171 = vector.shape_cast %swap3A_170 : vector<1x16xf32> to vector<16xf32>
        %swap3A_172 = vector.shape_cast %max3A : vector<16xf32> to vector<1x16xf32>
        tpu.vector_store %arg9[%swap3A, %swap3A_169], %swap3A_172 {strides = array<i32>} : memref<512x64xf32, #tpu.memory_space<vmem>>, vector<1x16xf32>,
        %mul3A_173 = arith.constant 2 : i32
        %mul3A_174 = arith.muli %mul3A_173, %scan3A_150 : i32
        %add3A_175 = arith.constant 0 : i32
        %add3A_176 = arith.addi %mul3A_174, %add3A_175 : i32
        %get3A_177 = arith.index_cast %add3A_176 : i32 to index
        %get3A_178 = arith.constant 16 : index
        %get3A_179 = tpu.vector_load %arg9[%get3A_177, %get3A_178] {strides = array<i32>} : memref<512x64xf32, #tpu.memory_space<vmem>>, vector<1x16xf32>,
        %get3A_180 = vector.shape_cast %get3A_179 : vector<1x16xf32> to vector<16xf32>
        %get3A_181 = arith.index_cast %scan3A_150 : i32 to index
        %get3A_182 = arith.constant 16 : index
        %get3A_183 = tpu.vector_load %arg10[%get3A_181, %get3A_182] {strides = array<i32>} : memref<256x128xf32, #tpu.memory_space<vmem>>, vector<1x16xf32>,
        %get3A_184 = vector.shape_cast %get3A_183 : vector<1x16xf32> to vector<16xf32>
        %add3A_185 = arith.addf %get3A_180, %get3A_184 : vector<16xf32>
        %broadcast_in_dim3A_186 = arith.constant 0.000000e+00 : f32
        %broadcast_in_dim3A_187 = vector.broadcast %broadcast_in_dim3A_186 : f32 to vector<16xf32>
        %max3A_188 = arith.maximumf %add3A_185, %broadcast_in_dim3A_187 : vector<16xf32>
        %mul3A_189 = arith.constant 2 : i32
        %mul3A_190 = arith.muli %mul3A_189, %scan3A_150 : i32
        %add3A_191 = arith.constant 0 : i32
        %add3A_192 = arith.addi %mul3A_190, %add3A_191 : i32
        %swap3A_193 = arith.index_cast %add3A_192 : i32 to index
        %swap3A_194 = arith.constant 16 : index
        %swap3A_195 = tpu.vector_load %arg9[%swap3A_193, %swap3A_194] {strides = array<i32>} : memref<512x64xf32, #tpu.memory_space<vmem>>, vector<1x16xf32>,
        %swap3A_196 = vector.shape_cast %swap3A_195 : vector<1x16xf32> to vector<16xf32>
        %swap3A_197 = vector.shape_cast %max3A_188 : vector<16xf32> to vector<1x16xf32>
        tpu.vector_store %arg9[%swap3A_193, %swap3A_194], %swap3A_197 {strides = array<i32>} : memref<512x64xf32, #tpu.memory_space<vmem>>, vector<1x16xf32>,
        %mul3A_198 = arith.constant 2 : i32
        %mul3A_199 = arith.muli %mul3A_198, %scan3A_150 : i32
        %add3A_200 = arith.constant 0 : i32
        %add3A_201 = arith.addi %mul3A_199, %add3A_200 : i32
        %get3A_202 = arith.index_cast %add3A_201 : i32 to index
        %get3A_203 = arith.constant 32 : index
        %get3A_204 = tpu.vector_load %arg9[%get3A_202, %get3A_203] {strides = array<i32>} : memref<512x64xf32, #tpu.memory_space<vmem>>, vector<1x16xf32>,
        %get3A_205 = vector.shape_cast %get3A_204 : vector<1x16xf32> to vector<16xf32>
        %get3A_206 = arith.index_cast %scan3A_150 : i32 to index
        %get3A_207 = arith.constant 32 : index
        %get3A_208 = tpu.vector_load %arg10[%get3A_206, %get3A_207] {strides = array<i32>} : memref<256x128xf32, #tpu.memory_space<vmem>>, vector<1x16xf32>,
        %get3A_209 = vector.shape_cast %get3A_208 : vector<1x16xf32> to vector<16xf32>
        %add3A_210 = arith.addf %get3A_205, %get3A_209 : vector<16xf32>
        %broadcast_in_dim3A_211 = arith.constant 0.000000e+00 : f32
        %broadcast_in_dim3A_212 = vector.broadcast %broadcast_in_dim3A_211 : f32 to vector<16xf32>
        %max3A_213 = arith.maximumf %add3A_210, %broadcast_in_dim3A_212 : vector<16xf32>
        %mul3A_214 = arith.constant 2 : i32
        %mul3A_215 = arith.muli %mul3A_214, %scan3A_150 : i32
        %add3A_216 = arith.constant 0 : i32
        %add3A_217 = arith.addi %mul3A_215, %add3A_216 : i32
        %swap3A_218 = arith.index_cast %add3A_217 : i32 to index
        %swap3A_219 = arith.constant 32 : index
        %swap3A_220 = tpu.vector_load %arg9[%swap3A_218, %swap3A_219] {strides = array<i32>} : memref<512x64xf32, #tpu.memory_space<vmem>>, vector<1x16xf32>,
        %swap3A_221 = vector.shape_cast %swap3A_220 : vector<1x16xf32> to vector<16xf32>
        %swap3A_222 = vector.shape_cast %max3A_213 : vector<16xf32> to vector<1x16xf32>
        tpu.vector_store %arg9[%swap3A_218, %swap3A_219], %swap3A_222 {strides = array<i32>} : memref<512x64xf32, #tpu.memory_space<vmem>>, vector<1x16xf32>,
        %mul3A_223 = arith.constant 2 : i32
        %mul3A_224 = arith.muli %mul3A_223, %scan3A_150 : i32
        %add3A_225 = arith.constant 0 : i32
        %add3A_226 = arith.addi %mul3A_224, %add3A_225 : i32
        %get3A_227 = arith.index_cast %add3A_226 : i32 to index
        %get3A_228 = arith.constant 48 : index
        %get3A_229 = tpu.vector_load %arg9[%get3A_227, %get3A_228] {strides = array<i32>} : memref<512x64xf32, #tpu.memory_space<vmem>>, vector<1x16xf32>,
        %get3A_230 = vector.shape_cast %get3A_229 : vector<1x16xf32> to vector<16xf32>
        %get3A_231 = arith.index_cast %scan3A_150 : i32 to index
        %get3A_232 = arith.constant 48 : index
        %get3A_233 = tpu.vector_load %arg10[%get3A_231, %get3A_232] {strides = array<i32>} : memref<256x128xf32, #tpu.memory_space<vmem>>, vector<1x16xf32>,
        %get3A_234 = vector.shape_cast %get3A_233 : vector<1x16xf32> to vector<16xf32>
        %add3A_235 = arith.addf %get3A_230, %get3A_234 : vector<16xf32>
        %broadcast_in_dim3A_236 = arith.constant 0.000000e+00 : f32
        %broadcast_in_dim3A_237 = vector.broadcast %broadcast_in_dim3A_236 : f32 to vector<16xf32>
        %max3A_238 = arith.maximumf %add3A_235, %broadcast_in_dim3A_237 : vector<16xf32>
        %mul3A_239 = arith.constant 2 : i32
        %mul3A_240 = arith.muli %mul3A_239, %scan3A_150 : i32
        %add3A_241 = arith.constant 0 : i32
        %add3A_242 = arith.addi %mul3A_240, %add3A_241 : i32
        %swap3A_243 = arith.index_cast %add3A_242 : i32 to index
        %swap3A_244 = arith.constant 48 : index
        %swap3A_245 = tpu.vector_load %arg9[%swap3A_243, %swap3A_244] {strides = array<i32>} : memref<512x64xf32, #tpu.memory_space<vmem>>, vector<1x16xf32>,
        %swap3A_246 = vector.shape_cast %swap3A_245 : vector<1x16xf32> to vector<16xf32>
        %swap3A_247 = vector.shape_cast %max3A_238 : vector<16xf32> to vector<1x16xf32>
        tpu.vector_store %arg9[%swap3A_243, %swap3A_244], %swap3A_247 {strides = array<i32>} : memref<512x64xf32, #tpu.memory_space<vmem>>, vector<1x16xf32>,
        %mul3A_248 = arith.constant 2 : i32
        %mul3A_249 = arith.muli %mul3A_248, %scan3A_150 : i32
        %add3A_250 = arith.constant 1 : i32
        %add3A_251 = arith.addi %mul3A_249, %add3A_250 : i32
        %get3A_252 = arith.index_cast %add3A_251 : i32 to index
        %get3A_253 = arith.constant 0 : index
        %get3A_254 = tpu.vector_load %arg9[%get3A_252, %get3A_253] {strides = array<i32>} : memref<512x64xf32, #tpu.memory_space<vmem>>, vector<1x16xf32>,
        %get3A_255 = vector.shape_cast %get3A_254 : vector<1x16xf32> to vector<16xf32>
        %get3A_256 = arith.index_cast %scan3A_150 : i32 to index
        %get3A_257 = arith.constant 64 : index
        %get3A_258 = tpu.vector_load %arg10[%get3A_256, %get3A_257] {strides = array<i32>} : memref<256x128xf32, #tpu.memory_space<vmem>>, vector<1x16xf32>,
        %get3A_259 = vector.shape_cast %get3A_258 : vector<1x16xf32> to vector<16xf32>
        %add3A_260 = arith.addf %get3A_255, %get3A_259 : vector<16xf32>
        %broadcast_in_dim3A_261 = arith.constant 0.000000e+00 : f32
        %broadcast_in_dim3A_262 = vector.broadcast %broadcast_in_dim3A_261 : f32 to vector<16xf32>
        %max3A_263 = arith.maximumf %add3A_260, %broadcast_in_dim3A_262 : vector<16xf32>
        %mul3A_264 = arith.constant 2 : i32
        %mul3A_265 = arith.muli %mul3A_264, %scan3A_150 : i32
        %add3A_266 = arith.constant 1 : i32
        %add3A_267 = arith.addi %mul3A_265, %add3A_266 : i32
        %swap3A_268 = arith.index_cast %add3A_267 : i32 to index
        %swap3A_269 = arith.constant 0 : index
        %swap3A_270 = tpu.vector_load %arg9[%swap3A_268, %swap3A_269] {strides = array<i32>} : memref<512x64xf32, #tpu.memory_space<vmem>>, vector<1x16xf32>,
        %swap3A_271 = vector.shape_cast %swap3A_270 : vector<1x16xf32> to vector<16xf32>
        %swap3A_272 = vector.shape_cast %max3A_263 : vector<16xf32> to vector<1x16xf32>
        tpu.vector_store %arg9[%swap3A_268, %swap3A_269], %swap3A_272 {strides = array<i32>} : memref<512x64xf32, #tpu.memory_space<vmem>>, vector<1x16xf32>,
        %mul3A_273 = arith.constant 2 : i32
        %mul3A_274 = arith.muli %mul3A_273, %scan3A_150 : i32
        %add3A_275 = arith.constant 1 : i32
        %add3A_276 = arith.addi %mul3A_274, %add3A_275 : i32
        %get3A_277 = arith.index_cast %add3A_276 : i32 to index
        %get3A_278 = arith.constant 16 : index
        %get3A_279 = tpu.vector_load %arg9[%get3A_277, %get3A_278] {strides = array<i32>} : memref<512x64xf32, #tpu.memory_space<vmem>>, vector<1x16xf32>,
        %get3A_280 = vector.shape_cast %get3A_279 : vector<1x16xf32> to vector<16xf32>
        %get3A_281 = arith.index_cast %scan3A_150 : i32 to index
        %get3A_282 = arith.constant 80 : index
        %get3A_283 = tpu.vector_load %arg10[%get3A_281, %get3A_282] {strides = array<i32>} : memref<256x128xf32, #tpu.memory_space<vmem>>, vector<1x16xf32>,
        %get3A_284 = vector.shape_cast %get3A_283 : vector<1x16xf32> to vector<16xf32>
        %add3A_285 = arith.addf %get3A_280, %get3A_284 : vector<16xf32>
        %broadcast_in_dim3A_286 = arith.constant 0.000000e+00 : f32
        %broadcast_in_dim3A_287 = vector.broadcast %broadcast_in_dim3A_286 : f32 to vector<16xf32>
        %max3A_288 = arith.maximumf %add3A_285, %broadcast_in_dim3A_287 : vector<16xf32>
        %mul3A_289 = arith.constant 2 : i32
        %mul3A_290 = arith.muli %mul3A_289, %scan3A_150 : i32
        %add3A_291 = arith.constant 1 : i32
        %add3A_292 = arith.addi %mul3A_290, %add3A_291 : i32
        %swap3A_293 = arith.index_cast %add3A_292 : i32 to index
        %swap3A_294 = arith.constant 16 : index
        %swap3A_295 = tpu.vector_load %arg9[%swap3A_293, %swap3A_294] {strides = array<i32>} : memref<512x64xf32, #tpu.memory_space<vmem>>, vector<1x16xf32>,
        %swap3A_296 = vector.shape_cast %swap3A_295 : vector<1x16xf32> to vector<16xf32>
        %swap3A_297 = vector.shape_cast %max3A_288 : vector<16xf32> to vector<1x16xf32>
        tpu.vector_store %arg9[%swap3A_293, %swap3A_294], %swap3A_297 {strides = array<i32>} : memref<512x64xf32, #tpu.memory_space<vmem>>, vector<1x16xf32>,
        %mul3A_298 = arith.constant 2 : i32
        %mul3A_299 = arith.muli %mul3A_298, %scan3A_150 : i32
        %add3A_300 = arith.constant 1 : i32
        %add3A_301 = arith.addi %mul3A_299, %add3A_300 : i32
        %get3A_302 = arith.index_cast %add3A_301 : i32 to index
        %get3A_303 = arith.constant 32 : index
        %get3A_304 = tpu.vector_load %arg9[%get3A_302, %get3A_303] {strides = array<i32>} : memref<512x64xf32, #tpu.memory_space<vmem>>, vector<1x16xf32>,
        %get3A_305 = vector.shape_cast %get3A_304 : vector<1x16xf32> to vector<16xf32>
        %get3A_306 = arith.index_cast %scan3A_150 : i32 to index
        %get3A_307 = arith.constant 96 : index
        %get3A_308 = tpu.vector_load %arg10[%get3A_306, %get3A_307] {strides = array<i32>} : memref<256x128xf32, #tpu.memory_space<vmem>>, vector<1x16xf32>,
        %get3A_309 = vector.shape_cast %get3A_308 : vector<1x16xf32> to vector<16xf32>
        %add3A_310 = arith.addf %get3A_305, %get3A_309 : vector<16xf32>
        %broadcast_in_dim3A_311 = arith.constant 0.000000e+00 : f32
        %broadcast_in_dim3A_312 = vector.broadcast %broadcast_in_dim3A_311 : f32 to vector<16xf32>
        %max3A_313 = arith.maximumf %add3A_310, %broadcast_in_dim3A_312 : vector<16xf32>
        %mul3A_314 = arith.constant 2 : i32
        %mul3A_315 = arith.muli %mul3A_314, %scan3A_150 : i32
        %add3A_316 = arith.constant 1 : i32
        %add3A_317 = arith.addi %mul3A_315, %add3A_316 : i32
        %swap3A_318 = arith.index_cast %add3A_317 : i32 to index
        %swap3A_319 = arith.constant 32 : index
        %swap3A_320 = tpu.vector_load %arg9[%swap3A_318, %swap3A_319] {strides = array<i32>} : memref<512x64xf32, #tpu.memory_space<vmem>>, vector<1x16xf32>,
        %swap3A_321 = vector.shape_cast %swap3A_320 : vector<1x16xf32> to vector<16xf32>
        %swap3A_322 = vector.shape_cast %max3A_313 : vector<16xf32> to vector<1x16xf32>
        tpu.vector_store %arg9[%swap3A_318, %swap3A_319], %swap3A_322 {strides = array<i32>} : memref<512x64xf32, #tpu.memory_space<vmem>>, vector<1x16xf32>,
        %mul3A_323 = arith.constant 2 : i32
        %mul3A_324 = arith.muli %mul3A_323, %scan3A_150 : i32
        %add3A_325 = arith.constant 1 : i32
        %add3A_326 = arith.addi %mul3A_324, %add3A_325 : i32
        %get3A_327 = arith.index_cast %add3A_326 : i32 to index
        %get3A_328 = arith.constant 48 : index
        %get3A_329 = tpu.vector_load %arg9[%get3A_327, %get3A_328] {strides = array<i32>} : memref<512x64xf32, #tpu.memory_space<vmem>>, vector<1x16xf32>,
        %get3A_330 = vector.shape_cast %get3A_329 : vector<1x16xf32> to vector<16xf32>
        %get3A_331 = arith.index_cast %scan3A_150 : i32 to index
        %get3A_332 = arith.constant 112 : index
        %get3A_333 = tpu.vector_load %arg10[%get3A_331, %get3A_332] {strides = array<i32>} : memref<256x128xf32, #tpu.memory_space<vmem>>, vector<1x16xf32>,
        %get3A_334 = vector.shape_cast %get3A_333 : vector<1x16xf32> to vector<16xf32>
        %add3A_335 = arith.addf %get3A_330, %get3A_334 : vector<16xf32>
        %broadcast_in_dim3A_336 = arith.constant 0.000000e+00 : f32
        %broadcast_in_dim3A_337 = vector.broadcast %broadcast_in_dim3A_336 : f32 to vector<16xf32>
        %max3A_338 = arith.maximumf %add3A_335, %broadcast_in_dim3A_337 : vector<16xf32>
        %mul3A_339 = arith.constant 2 : i32
        %mul3A_340 = arith.muli %mul3A_339, %scan3A_150 : i32
        %add3A_341 = arith.constant 1 : i32
        %add3A_342 = arith.addi %mul3A_340, %add3A_341 : i32
        %swap3A_343 = arith.index_cast %add3A_342 : i32 to index
        %swap3A_344 = arith.constant 48 : index
        %swap3A_345 = tpu.vector_load %arg9[%swap3A_343, %swap3A_344] {strides = array<i32>} : memref<512x64xf32, #tpu.memory_space<vmem>>, vector<1x16xf32>,
        %swap3A_346 = vector.shape_cast %swap3A_345 : vector<1x16xf32> to vector<16xf32>
        %swap3A_347 = vector.shape_cast %max3A_338 : vector<16xf32> to vector<1x16xf32>
        tpu.vector_store %arg9[%swap3A_343, %swap3A_344], %swap3A_347 {strides = array<i32>} : memref<512x64xf32, #tpu.memory_space<vmem>>, vector<1x16xf32>,
        %scan3A_348 = arith.constant 0 : i32
        scf.yield %scan3A_348 : i32
      }
      %scan3A_132 = arith.constant 256 : i32
      %mul3A_133 = arith.constant 4 : i32
      %mul3A_134 = arith.muli %scan3A_23, %mul3A_133 : i32
      %add3A_135 = arith.constant 0 : i32
      %add3A_136 = arith.addi %mul3A_134, %add3A_135 : i32
      "tpu.region"() ({
        %run_scoped3A = tpu.sem_alloc : memref<!tpu.dma_semaphore, #tpu.memory_space<semaphore_mem>>
        %dma_start3A_150 = arith.constant 0 : i32
        %dma_start3A_151 = arith.constant 0 : i32
        %dma_start3A_152 = tpu.memref_slice %arg9[%dma_start3A_150, %dma_start3A_151] : memref<512x64xf32, #tpu.memory_space<vmem>> -> memref<128x64xf32, #tpu.memory_space<vmem>>
        %dma_start3A_153 = arith.constant 0 : i32
        %dma_start3A_154 = tpu.memref_slice %arg8[%add3A_136, %dma_start3A_153] : memref<80x128xi32, #tpu.memory_space<vmem>> -> memref<1x128xi32, #tpu.memory_space<vmem>>
        %dma_start3A_155 = tpu.memref_squeeze %dma_start3A_154 : memref<1x128xi32, #tpu.memory_space<vmem>> -> memref<128xi32, #tpu.memory_space<vmem>>
        %dma_start3A_156 = arith.constant 0 : i32
        %dma_start3A_157 = arith.constant 0 : i32
        %dma_start3A_158 = tpu.memref_slice %arg11[%dma_start3A_156, %dma_start3A_157] : memref<10112x64xf32, #tpu.memory_space<vmem_shared>> -> memref<10112x64xf32, #tpu.memory_space<vmem_shared>>
        tpu.enqueue_indirect_dma source(%dma_start3A_152 : memref<128x64xf32, #tpu.memory_space<vmem>>) target(%dma_start3A_158 : memref<10112x64xf32, #tpu.memory_space<vmem_shared>>) offsets(%dma_start3A_155 : memref<128xi32, #tpu.memory_space<vmem>>) semaphore(%run_scoped3A : memref<!tpu.dma_semaphore, #tpu.memory_space<semaphore_mem>>) {add = true}
        %dma_wait3A_159 = arith.constant 0 : i32
        %dma_wait3A_160 = arith.constant 0 : i32
        %dma_wait3A_161 = tpu.memref_slice %arg9[%dma_wait3A_159, %dma_wait3A_160] : memref<512x64xf32, #tpu.memory_space<vmem>> -> memref<128x64xf32, #tpu.memory_space<vmem>>
        %dma_wait3A_162 = arith.constant 0 : i32
        %dma_wait3A_163 = tpu.memref_slice %arg8[%add3A_136, %dma_wait3A_162] : memref<80x128xi32, #tpu.memory_space<vmem>> -> memref<1x128xi32, #tpu.memory_space<vmem>>
        %dma_wait3A_164 = tpu.memref_squeeze %dma_wait3A_163 : memref<1x128xi32, #tpu.memory_space<vmem>> -> memref<128xi32, #tpu.memory_space<vmem>>
        %dma_wait3A_165 = arith.constant 0 : i32
        %dma_wait3A_166 = arith.constant 0 : i32
        %dma_wait3A_167 = tpu.memref_slice %arg11[%dma_wait3A_165, %dma_wait3A_166] : memref<10112x64xf32, #tpu.memory_space<vmem_shared>> -> memref<10112x64xf32, #tpu.memory_space<vmem_shared>>
        tpu.wait_indirect_dma semaphore(%run_scoped3A : memref<!tpu.dma_semaphore, #tpu.memory_space<semaphore_mem>>) src(%dma_wait3A_161 : memref<128x64xf32, #tpu.memory_space<vmem>>) dst(%dma_wait3A_167 : memref<10112x64xf32, #tpu.memory_space<vmem_shared>>)
        tpu.yield
      }) : () -> ()
      %mul3A_137 = arith.constant 4 : i32
      %mul3A_138 = arith.muli %scan3A_23, %mul3A_137 : i32
      %add3A_139 = arith.constant 1 : i32
      %add3A_140 = arith.addi %mul3A_138, %add3A_139 : i32
      "tpu.region"() ({
        %run_scoped3A = tpu.sem_alloc : memref<!tpu.dma_semaphore, #tpu.memory_space<semaphore_mem>>
        %dma_start3A_150 = arith.constant 128 : i32
        %dma_start3A_151 = arith.constant 0 : i32
        %dma_start3A_152 = tpu.memref_slice %arg9[%dma_start3A_150, %dma_start3A_151] : memref<512x64xf32, #tpu.memory_space<vmem>> -> memref<128x64xf32, #tpu.memory_space<vmem>>
        %dma_start3A_153 = arith.constant 0 : i32
        %dma_start3A_154 = tpu.memref_slice %arg8[%add3A_140, %dma_start3A_153] : memref<80x128xi32, #tpu.memory_space<vmem>> -> memref<1x128xi32, #tpu.memory_space<vmem>>
        %dma_start3A_155 = tpu.memref_squeeze %dma_start3A_154 : memref<1x128xi32, #tpu.memory_space<vmem>> -> memref<128xi32, #tpu.memory_space<vmem>>
        %dma_start3A_156 = arith.constant 0 : i32
        %dma_start3A_157 = arith.constant 0 : i32
        %dma_start3A_158 = tpu.memref_slice %arg11[%dma_start3A_156, %dma_start3A_157] : memref<10112x64xf32, #tpu.memory_space<vmem_shared>> -> memref<10112x64xf32, #tpu.memory_space<vmem_shared>>
        tpu.enqueue_indirect_dma source(%dma_start3A_152 : memref<128x64xf32, #tpu.memory_space<vmem>>) target(%dma_start3A_158 : memref<10112x64xf32, #tpu.memory_space<vmem_shared>>) offsets(%dma_start3A_155 : memref<128xi32, #tpu.memory_space<vmem>>) semaphore(%run_scoped3A : memref<!tpu.dma_semaphore, #tpu.memory_space<semaphore_mem>>) {add = true}
        %dma_wait3A_159 = arith.constant 128 : i32
        %dma_wait3A_160 = arith.constant 0 : i32
        %dma_wait3A_161 = tpu.memref_slice %arg9[%dma_wait3A_159, %dma_wait3A_160] : memref<512x64xf32, #tpu.memory_space<vmem>> -> memref<128x64xf32, #tpu.memory_space<vmem>>
        %dma_wait3A_162 = arith.constant 0 : i32
        %dma_wait3A_163 = tpu.memref_slice %arg8[%add3A_140, %dma_wait3A_162] : memref<80x128xi32, #tpu.memory_space<vmem>> -> memref<1x128xi32, #tpu.memory_space<vmem>>
        %dma_wait3A_164 = tpu.memref_squeeze %dma_wait3A_163 : memref<1x128xi32, #tpu.memory_space<vmem>> -> memref<128xi32, #tpu.memory_space<vmem>>
        %dma_wait3A_165 = arith.constant 0 : i32
        %dma_wait3A_166 = arith.constant 0 : i32
        %dma_wait3A_167 = tpu.memref_slice %arg11[%dma_wait3A_165, %dma_wait3A_166] : memref<10112x64xf32, #tpu.memory_space<vmem_shared>> -> memref<10112x64xf32, #tpu.memory_space<vmem_shared>>
        tpu.wait_indirect_dma semaphore(%run_scoped3A : memref<!tpu.dma_semaphore, #tpu.memory_space<semaphore_mem>>) src(%dma_wait3A_161 : memref<128x64xf32, #tpu.memory_space<vmem>>) dst(%dma_wait3A_167 : memref<10112x64xf32, #tpu.memory_space<vmem_shared>>)
        tpu.yield
      }) : () -> ()
      %mul3A_141 = arith.constant 4 : i32
      %mul3A_142 = arith.muli %scan3A_23, %mul3A_141 : i32
      %add3A_143 = arith.constant 2 : i32
      %add3A_144 = arith.addi %mul3A_142, %add3A_143 : i32
      "tpu.region"() ({
        %run_scoped3A = tpu.sem_alloc : memref<!tpu.dma_semaphore, #tpu.memory_space<semaphore_mem>>
        %dma_start3A_150 = arith.constant 256 : i32
        %dma_start3A_151 = arith.constant 0 : i32
        %dma_start3A_152 = tpu.memref_slice %arg9[%dma_start3A_150, %dma_start3A_151] : memref<512x64xf32, #tpu.memory_space<vmem>> -> memref<128x64xf32, #tpu.memory_space<vmem>>
        %dma_start3A_153 = arith.constant 0 : i32
        %dma_start3A_154 = tpu.memref_slice %arg8[%add3A_144, %dma_start3A_153] : memref<80x128xi32, #tpu.memory_space<vmem>> -> memref<1x128xi32, #tpu.memory_space<vmem>>
        %dma_start3A_155 = tpu.memref_squeeze %dma_start3A_154 : memref<1x128xi32, #tpu.memory_space<vmem>> -> memref<128xi32, #tpu.memory_space<vmem>>
        %dma_start3A_156 = arith.constant 0 : i32
        %dma_start3A_157 = arith.constant 0 : i32
        %dma_start3A_158 = tpu.memref_slice %arg11[%dma_start3A_156, %dma_start3A_157] : memref<10112x64xf32, #tpu.memory_space<vmem_shared>> -> memref<10112x64xf32, #tpu.memory_space<vmem_shared>>
        tpu.enqueue_indirect_dma source(%dma_start3A_152 : memref<128x64xf32, #tpu.memory_space<vmem>>) target(%dma_start3A_158 : memref<10112x64xf32, #tpu.memory_space<vmem_shared>>) offsets(%dma_start3A_155 : memref<128xi32, #tpu.memory_space<vmem>>) semaphore(%run_scoped3A : memref<!tpu.dma_semaphore, #tpu.memory_space<semaphore_mem>>) {add = true}
        %dma_wait3A_159 = arith.constant 256 : i32
        %dma_wait3A_160 = arith.constant 0 : i32
        %dma_wait3A_161 = tpu.memref_slice %arg9[%dma_wait3A_159, %dma_wait3A_160] : memref<512x64xf32, #tpu.memory_space<vmem>> -> memref<128x64xf32, #tpu.memory_space<vmem>>
        %dma_wait3A_162 = arith.constant 0 : i32
        %dma_wait3A_163 = tpu.memref_slice %arg8[%add3A_144, %dma_wait3A_162] : memref<80x128xi32, #tpu.memory_space<vmem>> -> memref<1x128xi32, #tpu.memory_space<vmem>>
        %dma_wait3A_164 = tpu.memref_squeeze %dma_wait3A_163 : memref<1x128xi32, #tpu.memory_space<vmem>> -> memref<128xi32, #tpu.memory_space<vmem>>
        %dma_wait3A_165 = arith.constant 0 : i32
        %dma_wait3A_166 = arith.constant 0 : i32
        %dma_wait3A_167 = tpu.memref_slice %arg11[%dma_wait3A_165, %dma_wait3A_166] : memref<10112x64xf32, #tpu.memory_space<vmem_shared>> -> memref<10112x64xf32, #tpu.memory_space<vmem_shared>>
        tpu.wait_indirect_dma semaphore(%run_scoped3A : memref<!tpu.dma_semaphore, #tpu.memory_space<semaphore_mem>>) src(%dma_wait3A_161 : memref<128x64xf32, #tpu.memory_space<vmem>>) dst(%dma_wait3A_167 : memref<10112x64xf32, #tpu.memory_space<vmem_shared>>)
        tpu.yield
      }) : () -> ()
      %mul3A_145 = arith.constant 4 : i32
      %mul3A_146 = arith.muli %scan3A_23, %mul3A_145 : i32
      %add3A_147 = arith.constant 3 : i32
      %add3A_148 = arith.addi %mul3A_146, %add3A_147 : i32
      "tpu.region"() ({
        %run_scoped3A = tpu.sem_alloc : memref<!tpu.dma_semaphore, #tpu.memory_space<semaphore_mem>>
        %dma_start3A_150 = arith.constant 384 : i32
        %dma_start3A_151 = arith.constant 0 : i32
        %dma_start3A_152 = tpu.memref_slice %arg9[%dma_start3A_150, %dma_start3A_151] : memref<512x64xf32, #tpu.memory_space<vmem>> -> memref<128x64xf32, #tpu.memory_space<vmem>>
        %dma_start3A_153 = arith.constant 0 : i32
        %dma_start3A_154 = tpu.memref_slice %arg8[%add3A_148, %dma_start3A_153] : memref<80x128xi32, #tpu.memory_space<vmem>> -> memref<1x128xi32, #tpu.memory_space<vmem>>
        %dma_start3A_155 = tpu.memref_squeeze %dma_start3A_154 : memref<1x128xi32, #tpu.memory_space<vmem>> -> memref<128xi32, #tpu.memory_space<vmem>>
        %dma_start3A_156 = arith.constant 0 : i32
        %dma_start3A_157 = arith.constant 0 : i32
        %dma_start3A_158 = tpu.memref_slice %arg11[%dma_start3A_156, %dma_start3A_157] : memref<10112x64xf32, #tpu.memory_space<vmem_shared>> -> memref<10112x64xf32, #tpu.memory_space<vmem_shared>>
        tpu.enqueue_indirect_dma source(%dma_start3A_152 : memref<128x64xf32, #tpu.memory_space<vmem>>) target(%dma_start3A_158 : memref<10112x64xf32, #tpu.memory_space<vmem_shared>>) offsets(%dma_start3A_155 : memref<128xi32, #tpu.memory_space<vmem>>) semaphore(%run_scoped3A : memref<!tpu.dma_semaphore, #tpu.memory_space<semaphore_mem>>) {add = true}
        %dma_wait3A_159 = arith.constant 384 : i32
        %dma_wait3A_160 = arith.constant 0 : i32
        %dma_wait3A_161 = tpu.memref_slice %arg9[%dma_wait3A_159, %dma_wait3A_160] : memref<512x64xf32, #tpu.memory_space<vmem>> -> memref<128x64xf32, #tpu.memory_space<vmem>>
        %dma_wait3A_162 = arith.constant 0 : i32
        %dma_wait3A_163 = tpu.memref_slice %arg8[%add3A_148, %dma_wait3A_162] : memref<80x128xi32, #tpu.memory_space<vmem>> -> memref<1x128xi32, #tpu.memory_space<vmem>>
        %dma_wait3A_164 = tpu.memref_squeeze %dma_wait3A_163 : memref<1x128xi32, #tpu.memory_space<vmem>> -> memref<128xi32, #tpu.memory_space<vmem>>
        %dma_wait3A_165 = arith.constant 0 : i32
        %dma_wait3A_166 = arith.constant 0 : i32
        %dma_wait3A_167 = tpu.memref_slice %arg11[%dma_wait3A_165, %dma_wait3A_166] : memref<10112x64xf32, #tpu.memory_space<vmem_shared>> -> memref<10112x64xf32, #tpu.memory_space<vmem_shared>>
        tpu.wait_indirect_dma semaphore(%run_scoped3A : memref<!tpu.dma_semaphore, #tpu.memory_space<semaphore_mem>>) src(%dma_wait3A_161 : memref<128x64xf32, #tpu.memory_space<vmem>>) dst(%dma_wait3A_167 : memref<10112x64xf32, #tpu.memory_space<vmem_shared>>)
        tpu.yield
      }) : () -> ()
      %scan3A_149 = arith.constant 0 : i32
      scf.yield %scan3A_149 : i32
    }
    %scan3A_21 = arith.constant 20 : i32
    %barrier3A_22 = arith.constant 0 : index
    tpu.barrier barrier_id(%barrier3A_22)
    "tpu.region"() ({
      %run_scoped3A = tpu.sem_alloc : memref<!tpu.dma_semaphore, #tpu.memory_space<semaphore_mem>>
      %dma_start3A = arith.constant 0 : i32
      %dma_start3A_23 = tpu.memref_slice %arg6[%arg0, %mul3A_8, %dma_start3A] : memref<2x10112x64xf32, #tpu.memory_space<hbm>> -> memref<1x632x64xf32, #tpu.memory_space<hbm>>
      %dma_start3A_24 = tpu.memref_squeeze %dma_start3A_23 : memref<1x632x64xf32, #tpu.memory_space<hbm>> -> memref<632x64xf32, #tpu.memory_space<hbm>>
      %dma_start3A_25 = arith.constant 0 : i32
      %dma_start3A_26 = tpu.memref_slice %arg11[%mul3A_8, %dma_start3A_25] : memref<10112x64xf32, #tpu.memory_space<vmem_shared>> -> memref<632x64xf32, #tpu.memory_space<vmem_shared>>
      tpu.enqueue_dma source(%dma_start3A_26 : memref<632x64xf32, #tpu.memory_space<vmem_shared>>) target(%dma_start3A_24 : memref<632x64xf32, #tpu.memory_space<hbm>>) target_semaphore(%run_scoped3A : memref<!tpu.dma_semaphore, #tpu.memory_space<semaphore_mem>>)
      %dma_wait3A = arith.constant 0 : i32
      %dma_wait3A_27 = tpu.memref_slice %arg6[%arg0, %mul3A_8, %dma_wait3A] : memref<2x10112x64xf32, #tpu.memory_space<hbm>> -> memref<1x632x64xf32, #tpu.memory_space<hbm>>
      %dma_wait3A_28 = tpu.memref_squeeze %dma_wait3A_27 : memref<1x632x64xf32, #tpu.memory_space<hbm>> -> memref<632x64xf32, #tpu.memory_space<hbm>>
      %dma_wait3A_29 = arith.constant 0 : i32
      %dma_wait3A_30 = tpu.memref_slice %arg11[%mul3A_8, %dma_wait3A_29] : memref<10112x64xf32, #tpu.memory_space<vmem_shared>> -> memref<632x64xf32, #tpu.memory_space<vmem_shared>>
      tpu.wait_dma2 semaphore(%run_scoped3A : memref<!tpu.dma_semaphore, #tpu.memory_space<semaphore_mem>>) src(%dma_wait3A_30 : memref<632x64xf32, #tpu.memory_space<vmem_shared>>) dst(%dma_wait3A_28 : memref<632x64xf32, #tpu.memory_space<hbm>>)
      tpu.yield
    }) : () -> ()
    return
  }
}

#map = affine_map<(d0, d1) -> (0, 0)>
#map1 = affine_map<(d0, d1) -> (0, 0, 0)>
module attributes {stable_mosaic.version = 14 : i64} {
  func.func @body(%arg0: i32, %arg1: i32, %arg2: memref<10000x64xf32, #tpu.memory_space<hbm>>, %arg3: memref<163840x128xf32, #tpu.memory_space<hbm>>, %arg4: memref<2560x128xi32, #tpu.memory_space<hbm>>, %arg5: memref<2560x128xi32, #tpu.memory_space<hbm>>, %arg6: memref<2x10112x64xf32, #tpu.memory_space<hbm>>, %arg7: memref<80x128xi32, #tpu.memory_space<vmem>>, %arg8: memref<80x128xi32, #tpu.memory_space<vmem>>, %arg9: memref<512x64xf32, #tpu.memory_space<vmem>>, %arg10: memref<256x128xf32, #tpu.memory_space<vmem>>, %arg11: memref<10112x64xf32, #tpu.memory_space<vmem_shared>>, %arg12: memref<!tpu.dma_semaphore, #tpu.memory_space<semaphore_mem>>, %arg13: memref<!tpu.dma_semaphore, #tpu.memory_space<semaphore_mem>>) attributes {dimension_semantics = [#tpu.dimension_semantics<core_parallel>, #tpu.dimension_semantics<subcore_parallel>], iteration_bounds = array<i64: 2, 16>, scalar_prefetch = 0 : i64, scratch_operands = 7 : i64, tpu.core_type = #tpu.core_type<sc_vector_subcore>, window_params = [{transform_indices = #map}, {transform_indices = #map}, {transform_indices = #map}, {transform_indices = #map}, {transform_indices = #map1}]} {
    %mul3A = arith.constant 16 : i32
    %mul3A_0 = arith.muli %arg0, %mul3A : i32
    %add3A = arith.addi %mul3A_0, %arg1 : i32
    %scan3A = arith.constant 0 : i32
    %scan3A_1 = arith.constant 0 : i32
    %scan3A_2 = arith.constant 512 : i32
    %scan3A_3 = arith.addi %scan3A_1, %scan3A_2 : i32
    %scan3A_4 = arith.constant 1 : i32
    %scan3A_5 = scf.for %scan3A_23 = %scan3A_1 to %scan3A_3 step %scan3A_4 iter_args(%scan3A_24 = %scan3A) -> (i32)  : i32 {
      %broadcast_in_dim3A = arith.constant 0.000000e+00 : f32
      %broadcast_in_dim3A_25 = vector.broadcast %broadcast_in_dim3A : f32 to vector<16xf32>
      %swap3A = arith.index_cast %scan3A_23 : i32 to index
      %swap3A_26 = arith.constant 0 : index
      %swap3A_27 = tpu.vector_load %arg9[%swap3A, %swap3A_26] {strides = array<i32>} : memref<512x64xf32, #tpu.memory_space<vmem>>, vector<1x16xf32>,
      %swap3A_28 = vector.shape_cast %swap3A_27 : vector<1x16xf32> to vector<16xf32>
      %swap3A_29 = vector.shape_cast %broadcast_in_dim3A_25 : vector<16xf32> to vector<1x16xf32>
      tpu.vector_store %arg9[%swap3A, %swap3A_26], %swap3A_29 {strides = array<i32>} : memref<512x64xf32, #tpu.memory_space<vmem>>, vector<1x16xf32>,
      %broadcast_in_dim3A_30 = arith.constant 0.000000e+00 : f32
      %broadcast_in_dim3A_31 = vector.broadcast %broadcast_in_dim3A_30 : f32 to vector<16xf32>
      %swap3A_32 = arith.index_cast %scan3A_23 : i32 to index
      %swap3A_33 = arith.constant 16 : index
      %swap3A_34 = tpu.vector_load %arg9[%swap3A_32, %swap3A_33] {strides = array<i32>} : memref<512x64xf32, #tpu.memory_space<vmem>>, vector<1x16xf32>,
      %swap3A_35 = vector.shape_cast %swap3A_34 : vector<1x16xf32> to vector<16xf32>
      %swap3A_36 = vector.shape_cast %broadcast_in_dim3A_31 : vector<16xf32> to vector<1x16xf32>
      tpu.vector_store %arg9[%swap3A_32, %swap3A_33], %swap3A_36 {strides = array<i32>} : memref<512x64xf32, #tpu.memory_space<vmem>>, vector<1x16xf32>,
      %broadcast_in_dim3A_37 = arith.constant 0.000000e+00 : f32
      %broadcast_in_dim3A_38 = vector.broadcast %broadcast_in_dim3A_37 : f32 to vector<16xf32>
      %swap3A_39 = arith.index_cast %scan3A_23 : i32 to index
      %swap3A_40 = arith.constant 32 : index
      %swap3A_41 = tpu.vector_load %arg9[%swap3A_39, %swap3A_40] {strides = array<i32>} : memref<512x64xf32, #tpu.memory_space<vmem>>, vector<1x16xf32>,
      %swap3A_42 = vector.shape_cast %swap3A_41 : vector<1x16xf32> to vector<16xf32>
      %swap3A_43 = vector.shape_cast %broadcast_in_dim3A_38 : vector<16xf32> to vector<1x16xf32>
      tpu.vector_store %arg9[%swap3A_39, %swap3A_40], %swap3A_43 {strides = array<i32>} : memref<512x64xf32, #tpu.memory_space<vmem>>, vector<1x16xf32>,
      %broadcast_in_dim3A_44 = arith.constant 0.000000e+00 : f32
      %broadcast_in_dim3A_45 = vector.broadcast %broadcast_in_dim3A_44 : f32 to vector<16xf32>
      %swap3A_46 = arith.index_cast %scan3A_23 : i32 to index
      %swap3A_47 = arith.constant 48 : index
      %swap3A_48 = tpu.vector_load %arg9[%swap3A_46, %swap3A_47] {strides = array<i32>} : memref<512x64xf32, #tpu.memory_space<vmem>>, vector<1x16xf32>,
      %swap3A_49 = vector.shape_cast %swap3A_48 : vector<1x16xf32> to vector<16xf32>
      %swap3A_50 = vector.shape_cast %broadcast_in_dim3A_45 : vector<16xf32> to vector<1x16xf32>
      tpu.vector_store %arg9[%swap3A_46, %swap3A_47], %swap3A_50 {strides = array<i32>} : memref<512x64xf32, #tpu.memory_space<vmem>>, vector<1x16xf32>,
      %scan3A_51 = arith.constant 0 : i32
      scf.yield %scan3A_51 : i32
    }
    %scan3A_6 = arith.constant 512 : i32
    %mul3A_7 = arith.constant 632 : i32
    %mul3A_8 = arith.muli %arg1, %mul3A_7 : i32
    "tpu.region"() ({
      %run_scoped3A = tpu.sem_alloc : memref<!tpu.dma_semaphore, #tpu.memory_space<semaphore_mem>>
      %dma_start3A = arith.constant 0 : i32
      %dma_start3A_23 = tpu.memref_slice %arg11[%mul3A_8, %dma_start3A] : memref<10112x64xf32, #tpu.memory_space<vmem_shared>> -> memref<512x64xf32, #tpu.memory_space<vmem_shared>>
      %dma_start3A_24 = arith.constant 0 : i32
      %dma_start3A_25 = tpu.memref_slice %arg11[%mul3A_8, %dma_start3A_24] : memref<10112x64xf32, #tpu.memory_space<vmem_shared>> -> memref<512x64xf32, #tpu.memory_space<vmem_shared>>
      tpu.enqueue_dma source(%arg9 : memref<512x64xf32, #tpu.memory_space<vmem>>) target(%dma_start3A_25 : memref<512x64xf32, #tpu.memory_space<vmem_shared>>) target_semaphore(%run_scoped3A : memref<!tpu.dma_semaphore, #tpu.memory_space<semaphore_mem>>)
      %dma_wait3A = arith.constant 0 : i32
      %dma_wait3A_26 = tpu.memref_slice %arg11[%mul3A_8, %dma_wait3A] : memref<10112x64xf32, #tpu.memory_space<vmem_shared>> -> memref<512x64xf32, #tpu.memory_space<vmem_shared>>
      %dma_wait3A_27 = arith.constant 0 : i32
      %dma_wait3A_28 = tpu.memref_slice %arg11[%mul3A_8, %dma_wait3A_27] : memref<10112x64xf32, #tpu.memory_space<vmem_shared>> -> memref<512x64xf32, #tpu.memory_space<vmem_shared>>
      tpu.wait_dma2 semaphore(%run_scoped3A : memref<!tpu.dma_semaphore, #tpu.memory_space<semaphore_mem>>) src(%arg9 : memref<512x64xf32, #tpu.memory_space<vmem>>) dst(%dma_wait3A_28 : memref<512x64xf32, #tpu.memory_space<vmem_shared>>)
      tpu.yield
    }) : () -> ()
    %add3A_9 = arith.constant 512 : i32
    %add3A_10 = arith.addi %mul3A_8, %add3A_9 : i32
    "tpu.region"() ({
      %run_scoped3A = tpu.sem_alloc : memref<!tpu.dma_semaphore, #tpu.memory_space<semaphore_mem>>
      %dma_start3A = arith.constant 0 : i32
      %dma_start3A_23 = arith.constant 0 : i32
      %dma_start3A_24 = tpu.memref_slice %arg9[%dma_start3A, %dma_start3A_23] : memref<512x64xf32, #tpu.memory_space<vmem>> -> memref<120x64xf32, #tpu.memory_space<vmem>>
      %dma_start3A_25 = arith.constant 0 : i32
      %dma_start3A_26 = tpu.memref_slice %arg11[%add3A_10, %dma_start3A_25] : memref<10112x64xf32, #tpu.memory_space<vmem_shared>> -> memref<120x64xf32, #tpu.memory_space<vmem_shared>>
      %dma_start3A_27 = arith.constant 0 : i32
      %dma_start3A_28 = tpu.memref_slice %arg11[%add3A_10, %dma_start3A_27] : memref<10112x64xf32, #tpu.memory_space<vmem_shared>> -> memref<120x64xf32, #tpu.memory_space<vmem_shared>>
      %dma_start3A_29 = arith.constant 0 : i32
      %dma_start3A_30 = arith.constant 0 : i32
      %dma_start3A_31 = tpu.memref_slice %arg9[%dma_start3A_29, %dma_start3A_30] : memref<512x64xf32, #tpu.memory_space<vmem>> -> memref<120x64xf32, #tpu.memory_space<vmem>>
      tpu.enqueue_dma source(%dma_start3A_31 : memref<120x64xf32, #tpu.memory_space<vmem>>) target(%dma_start3A_28 : memref<120x64xf32, #tpu.memory_space<vmem_shared>>) target_semaphore(%run_scoped3A : memref<!tpu.dma_semaphore, #tpu.memory_space<semaphore_mem>>)
      %dma_wait3A = arith.constant 0 : i32
      %dma_wait3A_32 = arith.constant 0 : i32
      %dma_wait3A_33 = tpu.memref_slice %arg9[%dma_wait3A, %dma_wait3A_32] : memref<512x64xf32, #tpu.memory_space<vmem>> -> memref<120x64xf32, #tpu.memory_space<vmem>>
      %dma_wait3A_34 = arith.constant 0 : i32
      %dma_wait3A_35 = tpu.memref_slice %arg11[%add3A_10, %dma_wait3A_34] : memref<10112x64xf32, #tpu.memory_space<vmem_shared>> -> memref<120x64xf32, #tpu.memory_space<vmem_shared>>
      %dma_wait3A_36 = arith.constant 0 : i32
      %dma_wait3A_37 = tpu.memref_slice %arg11[%add3A_10, %dma_wait3A_36] : memref<10112x64xf32, #tpu.memory_space<vmem_shared>> -> memref<120x64xf32, #tpu.memory_space<vmem_shared>>
      %dma_wait3A_38 = arith.constant 0 : i32
      %dma_wait3A_39 = arith.constant 0 : i32
      %dma_wait3A_40 = tpu.memref_slice %arg9[%dma_wait3A_38, %dma_wait3A_39] : memref<512x64xf32, #tpu.memory_space<vmem>> -> memref<120x64xf32, #tpu.memory_space<vmem>>
      tpu.wait_dma2 semaphore(%run_scoped3A : memref<!tpu.dma_semaphore, #tpu.memory_space<semaphore_mem>>) src(%dma_wait3A_40 : memref<120x64xf32, #tpu.memory_space<vmem>>) dst(%dma_wait3A_37 : memref<120x64xf32, #tpu.memory_space<vmem_shared>>)
      tpu.yield
    }) : () -> ()
    %barrier3A = arith.constant 0 : index
    tpu.barrier barrier_id(%barrier3A)
    %mul3A_11 = arith.constant 80 : i32
    %mul3A_12 = arith.muli %add3A, %mul3A_11 : i32
    "tpu.region"() ({
      %run_scoped3A = tpu.sem_alloc : memref<!tpu.dma_semaphore, #tpu.memory_space<semaphore_mem>>
      %dma_start3A = arith.constant 0 : i32
      %dma_start3A_23 = tpu.memref_slice %arg4[%mul3A_12, %dma_start3A] : memref<2560x128xi32, #tpu.memory_space<hbm>> -> memref<80x128xi32, #tpu.memory_space<hbm>>
      %dma_start3A_24 = arith.constant 0 : i32
      %dma_start3A_25 = tpu.memref_slice %arg4[%mul3A_12, %dma_start3A_24] : memref<2560x128xi32, #tpu.memory_space<hbm>> -> memref<80x128xi32, #tpu.memory_space<hbm>>
      tpu.enqueue_dma source(%dma_start3A_25 : memref<80x128xi32, #tpu.memory_space<hbm>>) target(%arg7 : memref<80x128xi32, #tpu.memory_space<vmem>>) target_semaphore(%run_scoped3A : memref<!tpu.dma_semaphore, #tpu.memory_space<semaphore_mem>>)
      %dma_wait3A = arith.constant 0 : i32
      %dma_wait3A_26 = tpu.memref_slice %arg4[%mul3A_12, %dma_wait3A] : memref<2560x128xi32, #tpu.memory_space<hbm>> -> memref<80x128xi32, #tpu.memory_space<hbm>>
      %dma_wait3A_27 = arith.constant 0 : i32
      %dma_wait3A_28 = tpu.memref_slice %arg4[%mul3A_12, %dma_wait3A_27] : memref<2560x128xi32, #tpu.memory_space<hbm>> -> memref<80x128xi32, #tpu.memory_space<hbm>>
      tpu.wait_dma2 semaphore(%run_scoped3A : memref<!tpu.dma_semaphore, #tpu.memory_space<semaphore_mem>>) src(%dma_wait3A_28 : memref<80x128xi32, #tpu.memory_space<hbm>>) dst(%arg7 : memref<80x128xi32, #tpu.memory_space<vmem>>)
      tpu.yield
    }) : () -> ()
    %mul3A_13 = arith.constant 80 : i32
    %mul3A_14 = arith.muli %add3A, %mul3A_13 : i32
    "tpu.region"() ({
      %run_scoped3A = tpu.sem_alloc : memref<!tpu.dma_semaphore, #tpu.memory_space<semaphore_mem>>
      %dma_start3A = arith.constant 0 : i32
      %dma_start3A_23 = tpu.memref_slice %arg5[%mul3A_14, %dma_start3A] : memref<2560x128xi32, #tpu.memory_space<hbm>> -> memref<80x128xi32, #tpu.memory_space<hbm>>
      %dma_start3A_24 = arith.constant 0 : i32
      %dma_start3A_25 = tpu.memref_slice %arg5[%mul3A_14, %dma_start3A_24] : memref<2560x128xi32, #tpu.memory_space<hbm>> -> memref<80x128xi32, #tpu.memory_space<hbm>>
      tpu.enqueue_dma source(%dma_start3A_25 : memref<80x128xi32, #tpu.memory_space<hbm>>) target(%arg8 : memref<80x128xi32, #tpu.memory_space<vmem>>) target_semaphore(%run_scoped3A : memref<!tpu.dma_semaphore, #tpu.memory_space<semaphore_mem>>)
      %dma_wait3A = arith.constant 0 : i32
      %dma_wait3A_26 = tpu.memref_slice %arg5[%mul3A_14, %dma_wait3A] : memref<2560x128xi32, #tpu.memory_space<hbm>> -> memref<80x128xi32, #tpu.memory_space<hbm>>
      %dma_wait3A_27 = arith.constant 0 : i32
      %dma_wait3A_28 = tpu.memref_slice %arg5[%mul3A_14, %dma_wait3A_27] : memref<2560x128xi32, #tpu.memory_space<hbm>> -> memref<80x128xi32, #tpu.memory_space<hbm>>
      tpu.wait_dma2 semaphore(%run_scoped3A : memref<!tpu.dma_semaphore, #tpu.memory_space<semaphore_mem>>) src(%dma_wait3A_28 : memref<80x128xi32, #tpu.memory_space<hbm>>) dst(%arg8 : memref<80x128xi32, #tpu.memory_space<vmem>>)
      tpu.yield
    }) : () -> ()
    %scan3A_15 = arith.constant 0 : i32
    %scan3A_16 = arith.constant 0 : i32
    %scan3A_17 = arith.constant 20 : i32
    %scan3A_18 = arith.addi %scan3A_16, %scan3A_17 : i32
    %scan3A_19 = arith.constant 1 : i32
    %scan3A_20 = scf.for %scan3A_23 = %scan3A_16 to %scan3A_18 step %scan3A_19 iter_args(%scan3A_24 = %scan3A_15) -> (i32)  : i32 {
      %mul3A_25 = arith.constant 80 : i32
      %mul3A_26 = arith.muli %add3A, %mul3A_25 : i32
      %mul3A_27 = arith.constant 4 : i32
      %mul3A_28 = arith.muli %scan3A_23, %mul3A_27 : i32
      %add3A_29 = arith.addi %mul3A_26, %mul3A_28 : i32
      %mul3A_30 = arith.constant 4 : i32
      %mul3A_31 = arith.muli %scan3A_23, %mul3A_30 : i32
      %add3A_32 = arith.constant 0 : i32
      %add3A_33 = arith.addi %mul3A_31, %add3A_32 : i32
      %dma_start3A = arith.constant 0 : i32
      %dma_start3A_34 = arith.constant 0 : i32
      %dma_start3A_35 = tpu.memref_slice %arg9[%dma_start3A, %dma_start3A_34] : memref<512x64xf32, #tpu.memory_space<vmem>> -> memref<128x64xf32, #tpu.memory_space<vmem>>
      %dma_start3A_36 = arith.constant 0 : i32
      %dma_start3A_37 = tpu.memref_slice %arg7[%add3A_33, %dma_start3A_36] : memref<80x128xi32, #tpu.memory_space<vmem>> -> memref<1x128xi32, #tpu.memory_space<vmem>>
      %dma_start3A_38 = tpu.memref_squeeze %dma_start3A_37 : memref<1x128xi32, #tpu.memory_space<vmem>> -> memref<128xi32, #tpu.memory_space<vmem>>
      %dma_start3A_39 = arith.constant 0 : i32
      %dma_start3A_40 = arith.constant 0 : i32
      %dma_start3A_41 = tpu.memref_slice %arg2[%dma_start3A_39, %dma_start3A_40] : memref<10000x64xf32, #tpu.memory_space<hbm>> -> memref<10000x64xf32, #tpu.memory_space<hbm>>
      tpu.enqueue_indirect_dma source(%dma_start3A_41 : memref<10000x64xf32, #tpu.memory_space<hbm>>) target(%dma_start3A_35 : memref<128x64xf32, #tpu.memory_space<vmem>>) offsets(%dma_start3A_38 : memref<128xi32, #tpu.memory_space<vmem>>) semaphore(%arg12 : memref<!tpu.dma_semaphore, #tpu.memory_space<semaphore_mem>>)
      %mul3A_42 = arith.constant 4 : i32
      %mul3A_43 = arith.muli %scan3A_23, %mul3A_42 : i32
      %add3A_44 = arith.constant 1 : i32
      %add3A_45 = arith.addi %mul3A_43, %add3A_44 : i32
      %dma_start3A_46 = arith.constant 128 : i32
      %dma_start3A_47 = arith.constant 0 : i32
      %dma_start3A_48 = tpu.memref_slice %arg9[%dma_start3A_46, %dma_start3A_47] : memref<512x64xf32, #tpu.memory_space<vmem>> -> memref<128x64xf32, #tpu.memory_space<vmem>>
      %dma_start3A_49 = arith.constant 0 : i32
      %dma_start3A_50 = tpu.memref_slice %arg7[%add3A_45, %dma_start3A_49] : memref<80x128xi32, #tpu.memory_space<vmem>> -> memref<1x128xi32, #tpu.memory_space<vmem>>
      %dma_start3A_51 = tpu.memref_squeeze %dma_start3A_50 : memref<1x128xi32, #tpu.memory_space<vmem>> -> memref<128xi32, #tpu.memory_space<vmem>>
      %dma_start3A_52 = arith.constant 0 : i32
      %dma_start3A_53 = arith.constant 0 : i32
      %dma_start3A_54 = tpu.memref_slice %arg2[%dma_start3A_52, %dma_start3A_53] : memref<10000x64xf32, #tpu.memory_space<hbm>> -> memref<10000x64xf32, #tpu.memory_space<hbm>>
      tpu.enqueue_indirect_dma source(%dma_start3A_54 : memref<10000x64xf32, #tpu.memory_space<hbm>>) target(%dma_start3A_48 : memref<128x64xf32, #tpu.memory_space<vmem>>) offsets(%dma_start3A_51 : memref<128xi32, #tpu.memory_space<vmem>>) semaphore(%arg12 : memref<!tpu.dma_semaphore, #tpu.memory_space<semaphore_mem>>)
      %mul3A_55 = arith.constant 4 : i32
      %mul3A_56 = arith.muli %scan3A_23, %mul3A_55 : i32
      %add3A_57 = arith.constant 2 : i32
      %add3A_58 = arith.addi %mul3A_56, %add3A_57 : i32
      %dma_start3A_59 = arith.constant 256 : i32
      %dma_start3A_60 = arith.constant 0 : i32
      %dma_start3A_61 = tpu.memref_slice %arg9[%dma_start3A_59, %dma_start3A_60] : memref<512x64xf32, #tpu.memory_space<vmem>> -> memref<128x64xf32, #tpu.memory_space<vmem>>
      %dma_start3A_62 = arith.constant 0 : i32
      %dma_start3A_63 = tpu.memref_slice %arg7[%add3A_58, %dma_start3A_62] : memref<80x128xi32, #tpu.memory_space<vmem>> -> memref<1x128xi32, #tpu.memory_space<vmem>>
      %dma_start3A_64 = tpu.memref_squeeze %dma_start3A_63 : memref<1x128xi32, #tpu.memory_space<vmem>> -> memref<128xi32, #tpu.memory_space<vmem>>
      %dma_start3A_65 = arith.constant 0 : i32
      %dma_start3A_66 = arith.constant 0 : i32
      %dma_start3A_67 = tpu.memref_slice %arg2[%dma_start3A_65, %dma_start3A_66] : memref<10000x64xf32, #tpu.memory_space<hbm>> -> memref<10000x64xf32, #tpu.memory_space<hbm>>
      tpu.enqueue_indirect_dma source(%dma_start3A_67 : memref<10000x64xf32, #tpu.memory_space<hbm>>) target(%dma_start3A_61 : memref<128x64xf32, #tpu.memory_space<vmem>>) offsets(%dma_start3A_64 : memref<128xi32, #tpu.memory_space<vmem>>) semaphore(%arg12 : memref<!tpu.dma_semaphore, #tpu.memory_space<semaphore_mem>>)
      %mul3A_68 = arith.constant 4 : i32
      %mul3A_69 = arith.muli %scan3A_23, %mul3A_68 : i32
      %add3A_70 = arith.constant 3 : i32
      %add3A_71 = arith.addi %mul3A_69, %add3A_70 : i32
      %dma_start3A_72 = arith.constant 384 : i32
      %dma_start3A_73 = arith.constant 0 : i32
      %dma_start3A_74 = tpu.memref_slice %arg9[%dma_start3A_72, %dma_start3A_73] : memref<512x64xf32, #tpu.memory_space<vmem>> -> memref<128x64xf32, #tpu.memory_space<vmem>>
      %dma_start3A_75 = arith.constant 0 : i32
      %dma_start3A_76 = tpu.memref_slice %arg7[%add3A_71, %dma_start3A_75] : memref<80x128xi32, #tpu.memory_space<vmem>> -> memref<1x128xi32, #tpu.memory_space<vmem>>
      %dma_start3A_77 = tpu.memref_squeeze %dma_start3A_76 : memref<1x128xi32, #tpu.memory_space<vmem>> -> memref<128xi32, #tpu.memory_space<vmem>>
      %dma_start3A_78 = arith.constant 0 : i32
      %dma_start3A_79 = arith.constant 0 : i32
      %dma_start3A_80 = tpu.memref_slice %arg2[%dma_start3A_78, %dma_start3A_79] : memref<10000x64xf32, #tpu.memory_space<hbm>> -> memref<10000x64xf32, #tpu.memory_space<hbm>>
      tpu.enqueue_indirect_dma source(%dma_start3A_80 : memref<10000x64xf32, #tpu.memory_space<hbm>>) target(%dma_start3A_74 : memref<128x64xf32, #tpu.memory_space<vmem>>) offsets(%dma_start3A_77 : memref<128xi32, #tpu.memory_space<vmem>>) semaphore(%arg12 : memref<!tpu.dma_semaphore, #tpu.memory_space<semaphore_mem>>)
      %mul3A_81 = arith.constant 64 : i32
      %mul3A_82 = arith.muli %add3A_29, %mul3A_81 : i32
      %dma_start3A_83 = arith.constant 0 : i32
      %dma_start3A_84 = tpu.memref_slice %arg3[%mul3A_82, %dma_start3A_83] : memref<163840x128xf32, #tpu.memory_space<hbm>> -> memref<256x128xf32, #tpu.memory_space<hbm>>
      %dma_start3A_85 = arith.constant 0 : i32
      %dma_start3A_86 = tpu.memref_slice %arg3[%mul3A_82, %dma_start3A_85] : memref<163840x128xf32, #tpu.memory_space<hbm>> -> memref<256x128xf32, #tpu.memory_space<hbm>>
      tpu.enqueue_dma source(%dma_start3A_86 : memref<256x128xf32, #tpu.memory_space<hbm>>) target(%arg10 : memref<256x128xf32, #tpu.memory_space<vmem>>) target_semaphore(%arg13 : memref<!tpu.dma_semaphore, #tpu.memory_space<semaphore_mem>>)
      %dma_wait3A = arith.constant 0 : i32
      %dma_wait3A_87 = arith.constant 0 : i32
      %dma_wait3A_88 = tpu.memref_slice %arg9[%dma_wait3A, %dma_wait3A_87] : memref<512x64xf32, #tpu.memory_space<vmem>> -> memref<128x64xf32, #tpu.memory_space<vmem>>
      %dma_wait3A_89 = arith.constant 0 : i32
      %dma_wait3A_90 = tpu.memref_slice %arg7[%add3A_33, %dma_wait3A_89] : memref<80x128xi32, #tpu.memory_space<vmem>> -> memref<1x128xi32, #tpu.memory_space<vmem>>
      %dma_wait3A_91 = tpu.memref_squeeze %dma_wait3A_90 : memref<1x128xi32, #tpu.memory_space<vmem>> -> memref<128xi32, #tpu.memory_space<vmem>>
      %dma_wait3A_92 = arith.constant 0 : i32
      %dma_wait3A_93 = arith.constant 0 : i32
      %dma_wait3A_94 = tpu.memref_slice %arg2[%dma_wait3A_92, %dma_wait3A_93] : memref<10000x64xf32, #tpu.memory_space<hbm>> -> memref<10000x64xf32, #tpu.memory_space<hbm>>
      tpu.wait_indirect_dma semaphore(%arg12 : memref<!tpu.dma_semaphore, #tpu.memory_space<semaphore_mem>>) src(%dma_wait3A_94 : memref<10000x64xf32, #tpu.memory_space<hbm>>) dst(%dma_wait3A_88 : memref<128x64xf32, #tpu.memory_space<vmem>>)
      %dma_wait3A_95 = arith.constant 128 : i32
      %dma_wait3A_96 = arith.constant 0 : i32
      %dma_wait3A_97 = tpu.memref_slice %arg9[%dma_wait3A_95, %dma_wait3A_96] : memref<512x64xf32, #tpu.memory_space<vmem>> -> memref<128x64xf32, #tpu.memory_space<vmem>>
      %dma_wait3A_98 = arith.constant 0 : i32
      %dma_wait3A_99 = tpu.memref_slice %arg7[%add3A_45, %dma_wait3A_98] : memref<80x128xi32, #tpu.memory_space<vmem>> -> memref<1x128xi32, #tpu.memory_space<vmem>>
      %dma_wait3A_100 = tpu.memref_squeeze %dma_wait3A_99 : memref<1x128xi32, #tpu.memory_space<vmem>> -> memref<128xi32, #tpu.memory_space<vmem>>
      %dma_wait3A_101 = arith.constant 0 : i32
      %dma_wait3A_102 = arith.constant 0 : i32
      %dma_wait3A_103 = tpu.memref_slice %arg2[%dma_wait3A_101, %dma_wait3A_102] : memref<10000x64xf32, #tpu.memory_space<hbm>> -> memref<10000x64xf32, #tpu.memory_space<hbm>>
      tpu.wait_indirect_dma semaphore(%arg12 : memref<!tpu.dma_semaphore, #tpu.memory_space<semaphore_mem>>) src(%dma_wait3A_103 : memref<10000x64xf32, #tpu.memory_space<hbm>>) dst(%dma_wait3A_97 : memref<128x64xf32, #tpu.memory_space<vmem>>)
      %dma_wait3A_104 = arith.constant 256 : i32
      %dma_wait3A_105 = arith.constant 0 : i32
      %dma_wait3A_106 = tpu.memref_slice %arg9[%dma_wait3A_104, %dma_wait3A_105] : memref<512x64xf32, #tpu.memory_space<vmem>> -> memref<128x64xf32, #tpu.memory_space<vmem>>
      %dma_wait3A_107 = arith.constant 0 : i32
      %dma_wait3A_108 = tpu.memref_slice %arg7[%add3A_58, %dma_wait3A_107] : memref<80x128xi32, #tpu.memory_space<vmem>> -> memref<1x128xi32, #tpu.memory_space<vmem>>
      %dma_wait3A_109 = tpu.memref_squeeze %dma_wait3A_108 : memref<1x128xi32, #tpu.memory_space<vmem>> -> memref<128xi32, #tpu.memory_space<vmem>>
      %dma_wait3A_110 = arith.constant 0 : i32
      %dma_wait3A_111 = arith.constant 0 : i32
      %dma_wait3A_112 = tpu.memref_slice %arg2[%dma_wait3A_110, %dma_wait3A_111] : memref<10000x64xf32, #tpu.memory_space<hbm>> -> memref<10000x64xf32, #tpu.memory_space<hbm>>
      tpu.wait_indirect_dma semaphore(%arg12 : memref<!tpu.dma_semaphore, #tpu.memory_space<semaphore_mem>>) src(%dma_wait3A_112 : memref<10000x64xf32, #tpu.memory_space<hbm>>) dst(%dma_wait3A_106 : memref<128x64xf32, #tpu.memory_space<vmem>>)
      %dma_wait3A_113 = arith.constant 384 : i32
      %dma_wait3A_114 = arith.constant 0 : i32
      %dma_wait3A_115 = tpu.memref_slice %arg9[%dma_wait3A_113, %dma_wait3A_114] : memref<512x64xf32, #tpu.memory_space<vmem>> -> memref<128x64xf32, #tpu.memory_space<vmem>>
      %dma_wait3A_116 = arith.constant 0 : i32
      %dma_wait3A_117 = tpu.memref_slice %arg7[%add3A_71, %dma_wait3A_116] : memref<80x128xi32, #tpu.memory_space<vmem>> -> memref<1x128xi32, #tpu.memory_space<vmem>>
      %dma_wait3A_118 = tpu.memref_squeeze %dma_wait3A_117 : memref<1x128xi32, #tpu.memory_space<vmem>> -> memref<128xi32, #tpu.memory_space<vmem>>
      %dma_wait3A_119 = arith.constant 0 : i32
      %dma_wait3A_120 = arith.constant 0 : i32
      %dma_wait3A_121 = tpu.memref_slice %arg2[%dma_wait3A_119, %dma_wait3A_120] : memref<10000x64xf32, #tpu.memory_space<hbm>> -> memref<10000x64xf32, #tpu.memory_space<hbm>>
      tpu.wait_indirect_dma semaphore(%arg12 : memref<!tpu.dma_semaphore, #tpu.memory_space<semaphore_mem>>) src(%dma_wait3A_121 : memref<10000x64xf32, #tpu.memory_space<hbm>>) dst(%dma_wait3A_115 : memref<128x64xf32, #tpu.memory_space<vmem>>)
      %dma_wait3A_122 = arith.constant 0 : i32
      %dma_wait3A_123 = tpu.memref_slice %arg3[%mul3A_82, %dma_wait3A_122] : memref<163840x128xf32, #tpu.memory_space<hbm>> -> memref<256x128xf32, #tpu.memory_space<hbm>>
      %dma_wait3A_124 = arith.constant 0 : i32
      %dma_wait3A_125 = tpu.memref_slice %arg3[%mul3A_82, %dma_wait3A_124] : memref<163840x128xf32, #tpu.memory_space<hbm>> -> memref<256x128xf32, #tpu.memory_space<hbm>>
      tpu.wait_dma2 semaphore(%arg13 : memref<!tpu.dma_semaphore, #tpu.memory_space<semaphore_mem>>) src(%dma_wait3A_125 : memref<256x128xf32, #tpu.memory_space<hbm>>) dst(%arg10 : memref<256x128xf32, #tpu.memory_space<vmem>>)
      %scan3A_126 = arith.constant 0 : i32
      %scan3A_127 = arith.constant 0 : i32
      %scan3A_128 = arith.constant 256 : i32
      %scan3A_129 = arith.addi %scan3A_127, %scan3A_128 : i32
      %scan3A_130 = arith.constant 1 : i32
      %scan3A_131 = scf.for %scan3A_150 = %scan3A_127 to %scan3A_129 step %scan3A_130 iter_args(%scan3A_151 = %scan3A_126) -> (i32)  : i32 {
        %mul3A_152 = arith.constant 2 : i32
        %mul3A_153 = arith.muli %mul3A_152, %scan3A_150 : i32
        %add3A_154 = arith.constant 0 : i32
        %add3A_155 = arith.addi %mul3A_153, %add3A_154 : i32
        %get3A = arith.index_cast %add3A_155 : i32 to index
        %get3A_156 = arith.constant 0 : index
        %get3A_157 = tpu.vector_load %arg9[%get3A, %get3A_156] {strides = array<i32>} : memref<512x64xf32, #tpu.memory_space<vmem>>, vector<1x16xf32>,
        %get3A_158 = vector.shape_cast %get3A_157 : vector<1x16xf32> to vector<16xf32>
        %get3A_159 = arith.index_cast %scan3A_150 : i32 to index
        %get3A_160 = arith.constant 0 : index
        %get3A_161 = tpu.vector_load %arg10[%get3A_159, %get3A_160] {strides = array<i32>} : memref<256x128xf32, #tpu.memory_space<vmem>>, vector<1x16xf32>,
        %get3A_162 = vector.shape_cast %get3A_161 : vector<1x16xf32> to vector<16xf32>
        %add3A_163 = arith.addf %get3A_158, %get3A_162 : vector<16xf32>
        %broadcast_in_dim3A = arith.constant 0.000000e+00 : f32
        %broadcast_in_dim3A_164 = vector.broadcast %broadcast_in_dim3A : f32 to vector<16xf32>
        %max3A = arith.maximumf %add3A_163, %broadcast_in_dim3A_164 : vector<16xf32>
        %mul3A_165 = arith.constant 2 : i32
        %mul3A_166 = arith.muli %mul3A_165, %scan3A_150 : i32
        %add3A_167 = arith.constant 0 : i32
        %add3A_168 = arith.addi %mul3A_166, %add3A_167 : i32
        %swap3A = arith.index_cast %add3A_168 : i32 to index
        %swap3A_169 = arith.constant 0 : index
        %swap3A_170 = tpu.vector_load %arg9[%swap3A, %swap3A_169] {strides = array<i32>} : memref<512x64xf32, #tpu.memory_space<vmem>>, vector<1x16xf32>,
        %swap3A_171 = vector.shape_cast %swap3A_170 : vector<1x16xf32> to vector<16xf32>
        %swap3A_172 = vector.shape_cast %max3A : vector<16xf32> to vector<1x16xf32>
        tpu.vector_store %arg9[%swap3A, %swap3A_169], %swap3A_172 {strides = array<i32>} : memref<512x64xf32, #tpu.memory_space<vmem>>, vector<1x16xf32>,
        %mul3A_173 = arith.constant 2 : i32
        %mul3A_174 = arith.muli %mul3A_173, %scan3A_150 : i32
        %add3A_175 = arith.constant 0 : i32
        %add3A_176 = arith.addi %mul3A_174, %add3A_175 : i32
        %get3A_177 = arith.index_cast %add3A_176 : i32 to index
        %get3A_178 = arith.constant 16 : index
        %get3A_179 = tpu.vector_load %arg9[%get3A_177, %get3A_178] {strides = array<i32>} : memref<512x64xf32, #tpu.memory_space<vmem>>, vector<1x16xf32>,
        %get3A_180 = vector.shape_cast %get3A_179 : vector<1x16xf32> to vector<16xf32>
        %get3A_181 = arith.index_cast %scan3A_150 : i32 to index
        %get3A_182 = arith.constant 16 : index
        %get3A_183 = tpu.vector_load %arg10[%get3A_181, %get3A_182] {strides = array<i32>} : memref<256x128xf32, #tpu.memory_space<vmem>>, vector<1x16xf32>,
        %get3A_184 = vector.shape_cast %get3A_183 : vector<1x16xf32> to vector<16xf32>
        %add3A_185 = arith.addf %get3A_180, %get3A_184 : vector<16xf32>
        %broadcast_in_dim3A_186 = arith.constant 0.000000e+00 : f32
        %broadcast_in_dim3A_187 = vector.broadcast %broadcast_in_dim3A_186 : f32 to vector<16xf32>
        %max3A_188 = arith.maximumf %add3A_185, %broadcast_in_dim3A_187 : vector<16xf32>
        %mul3A_189 = arith.constant 2 : i32
        %mul3A_190 = arith.muli %mul3A_189, %scan3A_150 : i32
        %add3A_191 = arith.constant 0 : i32
        %add3A_192 = arith.addi %mul3A_190, %add3A_191 : i32
        %swap3A_193 = arith.index_cast %add3A_192 : i32 to index
        %swap3A_194 = arith.constant 16 : index
        %swap3A_195 = tpu.vector_load %arg9[%swap3A_193, %swap3A_194] {strides = array<i32>} : memref<512x64xf32, #tpu.memory_space<vmem>>, vector<1x16xf32>,
        %swap3A_196 = vector.shape_cast %swap3A_195 : vector<1x16xf32> to vector<16xf32>
        %swap3A_197 = vector.shape_cast %max3A_188 : vector<16xf32> to vector<1x16xf32>
        tpu.vector_store %arg9[%swap3A_193, %swap3A_194], %swap3A_197 {strides = array<i32>} : memref<512x64xf32, #tpu.memory_space<vmem>>, vector<1x16xf32>,
        %mul3A_198 = arith.constant 2 : i32
        %mul3A_199 = arith.muli %mul3A_198, %scan3A_150 : i32
        %add3A_200 = arith.constant 0 : i32
        %add3A_201 = arith.addi %mul3A_199, %add3A_200 : i32
        %get3A_202 = arith.index_cast %add3A_201 : i32 to index
        %get3A_203 = arith.constant 32 : index
        %get3A_204 = tpu.vector_load %arg9[%get3A_202, %get3A_203] {strides = array<i32>} : memref<512x64xf32, #tpu.memory_space<vmem>>, vector<1x16xf32>,
        %get3A_205 = vector.shape_cast %get3A_204 : vector<1x16xf32> to vector<16xf32>
        %get3A_206 = arith.index_cast %scan3A_150 : i32 to index
        %get3A_207 = arith.constant 32 : index
        %get3A_208 = tpu.vector_load %arg10[%get3A_206, %get3A_207] {strides = array<i32>} : memref<256x128xf32, #tpu.memory_space<vmem>>, vector<1x16xf32>,
        %get3A_209 = vector.shape_cast %get3A_208 : vector<1x16xf32> to vector<16xf32>
        %add3A_210 = arith.addf %get3A_205, %get3A_209 : vector<16xf32>
        %broadcast_in_dim3A_211 = arith.constant 0.000000e+00 : f32
        %broadcast_in_dim3A_212 = vector.broadcast %broadcast_in_dim3A_211 : f32 to vector<16xf32>
        %max3A_213 = arith.maximumf %add3A_210, %broadcast_in_dim3A_212 : vector<16xf32>
        %mul3A_214 = arith.constant 2 : i32
        %mul3A_215 = arith.muli %mul3A_214, %scan3A_150 : i32
        %add3A_216 = arith.constant 0 : i32
        %add3A_217 = arith.addi %mul3A_215, %add3A_216 : i32
        %swap3A_218 = arith.index_cast %add3A_217 : i32 to index
        %swap3A_219 = arith.constant 32 : index
        %swap3A_220 = tpu.vector_load %arg9[%swap3A_218, %swap3A_219] {strides = array<i32>} : memref<512x64xf32, #tpu.memory_space<vmem>>, vector<1x16xf32>,
        %swap3A_221 = vector.shape_cast %swap3A_220 : vector<1x16xf32> to vector<16xf32>
        %swap3A_222 = vector.shape_cast %max3A_213 : vector<16xf32> to vector<1x16xf32>
        tpu.vector_store %arg9[%swap3A_218, %swap3A_219], %swap3A_222 {strides = array<i32>} : memref<512x64xf32, #tpu.memory_space<vmem>>, vector<1x16xf32>,
        %mul3A_223 = arith.constant 2 : i32
        %mul3A_224 = arith.muli %mul3A_223, %scan3A_150 : i32
        %add3A_225 = arith.constant 0 : i32
        %add3A_226 = arith.addi %mul3A_224, %add3A_225 : i32
        %get3A_227 = arith.index_cast %add3A_226 : i32 to index
        %get3A_228 = arith.constant 48 : index
        %get3A_229 = tpu.vector_load %arg9[%get3A_227, %get3A_228] {strides = array<i32>} : memref<512x64xf32, #tpu.memory_space<vmem>>, vector<1x16xf32>,
        %get3A_230 = vector.shape_cast %get3A_229 : vector<1x16xf32> to vector<16xf32>
        %get3A_231 = arith.index_cast %scan3A_150 : i32 to index
        %get3A_232 = arith.constant 48 : index
        %get3A_233 = tpu.vector_load %arg10[%get3A_231, %get3A_232] {strides = array<i32>} : memref<256x128xf32, #tpu.memory_space<vmem>>, vector<1x16xf32>,
        %get3A_234 = vector.shape_cast %get3A_233 : vector<1x16xf32> to vector<16xf32>
        %add3A_235 = arith.addf %get3A_230, %get3A_234 : vector<16xf32>
        %broadcast_in_dim3A_236 = arith.constant 0.000000e+00 : f32
        %broadcast_in_dim3A_237 = vector.broadcast %broadcast_in_dim3A_236 : f32 to vector<16xf32>
        %max3A_238 = arith.maximumf %add3A_235, %broadcast_in_dim3A_237 : vector<16xf32>
        %mul3A_239 = arith.constant 2 : i32
        %mul3A_240 = arith.muli %mul3A_239, %scan3A_150 : i32
        %add3A_241 = arith.constant 0 : i32
        %add3A_242 = arith.addi %mul3A_240, %add3A_241 : i32
        %swap3A_243 = arith.index_cast %add3A_242 : i32 to index
        %swap3A_244 = arith.constant 48 : index
        %swap3A_245 = tpu.vector_load %arg9[%swap3A_243, %swap3A_244] {strides = array<i32>} : memref<512x64xf32, #tpu.memory_space<vmem>>, vector<1x16xf32>,
        %swap3A_246 = vector.shape_cast %swap3A_245 : vector<1x16xf32> to vector<16xf32>
        %swap3A_247 = vector.shape_cast %max3A_238 : vector<16xf32> to vector<1x16xf32>
        tpu.vector_store %arg9[%swap3A_243, %swap3A_244], %swap3A_247 {strides = array<i32>} : memref<512x64xf32, #tpu.memory_space<vmem>>, vector<1x16xf32>,
        %mul3A_248 = arith.constant 2 : i32
        %mul3A_249 = arith.muli %mul3A_248, %scan3A_150 : i32
        %add3A_250 = arith.constant 1 : i32
        %add3A_251 = arith.addi %mul3A_249, %add3A_250 : i32
        %get3A_252 = arith.index_cast %add3A_251 : i32 to index
        %get3A_253 = arith.constant 0 : index
        %get3A_254 = tpu.vector_load %arg9[%get3A_252, %get3A_253] {strides = array<i32>} : memref<512x64xf32, #tpu.memory_space<vmem>>, vector<1x16xf32>,
        %get3A_255 = vector.shape_cast %get3A_254 : vector<1x16xf32> to vector<16xf32>
        %get3A_256 = arith.index_cast %scan3A_150 : i32 to index
        %get3A_257 = arith.constant 64 : index
        %get3A_258 = tpu.vector_load %arg10[%get3A_256, %get3A_257] {strides = array<i32>} : memref<256x128xf32, #tpu.memory_space<vmem>>, vector<1x16xf32>,
        %get3A_259 = vector.shape_cast %get3A_258 : vector<1x16xf32> to vector<16xf32>
        %add3A_260 = arith.addf %get3A_255, %get3A_259 : vector<16xf32>
        %broadcast_in_dim3A_261 = arith.constant 0.000000e+00 : f32
        %broadcast_in_dim3A_262 = vector.broadcast %broadcast_in_dim3A_261 : f32 to vector<16xf32>
        %max3A_263 = arith.maximumf %add3A_260, %broadcast_in_dim3A_262 : vector<16xf32>
        %mul3A_264 = arith.constant 2 : i32
        %mul3A_265 = arith.muli %mul3A_264, %scan3A_150 : i32
        %add3A_266 = arith.constant 1 : i32
        %add3A_267 = arith.addi %mul3A_265, %add3A_266 : i32
        %swap3A_268 = arith.index_cast %add3A_267 : i32 to index
        %swap3A_269 = arith.constant 0 : index
        %swap3A_270 = tpu.vector_load %arg9[%swap3A_268, %swap3A_269] {strides = array<i32>} : memref<512x64xf32, #tpu.memory_space<vmem>>, vector<1x16xf32>,
        %swap3A_271 = vector.shape_cast %swap3A_270 : vector<1x16xf32> to vector<16xf32>
        %swap3A_272 = vector.shape_cast %max3A_263 : vector<16xf32> to vector<1x16xf32>
        tpu.vector_store %arg9[%swap3A_268, %swap3A_269], %swap3A_272 {strides = array<i32>} : memref<512x64xf32, #tpu.memory_space<vmem>>, vector<1x16xf32>,
        %mul3A_273 = arith.constant 2 : i32
        %mul3A_274 = arith.muli %mul3A_273, %scan3A_150 : i32
        %add3A_275 = arith.constant 1 : i32
        %add3A_276 = arith.addi %mul3A_274, %add3A_275 : i32
        %get3A_277 = arith.index_cast %add3A_276 : i32 to index
        %get3A_278 = arith.constant 16 : index
        %get3A_279 = tpu.vector_load %arg9[%get3A_277, %get3A_278] {strides = array<i32>} : memref<512x64xf32, #tpu.memory_space<vmem>>, vector<1x16xf32>,
        %get3A_280 = vector.shape_cast %get3A_279 : vector<1x16xf32> to vector<16xf32>
        %get3A_281 = arith.index_cast %scan3A_150 : i32 to index
        %get3A_282 = arith.constant 80 : index
        %get3A_283 = tpu.vector_load %arg10[%get3A_281, %get3A_282] {strides = array<i32>} : memref<256x128xf32, #tpu.memory_space<vmem>>, vector<1x16xf32>,
        %get3A_284 = vector.shape_cast %get3A_283 : vector<1x16xf32> to vector<16xf32>
        %add3A_285 = arith.addf %get3A_280, %get3A_284 : vector<16xf32>
        %broadcast_in_dim3A_286 = arith.constant 0.000000e+00 : f32
        %broadcast_in_dim3A_287 = vector.broadcast %broadcast_in_dim3A_286 : f32 to vector<16xf32>
        %max3A_288 = arith.maximumf %add3A_285, %broadcast_in_dim3A_287 : vector<16xf32>
        %mul3A_289 = arith.constant 2 : i32
        %mul3A_290 = arith.muli %mul3A_289, %scan3A_150 : i32
        %add3A_291 = arith.constant 1 : i32
        %add3A_292 = arith.addi %mul3A_290, %add3A_291 : i32
        %swap3A_293 = arith.index_cast %add3A_292 : i32 to index
        %swap3A_294 = arith.constant 16 : index
        %swap3A_295 = tpu.vector_load %arg9[%swap3A_293, %swap3A_294] {strides = array<i32>} : memref<512x64xf32, #tpu.memory_space<vmem>>, vector<1x16xf32>,
        %swap3A_296 = vector.shape_cast %swap3A_295 : vector<1x16xf32> to vector<16xf32>
        %swap3A_297 = vector.shape_cast %max3A_288 : vector<16xf32> to vector<1x16xf32>
        tpu.vector_store %arg9[%swap3A_293, %swap3A_294], %swap3A_297 {strides = array<i32>} : memref<512x64xf32, #tpu.memory_space<vmem>>, vector<1x16xf32>,
        %mul3A_298 = arith.constant 2 : i32
        %mul3A_299 = arith.muli %mul3A_298, %scan3A_150 : i32
        %add3A_300 = arith.constant 1 : i32
        %add3A_301 = arith.addi %mul3A_299, %add3A_300 : i32
        %get3A_302 = arith.index_cast %add3A_301 : i32 to index
        %get3A_303 = arith.constant 32 : index
        %get3A_304 = tpu.vector_load %arg9[%get3A_302, %get3A_303] {strides = array<i32>} : memref<512x64xf32, #tpu.memory_space<vmem>>, vector<1x16xf32>,
        %get3A_305 = vector.shape_cast %get3A_304 : vector<1x16xf32> to vector<16xf32>
        %get3A_306 = arith.index_cast %scan3A_150 : i32 to index
        %get3A_307 = arith.constant 96 : index
        %get3A_308 = tpu.vector_load %arg10[%get3A_306, %get3A_307] {strides = array<i32>} : memref<256x128xf32, #tpu.memory_space<vmem>>, vector<1x16xf32>,
        %get3A_309 = vector.shape_cast %get3A_308 : vector<1x16xf32> to vector<16xf32>
        %add3A_310 = arith.addf %get3A_305, %get3A_309 : vector<16xf32>
        %broadcast_in_dim3A_311 = arith.constant 0.000000e+00 : f32
        %broadcast_in_dim3A_312 = vector.broadcast %broadcast_in_dim3A_311 : f32 to vector<16xf32>
        %max3A_313 = arith.maximumf %add3A_310, %broadcast_in_dim3A_312 : vector<16xf32>
        %mul3A_314 = arith.constant 2 : i32
        %mul3A_315 = arith.muli %mul3A_314, %scan3A_150 : i32
        %add3A_316 = arith.constant 1 : i32
        %add3A_317 = arith.addi %mul3A_315, %add3A_316 : i32
        %swap3A_318 = arith.index_cast %add3A_317 : i32 to index
        %swap3A_319 = arith.constant 32 : index
        %swap3A_320 = tpu.vector_load %arg9[%swap3A_318, %swap3A_319] {strides = array<i32>} : memref<512x64xf32, #tpu.memory_space<vmem>>, vector<1x16xf32>,
        %swap3A_321 = vector.shape_cast %swap3A_320 : vector<1x16xf32> to vector<16xf32>
        %swap3A_322 = vector.shape_cast %max3A_313 : vector<16xf32> to vector<1x16xf32>
        tpu.vector_store %arg9[%swap3A_318, %swap3A_319], %swap3A_322 {strides = array<i32>} : memref<512x64xf32, #tpu.memory_space<vmem>>, vector<1x16xf32>,
        %mul3A_323 = arith.constant 2 : i32
        %mul3A_324 = arith.muli %mul3A_323, %scan3A_150 : i32
        %add3A_325 = arith.constant 1 : i32
        %add3A_326 = arith.addi %mul3A_324, %add3A_325 : i32
        %get3A_327 = arith.index_cast %add3A_326 : i32 to index
        %get3A_328 = arith.constant 48 : index
        %get3A_329 = tpu.vector_load %arg9[%get3A_327, %get3A_328] {strides = array<i32>} : memref<512x64xf32, #tpu.memory_space<vmem>>, vector<1x16xf32>,
        %get3A_330 = vector.shape_cast %get3A_329 : vector<1x16xf32> to vector<16xf32>
        %get3A_331 = arith.index_cast %scan3A_150 : i32 to index
        %get3A_332 = arith.constant 112 : index
        %get3A_333 = tpu.vector_load %arg10[%get3A_331, %get3A_332] {strides = array<i32>} : memref<256x128xf32, #tpu.memory_space<vmem>>, vector<1x16xf32>,
        %get3A_334 = vector.shape_cast %get3A_333 : vector<1x16xf32> to vector<16xf32>
        %add3A_335 = arith.addf %get3A_330, %get3A_334 : vector<16xf32>
        %broadcast_in_dim3A_336 = arith.constant 0.000000e+00 : f32
        %broadcast_in_dim3A_337 = vector.broadcast %broadcast_in_dim3A_336 : f32 to vector<16xf32>
        %max3A_338 = arith.maximumf %add3A_335, %broadcast_in_dim3A_337 : vector<16xf32>
        %mul3A_339 = arith.constant 2 : i32
        %mul3A_340 = arith.muli %mul3A_339, %scan3A_150 : i32
        %add3A_341 = arith.constant 1 : i32
        %add3A_342 = arith.addi %mul3A_340, %add3A_341 : i32
        %swap3A_343 = arith.index_cast %add3A_342 : i32 to index
        %swap3A_344 = arith.constant 48 : index
        %swap3A_345 = tpu.vector_load %arg9[%swap3A_343, %swap3A_344] {strides = array<i32>} : memref<512x64xf32, #tpu.memory_space<vmem>>, vector<1x16xf32>,
        %swap3A_346 = vector.shape_cast %swap3A_345 : vector<1x16xf32> to vector<16xf32>
        %swap3A_347 = vector.shape_cast %max3A_338 : vector<16xf32> to vector<1x16xf32>
        tpu.vector_store %arg9[%swap3A_343, %swap3A_344], %swap3A_347 {strides = array<i32>} : memref<512x64xf32, #tpu.memory_space<vmem>>, vector<1x16xf32>,
        %scan3A_348 = arith.constant 0 : i32
        scf.yield %scan3A_348 : i32
      }
      %scan3A_132 = arith.constant 256 : i32
      %mul3A_133 = arith.constant 4 : i32
      %mul3A_134 = arith.muli %scan3A_23, %mul3A_133 : i32
      %add3A_135 = arith.constant 0 : i32
      %add3A_136 = arith.addi %mul3A_134, %add3A_135 : i32
      "tpu.region"() ({
        %run_scoped3A = tpu.sem_alloc : memref<!tpu.dma_semaphore, #tpu.memory_space<semaphore_mem>>
        %dma_start3A_150 = arith.constant 0 : i32
        %dma_start3A_151 = arith.constant 0 : i32
        %dma_start3A_152 = tpu.memref_slice %arg9[%dma_start3A_150, %dma_start3A_151] : memref<512x64xf32, #tpu.memory_space<vmem>> -> memref<128x64xf32, #tpu.memory_space<vmem>>
        %dma_start3A_153 = arith.constant 0 : i32
        %dma_start3A_154 = tpu.memref_slice %arg8[%add3A_136, %dma_start3A_153] : memref<80x128xi32, #tpu.memory_space<vmem>> -> memref<1x128xi32, #tpu.memory_space<vmem>>
        %dma_start3A_155 = tpu.memref_squeeze %dma_start3A_154 : memref<1x128xi32, #tpu.memory_space<vmem>> -> memref<128xi32, #tpu.memory_space<vmem>>
        %dma_start3A_156 = arith.constant 0 : i32
        %dma_start3A_157 = arith.constant 0 : i32
        %dma_start3A_158 = tpu.memref_slice %arg11[%dma_start3A_156, %dma_start3A_157] : memref<10112x64xf32, #tpu.memory_space<vmem_shared>> -> memref<10112x64xf32, #tpu.memory_space<vmem_shared>>
        tpu.enqueue_indirect_dma source(%dma_start3A_152 : memref<128x64xf32, #tpu.memory_space<vmem>>) target(%dma_start3A_158 : memref<10112x64xf32, #tpu.memory_space<vmem_shared>>) offsets(%dma_start3A_155 : memref<128xi32, #tpu.memory_space<vmem>>) semaphore(%run_scoped3A : memref<!tpu.dma_semaphore, #tpu.memory_space<semaphore_mem>>) {add = true}
        %dma_wait3A_159 = arith.constant 0 : i32
        %dma_wait3A_160 = arith.constant 0 : i32
        %dma_wait3A_161 = tpu.memref_slice %arg9[%dma_wait3A_159, %dma_wait3A_160] : memref<512x64xf32, #tpu.memory_space<vmem>> -> memref<128x64xf32, #tpu.memory_space<vmem>>
        %dma_wait3A_162 = arith.constant 0 : i32
        %dma_wait3A_163 = tpu.memref_slice %arg8[%add3A_136, %dma_wait3A_162] : memref<80x128xi32, #tpu.memory_space<vmem>> -> memref<1x128xi32, #tpu.memory_space<vmem>>
        %dma_wait3A_164 = tpu.memref_squeeze %dma_wait3A_163 : memref<1x128xi32, #tpu.memory_space<vmem>> -> memref<128xi32, #tpu.memory_space<vmem>>
        %dma_wait3A_165 = arith.constant 0 : i32
        %dma_wait3A_166 = arith.constant 0 : i32
        %dma_wait3A_167 = tpu.memref_slice %arg11[%dma_wait3A_165, %dma_wait3A_166] : memref<10112x64xf32, #tpu.memory_space<vmem_shared>> -> memref<10112x64xf32, #tpu.memory_space<vmem_shared>>
        tpu.wait_indirect_dma semaphore(%run_scoped3A : memref<!tpu.dma_semaphore, #tpu.memory_space<semaphore_mem>>) src(%dma_wait3A_161 : memref<128x64xf32, #tpu.memory_space<vmem>>) dst(%dma_wait3A_167 : memref<10112x64xf32, #tpu.memory_space<vmem_shared>>)
        tpu.yield
      }) : () -> ()
      %mul3A_137 = arith.constant 4 : i32
      %mul3A_138 = arith.muli %scan3A_23, %mul3A_137 : i32
      %add3A_139 = arith.constant 1 : i32
      %add3A_140 = arith.addi %mul3A_138, %add3A_139 : i32
      "tpu.region"() ({
        %run_scoped3A = tpu.sem_alloc : memref<!tpu.dma_semaphore, #tpu.memory_space<semaphore_mem>>
        %dma_start3A_150 = arith.constant 128 : i32
        %dma_start3A_151 = arith.constant 0 : i32
        %dma_start3A_152 = tpu.memref_slice %arg9[%dma_start3A_150, %dma_start3A_151] : memref<512x64xf32, #tpu.memory_space<vmem>> -> memref<128x64xf32, #tpu.memory_space<vmem>>
        %dma_start3A_153 = arith.constant 0 : i32
        %dma_start3A_154 = tpu.memref_slice %arg8[%add3A_140, %dma_start3A_153] : memref<80x128xi32, #tpu.memory_space<vmem>> -> memref<1x128xi32, #tpu.memory_space<vmem>>
        %dma_start3A_155 = tpu.memref_squeeze %dma_start3A_154 : memref<1x128xi32, #tpu.memory_space<vmem>> -> memref<128xi32, #tpu.memory_space<vmem>>
        %dma_start3A_156 = arith.constant 0 : i32
        %dma_start3A_157 = arith.constant 0 : i32
        %dma_start3A_158 = tpu.memref_slice %arg11[%dma_start3A_156, %dma_start3A_157] : memref<10112x64xf32, #tpu.memory_space<vmem_shared>> -> memref<10112x64xf32, #tpu.memory_space<vmem_shared>>
        tpu.enqueue_indirect_dma source(%dma_start3A_152 : memref<128x64xf32, #tpu.memory_space<vmem>>) target(%dma_start3A_158 : memref<10112x64xf32, #tpu.memory_space<vmem_shared>>) offsets(%dma_start3A_155 : memref<128xi32, #tpu.memory_space<vmem>>) semaphore(%run_scoped3A : memref<!tpu.dma_semaphore, #tpu.memory_space<semaphore_mem>>) {add = true}
        %dma_wait3A_159 = arith.constant 128 : i32
        %dma_wait3A_160 = arith.constant 0 : i32
        %dma_wait3A_161 = tpu.memref_slice %arg9[%dma_wait3A_159, %dma_wait3A_160] : memref<512x64xf32, #tpu.memory_space<vmem>> -> memref<128x64xf32, #tpu.memory_space<vmem>>
        %dma_wait3A_162 = arith.constant 0 : i32
        %dma_wait3A_163 = tpu.memref_slice %arg8[%add3A_140, %dma_wait3A_162] : memref<80x128xi32, #tpu.memory_space<vmem>> -> memref<1x128xi32, #tpu.memory_space<vmem>>
        %dma_wait3A_164 = tpu.memref_squeeze %dma_wait3A_163 : memref<1x128xi32, #tpu.memory_space<vmem>> -> memref<128xi32, #tpu.memory_space<vmem>>
        %dma_wait3A_165 = arith.constant 0 : i32
        %dma_wait3A_166 = arith.constant 0 : i32
        %dma_wait3A_167 = tpu.memref_slice %arg11[%dma_wait3A_165, %dma_wait3A_166] : memref<10112x64xf32, #tpu.memory_space<vmem_shared>> -> memref<10112x64xf32, #tpu.memory_space<vmem_shared>>
        tpu.wait_indirect_dma semaphore(%run_scoped3A : memref<!tpu.dma_semaphore, #tpu.memory_space<semaphore_mem>>) src(%dma_wait3A_161 : memref<128x64xf32, #tpu.memory_space<vmem>>) dst(%dma_wait3A_167 : memref<10112x64xf32, #tpu.memory_space<vmem_shared>>)
        tpu.yield
      }) : () -> ()
      %mul3A_141 = arith.constant 4 : i32
      %mul3A_142 = arith.muli %scan3A_23, %mul3A_141 : i32
      %add3A_143 = arith.constant 2 : i32
      %add3A_144 = arith.addi %mul3A_142, %add3A_143 : i32
      "tpu.region"() ({
        %run_scoped3A = tpu.sem_alloc : memref<!tpu.dma_semaphore, #tpu.memory_space<semaphore_mem>>
        %dma_start3A_150 = arith.constant 256 : i32
        %dma_start3A_151 = arith.constant 0 : i32
        %dma_start3A_152 = tpu.memref_slice %arg9[%dma_start3A_150, %dma_start3A_151] : memref<512x64xf32, #tpu.memory_space<vmem>> -> memref<128x64xf32, #tpu.memory_space<vmem>>
        %dma_start3A_153 = arith.constant 0 : i32
        %dma_start3A_154 = tpu.memref_slice %arg8[%add3A_144, %dma_start3A_153] : memref<80x128xi32, #tpu.memory_space<vmem>> -> memref<1x128xi32, #tpu.memory_space<vmem>>
        %dma_start3A_155 = tpu.memref_squeeze %dma_start3A_154 : memref<1x128xi32, #tpu.memory_space<vmem>> -> memref<128xi32, #tpu.memory_space<vmem>>
        %dma_start3A_156 = arith.constant 0 : i32
        %dma_start3A_157 = arith.constant 0 : i32
        %dma_start3A_158 = tpu.memref_slice %arg11[%dma_start3A_156, %dma_start3A_157] : memref<10112x64xf32, #tpu.memory_space<vmem_shared>> -> memref<10112x64xf32, #tpu.memory_space<vmem_shared>>
        tpu.enqueue_indirect_dma source(%dma_start3A_152 : memref<128x64xf32, #tpu.memory_space<vmem>>) target(%dma_start3A_158 : memref<10112x64xf32, #tpu.memory_space<vmem_shared>>) offsets(%dma_start3A_155 : memref<128xi32, #tpu.memory_space<vmem>>) semaphore(%run_scoped3A : memref<!tpu.dma_semaphore, #tpu.memory_space<semaphore_mem>>) {add = true}
        %dma_wait3A_159 = arith.constant 256 : i32
        %dma_wait3A_160 = arith.constant 0 : i32
        %dma_wait3A_161 = tpu.memref_slice %arg9[%dma_wait3A_159, %dma_wait3A_160] : memref<512x64xf32, #tpu.memory_space<vmem>> -> memref<128x64xf32, #tpu.memory_space<vmem>>
        %dma_wait3A_162 = arith.constant 0 : i32
        %dma_wait3A_163 = tpu.memref_slice %arg8[%add3A_144, %dma_wait3A_162] : memref<80x128xi32, #tpu.memory_space<vmem>> -> memref<1x128xi32, #tpu.memory_space<vmem>>
        %dma_wait3A_164 = tpu.memref_squeeze %dma_wait3A_163 : memref<1x128xi32, #tpu.memory_space<vmem>> -> memref<128xi32, #tpu.memory_space<vmem>>
        %dma_wait3A_165 = arith.constant 0 : i32
        %dma_wait3A_166 = arith.constant 0 : i32
        %dma_wait3A_167 = tpu.memref_slice %arg11[%dma_wait3A_165, %dma_wait3A_166] : memref<10112x64xf32, #tpu.memory_space<vmem_shared>> -> memref<10112x64xf32, #tpu.memory_space<vmem_shared>>
        tpu.wait_indirect_dma semaphore(%run_scoped3A : memref<!tpu.dma_semaphore, #tpu.memory_space<semaphore_mem>>) src(%dma_wait3A_161 : memref<128x64xf32, #tpu.memory_space<vmem>>) dst(%dma_wait3A_167 : memref<10112x64xf32, #tpu.memory_space<vmem_shared>>)
        tpu.yield
      }) : () -> ()
      %mul3A_145 = arith.constant 4 : i32
      %mul3A_146 = arith.muli %scan3A_23, %mul3A_145 : i32
      %add3A_147 = arith.constant 3 : i32
      %add3A_148 = arith.addi %mul3A_146, %add3A_147 : i32
      "tpu.region"() ({
        %run_scoped3A = tpu.sem_alloc : memref<!tpu.dma_semaphore, #tpu.memory_space<semaphore_mem>>
        %dma_start3A_150 = arith.constant 384 : i32
        %dma_start3A_151 = arith.constant 0 : i32
        %dma_start3A_152 = tpu.memref_slice %arg9[%dma_start3A_150, %dma_start3A_151] : memref<512x64xf32, #tpu.memory_space<vmem>> -> memref<128x64xf32, #tpu.memory_space<vmem>>
        %dma_start3A_153 = arith.constant 0 : i32
        %dma_start3A_154 = tpu.memref_slice %arg8[%add3A_148, %dma_start3A_153] : memref<80x128xi32, #tpu.memory_space<vmem>> -> memref<1x128xi32, #tpu.memory_space<vmem>>
        %dma_start3A_155 = tpu.memref_squeeze %dma_start3A_154 : memref<1x128xi32, #tpu.memory_space<vmem>> -> memref<128xi32, #tpu.memory_space<vmem>>
        %dma_start3A_156 = arith.constant 0 : i32
        %dma_start3A_157 = arith.constant 0 : i32
        %dma_start3A_158 = tpu.memref_slice %arg11[%dma_start3A_156, %dma_start3A_157] : memref<10112x64xf32, #tpu.memory_space<vmem_shared>> -> memref<10112x64xf32, #tpu.memory_space<vmem_shared>>
        tpu.enqueue_indirect_dma source(%dma_start3A_152 : memref<128x64xf32, #tpu.memory_space<vmem>>) target(%dma_start3A_158 : memref<10112x64xf32, #tpu.memory_space<vmem_shared>>) offsets(%dma_start3A_155 : memref<128xi32, #tpu.memory_space<vmem>>) semaphore(%run_scoped3A : memref<!tpu.dma_semaphore, #tpu.memory_space<semaphore_mem>>) {add = true}
        %dma_wait3A_159 = arith.constant 384 : i32
        %dma_wait3A_160 = arith.constant 0 : i32
        %dma_wait3A_161 = tpu.memref_slice %arg9[%dma_wait3A_159, %dma_wait3A_160] : memref<512x64xf32, #tpu.memory_space<vmem>> -> memref<128x64xf32, #tpu.memory_space<vmem>>
        %dma_wait3A_162 = arith.constant 0 : i32
        %dma_wait3A_163 = tpu.memref_slice %arg8[%add3A_148, %dma_wait3A_162] : memref<80x128xi32, #tpu.memory_space<vmem>> -> memref<1x128xi32, #tpu.memory_space<vmem>>
        %dma_wait3A_164 = tpu.memref_squeeze %dma_wait3A_163 : memref<1x128xi32, #tpu.memory_space<vmem>> -> memref<128xi32, #tpu.memory_space<vmem>>
        %dma_wait3A_165 = arith.constant 0 : i32
        %dma_wait3A_166 = arith.constant 0 : i32
        %dma_wait3A_167 = tpu.memref_slice %arg11[%dma_wait3A_165, %dma_wait3A_166] : memref<10112x64xf32, #tpu.memory_space<vmem_shared>> -> memref<10112x64xf32, #tpu.memory_space<vmem_shared>>
        tpu.wait_indirect_dma semaphore(%run_scoped3A : memref<!tpu.dma_semaphore, #tpu.memory_space<semaphore_mem>>) src(%dma_wait3A_161 : memref<128x64xf32, #tpu.memory_space<vmem>>) dst(%dma_wait3A_167 : memref<10112x64xf32, #tpu.memory_space<vmem_shared>>)
        tpu.yield
      }) : () -> ()
      %scan3A_149 = arith.constant 0 : i32
      scf.yield %scan3A_149 : i32
    }
    %scan3A_21 = arith.constant 20 : i32
    %barrier3A_22 = arith.constant 0 : index
    tpu.barrier barrier_id(%barrier3A_22)
    "tpu.region"() ({
      %run_scoped3A = tpu.sem_alloc : memref<!tpu.dma_semaphore, #tpu.memory_space<semaphore_mem>>
      %dma_start3A = arith.constant 0 : i32
      %dma_start3A_23 = tpu.memref_slice %arg6[%arg0, %mul3A_8, %dma_start3A] : memref<2x10112x64xf32, #tpu.memory_space<hbm>> -> memref<1x632x64xf32, #tpu.memory_space<hbm>>
      %dma_start3A_24 = tpu.memref_squeeze %dma_start3A_23 : memref<1x632x64xf32, #tpu.memory_space<hbm>> -> memref<632x64xf32, #tpu.memory_space<hbm>>
      %dma_start3A_25 = arith.constant 0 : i32
      %dma_start3A_26 = tpu.memref_slice %arg11[%mul3A_8, %dma_start3A_25] : memref<10112x64xf32, #tpu.memory_space<vmem_shared>> -> memref<632x64xf32, #tpu.memory_space<vmem_shared>>
      tpu.enqueue_dma source(%dma_start3A_26 : memref<632x64xf32, #tpu.memory_space<vmem_shared>>) target(%dma_start3A_24 : memref<632x64xf32, #tpu.memory_space<hbm>>) target_semaphore(%run_scoped3A : memref<!tpu.dma_semaphore, #tpu.memory_space<semaphore_mem>>)
      %dma_wait3A = arith.constant 0 : i32
      %dma_wait3A_27 = tpu.memref_slice %arg6[%arg0, %mul3A_8, %dma_wait3A] : memref<2x10112x64xf32, #tpu.memory_space<hbm>> -> memref<1x632x64xf32, #tpu.memory_space<hbm>>
      %dma_wait3A_28 = tpu.memref_squeeze %dma_wait3A_27 : memref<1x632x64xf32, #tpu.memory_space<hbm>> -> memref<632x64xf32, #tpu.memory_space<hbm>>
      %dma_wait3A_29 = arith.constant 0 : i32
      %dma_wait3A_30 = tpu.memref_slice %arg11[%mul3A_8, %dma_wait3A_29] : memref<10112x64xf32, #tpu.memory_space<vmem_shared>> -> memref<632x64xf32, #tpu.memory_space<vmem_shared>>
      tpu.wait_dma2 semaphore(%run_scoped3A : memref<!tpu.dma_semaphore, #tpu.memory_space<semaphore_mem>>) src(%dma_wait3A_30 : memref<632x64xf32, #tpu.memory_space<vmem_shared>>) dst(%dma_wait3A_28 : memref<632x64xf32, #tpu.memory_space<hbm>>)
      tpu.yield
    }) : () -> ()
    return
  }
}

#map = affine_map<(d0, d1) -> (0, 0)>
#map1 = affine_map<(d0, d1) -> (0, 0, 0)>
module attributes {stable_mosaic.version = 14 : i64} {
  func.func @body(%arg0: i32, %arg1: i32, %arg2: memref<10000x64xf32, #tpu.memory_space<hbm>>, %arg3: memref<1280x128xi32, #tpu.memory_space<hbm>>, %arg4: memref<1280x128xi32, #tpu.memory_space<hbm>>, %arg5: memref<2x10112x64xf32, #tpu.memory_space<hbm>>, %arg6: memref<40x128xi32, #tpu.memory_space<vmem>>, %arg7: memref<40x128xi32, #tpu.memory_space<vmem>>, %arg8: memref<512x64xf32, #tpu.memory_space<vmem>>, %arg9: memref<10112x64xf32, #tpu.memory_space<vmem_shared>>, %arg10: memref<!tpu.dma_semaphore, #tpu.memory_space<semaphore_mem>>, %arg11: memref<!tpu.dma_semaphore, #tpu.memory_space<semaphore_mem>>) attributes {dimension_semantics = [#tpu.dimension_semantics<core_parallel>, #tpu.dimension_semantics<subcore_parallel>], iteration_bounds = array<i64: 2, 16>, scalar_prefetch = 0 : i64, scratch_operands = 6 : i64, tpu.core_type = #tpu.core_type<sc_vector_subcore>, window_params = [{transform_indices = #map}, {transform_indices = #map}, {transform_indices = #map}, {transform_indices = #map1}]} {
    %mul3A = arith.constant 16 : i32
    %mul3A_0 = arith.muli %arg0, %mul3A : i32
    %add3A = arith.addi %mul3A_0, %arg1 : i32
    %scan3A = arith.constant 0 : i32
    %scan3A_1 = arith.constant 0 : i32
    %scan3A_2 = arith.constant 512 : i32
    %scan3A_3 = arith.addi %scan3A_1, %scan3A_2 : i32
    %scan3A_4 = arith.constant 1 : i32
    %scan3A_5 = scf.for %scan3A_23 = %scan3A_1 to %scan3A_3 step %scan3A_4 iter_args(%scan3A_24 = %scan3A) -> (i32)  : i32 {
      %broadcast_in_dim3A = arith.constant 0.000000e+00 : f32
      %broadcast_in_dim3A_25 = vector.broadcast %broadcast_in_dim3A : f32 to vector<16xf32>
      %swap3A = arith.index_cast %scan3A_23 : i32 to index
      %swap3A_26 = arith.constant 0 : index
      %swap3A_27 = tpu.vector_load %arg8[%swap3A, %swap3A_26] {strides = array<i32>} : memref<512x64xf32, #tpu.memory_space<vmem>>, vector<1x16xf32>,
      %swap3A_28 = vector.shape_cast %swap3A_27 : vector<1x16xf32> to vector<16xf32>
      %swap3A_29 = vector.shape_cast %broadcast_in_dim3A_25 : vector<16xf32> to vector<1x16xf32>
      tpu.vector_store %arg8[%swap3A, %swap3A_26], %swap3A_29 {strides = array<i32>} : memref<512x64xf32, #tpu.memory_space<vmem>>, vector<1x16xf32>,
      %broadcast_in_dim3A_30 = arith.constant 0.000000e+00 : f32
      %broadcast_in_dim3A_31 = vector.broadcast %broadcast_in_dim3A_30 : f32 to vector<16xf32>
      %swap3A_32 = arith.index_cast %scan3A_23 : i32 to index
      %swap3A_33 = arith.constant 16 : index
      %swap3A_34 = tpu.vector_load %arg8[%swap3A_32, %swap3A_33] {strides = array<i32>} : memref<512x64xf32, #tpu.memory_space<vmem>>, vector<1x16xf32>,
      %swap3A_35 = vector.shape_cast %swap3A_34 : vector<1x16xf32> to vector<16xf32>
      %swap3A_36 = vector.shape_cast %broadcast_in_dim3A_31 : vector<16xf32> to vector<1x16xf32>
      tpu.vector_store %arg8[%swap3A_32, %swap3A_33], %swap3A_36 {strides = array<i32>} : memref<512x64xf32, #tpu.memory_space<vmem>>, vector<1x16xf32>,
      %broadcast_in_dim3A_37 = arith.constant 0.000000e+00 : f32
      %broadcast_in_dim3A_38 = vector.broadcast %broadcast_in_dim3A_37 : f32 to vector<16xf32>
      %swap3A_39 = arith.index_cast %scan3A_23 : i32 to index
      %swap3A_40 = arith.constant 32 : index
      %swap3A_41 = tpu.vector_load %arg8[%swap3A_39, %swap3A_40] {strides = array<i32>} : memref<512x64xf32, #tpu.memory_space<vmem>>, vector<1x16xf32>,
      %swap3A_42 = vector.shape_cast %swap3A_41 : vector<1x16xf32> to vector<16xf32>
      %swap3A_43 = vector.shape_cast %broadcast_in_dim3A_38 : vector<16xf32> to vector<1x16xf32>
      tpu.vector_store %arg8[%swap3A_39, %swap3A_40], %swap3A_43 {strides = array<i32>} : memref<512x64xf32, #tpu.memory_space<vmem>>, vector<1x16xf32>,
      %broadcast_in_dim3A_44 = arith.constant 0.000000e+00 : f32
      %broadcast_in_dim3A_45 = vector.broadcast %broadcast_in_dim3A_44 : f32 to vector<16xf32>
      %swap3A_46 = arith.index_cast %scan3A_23 : i32 to index
      %swap3A_47 = arith.constant 48 : index
      %swap3A_48 = tpu.vector_load %arg8[%swap3A_46, %swap3A_47] {strides = array<i32>} : memref<512x64xf32, #tpu.memory_space<vmem>>, vector<1x16xf32>,
      %swap3A_49 = vector.shape_cast %swap3A_48 : vector<1x16xf32> to vector<16xf32>
      %swap3A_50 = vector.shape_cast %broadcast_in_dim3A_45 : vector<16xf32> to vector<1x16xf32>
      tpu.vector_store %arg8[%swap3A_46, %swap3A_47], %swap3A_50 {strides = array<i32>} : memref<512x64xf32, #tpu.memory_space<vmem>>, vector<1x16xf32>,
      %scan3A_51 = arith.constant 0 : i32
      scf.yield %scan3A_51 : i32
    }
    %scan3A_6 = arith.constant 512 : i32
    %mul3A_7 = arith.constant 632 : i32
    %mul3A_8 = arith.muli %arg1, %mul3A_7 : i32
    "tpu.region"() ({
      %run_scoped3A = tpu.sem_alloc : memref<!tpu.dma_semaphore, #tpu.memory_space<semaphore_mem>>
      %dma_start3A = arith.constant 0 : i32
      %dma_start3A_23 = tpu.memref_slice %arg9[%mul3A_8, %dma_start3A] : memref<10112x64xf32, #tpu.memory_space<vmem_shared>> -> memref<512x64xf32, #tpu.memory_space<vmem_shared>>
      %dma_start3A_24 = arith.constant 0 : i32
      %dma_start3A_25 = tpu.memref_slice %arg9[%mul3A_8, %dma_start3A_24] : memref<10112x64xf32, #tpu.memory_space<vmem_shared>> -> memref<512x64xf32, #tpu.memory_space<vmem_shared>>
      tpu.enqueue_dma source(%arg8 : memref<512x64xf32, #tpu.memory_space<vmem>>) target(%dma_start3A_25 : memref<512x64xf32, #tpu.memory_space<vmem_shared>>) target_semaphore(%run_scoped3A : memref<!tpu.dma_semaphore, #tpu.memory_space<semaphore_mem>>)
      %dma_wait3A = arith.constant 0 : i32
      %dma_wait3A_26 = tpu.memref_slice %arg9[%mul3A_8, %dma_wait3A] : memref<10112x64xf32, #tpu.memory_space<vmem_shared>> -> memref<512x64xf32, #tpu.memory_space<vmem_shared>>
      %dma_wait3A_27 = arith.constant 0 : i32
      %dma_wait3A_28 = tpu.memref_slice %arg9[%mul3A_8, %dma_wait3A_27] : memref<10112x64xf32, #tpu.memory_space<vmem_shared>> -> memref<512x64xf32, #tpu.memory_space<vmem_shared>>
      tpu.wait_dma2 semaphore(%run_scoped3A : memref<!tpu.dma_semaphore, #tpu.memory_space<semaphore_mem>>) src(%arg8 : memref<512x64xf32, #tpu.memory_space<vmem>>) dst(%dma_wait3A_28 : memref<512x64xf32, #tpu.memory_space<vmem_shared>>)
      tpu.yield
    }) : () -> ()
    %add3A_9 = arith.constant 512 : i32
    %add3A_10 = arith.addi %mul3A_8, %add3A_9 : i32
    "tpu.region"() ({
      %run_scoped3A = tpu.sem_alloc : memref<!tpu.dma_semaphore, #tpu.memory_space<semaphore_mem>>
      %dma_start3A = arith.constant 0 : i32
      %dma_start3A_23 = arith.constant 0 : i32
      %dma_start3A_24 = tpu.memref_slice %arg8[%dma_start3A, %dma_start3A_23] : memref<512x64xf32, #tpu.memory_space<vmem>> -> memref<120x64xf32, #tpu.memory_space<vmem>>
      %dma_start3A_25 = arith.constant 0 : i32
      %dma_start3A_26 = tpu.memref_slice %arg9[%add3A_10, %dma_start3A_25] : memref<10112x64xf32, #tpu.memory_space<vmem_shared>> -> memref<120x64xf32, #tpu.memory_space<vmem_shared>>
      %dma_start3A_27 = arith.constant 0 : i32
      %dma_start3A_28 = tpu.memref_slice %arg9[%add3A_10, %dma_start3A_27] : memref<10112x64xf32, #tpu.memory_space<vmem_shared>> -> memref<120x64xf32, #tpu.memory_space<vmem_shared>>
      %dma_start3A_29 = arith.constant 0 : i32
      %dma_start3A_30 = arith.constant 0 : i32
      %dma_start3A_31 = tpu.memref_slice %arg8[%dma_start3A_29, %dma_start3A_30] : memref<512x64xf32, #tpu.memory_space<vmem>> -> memref<120x64xf32, #tpu.memory_space<vmem>>
      tpu.enqueue_dma source(%dma_start3A_31 : memref<120x64xf32, #tpu.memory_space<vmem>>) target(%dma_start3A_28 : memref<120x64xf32, #tpu.memory_space<vmem_shared>>) target_semaphore(%run_scoped3A : memref<!tpu.dma_semaphore, #tpu.memory_space<semaphore_mem>>)
      %dma_wait3A = arith.constant 0 : i32
      %dma_wait3A_32 = arith.constant 0 : i32
      %dma_wait3A_33 = tpu.memref_slice %arg8[%dma_wait3A, %dma_wait3A_32] : memref<512x64xf32, #tpu.memory_space<vmem>> -> memref<120x64xf32, #tpu.memory_space<vmem>>
      %dma_wait3A_34 = arith.constant 0 : i32
      %dma_wait3A_35 = tpu.memref_slice %arg9[%add3A_10, %dma_wait3A_34] : memref<10112x64xf32, #tpu.memory_space<vmem_shared>> -> memref<120x64xf32, #tpu.memory_space<vmem_shared>>
      %dma_wait3A_36 = arith.constant 0 : i32
      %dma_wait3A_37 = tpu.memref_slice %arg9[%add3A_10, %dma_wait3A_36] : memref<10112x64xf32, #tpu.memory_space<vmem_shared>> -> memref<120x64xf32, #tpu.memory_space<vmem_shared>>
      %dma_wait3A_38 = arith.constant 0 : i32
      %dma_wait3A_39 = arith.constant 0 : i32
      %dma_wait3A_40 = tpu.memref_slice %arg8[%dma_wait3A_38, %dma_wait3A_39] : memref<512x64xf32, #tpu.memory_space<vmem>> -> memref<120x64xf32, #tpu.memory_space<vmem>>
      tpu.wait_dma2 semaphore(%run_scoped3A : memref<!tpu.dma_semaphore, #tpu.memory_space<semaphore_mem>>) src(%dma_wait3A_40 : memref<120x64xf32, #tpu.memory_space<vmem>>) dst(%dma_wait3A_37 : memref<120x64xf32, #tpu.memory_space<vmem_shared>>)
      tpu.yield
    }) : () -> ()
    %barrier3A = arith.constant 0 : index
    tpu.barrier barrier_id(%barrier3A)
    %mul3A_11 = arith.constant 40 : i32
    %mul3A_12 = arith.muli %add3A, %mul3A_11 : i32
    "tpu.region"() ({
      %run_scoped3A = tpu.sem_alloc : memref<!tpu.dma_semaphore, #tpu.memory_space<semaphore_mem>>
      %dma_start3A = arith.constant 0 : i32
      %dma_start3A_23 = tpu.memref_slice %arg3[%mul3A_12, %dma_start3A] : memref<1280x128xi32, #tpu.memory_space<hbm>> -> memref<40x128xi32, #tpu.memory_space<hbm>>
      %dma_start3A_24 = arith.constant 0 : i32
      %dma_start3A_25 = tpu.memref_slice %arg3[%mul3A_12, %dma_start3A_24] : memref<1280x128xi32, #tpu.memory_space<hbm>> -> memref<40x128xi32, #tpu.memory_space<hbm>>
      tpu.enqueue_dma source(%dma_start3A_25 : memref<40x128xi32, #tpu.memory_space<hbm>>) target(%arg6 : memref<40x128xi32, #tpu.memory_space<vmem>>) target_semaphore(%run_scoped3A : memref<!tpu.dma_semaphore, #tpu.memory_space<semaphore_mem>>)
      %dma_wait3A = arith.constant 0 : i32
      %dma_wait3A_26 = tpu.memref_slice %arg3[%mul3A_12, %dma_wait3A] : memref<1280x128xi32, #tpu.memory_space<hbm>> -> memref<40x128xi32, #tpu.memory_space<hbm>>
      %dma_wait3A_27 = arith.constant 0 : i32
      %dma_wait3A_28 = tpu.memref_slice %arg3[%mul3A_12, %dma_wait3A_27] : memref<1280x128xi32, #tpu.memory_space<hbm>> -> memref<40x128xi32, #tpu.memory_space<hbm>>
      tpu.wait_dma2 semaphore(%run_scoped3A : memref<!tpu.dma_semaphore, #tpu.memory_space<semaphore_mem>>) src(%dma_wait3A_28 : memref<40x128xi32, #tpu.memory_space<hbm>>) dst(%arg6 : memref<40x128xi32, #tpu.memory_space<vmem>>)
      tpu.yield
    }) : () -> ()
    %mul3A_13 = arith.constant 40 : i32
    %mul3A_14 = arith.muli %add3A, %mul3A_13 : i32
    "tpu.region"() ({
      %run_scoped3A = tpu.sem_alloc : memref<!tpu.dma_semaphore, #tpu.memory_space<semaphore_mem>>
      %dma_start3A = arith.constant 0 : i32
      %dma_start3A_23 = tpu.memref_slice %arg4[%mul3A_14, %dma_start3A] : memref<1280x128xi32, #tpu.memory_space<hbm>> -> memref<40x128xi32, #tpu.memory_space<hbm>>
      %dma_start3A_24 = arith.constant 0 : i32
      %dma_start3A_25 = tpu.memref_slice %arg4[%mul3A_14, %dma_start3A_24] : memref<1280x128xi32, #tpu.memory_space<hbm>> -> memref<40x128xi32, #tpu.memory_space<hbm>>
      tpu.enqueue_dma source(%dma_start3A_25 : memref<40x128xi32, #tpu.memory_space<hbm>>) target(%arg7 : memref<40x128xi32, #tpu.memory_space<vmem>>) target_semaphore(%run_scoped3A : memref<!tpu.dma_semaphore, #tpu.memory_space<semaphore_mem>>)
      %dma_wait3A = arith.constant 0 : i32
      %dma_wait3A_26 = tpu.memref_slice %arg4[%mul3A_14, %dma_wait3A] : memref<1280x128xi32, #tpu.memory_space<hbm>> -> memref<40x128xi32, #tpu.memory_space<hbm>>
      %dma_wait3A_27 = arith.constant 0 : i32
      %dma_wait3A_28 = tpu.memref_slice %arg4[%mul3A_14, %dma_wait3A_27] : memref<1280x128xi32, #tpu.memory_space<hbm>> -> memref<40x128xi32, #tpu.memory_space<hbm>>
      tpu.wait_dma2 semaphore(%run_scoped3A : memref<!tpu.dma_semaphore, #tpu.memory_space<semaphore_mem>>) src(%dma_wait3A_28 : memref<40x128xi32, #tpu.memory_space<hbm>>) dst(%arg7 : memref<40x128xi32, #tpu.memory_space<vmem>>)
      tpu.yield
    }) : () -> ()
    %scan3A_15 = arith.constant 0 : i32
    %scan3A_16 = arith.constant 0 : i32
    %scan3A_17 = arith.constant 10 : i32
    %scan3A_18 = arith.addi %scan3A_16, %scan3A_17 : i32
    %scan3A_19 = arith.constant 1 : i32
    %scan3A_20 = scf.for %scan3A_23 = %scan3A_16 to %scan3A_18 step %scan3A_19 iter_args(%scan3A_24 = %scan3A_15) -> (i32)  : i32 {
      %mul3A_25 = arith.constant 40 : i32
      %mul3A_26 = arith.muli %add3A, %mul3A_25 : i32
      %mul3A_27 = arith.constant 4 : i32
      %mul3A_28 = arith.muli %scan3A_23, %mul3A_27 : i32
      %add3A_29 = arith.addi %mul3A_26, %mul3A_28 : i32
      %mul3A_30 = arith.constant 4 : i32
      %mul3A_31 = arith.muli %scan3A_23, %mul3A_30 : i32
      %add3A_32 = arith.constant 0 : i32
      %add3A_33 = arith.addi %mul3A_31, %add3A_32 : i32
      %dma_start3A = arith.constant 0 : i32
      %dma_start3A_34 = arith.constant 0 : i32
      %dma_start3A_35 = tpu.memref_slice %arg8[%dma_start3A, %dma_start3A_34] : memref<512x64xf32, #tpu.memory_space<vmem>> -> memref<128x64xf32, #tpu.memory_space<vmem>>
      %dma_start3A_36 = arith.constant 0 : i32
      %dma_start3A_37 = tpu.memref_slice %arg6[%add3A_33, %dma_start3A_36] : memref<40x128xi32, #tpu.memory_space<vmem>> -> memref<1x128xi32, #tpu.memory_space<vmem>>
      %dma_start3A_38 = tpu.memref_squeeze %dma_start3A_37 : memref<1x128xi32, #tpu.memory_space<vmem>> -> memref<128xi32, #tpu.memory_space<vmem>>
      %dma_start3A_39 = arith.constant 0 : i32
      %dma_start3A_40 = arith.constant 0 : i32
      %dma_start3A_41 = tpu.memref_slice %arg2[%dma_start3A_39, %dma_start3A_40] : memref<10000x64xf32, #tpu.memory_space<hbm>> -> memref<10000x64xf32, #tpu.memory_space<hbm>>
      tpu.enqueue_indirect_dma source(%dma_start3A_41 : memref<10000x64xf32, #tpu.memory_space<hbm>>) target(%dma_start3A_35 : memref<128x64xf32, #tpu.memory_space<vmem>>) offsets(%dma_start3A_38 : memref<128xi32, #tpu.memory_space<vmem>>) semaphore(%arg10 : memref<!tpu.dma_semaphore, #tpu.memory_space<semaphore_mem>>)
      %mul3A_42 = arith.constant 4 : i32
      %mul3A_43 = arith.muli %scan3A_23, %mul3A_42 : i32
      %add3A_44 = arith.constant 1 : i32
      %add3A_45 = arith.addi %mul3A_43, %add3A_44 : i32
      %dma_start3A_46 = arith.constant 128 : i32
      %dma_start3A_47 = arith.constant 0 : i32
      %dma_start3A_48 = tpu.memref_slice %arg8[%dma_start3A_46, %dma_start3A_47] : memref<512x64xf32, #tpu.memory_space<vmem>> -> memref<128x64xf32, #tpu.memory_space<vmem>>
      %dma_start3A_49 = arith.constant 0 : i32
      %dma_start3A_50 = tpu.memref_slice %arg6[%add3A_45, %dma_start3A_49] : memref<40x128xi32, #tpu.memory_space<vmem>> -> memref<1x128xi32, #tpu.memory_space<vmem>>
      %dma_start3A_51 = tpu.memref_squeeze %dma_start3A_50 : memref<1x128xi32, #tpu.memory_space<vmem>> -> memref<128xi32, #tpu.memory_space<vmem>>
      %dma_start3A_52 = arith.constant 0 : i32
      %dma_start3A_53 = arith.constant 0 : i32
      %dma_start3A_54 = tpu.memref_slice %arg2[%dma_start3A_52, %dma_start3A_53] : memref<10000x64xf32, #tpu.memory_space<hbm>> -> memref<10000x64xf32, #tpu.memory_space<hbm>>
      tpu.enqueue_indirect_dma source(%dma_start3A_54 : memref<10000x64xf32, #tpu.memory_space<hbm>>) target(%dma_start3A_48 : memref<128x64xf32, #tpu.memory_space<vmem>>) offsets(%dma_start3A_51 : memref<128xi32, #tpu.memory_space<vmem>>) semaphore(%arg10 : memref<!tpu.dma_semaphore, #tpu.memory_space<semaphore_mem>>)
      %mul3A_55 = arith.constant 4 : i32
      %mul3A_56 = arith.muli %scan3A_23, %mul3A_55 : i32
      %add3A_57 = arith.constant 2 : i32
      %add3A_58 = arith.addi %mul3A_56, %add3A_57 : i32
      %dma_start3A_59 = arith.constant 256 : i32
      %dma_start3A_60 = arith.constant 0 : i32
      %dma_start3A_61 = tpu.memref_slice %arg8[%dma_start3A_59, %dma_start3A_60] : memref<512x64xf32, #tpu.memory_space<vmem>> -> memref<128x64xf32, #tpu.memory_space<vmem>>
      %dma_start3A_62 = arith.constant 0 : i32
      %dma_start3A_63 = tpu.memref_slice %arg6[%add3A_58, %dma_start3A_62] : memref<40x128xi32, #tpu.memory_space<vmem>> -> memref<1x128xi32, #tpu.memory_space<vmem>>
      %dma_start3A_64 = tpu.memref_squeeze %dma_start3A_63 : memref<1x128xi32, #tpu.memory_space<vmem>> -> memref<128xi32, #tpu.memory_space<vmem>>
      %dma_start3A_65 = arith.constant 0 : i32
      %dma_start3A_66 = arith.constant 0 : i32
      %dma_start3A_67 = tpu.memref_slice %arg2[%dma_start3A_65, %dma_start3A_66] : memref<10000x64xf32, #tpu.memory_space<hbm>> -> memref<10000x64xf32, #tpu.memory_space<hbm>>
      tpu.enqueue_indirect_dma source(%dma_start3A_67 : memref<10000x64xf32, #tpu.memory_space<hbm>>) target(%dma_start3A_61 : memref<128x64xf32, #tpu.memory_space<vmem>>) offsets(%dma_start3A_64 : memref<128xi32, #tpu.memory_space<vmem>>) semaphore(%arg10 : memref<!tpu.dma_semaphore, #tpu.memory_space<semaphore_mem>>)
      %mul3A_68 = arith.constant 4 : i32
      %mul3A_69 = arith.muli %scan3A_23, %mul3A_68 : i32
      %add3A_70 = arith.constant 3 : i32
      %add3A_71 = arith.addi %mul3A_69, %add3A_70 : i32
      %dma_start3A_72 = arith.constant 384 : i32
      %dma_start3A_73 = arith.constant 0 : i32
      %dma_start3A_74 = tpu.memref_slice %arg8[%dma_start3A_72, %dma_start3A_73] : memref<512x64xf32, #tpu.memory_space<vmem>> -> memref<128x64xf32, #tpu.memory_space<vmem>>
      %dma_start3A_75 = arith.constant 0 : i32
      %dma_start3A_76 = tpu.memref_slice %arg6[%add3A_71, %dma_start3A_75] : memref<40x128xi32, #tpu.memory_space<vmem>> -> memref<1x128xi32, #tpu.memory_space<vmem>>
      %dma_start3A_77 = tpu.memref_squeeze %dma_start3A_76 : memref<1x128xi32, #tpu.memory_space<vmem>> -> memref<128xi32, #tpu.memory_space<vmem>>
      %dma_start3A_78 = arith.constant 0 : i32
      %dma_start3A_79 = arith.constant 0 : i32
      %dma_start3A_80 = tpu.memref_slice %arg2[%dma_start3A_78, %dma_start3A_79] : memref<10000x64xf32, #tpu.memory_space<hbm>> -> memref<10000x64xf32, #tpu.memory_space<hbm>>
      tpu.enqueue_indirect_dma source(%dma_start3A_80 : memref<10000x64xf32, #tpu.memory_space<hbm>>) target(%dma_start3A_74 : memref<128x64xf32, #tpu.memory_space<vmem>>) offsets(%dma_start3A_77 : memref<128xi32, #tpu.memory_space<vmem>>) semaphore(%arg10 : memref<!tpu.dma_semaphore, #tpu.memory_space<semaphore_mem>>)
      %dma_wait3A = arith.constant 0 : i32
      %dma_wait3A_81 = arith.constant 0 : i32
      %dma_wait3A_82 = tpu.memref_slice %arg8[%dma_wait3A, %dma_wait3A_81] : memref<512x64xf32, #tpu.memory_space<vmem>> -> memref<128x64xf32, #tpu.memory_space<vmem>>
      %dma_wait3A_83 = arith.constant 0 : i32
      %dma_wait3A_84 = tpu.memref_slice %arg6[%add3A_33, %dma_wait3A_83] : memref<40x128xi32, #tpu.memory_space<vmem>> -> memref<1x128xi32, #tpu.memory_space<vmem>>
      %dma_wait3A_85 = tpu.memref_squeeze %dma_wait3A_84 : memref<1x128xi32, #tpu.memory_space<vmem>> -> memref<128xi32, #tpu.memory_space<vmem>>
      %dma_wait3A_86 = arith.constant 0 : i32
      %dma_wait3A_87 = arith.constant 0 : i32
      %dma_wait3A_88 = tpu.memref_slice %arg2[%dma_wait3A_86, %dma_wait3A_87] : memref<10000x64xf32, #tpu.memory_space<hbm>> -> memref<10000x64xf32, #tpu.memory_space<hbm>>
      tpu.wait_indirect_dma semaphore(%arg10 : memref<!tpu.dma_semaphore, #tpu.memory_space<semaphore_mem>>) src(%dma_wait3A_88 : memref<10000x64xf32, #tpu.memory_space<hbm>>) dst(%dma_wait3A_82 : memref<128x64xf32, #tpu.memory_space<vmem>>)
      %dma_wait3A_89 = arith.constant 128 : i32
      %dma_wait3A_90 = arith.constant 0 : i32
      %dma_wait3A_91 = tpu.memref_slice %arg8[%dma_wait3A_89, %dma_wait3A_90] : memref<512x64xf32, #tpu.memory_space<vmem>> -> memref<128x64xf32, #tpu.memory_space<vmem>>
      %dma_wait3A_92 = arith.constant 0 : i32
      %dma_wait3A_93 = tpu.memref_slice %arg6[%add3A_45, %dma_wait3A_92] : memref<40x128xi32, #tpu.memory_space<vmem>> -> memref<1x128xi32, #tpu.memory_space<vmem>>
      %dma_wait3A_94 = tpu.memref_squeeze %dma_wait3A_93 : memref<1x128xi32, #tpu.memory_space<vmem>> -> memref<128xi32, #tpu.memory_space<vmem>>
      %dma_wait3A_95 = arith.constant 0 : i32
      %dma_wait3A_96 = arith.constant 0 : i32
      %dma_wait3A_97 = tpu.memref_slice %arg2[%dma_wait3A_95, %dma_wait3A_96] : memref<10000x64xf32, #tpu.memory_space<hbm>> -> memref<10000x64xf32, #tpu.memory_space<hbm>>
      tpu.wait_indirect_dma semaphore(%arg10 : memref<!tpu.dma_semaphore, #tpu.memory_space<semaphore_mem>>) src(%dma_wait3A_97 : memref<10000x64xf32, #tpu.memory_space<hbm>>) dst(%dma_wait3A_91 : memref<128x64xf32, #tpu.memory_space<vmem>>)
      %dma_wait3A_98 = arith.constant 256 : i32
      %dma_wait3A_99 = arith.constant 0 : i32
      %dma_wait3A_100 = tpu.memref_slice %arg8[%dma_wait3A_98, %dma_wait3A_99] : memref<512x64xf32, #tpu.memory_space<vmem>> -> memref<128x64xf32, #tpu.memory_space<vmem>>
      %dma_wait3A_101 = arith.constant 0 : i32
      %dma_wait3A_102 = tpu.memref_slice %arg6[%add3A_58, %dma_wait3A_101] : memref<40x128xi32, #tpu.memory_space<vmem>> -> memref<1x128xi32, #tpu.memory_space<vmem>>
      %dma_wait3A_103 = tpu.memref_squeeze %dma_wait3A_102 : memref<1x128xi32, #tpu.memory_space<vmem>> -> memref<128xi32, #tpu.memory_space<vmem>>
      %dma_wait3A_104 = arith.constant 0 : i32
      %dma_wait3A_105 = arith.constant 0 : i32
      %dma_wait3A_106 = tpu.memref_slice %arg2[%dma_wait3A_104, %dma_wait3A_105] : memref<10000x64xf32, #tpu.memory_space<hbm>> -> memref<10000x64xf32, #tpu.memory_space<hbm>>
      tpu.wait_indirect_dma semaphore(%arg10 : memref<!tpu.dma_semaphore, #tpu.memory_space<semaphore_mem>>) src(%dma_wait3A_106 : memref<10000x64xf32, #tpu.memory_space<hbm>>) dst(%dma_wait3A_100 : memref<128x64xf32, #tpu.memory_space<vmem>>)
      %dma_wait3A_107 = arith.constant 384 : i32
      %dma_wait3A_108 = arith.constant 0 : i32
      %dma_wait3A_109 = tpu.memref_slice %arg8[%dma_wait3A_107, %dma_wait3A_108] : memref<512x64xf32, #tpu.memory_space<vmem>> -> memref<128x64xf32, #tpu.memory_space<vmem>>
      %dma_wait3A_110 = arith.constant 0 : i32
      %dma_wait3A_111 = tpu.memref_slice %arg6[%add3A_71, %dma_wait3A_110] : memref<40x128xi32, #tpu.memory_space<vmem>> -> memref<1x128xi32, #tpu.memory_space<vmem>>
      %dma_wait3A_112 = tpu.memref_squeeze %dma_wait3A_111 : memref<1x128xi32, #tpu.memory_space<vmem>> -> memref<128xi32, #tpu.memory_space<vmem>>
      %dma_wait3A_113 = arith.constant 0 : i32
      %dma_wait3A_114 = arith.constant 0 : i32
      %dma_wait3A_115 = tpu.memref_slice %arg2[%dma_wait3A_113, %dma_wait3A_114] : memref<10000x64xf32, #tpu.memory_space<hbm>> -> memref<10000x64xf32, #tpu.memory_space<hbm>>
      tpu.wait_indirect_dma semaphore(%arg10 : memref<!tpu.dma_semaphore, #tpu.memory_space<semaphore_mem>>) src(%dma_wait3A_115 : memref<10000x64xf32, #tpu.memory_space<hbm>>) dst(%dma_wait3A_109 : memref<128x64xf32, #tpu.memory_space<vmem>>)
      %mul3A_116 = arith.constant 4 : i32
      %mul3A_117 = arith.muli %scan3A_23, %mul3A_116 : i32
      %add3A_118 = arith.constant 0 : i32
      %add3A_119 = arith.addi %mul3A_117, %add3A_118 : i32
      "tpu.region"() ({
        %run_scoped3A = tpu.sem_alloc : memref<!tpu.dma_semaphore, #tpu.memory_space<semaphore_mem>>
        %dma_start3A_133 = arith.constant 0 : i32
        %dma_start3A_134 = arith.constant 0 : i32
        %dma_start3A_135 = tpu.memref_slice %arg8[%dma_start3A_133, %dma_start3A_134] : memref<512x64xf32, #tpu.memory_space<vmem>> -> memref<128x64xf32, #tpu.memory_space<vmem>>
        %dma_start3A_136 = arith.constant 0 : i32
        %dma_start3A_137 = tpu.memref_slice %arg7[%add3A_119, %dma_start3A_136] : memref<40x128xi32, #tpu.memory_space<vmem>> -> memref<1x128xi32, #tpu.memory_space<vmem>>
        %dma_start3A_138 = tpu.memref_squeeze %dma_start3A_137 : memref<1x128xi32, #tpu.memory_space<vmem>> -> memref<128xi32, #tpu.memory_space<vmem>>
        %dma_start3A_139 = arith.constant 0 : i32
        %dma_start3A_140 = arith.constant 0 : i32
        %dma_start3A_141 = tpu.memref_slice %arg9[%dma_start3A_139, %dma_start3A_140] : memref<10112x64xf32, #tpu.memory_space<vmem_shared>> -> memref<10112x64xf32, #tpu.memory_space<vmem_shared>>
        tpu.enqueue_indirect_dma source(%dma_start3A_135 : memref<128x64xf32, #tpu.memory_space<vmem>>) target(%dma_start3A_141 : memref<10112x64xf32, #tpu.memory_space<vmem_shared>>) offsets(%dma_start3A_138 : memref<128xi32, #tpu.memory_space<vmem>>) semaphore(%run_scoped3A : memref<!tpu.dma_semaphore, #tpu.memory_space<semaphore_mem>>) {add = true}
        %dma_wait3A_142 = arith.constant 0 : i32
        %dma_wait3A_143 = arith.constant 0 : i32
        %dma_wait3A_144 = tpu.memref_slice %arg8[%dma_wait3A_142, %dma_wait3A_143] : memref<512x64xf32, #tpu.memory_space<vmem>> -> memref<128x64xf32, #tpu.memory_space<vmem>>
        %dma_wait3A_145 = arith.constant 0 : i32
        %dma_wait3A_146 = tpu.memref_slice %arg7[%add3A_119, %dma_wait3A_145] : memref<40x128xi32, #tpu.memory_space<vmem>> -> memref<1x128xi32, #tpu.memory_space<vmem>>
        %dma_wait3A_147 = tpu.memref_squeeze %dma_wait3A_146 : memref<1x128xi32, #tpu.memory_space<vmem>> -> memref<128xi32, #tpu.memory_space<vmem>>
        %dma_wait3A_148 = arith.constant 0 : i32
        %dma_wait3A_149 = arith.constant 0 : i32
        %dma_wait3A_150 = tpu.memref_slice %arg9[%dma_wait3A_148, %dma_wait3A_149] : memref<10112x64xf32, #tpu.memory_space<vmem_shared>> -> memref<10112x64xf32, #tpu.memory_space<vmem_shared>>
        tpu.wait_indirect_dma semaphore(%run_scoped3A : memref<!tpu.dma_semaphore, #tpu.memory_space<semaphore_mem>>) src(%dma_wait3A_144 : memref<128x64xf32, #tpu.memory_space<vmem>>) dst(%dma_wait3A_150 : memref<10112x64xf32, #tpu.memory_space<vmem_shared>>)
        tpu.yield
      }) : () -> ()
      %mul3A_120 = arith.constant 4 : i32
      %mul3A_121 = arith.muli %scan3A_23, %mul3A_120 : i32
      %add3A_122 = arith.constant 1 : i32
      %add3A_123 = arith.addi %mul3A_121, %add3A_122 : i32
      "tpu.region"() ({
        %run_scoped3A = tpu.sem_alloc : memref<!tpu.dma_semaphore, #tpu.memory_space<semaphore_mem>>
        %dma_start3A_133 = arith.constant 128 : i32
        %dma_start3A_134 = arith.constant 0 : i32
        %dma_start3A_135 = tpu.memref_slice %arg8[%dma_start3A_133, %dma_start3A_134] : memref<512x64xf32, #tpu.memory_space<vmem>> -> memref<128x64xf32, #tpu.memory_space<vmem>>
        %dma_start3A_136 = arith.constant 0 : i32
        %dma_start3A_137 = tpu.memref_slice %arg7[%add3A_123, %dma_start3A_136] : memref<40x128xi32, #tpu.memory_space<vmem>> -> memref<1x128xi32, #tpu.memory_space<vmem>>
        %dma_start3A_138 = tpu.memref_squeeze %dma_start3A_137 : memref<1x128xi32, #tpu.memory_space<vmem>> -> memref<128xi32, #tpu.memory_space<vmem>>
        %dma_start3A_139 = arith.constant 0 : i32
        %dma_start3A_140 = arith.constant 0 : i32
        %dma_start3A_141 = tpu.memref_slice %arg9[%dma_start3A_139, %dma_start3A_140] : memref<10112x64xf32, #tpu.memory_space<vmem_shared>> -> memref<10112x64xf32, #tpu.memory_space<vmem_shared>>
        tpu.enqueue_indirect_dma source(%dma_start3A_135 : memref<128x64xf32, #tpu.memory_space<vmem>>) target(%dma_start3A_141 : memref<10112x64xf32, #tpu.memory_space<vmem_shared>>) offsets(%dma_start3A_138 : memref<128xi32, #tpu.memory_space<vmem>>) semaphore(%run_scoped3A : memref<!tpu.dma_semaphore, #tpu.memory_space<semaphore_mem>>) {add = true}
        %dma_wait3A_142 = arith.constant 128 : i32
        %dma_wait3A_143 = arith.constant 0 : i32
        %dma_wait3A_144 = tpu.memref_slice %arg8[%dma_wait3A_142, %dma_wait3A_143] : memref<512x64xf32, #tpu.memory_space<vmem>> -> memref<128x64xf32, #tpu.memory_space<vmem>>
        %dma_wait3A_145 = arith.constant 0 : i32
        %dma_wait3A_146 = tpu.memref_slice %arg7[%add3A_123, %dma_wait3A_145] : memref<40x128xi32, #tpu.memory_space<vmem>> -> memref<1x128xi32, #tpu.memory_space<vmem>>
        %dma_wait3A_147 = tpu.memref_squeeze %dma_wait3A_146 : memref<1x128xi32, #tpu.memory_space<vmem>> -> memref<128xi32, #tpu.memory_space<vmem>>
        %dma_wait3A_148 = arith.constant 0 : i32
        %dma_wait3A_149 = arith.constant 0 : i32
        %dma_wait3A_150 = tpu.memref_slice %arg9[%dma_wait3A_148, %dma_wait3A_149] : memref<10112x64xf32, #tpu.memory_space<vmem_shared>> -> memref<10112x64xf32, #tpu.memory_space<vmem_shared>>
        tpu.wait_indirect_dma semaphore(%run_scoped3A : memref<!tpu.dma_semaphore, #tpu.memory_space<semaphore_mem>>) src(%dma_wait3A_144 : memref<128x64xf32, #tpu.memory_space<vmem>>) dst(%dma_wait3A_150 : memref<10112x64xf32, #tpu.memory_space<vmem_shared>>)
        tpu.yield
      }) : () -> ()
      %mul3A_124 = arith.constant 4 : i32
      %mul3A_125 = arith.muli %scan3A_23, %mul3A_124 : i32
      %add3A_126 = arith.constant 2 : i32
      %add3A_127 = arith.addi %mul3A_125, %add3A_126 : i32
      "tpu.region"() ({
        %run_scoped3A = tpu.sem_alloc : memref<!tpu.dma_semaphore, #tpu.memory_space<semaphore_mem>>
        %dma_start3A_133 = arith.constant 256 : i32
        %dma_start3A_134 = arith.constant 0 : i32
        %dma_start3A_135 = tpu.memref_slice %arg8[%dma_start3A_133, %dma_start3A_134] : memref<512x64xf32, #tpu.memory_space<vmem>> -> memref<128x64xf32, #tpu.memory_space<vmem>>
        %dma_start3A_136 = arith.constant 0 : i32
        %dma_start3A_137 = tpu.memref_slice %arg7[%add3A_127, %dma_start3A_136] : memref<40x128xi32, #tpu.memory_space<vmem>> -> memref<1x128xi32, #tpu.memory_space<vmem>>
        %dma_start3A_138 = tpu.memref_squeeze %dma_start3A_137 : memref<1x128xi32, #tpu.memory_space<vmem>> -> memref<128xi32, #tpu.memory_space<vmem>>
        %dma_start3A_139 = arith.constant 0 : i32
        %dma_start3A_140 = arith.constant 0 : i32
        %dma_start3A_141 = tpu.memref_slice %arg9[%dma_start3A_139, %dma_start3A_140] : memref<10112x64xf32, #tpu.memory_space<vmem_shared>> -> memref<10112x64xf32, #tpu.memory_space<vmem_shared>>
        tpu.enqueue_indirect_dma source(%dma_start3A_135 : memref<128x64xf32, #tpu.memory_space<vmem>>) target(%dma_start3A_141 : memref<10112x64xf32, #tpu.memory_space<vmem_shared>>) offsets(%dma_start3A_138 : memref<128xi32, #tpu.memory_space<vmem>>) semaphore(%run_scoped3A : memref<!tpu.dma_semaphore, #tpu.memory_space<semaphore_mem>>) {add = true}
        %dma_wait3A_142 = arith.constant 256 : i32
        %dma_wait3A_143 = arith.constant 0 : i32
        %dma_wait3A_144 = tpu.memref_slice %arg8[%dma_wait3A_142, %dma_wait3A_143] : memref<512x64xf32, #tpu.memory_space<vmem>> -> memref<128x64xf32, #tpu.memory_space<vmem>>
        %dma_wait3A_145 = arith.constant 0 : i32
        %dma_wait3A_146 = tpu.memref_slice %arg7[%add3A_127, %dma_wait3A_145] : memref<40x128xi32, #tpu.memory_space<vmem>> -> memref<1x128xi32, #tpu.memory_space<vmem>>
        %dma_wait3A_147 = tpu.memref_squeeze %dma_wait3A_146 : memref<1x128xi32, #tpu.memory_space<vmem>> -> memref<128xi32, #tpu.memory_space<vmem>>
        %dma_wait3A_148 = arith.constant 0 : i32
        %dma_wait3A_149 = arith.constant 0 : i32
        %dma_wait3A_150 = tpu.memref_slice %arg9[%dma_wait3A_148, %dma_wait3A_149] : memref<10112x64xf32, #tpu.memory_space<vmem_shared>> -> memref<10112x64xf32, #tpu.memory_space<vmem_shared>>
        tpu.wait_indirect_dma semaphore(%run_scoped3A : memref<!tpu.dma_semaphore, #tpu.memory_space<semaphore_mem>>) src(%dma_wait3A_144 : memref<128x64xf32, #tpu.memory_space<vmem>>) dst(%dma_wait3A_150 : memref<10112x64xf32, #tpu.memory_space<vmem_shared>>)
        tpu.yield
      }) : () -> ()
      %mul3A_128 = arith.constant 4 : i32
      %mul3A_129 = arith.muli %scan3A_23, %mul3A_128 : i32
      %add3A_130 = arith.constant 3 : i32
      %add3A_131 = arith.addi %mul3A_129, %add3A_130 : i32
      "tpu.region"() ({
        %run_scoped3A = tpu.sem_alloc : memref<!tpu.dma_semaphore, #tpu.memory_space<semaphore_mem>>
        %dma_start3A_133 = arith.constant 384 : i32
        %dma_start3A_134 = arith.constant 0 : i32
        %dma_start3A_135 = tpu.memref_slice %arg8[%dma_start3A_133, %dma_start3A_134] : memref<512x64xf32, #tpu.memory_space<vmem>> -> memref<128x64xf32, #tpu.memory_space<vmem>>
        %dma_start3A_136 = arith.constant 0 : i32
        %dma_start3A_137 = tpu.memref_slice %arg7[%add3A_131, %dma_start3A_136] : memref<40x128xi32, #tpu.memory_space<vmem>> -> memref<1x128xi32, #tpu.memory_space<vmem>>
        %dma_start3A_138 = tpu.memref_squeeze %dma_start3A_137 : memref<1x128xi32, #tpu.memory_space<vmem>> -> memref<128xi32, #tpu.memory_space<vmem>>
        %dma_start3A_139 = arith.constant 0 : i32
        %dma_start3A_140 = arith.constant 0 : i32
        %dma_start3A_141 = tpu.memref_slice %arg9[%dma_start3A_139, %dma_start3A_140] : memref<10112x64xf32, #tpu.memory_space<vmem_shared>> -> memref<10112x64xf32, #tpu.memory_space<vmem_shared>>
        tpu.enqueue_indirect_dma source(%dma_start3A_135 : memref<128x64xf32, #tpu.memory_space<vmem>>) target(%dma_start3A_141 : memref<10112x64xf32, #tpu.memory_space<vmem_shared>>) offsets(%dma_start3A_138 : memref<128xi32, #tpu.memory_space<vmem>>) semaphore(%run_scoped3A : memref<!tpu.dma_semaphore, #tpu.memory_space<semaphore_mem>>) {add = true}
        %dma_wait3A_142 = arith.constant 384 : i32
        %dma_wait3A_143 = arith.constant 0 : i32
        %dma_wait3A_144 = tpu.memref_slice %arg8[%dma_wait3A_142, %dma_wait3A_143] : memref<512x64xf32, #tpu.memory_space<vmem>> -> memref<128x64xf32, #tpu.memory_space<vmem>>
        %dma_wait3A_145 = arith.constant 0 : i32
        %dma_wait3A_146 = tpu.memref_slice %arg7[%add3A_131, %dma_wait3A_145] : memref<40x128xi32, #tpu.memory_space<vmem>> -> memref<1x128xi32, #tpu.memory_space<vmem>>
        %dma_wait3A_147 = tpu.memref_squeeze %dma_wait3A_146 : memref<1x128xi32, #tpu.memory_space<vmem>> -> memref<128xi32, #tpu.memory_space<vmem>>
        %dma_wait3A_148 = arith.constant 0 : i32
        %dma_wait3A_149 = arith.constant 0 : i32
        %dma_wait3A_150 = tpu.memref_slice %arg9[%dma_wait3A_148, %dma_wait3A_149] : memref<10112x64xf32, #tpu.memory_space<vmem_shared>> -> memref<10112x64xf32, #tpu.memory_space<vmem_shared>>
        tpu.wait_indirect_dma semaphore(%run_scoped3A : memref<!tpu.dma_semaphore, #tpu.memory_space<semaphore_mem>>) src(%dma_wait3A_144 : memref<128x64xf32, #tpu.memory_space<vmem>>) dst(%dma_wait3A_150 : memref<10112x64xf32, #tpu.memory_space<vmem_shared>>)
        tpu.yield
      }) : () -> ()
      %scan3A_132 = arith.constant 0 : i32
      scf.yield %scan3A_132 : i32
    }
    %scan3A_21 = arith.constant 10 : i32
    %barrier3A_22 = arith.constant 0 : index
    tpu.barrier barrier_id(%barrier3A_22)
    "tpu.region"() ({
      %run_scoped3A = tpu.sem_alloc : memref<!tpu.dma_semaphore, #tpu.memory_space<semaphore_mem>>
      %dma_start3A = arith.constant 0 : i32
      %dma_start3A_23 = tpu.memref_slice %arg5[%arg0, %mul3A_8, %dma_start3A] : memref<2x10112x64xf32, #tpu.memory_space<hbm>> -> memref<1x632x64xf32, #tpu.memory_space<hbm>>
      %dma_start3A_24 = tpu.memref_squeeze %dma_start3A_23 : memref<1x632x64xf32, #tpu.memory_space<hbm>> -> memref<632x64xf32, #tpu.memory_space<hbm>>
      %dma_start3A_25 = arith.constant 0 : i32
      %dma_start3A_26 = tpu.memref_slice %arg9[%mul3A_8, %dma_start3A_25] : memref<10112x64xf32, #tpu.memory_space<vmem_shared>> -> memref<632x64xf32, #tpu.memory_space<vmem_shared>>
      tpu.enqueue_dma source(%dma_start3A_26 : memref<632x64xf32, #tpu.memory_space<vmem_shared>>) target(%dma_start3A_24 : memref<632x64xf32, #tpu.memory_space<hbm>>) target_semaphore(%run_scoped3A : memref<!tpu.dma_semaphore, #tpu.memory_space<semaphore_mem>>)
      %dma_wait3A = arith.constant 0 : i32
      %dma_wait3A_27 = tpu.memref_slice %arg5[%arg0, %mul3A_8, %dma_wait3A] : memref<2x10112x64xf32, #tpu.memory_space<hbm>> -> memref<1x632x64xf32, #tpu.memory_space<hbm>>
      %dma_wait3A_28 = tpu.memref_squeeze %dma_wait3A_27 : memref<1x632x64xf32, #tpu.memory_space<hbm>> -> memref<632x64xf32, #tpu.memory_space<hbm>>
      %dma_wait3A_29 = arith.constant 0 : i32
      %dma_wait3A_30 = tpu.memref_slice %arg9[%mul3A_8, %dma_wait3A_29] : memref<10112x64xf32, #tpu.memory_space<vmem_shared>> -> memref<632x64xf32, #tpu.memory_space<vmem_shared>>
      tpu.wait_dma2 semaphore(%run_scoped3A : memref<!tpu.dma_semaphore, #tpu.memory_space<semaphore_mem>>) src(%dma_wait3A_30 : memref<632x64xf32, #tpu.memory_space<vmem_shared>>) dst(%dma_wait3A_28 : memref<632x64xf32, #tpu.memory_space<hbm>>)
      tpu.yield
    }) : () -> ()
    return
  }
}

module attributes {stable_mosaic.version = 14 : i64} {
  func.func @_ep_body(%arg0: i32, %arg1: memref<2048x32xf32, #tpu.memory_space<vmem>>, %arg2: memref<16x64xf32, #tpu.memory_space<vmem>>, %arg3: memref<4x64x64xf32, #tpu.memory_space<vmem>>, %arg4: memref<1x64xf32, #tpu.memory_space<vmem>>, %arg5: memref<4x1x64xf32, #tpu.memory_space<vmem>>, %arg6: memref<2048x128xf32, #tpu.memory_space<vmem>>, %arg7: memref<2048x128xf32, #tpu.memory_space<vmem>>, %arg8: memref<2048x128xf32, #tpu.memory_space<vmem>>, %arg9: memref<2048x128xf32, #tpu.memory_space<vmem>>) attributes {dimension_semantics = [#tpu.dimension_semantics<arbitrary>], iteration_bounds = array<i64: 80>, scalar_prefetch = 0 : i64, scratch_operands = 0 : i64, tpu.core_type = #tpu.core_type<tc>, window_params = [{transform_indices = @transform_0, window_bounds = array<i64: 2048, 32>}, {pipeline_mode = #tpu.pipeline_mode<synchronous>, transform_indices = @transform_1, window_bounds = array<i64: 16, 64>}, {pipeline_mode = #tpu.pipeline_mode<synchronous>, transform_indices = @transform_2, window_bounds = array<i64: 4, 64, 64>}, {pipeline_mode = #tpu.pipeline_mode<synchronous>, transform_indices = @transform_3, window_bounds = array<i64: 1, 64>}, {pipeline_mode = #tpu.pipeline_mode<synchronous>, transform_indices = @transform_4, window_bounds = array<i64: 4, 1, 64>}, {transform_indices = @transform_5, window_bounds = array<i64: 2048, 128>}, {transform_indices = @transform_6, window_bounds = array<i64: 2048, 128>}, {transform_indices = @transform_7, window_bounds = array<i64: 2048, 128>}, {transform_indices = @transform_8, window_bounds = array<i64: 2048, 128>}]} {
    %get3A = arith.constant 0 : index
    %get3A_0 = arith.constant 0 : index
    %get3A_1 = vector.load %arg1[%get3A, %get3A_0] : memref<2048x32xf32, #tpu.memory_space<vmem>>, vector<2048x32xf32>
    %broadcast_in_dim3A = arith.constant 0.000000e+00 : f32
    %broadcast_in_dim3A_2 = vector.broadcast %broadcast_in_dim3A : f32 to vector<16x64xf32>
    %get3A_3 = arith.constant 0 : index
    %get3A_4 = arith.constant 0 : index
    %get3A_5 = arith.constant 0 : index
    %get3A_6 = vector.load %arg3[%get3A_3, %get3A_4, %get3A_5] : memref<4x64x64xf32, #tpu.memory_space<vmem>>, vector<1x64x64xf32>
    %get3A_7 = vector.shape_cast %get3A_6 : vector<1x64x64xf32> to vector<64x64xf32>
    %get3A_8 = arith.constant 0 : index
    %get3A_9 = arith.constant 0 : index
    %get3A_10 = vector.load %arg2[%get3A_8, %get3A_9] : memref<16x64xf32, #tpu.memory_space<vmem>>, vector<16x64xf32>
    %dot_general3A = arith.constant dense<0.000000e+00> : vector<16x64xf32>
    %dot_general3A_11 = tpu.matmul %get3A_10, %get3A_7, %dot_general3A {dimension_numbers = #tpu.dot_dimension_numbers<[1], [0], [0], [1], [0, 0, 1, 1], [], []>, transpose_lhs_hint = false} : vector<16x64xf32>, vector<64x64xf32>, vector<16x64xf32> -> vector<16x64xf32>
    %concatenate3A = tpu.concatenate %dot_general3A_11, %broadcast_in_dim3A_2 in 1 : vector<16x64xf32>, vector<16x64xf32> -> vector<16x128xf32>
    %concatenate3A_12 = tpu.concatenate %broadcast_in_dim3A_2, %dot_general3A_11 in 1 : vector<16x64xf32>, vector<16x64xf32> -> vector<16x128xf32>
    %concatenate3A_13 = tpu.concatenate %concatenate3A, %concatenate3A_12 in 0 : vector<16x128xf32>, vector<16x128xf32> -> vector<32x128xf32>
    %get3A_14 = arith.constant 0 : index
    %get3A_15 = arith.constant 0 : index
    %get3A_16 = vector.load %arg4[%get3A_14, %get3A_15] : memref<1x64xf32, #tpu.memory_space<vmem>>, vector<1x64xf32>
    %dot_general3A_17 = arith.constant dense<0.000000e+00> : vector<1x64xf32>
    %dot_general3A_18 = tpu.matmul %get3A_16, %get3A_7, %dot_general3A_17 {dimension_numbers = #tpu.dot_dimension_numbers<[1], [0], [0], [1], [0, 0, 1, 1], [], []>, transpose_lhs_hint = false} : vector<1x64xf32>, vector<64x64xf32>, vector<1x64xf32> -> vector<1x64xf32>
    %get3A_19 = arith.constant 0 : index
    %get3A_20 = arith.constant 0 : index
    %get3A_21 = arith.constant 0 : index
    %get3A_22 = vector.load %arg5[%get3A_19, %get3A_20, %get3A_21] : memref<4x1x64xf32, #tpu.memory_space<vmem>>, vector<1x1x64xf32>
    %get3A_23 = vector.shape_cast %get3A_22 : vector<1x1x64xf32> to vector<1x64xf32>
    %add3A = arith.addf %dot_general3A_18, %get3A_23 : vector<1x64xf32>
    %concatenate3A_24 = tpu.concatenate %add3A, %add3A in 1 : vector<1x64xf32>, vector<1x64xf32> -> vector<1x128xf32>
    %dot_general3A_25 = arith.constant dense<0.000000e+00> : vector<2048x128xf32>
    %dot_general3A_26 = tpu.matmul %get3A_1, %concatenate3A_13, %dot_general3A_25 {dimension_numbers = #tpu.dot_dimension_numbers<[1], [0], [0], [1], [0, 0, 1, 1], [], []>, transpose_lhs_hint = false} : vector<2048x32xf32>, vector<32x128xf32>, vector<2048x128xf32> -> vector<2048x128xf32>
    %add3A_27 = vector.broadcast %concatenate3A_24 : vector<1x128xf32> to vector<2048x128xf32>
    %add3A_28 = arith.addf %dot_general3A_26, %add3A_27 : vector<2048x128xf32>
    %swap3A = arith.constant 0 : index
    %swap3A_29 = arith.constant 0 : index
    %swap3A_30 = vector.load %arg6[%swap3A, %swap3A_29] : memref<2048x128xf32, #tpu.memory_space<vmem>>, vector<2048x128xf32>
    tpu.vector_store %arg6[%swap3A, %swap3A_29], %add3A_28 {strides = array<i32>} : memref<2048x128xf32, #tpu.memory_space<vmem>>, vector<2048x128xf32>,
    %get3A_31 = arith.constant 1 : index
    %get3A_32 = arith.constant 0 : index
    %get3A_33 = arith.constant 0 : index
    %get3A_34 = vector.load %arg3[%get3A_31, %get3A_32, %get3A_33] : memref<4x64x64xf32, #tpu.memory_space<vmem>>, vector<1x64x64xf32>
    %get3A_35 = vector.shape_cast %get3A_34 : vector<1x64x64xf32> to vector<64x64xf32>
    %get3A_36 = arith.constant 0 : index
    %get3A_37 = arith.constant 0 : index
    %get3A_38 = vector.load %arg2[%get3A_36, %get3A_37] : memref<16x64xf32, #tpu.memory_space<vmem>>, vector<16x64xf32>
    %dot_general3A_39 = arith.constant dense<0.000000e+00> : vector<16x64xf32>
    %dot_general3A_40 = tpu.matmul %get3A_38, %get3A_35, %dot_general3A_39 {dimension_numbers = #tpu.dot_dimension_numbers<[1], [0], [0], [1], [0, 0, 1, 1], [], []>, transpose_lhs_hint = false} : vector<16x64xf32>, vector<64x64xf32>, vector<16x64xf32> -> vector<16x64xf32>
    %concatenate3A_41 = tpu.concatenate %dot_general3A_40, %broadcast_in_dim3A_2 in 1 : vector<16x64xf32>, vector<16x64xf32> -> vector<16x128xf32>
    %concatenate3A_42 = tpu.concatenate %broadcast_in_dim3A_2, %dot_general3A_40 in 1 : vector<16x64xf32>, vector<16x64xf32> -> vector<16x128xf32>
    %concatenate3A_43 = tpu.concatenate %concatenate3A_41, %concatenate3A_42 in 0 : vector<16x128xf32>, vector<16x128xf32> -> vector<32x128xf32>
    %get3A_44 = arith.constant 0 : index
    %get3A_45 = arith.constant 0 : index
    %get3A_46 = vector.load %arg4[%get3A_44, %get3A_45] : memref<1x64xf32, #tpu.memory_space<vmem>>, vector<1x64xf32>
    %dot_general3A_47 = arith.constant dense<0.000000e+00> : vector<1x64xf32>
    %dot_general3A_48 = tpu.matmul %get3A_46, %get3A_35, %dot_general3A_47 {dimension_numbers = #tpu.dot_dimension_numbers<[1], [0], [0], [1], [0, 0, 1, 1], [], []>, transpose_lhs_hint = false} : vector<1x64xf32>, vector<64x64xf32>, vector<1x64xf32> -> vector<1x64xf32>
    %get3A_49 = arith.constant 1 : index
    %get3A_50 = arith.constant 0 : index
    %get3A_51 = arith.constant 0 : index
    %get3A_52 = vector.load %arg5[%get3A_49, %get3A_50, %get3A_51] : memref<4x1x64xf32, #tpu.memory_space<vmem>>, vector<1x1x64xf32>
    %get3A_53 = vector.shape_cast %get3A_52 : vector<1x1x64xf32> to vector<1x64xf32>
    %add3A_54 = arith.addf %dot_general3A_48, %get3A_53 : vector<1x64xf32>
    %concatenate3A_55 = tpu.concatenate %add3A_54, %add3A_54 in 1 : vector<1x64xf32>, vector<1x64xf32> -> vector<1x128xf32>
    %dot_general3A_56 = arith.constant dense<0.000000e+00> : vector<2048x128xf32>
    %dot_general3A_57 = tpu.matmul %get3A_1, %concatenate3A_43, %dot_general3A_56 {dimension_numbers = #tpu.dot_dimension_numbers<[1], [0], [0], [1], [0, 0, 1, 1], [], []>, transpose_lhs_hint = false} : vector<2048x32xf32>, vector<32x128xf32>, vector<2048x128xf32> -> vector<2048x128xf32>
    %add3A_58 = vector.broadcast %concatenate3A_55 : vector<1x128xf32> to vector<2048x128xf32>
    %add3A_59 = arith.addf %dot_general3A_57, %add3A_58 : vector<2048x128xf32>
    %swap3A_60 = arith.constant 0 : index
    %swap3A_61 = arith.constant 0 : index
    %swap3A_62 = vector.load %arg7[%swap3A_60, %swap3A_61] : memref<2048x128xf32, #tpu.memory_space<vmem>>, vector<2048x128xf32>
    tpu.vector_store %arg7[%swap3A_60, %swap3A_61], %add3A_59 {strides = array<i32>} : memref<2048x128xf32, #tpu.memory_space<vmem>>, vector<2048x128xf32>,
    %get3A_63 = arith.constant 2 : index
    %get3A_64 = arith.constant 0 : index
    %get3A_65 = arith.constant 0 : index
    %get3A_66 = vector.load %arg3[%get3A_63, %get3A_64, %get3A_65] : memref<4x64x64xf32, #tpu.memory_space<vmem>>, vector<1x64x64xf32>
    %get3A_67 = vector.shape_cast %get3A_66 : vector<1x64x64xf32> to vector<64x64xf32>
    %get3A_68 = arith.constant 0 : index
    %get3A_69 = arith.constant 0 : index
    %get3A_70 = vector.load %arg2[%get3A_68, %get3A_69] : memref<16x64xf32, #tpu.memory_space<vmem>>, vector<16x64xf32>
    %dot_general3A_71 = arith.constant dense<0.000000e+00> : vector<16x64xf32>
    %dot_general3A_72 = tpu.matmul %get3A_70, %get3A_67, %dot_general3A_71 {dimension_numbers = #tpu.dot_dimension_numbers<[1], [0], [0], [1], [0, 0, 1, 1], [], []>, transpose_lhs_hint = false} : vector<16x64xf32>, vector<64x64xf32>, vector<16x64xf32> -> vector<16x64xf32>
    %concatenate3A_73 = tpu.concatenate %dot_general3A_72, %broadcast_in_dim3A_2 in 1 : vector<16x64xf32>, vector<16x64xf32> -> vector<16x128xf32>
    %concatenate3A_74 = tpu.concatenate %broadcast_in_dim3A_2, %dot_general3A_72 in 1 : vector<16x64xf32>, vector<16x64xf32> -> vector<16x128xf32>
    %concatenate3A_75 = tpu.concatenate %concatenate3A_73, %concatenate3A_74 in 0 : vector<16x128xf32>, vector<16x128xf32> -> vector<32x128xf32>
    %get3A_76 = arith.constant 0 : index
    %get3A_77 = arith.constant 0 : index
    %get3A_78 = vector.load %arg4[%get3A_76, %get3A_77] : memref<1x64xf32, #tpu.memory_space<vmem>>, vector<1x64xf32>
    %dot_general3A_79 = arith.constant dense<0.000000e+00> : vector<1x64xf32>
    %dot_general3A_80 = tpu.matmul %get3A_78, %get3A_67, %dot_general3A_79 {dimension_numbers = #tpu.dot_dimension_numbers<[1], [0], [0], [1], [0, 0, 1, 1], [], []>, transpose_lhs_hint = false} : vector<1x64xf32>, vector<64x64xf32>, vector<1x64xf32> -> vector<1x64xf32>
    %get3A_81 = arith.constant 2 : index
    %get3A_82 = arith.constant 0 : index
    %get3A_83 = arith.constant 0 : index
    %get3A_84 = vector.load %arg5[%get3A_81, %get3A_82, %get3A_83] : memref<4x1x64xf32, #tpu.memory_space<vmem>>, vector<1x1x64xf32>
    %get3A_85 = vector.shape_cast %get3A_84 : vector<1x1x64xf32> to vector<1x64xf32>
    %add3A_86 = arith.addf %dot_general3A_80, %get3A_85 : vector<1x64xf32>
    %concatenate3A_87 = tpu.concatenate %add3A_86, %add3A_86 in 1 : vector<1x64xf32>, vector<1x64xf32> -> vector<1x128xf32>
    %dot_general3A_88 = arith.constant dense<0.000000e+00> : vector<2048x128xf32>
    %dot_general3A_89 = tpu.matmul %get3A_1, %concatenate3A_75, %dot_general3A_88 {dimension_numbers = #tpu.dot_dimension_numbers<[1], [0], [0], [1], [0, 0, 1, 1], [], []>, transpose_lhs_hint = false} : vector<2048x32xf32>, vector<32x128xf32>, vector<2048x128xf32> -> vector<2048x128xf32>
    %add3A_90 = vector.broadcast %concatenate3A_87 : vector<1x128xf32> to vector<2048x128xf32>
    %add3A_91 = arith.addf %dot_general3A_89, %add3A_90 : vector<2048x128xf32>
    %swap3A_92 = arith.constant 0 : index
    %swap3A_93 = arith.constant 0 : index
    %swap3A_94 = vector.load %arg8[%swap3A_92, %swap3A_93] : memref<2048x128xf32, #tpu.memory_space<vmem>>, vector<2048x128xf32>
    tpu.vector_store %arg8[%swap3A_92, %swap3A_93], %add3A_91 {strides = array<i32>} : memref<2048x128xf32, #tpu.memory_space<vmem>>, vector<2048x128xf32>,
    %get3A_95 = arith.constant 3 : index
    %get3A_96 = arith.constant 0 : index
    %get3A_97 = arith.constant 0 : index
    %get3A_98 = vector.load %arg3[%get3A_95, %get3A_96, %get3A_97] : memref<4x64x64xf32, #tpu.memory_space<vmem>>, vector<1x64x64xf32>
    %get3A_99 = vector.shape_cast %get3A_98 : vector<1x64x64xf32> to vector<64x64xf32>
    %get3A_100 = arith.constant 0 : index
    %get3A_101 = arith.constant 0 : index
    %get3A_102 = vector.load %arg2[%get3A_100, %get3A_101] : memref<16x64xf32, #tpu.memory_space<vmem>>, vector<16x64xf32>
    %dot_general3A_103 = arith.constant dense<0.000000e+00> : vector<16x64xf32>
    %dot_general3A_104 = tpu.matmul %get3A_102, %get3A_99, %dot_general3A_103 {dimension_numbers = #tpu.dot_dimension_numbers<[1], [0], [0], [1], [0, 0, 1, 1], [], []>, transpose_lhs_hint = false} : vector<16x64xf32>, vector<64x64xf32>, vector<16x64xf32> -> vector<16x64xf32>
    %concatenate3A_105 = tpu.concatenate %dot_general3A_104, %broadcast_in_dim3A_2 in 1 : vector<16x64xf32>, vector<16x64xf32> -> vector<16x128xf32>
    %concatenate3A_106 = tpu.concatenate %broadcast_in_dim3A_2, %dot_general3A_104 in 1 : vector<16x64xf32>, vector<16x64xf32> -> vector<16x128xf32>
    %concatenate3A_107 = tpu.concatenate %concatenate3A_105, %concatenate3A_106 in 0 : vector<16x128xf32>, vector<16x128xf32> -> vector<32x128xf32>
    %get3A_108 = arith.constant 0 : index
    %get3A_109 = arith.constant 0 : index
    %get3A_110 = vector.load %arg4[%get3A_108, %get3A_109] : memref<1x64xf32, #tpu.memory_space<vmem>>, vector<1x64xf32>
    %dot_general3A_111 = arith.constant dense<0.000000e+00> : vector<1x64xf32>
    %dot_general3A_112 = tpu.matmul %get3A_110, %get3A_99, %dot_general3A_111 {dimension_numbers = #tpu.dot_dimension_numbers<[1], [0], [0], [1], [0, 0, 1, 1], [], []>, transpose_lhs_hint = false} : vector<1x64xf32>, vector<64x64xf32>, vector<1x64xf32> -> vector<1x64xf32>
    %get3A_113 = arith.constant 3 : index
    %get3A_114 = arith.constant 0 : index
    %get3A_115 = arith.constant 0 : index
    %get3A_116 = vector.load %arg5[%get3A_113, %get3A_114, %get3A_115] : memref<4x1x64xf32, #tpu.memory_space<vmem>>, vector<1x1x64xf32>
    %get3A_117 = vector.shape_cast %get3A_116 : vector<1x1x64xf32> to vector<1x64xf32>
    %add3A_118 = arith.addf %dot_general3A_112, %get3A_117 : vector<1x64xf32>
    %concatenate3A_119 = tpu.concatenate %add3A_118, %add3A_118 in 1 : vector<1x64xf32>, vector<1x64xf32> -> vector<1x128xf32>
    %dot_general3A_120 = arith.constant dense<0.000000e+00> : vector<2048x128xf32>
    %dot_general3A_121 = tpu.matmul %get3A_1, %concatenate3A_107, %dot_general3A_120 {dimension_numbers = #tpu.dot_dimension_numbers<[1], [0], [0], [1], [0, 0, 1, 1], [], []>, transpose_lhs_hint = false} : vector<2048x32xf32>, vector<32x128xf32>, vector<2048x128xf32> -> vector<2048x128xf32>
    %add3A_122 = vector.broadcast %concatenate3A_119 : vector<1x128xf32> to vector<2048x128xf32>
    %add3A_123 = arith.addf %dot_general3A_121, %add3A_122 : vector<2048x128xf32>
    %swap3A_124 = arith.constant 0 : index
    %swap3A_125 = arith.constant 0 : index
    %swap3A_126 = vector.load %arg9[%swap3A_124, %swap3A_125] : memref<2048x128xf32, #tpu.memory_space<vmem>>, vector<2048x128xf32>
    tpu.vector_store %arg9[%swap3A_124, %swap3A_125], %add3A_123 {strides = array<i32>} : memref<2048x128xf32, #tpu.memory_space<vmem>>, vector<2048x128xf32>,
    return
  }
  func.func @transform_0(%arg0: i32) -> (i32, i32) {
    %c0_i32 = arith.constant 0 : i32
    %c0_i32_0 = arith.constant 0 : i32
    return %arg0, %c0_i32 : i32, i32
  }
  func.func @transform_1(%arg0: i32) -> (i32, i32) {
    %c0_i32 = arith.constant 0 : i32
    %c0_i32_0 = arith.constant 0 : i32
    %c0_i32_1 = arith.constant 0 : i32
    return %c0_i32, %c0_i32_0 : i32, i32
  }
  func.func @transform_2(%arg0: i32) -> (i32, i32, i32) {
    %c0_i32 = arith.constant 0 : i32
    %c0_i32_0 = arith.constant 0 : i32
    %c0_i32_1 = arith.constant 0 : i32
    %c0_i32_2 = arith.constant 0 : i32
    return %c0_i32, %c0_i32_0, %c0_i32_1 : i32, i32, i32
  }
  func.func @transform_3(%arg0: i32) -> (i32, i32) {
    %c0_i32 = arith.constant 0 : i32
    %c0_i32_0 = arith.constant 0 : i32
    %c0_i32_1 = arith.constant 0 : i32
    return %c0_i32, %c0_i32_0 : i32, i32
  }
  func.func @transform_4(%arg0: i32) -> (i32, i32, i32) {
    %c0_i32 = arith.constant 0 : i32
    %c0_i32_0 = arith.constant 0 : i32
    %c0_i32_1 = arith.constant 0 : i32
    %c0_i32_2 = arith.constant 0 : i32
    return %c0_i32, %c0_i32_0, %c0_i32_1 : i32, i32, i32
  }
  func.func @transform_5(%arg0: i32) -> (i32, i32) {
    %c0_i32 = arith.constant 0 : i32
    %c0_i32_0 = arith.constant 0 : i32
    return %arg0, %c0_i32 : i32, i32
  }
  func.func @transform_6(%arg0: i32) -> (i32, i32) {
    %c0_i32 = arith.constant 0 : i32
    %c0_i32_0 = arith.constant 0 : i32
    return %arg0, %c0_i32 : i32, i32
  }
  func.func @transform_7(%arg0: i32) -> (i32, i32) {
    %c0_i32 = arith.constant 0 : i32
    %c0_i32_0 = arith.constant 0 : i32
    return %arg0, %c0_i32 : i32, i32
  }
  func.func @transform_8(%arg0: i32) -> (i32, i32) {
    %c0_i32 = arith.constant 0 : i32
    %c0_i32_0 = arith.constant 0 : i32
    return %arg0, %c0_i32 : i32, i32
  }
}

module attributes {stable_mosaic.version = 14 : i64} {
  func.func @_embed_body(%arg0: memref<5000x256xf32, #tpu.memory_space<vmem>>, %arg1: memref<5000x256xf32, #tpu.memory_space<vmem>>, %arg2: memref<256x128xf32, #tpu.memory_space<vmem>>, %arg3: memref<1x128xf32, #tpu.memory_space<vmem>>, %arg4: memref<128x128xf32, #tpu.memory_space<vmem>>, %arg5: memref<256x128xf32, #tpu.memory_space<vmem>>, %arg6: memref<1x128xf32, #tpu.memory_space<vmem>>, %arg7: memref<5000x128xf32, #tpu.memory_space<vmem>>, %arg8: memref<5000x128xf32, #tpu.memory_space<vmem>>, %arg9: memref<5000x128xf32, #tpu.memory_space<vmem>>) attributes {dimension_semantics = [], scalar_prefetch = 0 : i64, scratch_operands = 0 : i64, tpu.core_type = #tpu.core_type<tc>} {
    %get3A = arith.constant 0 : index
    %get3A_0 = arith.constant 0 : index
    %get3A_1 = vector.load %arg0[%get3A, %get3A_0] : memref<5000x256xf32, #tpu.memory_space<vmem>>, vector<5000x256xf32>
    %get3A_2 = arith.constant 0 : index
    %get3A_3 = arith.constant 0 : index
    %get3A_4 = vector.load %arg2[%get3A_2, %get3A_3] : memref<256x128xf32, #tpu.memory_space<vmem>>, vector<256x128xf32>
    %dot_general3A = arith.constant dense<0.000000e+00> : vector<5000x128xf32>
    %dot_general3A_5 = tpu.matmul %get3A_1, %get3A_4, %dot_general3A {dimension_numbers = #tpu.dot_dimension_numbers<[1], [0], [0], [1], [0, 0, 1, 1], [], []>, transpose_lhs_hint = false} : vector<5000x256xf32>, vector<256x128xf32>, vector<5000x128xf32> -> vector<5000x128xf32>
    %get3A_6 = arith.constant 0 : index
    %get3A_7 = arith.constant 0 : index
    %get3A_8 = vector.load %arg3[%get3A_6, %get3A_7] : memref<1x128xf32, #tpu.memory_space<vmem>>, vector<1x128xf32>
    %add3A = vector.broadcast %get3A_8 : vector<1x128xf32> to vector<5000x128xf32>
    %add3A_9 = arith.addf %dot_general3A_5, %add3A : vector<5000x128xf32>
    %swap3A = arith.constant 0 : index
    %swap3A_10 = arith.constant 0 : index
    %swap3A_11 = vector.load %arg7[%swap3A, %swap3A_10] : memref<5000x128xf32, #tpu.memory_space<vmem>>, vector<5000x128xf32>
    tpu.vector_store %arg7[%swap3A, %swap3A_10], %add3A_9 {strides = array<i32>} : memref<5000x128xf32, #tpu.memory_space<vmem>>, vector<5000x128xf32>,
    %get3A_12 = arith.constant 0 : index
    %get3A_13 = arith.constant 0 : index
    %get3A_14 = vector.load %arg4[%get3A_12, %get3A_13] : memref<128x128xf32, #tpu.memory_space<vmem>>, vector<128x128xf32>
    %dot_general3A_15 = arith.constant dense<0.000000e+00> : vector<5000x128xf32>
    %dot_general3A_16 = tpu.matmul %add3A_9, %get3A_14, %dot_general3A_15 {dimension_numbers = #tpu.dot_dimension_numbers<[1], [0], [0], [1], [0, 0, 1, 1], [], []>, transpose_lhs_hint = false} : vector<5000x128xf32>, vector<128x128xf32>, vector<5000x128xf32> -> vector<5000x128xf32>
    %swap3A_17 = arith.constant 0 : index
    %swap3A_18 = arith.constant 0 : index
    %swap3A_19 = vector.load %arg8[%swap3A_17, %swap3A_18] : memref<5000x128xf32, #tpu.memory_space<vmem>>, vector<5000x128xf32>
    tpu.vector_store %arg8[%swap3A_17, %swap3A_18], %dot_general3A_16 {strides = array<i32>} : memref<5000x128xf32, #tpu.memory_space<vmem>>, vector<5000x128xf32>,
    %get3A_20 = arith.constant 0 : index
    %get3A_21 = arith.constant 0 : index
    %get3A_22 = vector.load %arg1[%get3A_20, %get3A_21] : memref<5000x256xf32, #tpu.memory_space<vmem>>, vector<5000x256xf32>
    %get3A_23 = arith.constant 0 : index
    %get3A_24 = arith.constant 0 : index
    %get3A_25 = vector.load %arg5[%get3A_23, %get3A_24] : memref<256x128xf32, #tpu.memory_space<vmem>>, vector<256x128xf32>
    %dot_general3A_26 = arith.constant dense<0.000000e+00> : vector<5000x128xf32>
    %dot_general3A_27 = tpu.matmul %get3A_22, %get3A_25, %dot_general3A_26 {dimension_numbers = #tpu.dot_dimension_numbers<[1], [0], [0], [1], [0, 0, 1, 1], [], []>, transpose_lhs_hint = false} : vector<5000x256xf32>, vector<256x128xf32>, vector<5000x128xf32> -> vector<5000x128xf32>
    %get3A_28 = arith.constant 0 : index
    %get3A_29 = arith.constant 0 : index
    %get3A_30 = vector.load %arg6[%get3A_28, %get3A_29] : memref<1x128xf32, #tpu.memory_space<vmem>>, vector<1x128xf32>
    %add3A_31 = vector.broadcast %get3A_30 : vector<1x128xf32> to vector<5000x128xf32>
    %add3A_32 = arith.addf %dot_general3A_27, %add3A_31 : vector<5000x128xf32>
    %max3A = arith.constant 0.000000e+00 : f32
    %max3A_33 = vector.broadcast %max3A : f32 to vector<5000x128xf32>
    %max3A_34 = arith.maximumf %add3A_32, %max3A_33 : vector<5000x128xf32>
    %swap3A_35 = arith.constant 0 : index
    %swap3A_36 = arith.constant 0 : index
    %swap3A_37 = vector.load %arg9[%swap3A_35, %swap3A_36] : memref<5000x128xf32, #tpu.memory_space<vmem>>, vector<5000x128xf32>
    tpu.vector_store %arg9[%swap3A_35, %swap3A_36], %max3A_34 {strides = array<i32>} : memref<5000x128xf32, #tpu.memory_space<vmem>>, vector<5000x128xf32>,
    return
  }
}

module attributes {stable_mosaic.version = 14 : i64} {
  func.func @body(%arg0: memref<5000x128xf32, #tpu.memory_space<vmem>>, %arg1: memref<2x5056x128xf32, #tpu.memory_space<vmem>>, %arg2: memref<128x128xf32, #tpu.memory_space<vmem>>, %arg3: memref<128x128xf32, #tpu.memory_space<vmem>>, %arg4: memref<1x128xf32, #tpu.memory_space<vmem>>, %arg5: memref<128x128xf32, #tpu.memory_space<vmem>>, %arg6: memref<5000x128xf32, #tpu.memory_space<vmem>>, %arg7: memref<5000x128xf32, #tpu.memory_space<vmem>>) attributes {dimension_semantics = [], scalar_prefetch = 0 : i64, scratch_operands = 0 : i64, tpu.core_type = #tpu.core_type<tc>} {
    %get3A = arith.constant 0 : index
    %get3A_0 = arith.constant 0 : index
    %get3A_1 = vector.load %arg0[%get3A, %get3A_0] : memref<5000x128xf32, #tpu.memory_space<vmem>>, vector<5000x128xf32>
    %get3A_2 = arith.constant 0 : index
    %get3A_3 = arith.constant 0 : index
    %get3A_4 = arith.constant 0 : index
    %get3A_5 = vector.load %arg1[%get3A_2, %get3A_3, %get3A_4] : memref<2x5056x128xf32, #tpu.memory_space<vmem>>, vector<1x5000x128xf32>
    %get3A_6 = vector.shape_cast %get3A_5 : vector<1x5000x128xf32> to vector<5000x128xf32>
    %get3A_7 = arith.constant 1 : index
    %get3A_8 = arith.constant 0 : index
    %get3A_9 = arith.constant 0 : index
    %get3A_10 = vector.load %arg1[%get3A_7, %get3A_8, %get3A_9] : memref<2x5056x128xf32, #tpu.memory_space<vmem>>, vector<1x5000x128xf32>
    %get3A_11 = vector.shape_cast %get3A_10 : vector<1x5000x128xf32> to vector<5000x128xf32>
    %add3A = arith.addf %get3A_6, %get3A_11 : vector<5000x128xf32>
    %get3A_12 = arith.constant 0 : index
    %get3A_13 = arith.constant 0 : index
    %get3A_14 = vector.load %arg2[%get3A_12, %get3A_13] : memref<128x128xf32, #tpu.memory_space<vmem>>, vector<128x128xf32>
    %dot_general3A = arith.constant dense<0.000000e+00> : vector<5000x128xf32>
    %dot_general3A_15 = tpu.matmul %get3A_1, %get3A_14, %dot_general3A {dimension_numbers = #tpu.dot_dimension_numbers<[1], [0], [0], [1], [0, 0, 1, 1], [], []>, transpose_lhs_hint = false} : vector<5000x128xf32>, vector<128x128xf32>, vector<5000x128xf32> -> vector<5000x128xf32>
    %get3A_16 = arith.constant 0 : index
    %get3A_17 = arith.constant 0 : index
    %get3A_18 = vector.load %arg3[%get3A_16, %get3A_17] : memref<128x128xf32, #tpu.memory_space<vmem>>, vector<128x128xf32>
    %dot_general3A_19 = arith.constant dense<0.000000e+00> : vector<5000x128xf32>
    %dot_general3A_20 = tpu.matmul %add3A, %get3A_18, %dot_general3A_19 {dimension_numbers = #tpu.dot_dimension_numbers<[1], [0], [0], [1], [0, 0, 1, 1], [], []>, transpose_lhs_hint = false} : vector<5000x128xf32>, vector<128x128xf32>, vector<5000x128xf32> -> vector<5000x128xf32>
    %add3A_21 = arith.addf %dot_general3A_15, %dot_general3A_20 : vector<5000x128xf32>
    %get3A_22 = arith.constant 0 : index
    %get3A_23 = arith.constant 0 : index
    %get3A_24 = vector.load %arg4[%get3A_22, %get3A_23] : memref<1x128xf32, #tpu.memory_space<vmem>>, vector<1x128xf32>
    %add3A_25 = vector.broadcast %get3A_24 : vector<1x128xf32> to vector<5000x128xf32>
    %add3A_26 = arith.addf %add3A_21, %add3A_25 : vector<5000x128xf32>
    %max3A = arith.constant 0.000000e+00 : f32
    %max3A_27 = vector.broadcast %max3A : f32 to vector<5000x128xf32>
    %max3A_28 = arith.maximumf %add3A_26, %max3A_27 : vector<5000x128xf32>
    %add3A_29 = arith.addf %get3A_1, %max3A_28 : vector<5000x128xf32>
    %swap3A = arith.constant 0 : index
    %swap3A_30 = arith.constant 0 : index
    %swap3A_31 = vector.load %arg6[%swap3A, %swap3A_30] : memref<5000x128xf32, #tpu.memory_space<vmem>>, vector<5000x128xf32>
    tpu.vector_store %arg6[%swap3A, %swap3A_30], %add3A_29 {strides = array<i32>} : memref<5000x128xf32, #tpu.memory_space<vmem>>, vector<5000x128xf32>,
    %get3A_32 = arith.constant 0 : index
    %get3A_33 = arith.constant 0 : index
    %get3A_34 = vector.load %arg5[%get3A_32, %get3A_33] : memref<128x128xf32, #tpu.memory_space<vmem>>, vector<128x128xf32>
    %dot_general3A_35 = arith.constant dense<0.000000e+00> : vector<5000x128xf32>
    %dot_general3A_36 = tpu.matmul %add3A_29, %get3A_34, %dot_general3A_35 {dimension_numbers = #tpu.dot_dimension_numbers<[1], [0], [0], [1], [0, 0, 1, 1], [], []>, transpose_lhs_hint = false} : vector<5000x128xf32>, vector<128x128xf32>, vector<5000x128xf32> -> vector<5000x128xf32>
    %swap3A_37 = arith.constant 0 : index
    %swap3A_38 = arith.constant 0 : index
    %swap3A_39 = vector.load %arg7[%swap3A_37, %swap3A_38] : memref<5000x128xf32, #tpu.memory_space<vmem>>, vector<5000x128xf32>
    tpu.vector_store %arg7[%swap3A_37, %swap3A_38], %dot_general3A_36 {strides = array<i32>} : memref<5000x128xf32, #tpu.memory_space<vmem>>, vector<5000x128xf32>,
    return
  }
}

module attributes {stable_mosaic.version = 14 : i64} {
  func.func @body(%arg0: memref<5000x128xf32, #tpu.memory_space<vmem>>, %arg1: memref<2x5056x128xf32, #tpu.memory_space<vmem>>, %arg2: memref<128x128xf32, #tpu.memory_space<vmem>>, %arg3: memref<128x128xf32, #tpu.memory_space<vmem>>, %arg4: memref<1x128xf32, #tpu.memory_space<vmem>>, %arg5: memref<5000x128xf32, #tpu.memory_space<vmem>>) attributes {dimension_semantics = [], scalar_prefetch = 0 : i64, scratch_operands = 0 : i64, tpu.core_type = #tpu.core_type<tc>} {
    %get3A = arith.constant 0 : index
    %get3A_0 = arith.constant 0 : index
    %get3A_1 = vector.load %arg0[%get3A, %get3A_0] : memref<5000x128xf32, #tpu.memory_space<vmem>>, vector<5000x128xf32>
    %get3A_2 = arith.constant 0 : index
    %get3A_3 = arith.constant 0 : index
    %get3A_4 = arith.constant 0 : index
    %get3A_5 = vector.load %arg1[%get3A_2, %get3A_3, %get3A_4] : memref<2x5056x128xf32, #tpu.memory_space<vmem>>, vector<1x5000x128xf32>
    %get3A_6 = vector.shape_cast %get3A_5 : vector<1x5000x128xf32> to vector<5000x128xf32>
    %get3A_7 = arith.constant 1 : index
    %get3A_8 = arith.constant 0 : index
    %get3A_9 = arith.constant 0 : index
    %get3A_10 = vector.load %arg1[%get3A_7, %get3A_8, %get3A_9] : memref<2x5056x128xf32, #tpu.memory_space<vmem>>, vector<1x5000x128xf32>
    %get3A_11 = vector.shape_cast %get3A_10 : vector<1x5000x128xf32> to vector<5000x128xf32>
    %add3A = arith.addf %get3A_6, %get3A_11 : vector<5000x128xf32>
    %get3A_12 = arith.constant 0 : index
    %get3A_13 = arith.constant 0 : index
    %get3A_14 = vector.load %arg2[%get3A_12, %get3A_13] : memref<128x128xf32, #tpu.memory_space<vmem>>, vector<128x128xf32>
    %dot_general3A = arith.constant dense<0.000000e+00> : vector<5000x128xf32>
    %dot_general3A_15 = tpu.matmul %get3A_1, %get3A_14, %dot_general3A {dimension_numbers = #tpu.dot_dimension_numbers<[1], [0], [0], [1], [0, 0, 1, 1], [], []>, transpose_lhs_hint = false} : vector<5000x128xf32>, vector<128x128xf32>, vector<5000x128xf32> -> vector<5000x128xf32>
    %get3A_16 = arith.constant 0 : index
    %get3A_17 = arith.constant 0 : index
    %get3A_18 = vector.load %arg3[%get3A_16, %get3A_17] : memref<128x128xf32, #tpu.memory_space<vmem>>, vector<128x128xf32>
    %dot_general3A_19 = arith.constant dense<0.000000e+00> : vector<5000x128xf32>
    %dot_general3A_20 = tpu.matmul %add3A, %get3A_18, %dot_general3A_19 {dimension_numbers = #tpu.dot_dimension_numbers<[1], [0], [0], [1], [0, 0, 1, 1], [], []>, transpose_lhs_hint = false} : vector<5000x128xf32>, vector<128x128xf32>, vector<5000x128xf32> -> vector<5000x128xf32>
    %add3A_21 = arith.addf %dot_general3A_15, %dot_general3A_20 : vector<5000x128xf32>
    %get3A_22 = arith.constant 0 : index
    %get3A_23 = arith.constant 0 : index
    %get3A_24 = vector.load %arg4[%get3A_22, %get3A_23] : memref<1x128xf32, #tpu.memory_space<vmem>>, vector<1x128xf32>
    %add3A_25 = vector.broadcast %get3A_24 : vector<1x128xf32> to vector<5000x128xf32>
    %add3A_26 = arith.addf %add3A_21, %add3A_25 : vector<5000x128xf32>
    %max3A = arith.constant 0.000000e+00 : f32
    %max3A_27 = vector.broadcast %max3A : f32 to vector<5000x128xf32>
    %max3A_28 = arith.maximumf %add3A_26, %max3A_27 : vector<5000x128xf32>
    %add3A_29 = arith.addf %get3A_1, %max3A_28 : vector<5000x128xf32>
    %swap3A = arith.constant 0 : index
    %swap3A_30 = arith.constant 0 : index
    %swap3A_31 = vector.load %arg5[%swap3A, %swap3A_30] : memref<5000x128xf32, #tpu.memory_space<vmem>>, vector<5000x128xf32>
    tpu.vector_store %arg5[%swap3A, %swap3A_30], %add3A_29 {strides = array<i32>} : memref<5000x128xf32, #tpu.memory_space<vmem>>, vector<5000x128xf32>,
    return
  }
}

module attributes {stable_mosaic.version = 14 : i64} {
  func.func @_final_body(%arg0: memref<5000x128xf32, #tpu.memory_space<vmem>>, %arg1: memref<5000x128xf32, #tpu.memory_space<vmem>>, %arg2: memref<2x5056x128xf32, #tpu.memory_space<vmem>>, %arg3: memref<5000x128xf32, #tpu.memory_space<vmem>>, %arg4: memref<5000x128xf32, #tpu.memory_space<vmem>>, %arg5: memref<2x64x64xf32, #tpu.memory_space<vmem>>, %arg6: memref<2x1x64xf32, #tpu.memory_space<vmem>>, %arg7: memref<64x1xf32, #tpu.memory_space<vmem>>, %arg8: memref<64x1xf32, #tpu.memory_space<vmem>>, %arg9: memref<1x1xf32, #tpu.memory_space<vmem>>, %arg10: memref<64x1xf32, #tpu.memory_space<vmem>>) attributes {dimension_semantics = [], scalar_prefetch = 0 : i64, scratch_operands = 0 : i64, tpu.core_type = #tpu.core_type<tc>} {
    %get3A = arith.constant 0 : index
    %get3A_0 = arith.constant 0 : index
    %get3A_1 = vector.load %arg0[%get3A, %get3A_0] : memref<5000x128xf32, #tpu.memory_space<vmem>>, vector<5000x128xf32>
    %get3A_2 = arith.constant 0 : index
    %get3A_3 = arith.constant 0 : index
    %get3A_4 = vector.load %arg1[%get3A_2, %get3A_3] : memref<5000x128xf32, #tpu.memory_space<vmem>>, vector<5000x128xf32>
    %get3A_5 = arith.constant 0 : index
    %get3A_6 = arith.constant 0 : index
    %get3A_7 = arith.constant 0 : index
    %get3A_8 = vector.load %arg2[%get3A_5, %get3A_6, %get3A_7] : memref<2x5056x128xf32, #tpu.memory_space<vmem>>, vector<1x5000x128xf32>
    %get3A_9 = vector.shape_cast %get3A_8 : vector<1x5000x128xf32> to vector<5000x128xf32>
    %add3A = arith.addf %get3A_4, %get3A_9 : vector<5000x128xf32>
    %get3A_10 = arith.constant 1 : index
    %get3A_11 = arith.constant 0 : index
    %get3A_12 = arith.constant 0 : index
    %get3A_13 = vector.load %arg2[%get3A_10, %get3A_11, %get3A_12] : memref<2x5056x128xf32, #tpu.memory_space<vmem>>, vector<1x5000x128xf32>
    %get3A_14 = vector.shape_cast %get3A_13 : vector<1x5000x128xf32> to vector<5000x128xf32>
    %add3A_15 = arith.addf %add3A, %get3A_14 : vector<5000x128xf32>
    %get3A_16 = arith.constant 0 : index
    %get3A_17 = arith.constant 0 : index
    %get3A_18 = vector.load %arg3[%get3A_16, %get3A_17] : memref<5000x128xf32, #tpu.memory_space<vmem>>, vector<5000x128xf32>
    %dot_general3A = arith.constant dense<0.000000e+00> : vector<128x128xf32>
    %dot_general3A_19 = tpu.matmul %get3A_18, %get3A_1, %dot_general3A {dimension_numbers = #tpu.dot_dimension_numbers<[0], [0], [1], [1], [0, 1, 1, 1], [], []>, transpose_lhs_hint = false} : vector<5000x128xf32>, vector<5000x128xf32>, vector<128x128xf32> -> vector<128x128xf32>
    %slice3A = vector.extract_strided_slice %dot_general3A_19 {offsets = [0, 0], sizes = [64, 64], strides = [1, 1]} : vector<128x128xf32> to vector<64x64xf32>
    %slice3A_20 = vector.extract_strided_slice %dot_general3A_19 {offsets = [64, 64], sizes = [64, 64], strides = [1, 1]} : vector<128x128xf32> to vector<64x64xf32>
    %add3A_21 = arith.addf %slice3A, %slice3A_20 : vector<64x64xf32>
    %get3A_22 = arith.constant 0 : index
    %get3A_23 = arith.constant 0 : index
    %get3A_24 = vector.load %arg4[%get3A_22, %get3A_23] : memref<5000x128xf32, #tpu.memory_space<vmem>>, vector<5000x128xf32>
    %dot_general3A_25 = arith.constant dense<0.000000e+00> : vector<128x128xf32>
    %dot_general3A_26 = tpu.matmul %get3A_24, %add3A_15, %dot_general3A_25 {dimension_numbers = #tpu.dot_dimension_numbers<[0], [0], [1], [1], [0, 1, 1, 1], [], []>, transpose_lhs_hint = false} : vector<5000x128xf32>, vector<5000x128xf32>, vector<128x128xf32> -> vector<128x128xf32>
    %slice3A_27 = vector.extract_strided_slice %dot_general3A_26 {offsets = [0, 0], sizes = [64, 64], strides = [1, 1]} : vector<128x128xf32> to vector<64x64xf32>
    %slice3A_28 = vector.extract_strided_slice %dot_general3A_26 {offsets = [64, 64], sizes = [64, 64], strides = [1, 1]} : vector<128x128xf32> to vector<64x64xf32>
    %add3A_29 = arith.addf %slice3A_27, %slice3A_28 : vector<64x64xf32>
    %get3A_30 = arith.constant 0 : index
    %get3A_31 = arith.constant 0 : index
    %get3A_32 = arith.constant 0 : index
    %get3A_33 = vector.load %arg5[%get3A_30, %get3A_31, %get3A_32] : memref<2x64x64xf32, #tpu.memory_space<vmem>>, vector<1x64x64xf32>
    %get3A_34 = vector.shape_cast %get3A_33 : vector<1x64x64xf32> to vector<64x64xf32>
    %dot_general3A_35 = arith.constant dense<0.000000e+00> : vector<64x64xf32>
    %dot_general3A_36 = tpu.matmul %add3A_21, %get3A_34, %dot_general3A_35 {dimension_numbers = #tpu.dot_dimension_numbers<[1], [0], [0], [1], [0, 0, 1, 1], [], []>, transpose_lhs_hint = false} : vector<64x64xf32>, vector<64x64xf32>, vector<64x64xf32> -> vector<64x64xf32>
    %get3A_37 = arith.constant 0 : index
    %get3A_38 = arith.constant 0 : index
    %get3A_39 = arith.constant 0 : index
    %get3A_40 = vector.load %arg6[%get3A_37, %get3A_38, %get3A_39] : memref<2x1x64xf32, #tpu.memory_space<vmem>>, vector<1x1x64xf32>
    %get3A_41 = vector.shape_cast %get3A_40 : vector<1x1x64xf32> to vector<1x64xf32>
    %add3A_42 = vector.broadcast %get3A_41 : vector<1x64xf32> to vector<64x64xf32>
    %add3A_43 = arith.addf %dot_general3A_36, %add3A_42 : vector<64x64xf32>
    %max3A = arith.constant 0.000000e+00 : f32
    %max3A_44 = vector.broadcast %max3A : f32 to vector<64x64xf32>
    %max3A_45 = arith.maximumf %add3A_43, %max3A_44 : vector<64x64xf32>
    %get3A_46 = arith.constant 1 : index
    %get3A_47 = arith.constant 0 : index
    %get3A_48 = arith.constant 0 : index
    %get3A_49 = vector.load %arg5[%get3A_46, %get3A_47, %get3A_48] : memref<2x64x64xf32, #tpu.memory_space<vmem>>, vector<1x64x64xf32>
    %get3A_50 = vector.shape_cast %get3A_49 : vector<1x64x64xf32> to vector<64x64xf32>
    %dot_general3A_51 = arith.constant dense<0.000000e+00> : vector<64x64xf32>
    %dot_general3A_52 = tpu.matmul %max3A_45, %get3A_50, %dot_general3A_51 {dimension_numbers = #tpu.dot_dimension_numbers<[1], [0], [0], [1], [0, 0, 1, 1], [], []>, transpose_lhs_hint = false} : vector<64x64xf32>, vector<64x64xf32>, vector<64x64xf32> -> vector<64x64xf32>
    %get3A_53 = arith.constant 1 : index
    %get3A_54 = arith.constant 0 : index
    %get3A_55 = arith.constant 0 : index
    %get3A_56 = vector.load %arg6[%get3A_53, %get3A_54, %get3A_55] : memref<2x1x64xf32, #tpu.memory_space<vmem>>, vector<1x1x64xf32>
    %get3A_57 = vector.shape_cast %get3A_56 : vector<1x1x64xf32> to vector<1x64xf32>
    %add3A_58 = vector.broadcast %get3A_57 : vector<1x64xf32> to vector<64x64xf32>
    %add3A_59 = arith.addf %dot_general3A_52, %add3A_58 : vector<64x64xf32>
    %max3A_60 = arith.constant 0.000000e+00 : f32
    %max3A_61 = vector.broadcast %max3A_60 : f32 to vector<64x64xf32>
    %max3A_62 = arith.maximumf %add3A_59, %max3A_61 : vector<64x64xf32>
    %get3A_63 = arith.constant 0 : index
    %get3A_64 = arith.constant 0 : index
    %get3A_65 = vector.load %arg7[%get3A_63, %get3A_64] : memref<64x1xf32, #tpu.memory_space<vmem>>, vector<64x1xf32>
    %dot_general3A_66 = arith.constant dense<0.000000e+00> : vector<64x1xf32>
    %dot_general3A_67 = tpu.matmul %max3A_62, %get3A_65, %dot_general3A_66 {dimension_numbers = #tpu.dot_dimension_numbers<[1], [0], [0], [1], [0, 0, 1, 1], [], []>, transpose_lhs_hint = false} : vector<64x64xf32>, vector<64x1xf32>, vector<64x1xf32> -> vector<64x1xf32>
    %get3A_68 = arith.constant 0 : index
    %get3A_69 = arith.constant 0 : index
    %get3A_70 = vector.load %arg8[%get3A_68, %get3A_69] : memref<64x1xf32, #tpu.memory_space<vmem>>, vector<64x1xf32>
    %dot_general3A_71 = arith.constant dense<0.000000e+00> : vector<64x1xf32>
    %dot_general3A_72 = tpu.matmul %add3A_29, %get3A_70, %dot_general3A_71 {dimension_numbers = #tpu.dot_dimension_numbers<[1], [0], [0], [1], [0, 0, 1, 1], [], []>, transpose_lhs_hint = false} : vector<64x64xf32>, vector<64x1xf32>, vector<64x1xf32> -> vector<64x1xf32>
    %add3A_73 = arith.addf %dot_general3A_67, %dot_general3A_72 : vector<64x1xf32>
    %get3A_74 = arith.constant 0 : index
    %get3A_75 = arith.constant 0 : index
    %get3A_76 = vector.load %arg9[%get3A_74, %get3A_75] : memref<1x1xf32, #tpu.memory_space<vmem>>, vector<1x1xf32>
    %add3A_77 = vector.broadcast %get3A_76 : vector<1x1xf32> to vector<64x1xf32>
    %add3A_78 = arith.addf %add3A_73, %add3A_77 : vector<64x1xf32>
    %swap3A = arith.constant 0 : index
    %swap3A_79 = arith.constant 0 : index
    %swap3A_80 = vector.load %arg10[%swap3A, %swap3A_79] : memref<64x1xf32, #tpu.memory_space<vmem>>, vector<64x1xf32>
    tpu.vector_store %arg10[%swap3A, %swap3A_79], %add3A_78 {strides = array<i32>} : memref<64x1xf32, #tpu.memory_space<vmem>>, vector<64x1xf32>,
    return
  }
}

</mosaic_0001>

<sc_bundles>
// kernel: kernel.14.cloned.1.call-start
scs
__scs_entry_jumppad:
0x0: {  	(pc) =	sbr.rel $0x88, $3  }
0x1: {  	(tag) =	ssettag $0x0;
	lr =	simm.s32 $0x1  }
0x2: {  	[smem:$0x3F8C] =	sst lr;
	_ =	strace $0xD0000000  }
0x3: {  	_ = 	snop  }
0x4: {  	_ = 	snop  }
0x5: {  	_ = 	snop  }
0x6: {  	_ = 	snop  }
0x7: {  	_ = 	snop  }
__scs_overlays_trampoline_lowered:
0x8: {  	[smem:$0x3F9B] =	sst s0  }
0x9: {  	[smem:$0x3F9C] =	sst s1  }
0xa: {  	[smem:$0x3F9D] =	sst s2  }
0xb: {  	[smem:$0x3F9E] =	sst s3  }
0xc: {  	[smem:$0x3F9F] =	sst s4  }
0xd: {  	[smem:$0x3FA0] =	sst s5  }
0xe: {  	[smem:$0x3FA1] =	sst s6  }
0xf: {  	[smem:$0x3FA2] =	sst s7  }
0x10: {  	[smem:$0x3FA3] =	sst s8  }
0x11: {  	[smem:$0x3FA4] =	sst s9;
	s0 =	simm.s32 @!p0 $0x0  }
0x12: {  	s1 =	sld [smem:$0x3F8A];
	s0 =	simm.s32 @p0 $0x1  }
0x13: {  	[smem:$0x3FA5] =	sst s0;
	s0 =	simm.s32 @!p1 $0x0  }
0x14: {  	s2 =	sld [smem:$0x3F89];
	s0 =	simm.s32 @p1 $0x1  }
0x15: {  	[smem:$0x3FA6] =	sst s0;
	s0 =	simm.s32 @!p2 $0x0  }
0x16: {  	s3 =	sld [smem:$0x3FDB];
	s0 =	simm.s32 @p2 $0x1  }
0x17: {  	s4 =	simm.s32 $0x1BF5;
	[smem:$0x3FA8] =	sst s0  }
0x18: {  	s0 =	sld [smem:$0x3F8B];
	_ =	swait.ge [sflag:s4], $0x0  }
0x19: {  	s7 =	sld [smem:$0x3F8C]  }
0x1a: {  	s8 =	sadd.s32 $0xFFFFE003, lr  }
0x1b: {  	s9 =	sadd.s32 $0xFFFFFEF7, lr;
	s5 =	simm.s32 $0xFFFFFFFF;
	p2 =	slt.u32 s8, $0xFFFFF086  }
0x1c: {  	p1 =	slt.u32 s9, $0xF7A;
	s5 =	simm.s32 @!p2 $0x0  }
0x1d: {  	s5 =	simm.s32 @p1 $0x1;
	p0 =	seq.s32 s7, s2  }
0x1e: {  	s7 =	smul.u32 @!p0 $0xF7A, s2;
	p2 =	seq.s32 @!p0 s5, $0x0  }
0x1f: {  	s9 =	smul.u32 $0xF7A, s1;
	s8 =	simm.s32 @!p0 $0x1BF5;
	p2 =	por !p2, p0  }
0x20: {  	[sflag:s8] =	ssyncset.s32 @!p0 $0xFFFFF086;
	s6 =	sadd.s32 @!p0 s3, s7;
	s7 =	simm.s32 @!p0 $0x108  }
0x21: {  	s3 =	sadd.s32 s3, s9;
	s6 =	sadd.s32 @!p0 $0x88, s6;
	s7 =	simm.s32 @p2 $0x1082  }
0x22: {  	[simem:s7], [sflag:s8] =	dma.local @!p0 [hbm:s6], $0xF7A  }
0x23: {  	s9 =	sor.u32 $0xD0000000, s2;
	s6 =	simm.s32 $0x108;
	_ =	swait.ge @!p0 [sflag:s8], $0x0  }
0x24: {  	s3 =	sadd.s32 $0x88, s3;
	s6 =	simm.s32 @!p1 $0x1082;
	[sflag:s4] =	ssyncset.s32 $0xFFFFF086  }
0x25: {  	[simem:s6], [sflag:s4] =	dma.local [hbm:s3], $0xF7A  }
0x26: {  	[smem:$0x3F8C] =	sst s1;
	(tag) =	ssettag s2;
	_ =	strace s9  }
0x27: {  	s1 =	sld [smem:$0x3F9C]  }
0x28: {  	s2 =	sld [smem:$0x3F9D]  }
0x29: {  	s4 =	sld [smem:$0x3F9F]  }
0x2a: {  	p0 =	seq.s32 s5, $0x0;
	s5 =	sld [smem:$0x3FA0]  }
0x2b: {  	s6 =	sld [smem:$0x3FA1]  }
0x2c: {  	s7 =	sld [smem:$0x3FA2]  }
0x2d: {  	s3 =	simm.s32 $0x108;
	s8 =	sld [smem:$0x3FA3]  }
0x2e: {  	s3 =	simm.s32 @!p0 $0x1082;
	s9 =	sld [smem:$0x3FA4]  }
0x2f: {  	lr =	sadd.s32 s0, s3;
	s0 =	sld [smem:$0x3F9B]  }
0x30: {  	s3 =	sld [smem:$0x3F9E]  }
0x31: {  	[smem:$0x3FA7] =	sst s10  }
0x32: {  	s10 =	sld [smem:$0x3FA5];
	_ =	sdelay $0x3  }
0x33: {  	p0 =	seq.s32 s10, $0x1;
	s10 =	sld [smem:$0x3FA7];
	_ =	sdelay $0x3  }
0x34: {  	[smem:$0x3FA7] =	sst s10  }
0x35: {  	s10 =	sld [smem:$0x3FA6];
	_ =	sdelay $0x3  }
0x36: {  	p1 =	seq.s32 s10, $0x1;
	s10 =	sld [smem:$0x3FA7];
	_ =	sdelay $0x3  }
0x37: {  	[smem:$0x3FA7] =	sst s10  }
0x38: {  	s10 =	sld [smem:$0x3FA8]  }
0x39: {  	_ = 	snop;
	(pc) =	sbr.ind lr, $3  }
0x3a: {  	_ = 	snop  }
0x3b: {  	_ = 	snop  }
0x3c: {  	p2 =	seq.s32 s10, $0x1;
	s10 =	sld [smem:$0x3FA7]  }
0x3d: {  	_ =	shalt  }
0x3e: {  	_ =	shalt  }
0x3f: {  	_ =	shalt  }
0x40: {  	_ =	shalt  }
0x41: {  	_ =	shalt  }
0x42: {  	_ =	shalt  }
0x43: {  	_ =	shalt  }
0x44: {  	_ =	shalt  }
0x45: {  	_ =	shalt  }
0x46: {  	_ =	shalt  }
0x47: {  	_ =	shalt  }
0x48: {  	_ =	shalt  }
0x49: {  	_ =	shalt  }
0x4a: {  	_ =	shalt  }
0x4b: {  	_ =	shalt  }
0x4c: {  	_ =	shalt  }
0x4d: {  	_ =	shalt  }
0x4e: {  	_ =	shalt  }
0x4f: {  	_ =	shalt  }
0x50: {  	_ =	shalt  }
0x51: {  	_ =	shalt  }
0x52: {  	_ =	shalt  }
0x53: {  	_ =	shalt  }
0x54: {  	_ =	shalt  }
0x55: {  	_ =	shalt  }
0x56: {  	_ =	shalt  }
0x57: {  	_ =	shalt  }
0x58: {  	_ =	shalt  }
0x59: {  	_ =	shalt  }
0x5a: {  	_ =	shalt  }
0x5b: {  	_ =	shalt  }
0x5c: {  	_ =	shalt  }
0x5d: {  	_ =	shalt  }
0x5e: {  	_ =	shalt  }
0x5f: {  	_ =	shalt  }
0x60: {  	_ =	shalt  }
0x61: {  	_ =	shalt  }
0x62: {  	_ =	shalt  }
0x63: {  	_ =	shalt  }
0x64: {  	_ =	shalt  }
0x65: {  	_ =	shalt  }
0x66: {  	_ =	shalt  }
0x67: {  	_ =	shalt  }
0x68: {  	_ =	shalt  }
0x69: {  	_ =	shalt  }
0x6a: {  	_ =	shalt  }
0x6b: {  	_ =	shalt  }
0x6c: {  	_ =	shalt  }
0x6d: {  	_ =	shalt  }
0x6e: {  	_ =	shalt  }
0x6f: {  	_ =	shalt  }
0x70: {  	_ =	shalt  }
0x71: {  	_ =	shalt  }
0x72: {  	_ =	shalt  }
0x73: {  	_ =	shalt  }
0x74: {  	_ =	shalt  }
0x75: {  	_ =	shalt  }
0x76: {  	_ =	shalt  }
0x77: {  	_ =	shalt  }
0x78: {  	_ =	shalt  }
0x79: {  	_ =	shalt  }
0x7a: {  	_ =	shalt  }
0x7b: {  	_ =	shalt  }
0x7c: {  	_ =	shalt  }
0x7d: {  	_ =	shalt  }
0x7e: {  	_ =	shalt  }
0x7f: {  	_ =	shalt  }
0x80: {  	_ =	shalt  }
0x81: {  	_ =	shalt  }
0x82: {  	_ =	shalt  }
0x83: {  	_ =	shalt  }
0x84: {  	_ =	shalt  }
0x85: {  	_ =	shalt  }
0x86: {  	_ =	shalt  }
0x87: {  	_ =	shalt  }
.Lfunc_end0:
.L_simem_size_0:
called_computation_lowered:
.L_overlay_start_0:
0x88: {  	s2 =	sld [smem:$0x3FD9]  }
0x89: {  	s3 =	sld [smem:$0x3FFE];
	_ =	sdelay $0x1  }
0x8a: {  	s1 =	srdreg.scid  }
0x8b: {  	s0 =	sand.u32 $0x1, s1  }
0x8c: {  	s16 =	sshll.u32 s0, $0xA;
	s2 =	sadd.s32 s3, s2  }
0x8d: {  	s2 =	sadd.s32 s2, s16  }
0x8e: {  	[smem:$0x3FB3] =	sst s2  }
0x8f: {  	_ = 	snop  }
0x90: {  	(tm) =	ssettm $0x1  }
0x91: {  	s17 =	sld [smem:$0x3FFB];
	_ =	sdelay $0x3  }
0x92: {  	_ =	strace s17  }
0x93: {  	s2 =	sld [smem:$0x3FFC];
	_ =	sdelay $0x3  }
0x94: {  	_ =	strace s2  }
0x95: {  	s2 =	sld [smem:$0x3FFD];
	_ =	sdelay $0x3  }
0x96: {  	_ =	strace s2  }
0x97: {  	_ =	strace $0x8FFFFFFF  }
0x98: {  	s18 =	sld [smem:$0x3FDB];
	_ =	sdelay $0x1  }
0x99: {  	s19 =	simm.s32 $_scs_section_size  }
0x9a: {  	s4 =	simm.s32 $_size__tile_overlayer_lowered;
	s5 =	simm.s32 $_tile_overlayer_lowered  }
0x9b: {  	s22 =	simm.s32 $0x1BFF;
	s21 =	sshll.u32 s5, $0x1;
	s2 =	sadd.s32 s19, s18  }
0x9c: {  	s6 =	simm.s32 $0x0;
	s20 =	sshll.u32 s4, $0x1;
	s4 =	sadd.s32 s21, s2  }
0x9d: {  	[timem:s6], [sflag:s22] =	dma.local [hbm:s4], s20  }
0x9e: {  	_ =	swait.ge [sflag:s22], s20  }
0x9f: {  	s3 =	ssub.s32 $0x0, s20;
	[sflag:s22] =	ssyncset.done $0x0  }
0xa0: {  	[sflag:s22] =	ssyncadd.s32 s3;
	_ =	sdelay $0x1  }
0xa1: {  	s23 =	simm.s32 $0x1B8B  }
0xa2: {  	_ =	swait.ge [sflag:s23], $0x1  }
0xa3: {  	[sflag:s23] =	ssyncset.done $0x0  }
0xa4: {  	s25 =	simm.s32 $0x1B8E;
	s24 =	sld [smem:$0x3FFE];
	[sflag:s23] =	ssyncadd.s32 $0xFFFFFFFF  }
0xa5: {  	s26 =	simm.s32 $execute0_lowered;
	[smem:$0x3FD2] =	sst s25  }
0xa6: {  	s4 =	sshll.u32 s26, $0x1;
	_ =	strace $0x80000046;
	[dreg:$0x1] =	wrdreg $0xFFFFFFFF  }
0xa7: {  	s28 =	simm.s32 $_size_execute0_lowered;
	s2 =	sadd.s32 s2, s4;
	[dreg:$0x0] =	wrdreg $0x0  }
0xa8: {  	s4 =	sshll.u32 s28, $0x1;
	[dreg:$0x2] =	wrdreg s2  }
0xa9: {  	[dreg:$0x3] =	wrdreg s4  }
0xaa: {  	[dreg:$0x4] =	wrdreg $0xC0  }
0xab: {  	_ =	task [dreg:s6], $0x5FFFF  }
0xac: {  	[dreg:$0x1] =	wrdreg $0xFFFFFFFF  }
0xad: {  	[dreg:$0x0] =	wrdreg $0x60  }
0xae: {  	[dreg:$0x2] =	wrdreg s24  }
0xaf: {  	[dreg:$0x3] =	wrdreg $0x150000  }
0xb0: {  	[dreg:$0x4] =	wrdreg $0x9  }
0xb1: {  	_ =	task.clear_ibuf [dreg:s6], $0x5FFFF;
	_ =	strace $0x90000046  }
0xb2: {  	s29 =	simm.s32 $0x9;
	_ =	strace $0x80000048  }
0xb3: {  	_ =	swait.ge [sflag:s29], $0x1  }
0xb4: {  	[sflag:s29] =	ssyncadd.s32 $0xFFFFFFFF  }
0xb5: {  	_ =	strace $0x90000048  }
0xb6: {  	_ =	sfence  }
0xb7: {  	s30 =	sld [smem:$0x0];
	_ =	sdelay $0x2  }
0xb8: {  	s31 =	sshll.u32 s1, $0xD;
	s1 =	sshrl.u32 s1, $0x2  }
0xb9: {  	s3 =	sand.u32 $0x4000, s31;
	s1 =	sadd.s32 s1, s30  }
0xba: {  	s0 =	sor.u32 s3, s0;
	s1 =	sshll.u32 s1, $0x11  }
0xbb: {  	s0 =	sor.u32 s1, s0  }
0xbc: {  	s0 =	sadd.s32 $0x8F2B, s0  }
0xbd: {  	[sflag:s0] =	ssyncadd.remote.s32 $0x1  }
0xbe: {  	_ =	sfence.sel $0xFFFF  }
0xbf: {  	[dreg:$0x0] =	wrdreg $0xFFFFFFFF;
	(pc) =	sbr.abs _section_cstart, $3  }
0xc0: {  	[dreg:$0x1] =	wrdreg $0xFFFFFFFF  }
0xc1: {  	_ =	task.clear_ibuf [dreg:s6], $0x2FFFF;
	_ =	strace $0x9FFFFFFF  }
0xc2: {  	(tm) =	ssettm $0x7FFFFFFF  }
0xc3: {  	_ =	shalt  }
tec
execute0_lowered:
.L_overlay_start_1:
0x0: {  	(tag) =	ssettag $0x1  }
0x1: {  	s7 =	rddreg [dreg:$0x0]  }
0x2: {  	s0 =	srdreg.scid;
	s2 =	rddreg [dreg:$0x1]  }
0x3: {  	s3 =	simm.s32 $0x0;
	s15 =	simm.s32 $0x2800;
	s16 =	simm.s32 $0x80  }
0x4: {  	s17 =	simm.s32 $0x7000;
	s18 =	simm.s32 $0x9000;
	s19 =	simm.s32 $0xB000  }
0x5: {  	s20 =	simm.s32 $0xD000;
	s21 =	simm.s32 $0x1;
	s22 =	simm.s32 $0x2  }
0x6: {  	s6 =	sand.u32 $0x1, s0;
	s0 =	stileid.u32;
	[smem:$0x7FF] =	sst s3  }
0x7: {  	s4 =	sadd.s32 $0x9C00, s7;
	s5 =	sadd.s32 $0x2EF000, s7;
	s9 =	smul.u32 $0x9E00, s0  }
0x8: {  	s1 =	sshll.u32 s6, $0x4;
	s11 =	smul.u32 $0x9E000, s6;
	_ =	strace $0x80000047  }
0x9: {  	s12 =	smul.u32 $0x27800, s0;
	s6 =	ssub.s32 $0x2, s6;
	s10 =	sor.u32 s0, s1  }
0xa: {  	s30 =	sshrl.u32 s6, $0x1;
	s8 =	smul.u32 $0x500, s10;
	s26 =	sadd.s32 s9, s11  }
0xb: {  	s28 =	sshrl.u32 s12, $0x2;
	s14 =	ssub.s32 s6, s30;
	s6 =	sadd.s32 s9, s2  }
0xc: {  	s10 =	smul.u32 $0xA0000, s10;
	s31 =	sadd.s32 s28, s2;
	s12 =	smax.u32 s14, $0x1  }
0xd: {  	s14 =	simm.s32 $0x3;
	s13 =	sadd.s32 s8, s7;
	s8 =	sshrl.u32 s26, $0x3  }
0xe: {  	s29 =	sadd.s32 s8, s7;
	s7 =	sadd.s32 $0x8000, s31;
	s8 =	sadd.s32 $0x2DB000, s13  }
0xf: {  	v0 =	vimm.f32 $0.0e+00;
	s9 =	sadd.s32 $0x2E5000, s13;
	s13 =	simm.s32 $0x5000;
	s11 =	sadd.s32 $0x31000, s29  }
.LBB2_1:
0x10: {  	s24 =	simm.s32 $0x100;
	s23 =	simm.s32 $0x0  }
.LBB2_2:
0x11: {  	p0 =	sne.s32 s24, $0x1FF00;
	[tilespmem:s23+$0x5030] =	vst v0;
	s25 =	smov.u32 s24;
	s24 =	sadd.s32 $0x100, s24  }
.Ltmp0:
0x12: {  	[tilespmem:s23+$0x5020] =	vst v0;
	(pc) =	sbr.rel @p0 .LBB2_2-.Ltmp0, $3  }
0x13: {  	[tilespmem:s23+$0x5000] =	vst v0  }
0x14: {  	[tilespmem:s23+$0x5010] =	vst v0;
	_ =	sdelay $0x1  }
0x15: {  	s23 =	sshra.s32 s25, $0x2  }
0x16: {  	[tilespmem:s23+$0x5030] =	vst v0  }
0x17: {  	[tilespmem:s23+$0x5020] =	vst v0  }
0x18: {  	[tilespmem:s23+$0x5000] =	vst v0  }
0x19: {  	[tilespmem:s23+$0x5010] =	vst v0  }
0x1a: {  	[spmem:s6] =	stream.linear.scatter [tilespmem:s13], [sflag:$0x3], $0x8000, $0x38;
	[tilespmem:$0x1EE00] =	vst v63  }
0x1b: {  	_ =	swait.ge [sflag:s14], $0x8000  }
0x1c: {  	[sflag:s14] =	ssyncset.done $0x0  }
0x1d: {  	[sflag:s14] =	ssyncadd.s32 $0xFFFF8000  }
0x1e: {  	[spmem:s7] =	stream.linear.scatter [tilespmem:s13], [sflag:$0x3], $0x1E00, $0x38;
	[tilespmem:$0x1EE00] =	vst v63  }
0x1f: {  	_ =	swait.ge [sflag:s14], $0x1E00  }
0x20: {  	[sflag:s14] =	ssyncset.done $0x0  }
0x21: {  	[sflag:s14] =	ssyncadd.s32 $0xFFFFE200  }
0x22: {  	s23 =	simm.s32 $0x0;
	[bflag:$0x0] =	sbarrier.arrive $0xFFFF  }
0x23: {  	[tilespmem:s23], [sflag:$0x3] =	stream.linear.gather [hbm4b:s8+s23], $0x2800, $0x38;
	[tilespmem:$0x1EE00] =	vst v63  }
0x24: {  	_ =	swait.ge [sflag:s14], $0x2800  }
0x25: {  	[sflag:s14] =	ssyncset.done $0x0  }
0x26: {  	[sflag:s14] =	ssyncadd.s32 $0xFFFFD800  }
0x27: {  	[tilespmem:s15], [sflag:$0x3] =	stream.linear.gather [hbm4b:s9+s23], $0x2800, $0x38;
	[tilespmem:$0x1EE00] =	vst v63  }
0x28: {  	_ =	swait.ge [sflag:s14], $0x2800  }
0x29: {  	[sflag:s14] =	ssyncset.done $0x0  }
0x2a: {  	s24 =	simm.s32 $0x0;
	[sflag:s14] =	ssyncadd.s32 $0xFFFFD800  }
.LBB2_4:
0x2b: {  	s29 =	sshll.u32 s24, $0x9  }
0x2c: {  	[tilespmem:s13], [sflag:$0x1] =	stream.indirect.gather [hbm4b:s4+s16], $0x40, s29, s16, $0xb8;
	[tilespmem:$0x1EE00] =	vst v63  }
0x2d: {  	s30 =	sshll.u32 s24, $0xF;
	s28 =	sor.u32 $0x80, s29  }
0x2e: {  	[tilespmem:s17], [sflag:$0x1] =	stream.indirect.gather [hbm4b:s4+s16], $0x40, s28, s16, $0xb8;
	[tilespmem:$0x1EE00] =	vst v63  }
0x2f: {  	s26 =	sor.u32 $0x100, s29;
	s30 =	sadd.s32 s10, s30  }
0x30: {  	[tilespmem:s18], [sflag:$0x1] =	stream.indirect.gather [hbm4b:s4+s16], $0x40, s26, s16, $0xb8;
	[tilespmem:$0x1EE00] =	vst v63  }
0x31: {  	s25 =	sor.u32 $0x180, s29;
	s30 =	sshrl.u32 s30, $0x3  }
0x32: {  	[tilespmem:s19], [sflag:$0x1] =	stream.indirect.gather [hbm4b:s4+s16], $0x40, s25, s16, $0xb8;
	[tilespmem:$0x1EE00] =	vst v63  }
0x33: {  	s30 =	sadd.s32 s5, s30  }
0x34: {  	[tilespmem:s20], [sflag:$0x2] =	stream.linear.gather [hbm4b:s30+s23], $0x8000, $0x38;
	[tilespmem:$0x1EE00] =	vst v63  }
0x35: {  	_ =	swait.ge [sflag:s21], $0x2000  }
0x36: {  	[sflag:s21] =	ssyncset.done $0x0  }
0x37: {  	[sflag:s21] =	ssyncadd.s32 $0xFFFFE000  }
0x38: {  	_ =	swait.ge [sflag:s21], $0x2000  }
0x39: {  	[sflag:s21] =	ssyncset.done $0x0  }
0x3a: {  	[sflag:s21] =	ssyncadd.s32 $0xFFFFE000  }
0x3b: {  	_ =	swait.ge [sflag:s21], $0x2000  }
0x3c: {  	[sflag:s21] =	ssyncset.done $0x0  }
0x3d: {  	[sflag:s21] =	ssyncadd.s32 $0xFFFFE000  }
0x3e: {  	_ =	swait.ge [sflag:s21], $0x2000  }
0x3f: {  	[sflag:s21] =	ssyncset.done $0x0  }
0x40: {  	[sflag:s21] =	ssyncadd.s32 $0xFFFFE000  }
0x41: {  	_ =	swait.ge [sflag:s22], $0x8000  }
0x42: {  	[sflag:s22] =	ssyncset.done $0x0  }
0x43: {  	s30 =	simm.s32 $0x0;
	[sflag:s22] =	ssyncadd.s32 $0xFFFF8000  }
0x44: {  	v7 =	vld [tilespmem:s30+$0xD000]  }
0x45: {  	v12 =	vld [tilespmem:s30+$0xD010]  }
0x46: {  	v6 =	vld [tilespmem:s30+$0xD020]  }
0x47: {  	v5 =	vld [tilespmem:s30+$0xD030]  }
0x48: {  	v4 =	vld [tilespmem:s30+$0xD040]  }
0x49: {  	v3 =	vld [tilespmem:s30+$0xD050]  }
0x4a: {  	v2 =	vld [tilespmem:s30+$0xD060]  }
0x4b: {  	v1 =	vld [tilespmem:s30+$0xD070]  }
0x4c: {  	v13 =	vld [tilespmem:s30+$0x5000]  }
0x4d: {  	v14 =	vld [tilespmem:s30+$0x5010]  }
0x4e: {  	v11 =	vld [tilespmem:s30+$0x5020]  }
0x4f: {  	v10 =	vld [tilespmem:s30+$0x5030]  }
0x50: {  	v9 =	vld [tilespmem:s30+$0x5040]  }
0x51: {  	v8 =	vld [tilespmem:s30+$0x5050];
	v13 =	vadd.f32 v7, v13  }
0x52: {  	s31 =	simm.s32 $0x200;
	v12 =	vadd.f32 v12, v14;
	v7 =	vld [tilespmem:s30+$0x5060]  }
.LBB2_5:
0x53: {  	s1 =	sshra.s32 s31, $0x2;
	p0 =	sne.s32 s31, $0x1FE00;
	v13 =	vmax.f32 v13, $0.0e+00;
	v6 =	vadd.f32 v6, v11;
	v11 =	vld [tilespmem:s30+$0x5070]  }
0x54: {  	v14 =	vld [tilespmem:s1+$0xD000];
	[tilespmem:s30+$0x5000] =	vst v13;
	v12 =	vmax.f32 v12, $0.0e+00;
	v5 =	vadd.f32 v5, v10  }
0x55: {  	v15 =	vld [tilespmem:s1+$0xD010];
	[tilespmem:s30+$0x5010] =	vst v12;
	v10 =	vmax.f32 v6, $0.0e+00;
	v4 =	vadd.f32 v4, v9  }
0x56: {  	v6 =	vld [tilespmem:s1+$0xD020];
	[tilespmem:s30+$0x5020] =	vst v10;
	v9 =	vmax.f32 v5, $0.0e+00;
	v3 =	vadd.f32 v3, v8  }
0x57: {  	v5 =	vld [tilespmem:s1+$0xD030];
	[tilespmem:s30+$0x5030] =	vst v9;
	v8 =	vmax.f32 v4, $0.0e+00;
	v2 =	vadd.f32 v2, v7  }
0x58: {  	v4 =	vld [tilespmem:s1+$0xD040];
	[tilespmem:s30+$0x5040] =	vst v8;
	v7 =	vmax.f32 v3, $0.0e+00;
	v1 =	vadd.f32 v1, v11  }
0x59: {  	v3 =	vld [tilespmem:s1+$0xD050];
	[tilespmem:s30+$0x5050] =	vst v7;
	v7 =	vmax.f32 v2, $0.0e+00  }
0x5a: {  	v2 =	vld [tilespmem:s1+$0xD060];
	[tilespmem:s30+$0x5060] =	vst v7;
	v7 =	vmax.f32 v1, $0.0e+00  }
0x5b: {  	v1 =	vld [tilespmem:s1+$0xD070];
	[tilespmem:s30+$0x5070] =	vst v7;
	s30 =	smov.u32 s1  }
0x5c: {  	v7 =	vld [tilespmem:s30+$0x5000]  }
0x5d: {  	v12 =	vld [tilespmem:s30+$0x5010]  }
.Ltmp1:
0x5e: {  	v11 =	vld [tilespmem:s30+$0x5020];
	(pc) =	sbr.rel @p0 .LBB2_5-.Ltmp1, $4  }
0x5f: {  	v10 =	vld [tilespmem:s30+$0x5030]  }
0x60: {  	v9 =	vld [tilespmem:s30+$0x5040]  }
0x61: {  	v13 =	vadd.f32 v14, v7;
	v8 =	vld [tilespmem:s30+$0x5050]  }
0x62: {  	s31 =	sadd.s32 $0x200, s31;
	v12 =	vadd.f32 v15, v12;
	v7 =	vld [tilespmem:s30+$0x5060]  }
0x63: {  	v13 =	vmax.f32 v13, $0.0e+00;
	v6 =	vadd.f32 v6, v11;
	v63 =	vld [tilespmem:s30+$0x5070]  }
0x64: {  	[tilespmem:s30+$0x5000] =	vst v13;
	v12 =	vmax.f32 v12, $0.0e+00;
	v5 =	vadd.f32 v5, v10  }
0x65: {  	[tilespmem:s30+$0x5010] =	vst v12;
	v6 =	vmax.f32 v6, $0.0e+00;
	v4 =	vadd.f32 v4, v9  }
0x66: {  	[tilespmem:s30+$0x5020] =	vst v6;
	v5 =	vmax.f32 v5, $0.0e+00;
	v3 =	vadd.f32 v3, v8  }
0x67: {  	[tilespmem:s30+$0x5030] =	vst v5;
	v4 =	vmax.f32 v4, $0.0e+00;
	v2 =	vadd.f32 v2, v7  }
0x68: {  	[tilespmem:s30+$0x5040] =	vst v4;
	v3 =	vmax.f32 v3, $0.0e+00;
	v1 =	vadd.f32 v1, v63  }
0x69: {  	[tilespmem:s30+$0x5050] =	vst v3;
	v2 =	vmax.f32 v2, $0.0e+00  }
0x6a: {  	[tilespmem:s30+$0x5060] =	vst v2;
	v1 =	vmax.f32 v1, $0.0e+00  }
0x6b: {  	s1 =	sadd.s32 $0x2800, s29;
	[tilespmem:s30+$0x5070] =	vst v1  }
0x6c: {  	[spmem:s2] =	stream.indirect.scatter.add.f32 [tilespmem:s13], [sflag:$0x3], $0x40, s1, s16, $0xb8;
	[tilespmem:$0x1EE00] =	vst v63  }
0x6d: {  	_ =	swait.ge [sflag:s14], $0x2000  }
0x6e: {  	[sflag:s14] =	ssyncset.done $0x0  }
0x6f: {  	s29 =	sadd.s32 $0x2800, s28;
	[sflag:s14] =	ssyncadd.s32 $0xFFFFE000  }
0x70: {  	[spmem:s2] =	stream.indirect.scatter.add.f32 [tilespmem:s17], [sflag:$0x3], $0x40, s29, s16, $0xb8;
	[tilespmem:$0x1EE00] =	vst v63  }
0x71: {  	_ =	swait.ge [sflag:s14], $0x2000  }
0x72: {  	[sflag:s14] =	ssyncset.done $0x0  }
0x73: {  	s30 =	sadd.s32 $0x2800, s26;
	[sflag:s14] =	ssyncadd.s32 $0xFFFFE000  }
0x74: {  	[spmem:s2] =	stream.indirect.scatter.add.f32 [tilespmem:s18], [sflag:$0x3], $0x40, s30, s16, $0xb8;
	[tilespmem:$0x1EE00] =	vst v63  }
0x75: {  	s24 =	sadd.s32 $0x1, s24;
	_ =	swait.ge [sflag:s14], $0x2000  }
0x76: {  	p0 =	sne.s32 s24, $0x14;
	[sflag:s14] =	ssyncset.done $0x0  }
.Ltmp2:
0x77: {  	s31 =	sadd.s32 $0x2800, s25;
	[sflag:s14] =	ssyncadd.s32 $0xFFFFE000;
	(pc) =	sbr.rel @p0 .LBB2_4-.Ltmp2, $4  }
0x78: {  	[spmem:s2] =	stream.indirect.scatter.add.f32 [tilespmem:s19], [sflag:$0x3], $0x40, s31, s16, $0xb8;
	[tilespmem:$0x1EE00] =	vst v63  }
0x79: {  	_ =	swait.ge [sflag:s14], $0x2000  }
0x7a: {  	[sflag:s14] =	ssyncset.done $0x0  }
0x7b: {  	[sflag:s14] =	ssyncadd.s32 $0xFFFFE000  }
0x7c: {  	s3 =	sadd.s32 $0x1, s3  }
0x7d: {  	s1 =	sshll.u32 s0, $0x6;
	[bflag:$0x0] =	sbarrier.arrive $0xFFFF;
	p0 =	sne.s32 s3, s12  }
.Ltmp3:
0x7e: {  	s23 =	sshrl.u32 s6, $0x3;
	s1 =	sor.u32 $0x1C03, s1;
	(pc) =	sbr.rel @p0 .LBB2_1-.Ltmp3, $4  }
0x7f: {  	[hbm:s11], [sflag:s1] =	dma.local [spmem:s23], $0x13C0  }
0x80: {  	_ =	swait.ge [sflag:s14], $0x13C0  }
0x81: {  	[sflag:s14] =	ssyncset.done $0x0  }
0x82: {  	[sflag:s14] =	ssyncadd.s32 $0xFFFFEC40  }
0x83: {  	_ =	sfence.sel $0x180000  }
0x84: {  	[bflag:$0x0] =	sbarrier.arrive $0xFFFF  }
0x85: {  	_ =	strace $0x90000047  }
0x86: {  	[bflag:$0x2] =	sbarrier.arrive $0xFFFF  }
0x87: {  	p0 =	sne.s32 s0, $0x0;
	s0 =	rddreg [dreg:$0x2]  }
0x88: {  	s0 =	sadd.s32 @!p0 $0x100000, s0  }
0x89: {  	[sflag:s0] =	ssyncadd.tile.s32 @!p0 $0x1;
	_ =	shalt  }
.Lfunc_end2:
_tile_overlayer_lowered:
.L_overlay_start_2:
0x8a: {  	(tag) =	ssettag $0x2  }
0x8b: {  	s0 =	rddreg [dreg:$0x0];
	s2 =	stileid.u32  }
0x8c: {  	s1 =	rddreg [dreg:$0x1];
	p0 =	sne.s32 s2, $0x0  }
0x8d: {  	s3 =	rddreg [dreg:$0x2];
	[bflag:$0x3] =	sbarrier.arrive $0xFFFF;
	s2 =	simm.s32 @!p0 $0x1C03  }
0x8e: {  	[timem:s3], [sflag:s2] =	dma.local @!p0 [hbm:s0], s1  }
0x8f: {  	s0 =	simm.s32 @!p0 $0x3  }
0x90: {  	_ =	swait.ge @!p0 [sflag:s0], s1  }
0x91: {  	s1 =	ssub.s32 @!p0 $0x0, s1;
	[sflag:s0] =	ssyncset.done @!p0 $0x0  }
0x92: {  	[sflag:s0] =	ssyncadd.s32 @!p0 s1  }
0x93: {  	[bflag:$0x3] =	sbarrier.arrive $0xFFFF  }
0x94: {  	_ =	shalt  }

// kernel: kernel.17.cloned.1.call-start
scs
__scs_entry_jumppad:
0x0: {  	(pc) =	sbr.rel $0x88, $3  }
0x1: {  	(tag) =	ssettag $0x0;
	lr =	simm.s32 $0x1  }
0x2: {  	[smem:$0x3F8C] =	sst lr;
	_ =	strace $0xD0000000  }
0x3: {  	_ = 	snop  }
0x4: {  	_ = 	snop  }
0x5: {  	_ = 	snop  }
0x6: {  	_ = 	snop  }
0x7: {  	_ = 	snop  }
__scs_overlays_trampoline_lowered:
0x8: {  	[smem:$0x3F9B] =	sst s0  }
0x9: {  	[smem:$0x3F9C] =	sst s1  }
0xa: {  	[smem:$0x3F9D] =	sst s2  }
0xb: {  	[smem:$0x3F9E] =	sst s3  }
0xc: {  	[smem:$0x3F9F] =	sst s4  }
0xd: {  	[smem:$0x3FA0] =	sst s5  }
0xe: {  	[smem:$0x3FA1] =	sst s6  }
0xf: {  	[smem:$0x3FA2] =	sst s7  }
0x10: {  	[smem:$0x3FA3] =	sst s8  }
0x11: {  	[smem:$0x3FA4] =	sst s9;
	s0 =	simm.s32 @!p0 $0x0  }
0x12: {  	s1 =	sld [smem:$0x3F8A];
	s0 =	simm.s32 @p0 $0x1  }
0x13: {  	[smem:$0x3FA5] =	sst s0;
	s0 =	simm.s32 @!p1 $0x0  }
0x14: {  	s2 =	sld [smem:$0x3F89];
	s0 =	simm.s32 @p1 $0x1  }
0x15: {  	[smem:$0x3FA6] =	sst s0;
	s0 =	simm.s32 @!p2 $0x0  }
0x16: {  	s3 =	sld [smem:$0x3FDB];
	s0 =	simm.s32 @p2 $0x1  }
0x17: {  	s4 =	simm.s32 $0x1BF5;
	[smem:$0x3FA8] =	sst s0  }
0x18: {  	s0 =	sld [smem:$0x3F8B];
	_ =	swait.ge [sflag:s4], $0x0  }
0x19: {  	s7 =	sld [smem:$0x3F8C]  }
0x1a: {  	s8 =	sadd.s32 $0xFFFFE003, lr  }
0x1b: {  	s9 =	sadd.s32 $0xFFFFFEF7, lr;
	s5 =	simm.s32 $0xFFFFFFFF;
	p2 =	slt.u32 s8, $0xFFFFF086  }
0x1c: {  	p1 =	slt.u32 s9, $0xF7A;
	s5 =	simm.s32 @!p2 $0x0  }
0x1d: {  	s5 =	simm.s32 @p1 $0x1;
	p0 =	seq.s32 s7, s2  }
0x1e: {  	s7 =	smul.u32 @!p0 $0xF7A, s2;
	p2 =	seq.s32 @!p0 s5, $0x0  }
0x1f: {  	s9 =	smul.u32 $0xF7A, s1;
	s8 =	simm.s32 @!p0 $0x1BF5;
	p2 =	por !p2, p0  }
0x20: {  	[sflag:s8] =	ssyncset.s32 @!p0 $0xFFFFF086;
	s6 =	sadd.s32 @!p0 s3, s7;
	s7 =	simm.s32 @!p0 $0x108  }
0x21: {  	s3 =	sadd.s32 s3, s9;
	s6 =	sadd.s32 @!p0 $0x88, s6;
	s7 =	simm.s32 @p2 $0x1082  }
0x22: {  	[simem:s7], [sflag:s8] =	dma.local @!p0 [hbm:s6], $0xF7A  }
0x23: {  	s9 =	sor.u32 $0xD0000000, s2;
	s6 =	simm.s32 $0x108;
	_ =	swait.ge @!p0 [sflag:s8], $0x0  }
0x24: {  	s3 =	sadd.s32 $0x88, s3;
	s6 =	simm.s32 @!p1 $0x1082;
	[sflag:s4] =	ssyncset.s32 $0xFFFFF086  }
0x25: {  	[simem:s6], [sflag:s4] =	dma.local [hbm:s3], $0xF7A  }
0x26: {  	[smem:$0x3F8C] =	sst s1;
	(tag) =	ssettag s2;
	_ =	strace s9  }
0x27: {  	s1 =	sld [smem:$0x3F9C]  }
0x28: {  	s2 =	sld [smem:$0x3F9D]  }
0x29: {  	s4 =	sld [smem:$0x3F9F]  }
0x2a: {  	p0 =	seq.s32 s5, $0x0;
	s5 =	sld [smem:$0x3FA0]  }
0x2b: {  	s6 =	sld [smem:$0x3FA1]  }
0x2c: {  	s7 =	sld [smem:$0x3FA2]  }
0x2d: {  	s3 =	simm.s32 $0x108;
	s8 =	sld [smem:$0x3FA3]  }
0x2e: {  	s3 =	simm.s32 @!p0 $0x1082;
	s9 =	sld [smem:$0x3FA4]  }
0x2f: {  	lr =	sadd.s32 s0, s3;
	s0 =	sld [smem:$0x3F9B]  }
0x30: {  	s3 =	sld [smem:$0x3F9E]  }
0x31: {  	[smem:$0x3FA7] =	sst s10  }
0x32: {  	s10 =	sld [smem:$0x3FA5];
	_ =	sdelay $0x3  }
0x33: {  	p0 =	seq.s32 s10, $0x1;
	s10 =	sld [smem:$0x3FA7];
	_ =	sdelay $0x3  }
0x34: {  	[smem:$0x3FA7] =	sst s10  }
0x35: {  	s10 =	sld [smem:$0x3FA6];
	_ =	sdelay $0x3  }
0x36: {  	p1 =	seq.s32 s10, $0x1;
	s10 =	sld [smem:$0x3FA7];
	_ =	sdelay $0x3  }
0x37: {  	[smem:$0x3FA7] =	sst s10  }
0x38: {  	s10 =	sld [smem:$0x3FA8]  }
0x39: {  	_ = 	snop;
	(pc) =	sbr.ind lr, $3  }
0x3a: {  	_ = 	snop  }
0x3b: {  	_ = 	snop  }
0x3c: {  	p2 =	seq.s32 s10, $0x1;
	s10 =	sld [smem:$0x3FA7]  }
0x3d: {  	_ =	shalt  }
0x3e: {  	_ =	shalt  }
0x3f: {  	_ =	shalt  }
0x40: {  	_ =	shalt  }
0x41: {  	_ =	shalt  }
0x42: {  	_ =	shalt  }
0x43: {  	_ =	shalt  }
0x44: {  	_ =	shalt  }
0x45: {  	_ =	shalt  }
0x46: {  	_ =	shalt  }
0x47: {  	_ =	shalt  }
0x48: {  	_ =	shalt  }
0x49: {  	_ =	shalt  }
0x4a: {  	_ =	shalt  }
0x4b: {  	_ =	shalt  }
0x4c: {  	_ =	shalt  }
0x4d: {  	_ =	shalt  }
0x4e: {  	_ =	shalt  }
0x4f: {  	_ =	shalt  }
0x50: {  	_ =	shalt  }
0x51: {  	_ =	shalt  }
0x52: {  	_ =	shalt  }
0x53: {  	_ =	shalt  }
0x54: {  	_ =	shalt  }
0x55: {  	_ =	shalt  }
0x56: {  	_ =	shalt  }
0x57: {  	_ =	shalt  }
0x58: {  	_ =	shalt  }
0x59: {  	_ =	shalt  }
0x5a: {  	_ =	shalt  }
0x5b: {  	_ =	shalt  }
0x5c: {  	_ =	shalt  }
0x5d: {  	_ =	shalt  }
0x5e: {  	_ =	shalt  }
0x5f: {  	_ =	shalt  }
0x60: {  	_ =	shalt  }
0x61: {  	_ =	shalt  }
0x62: {  	_ =	shalt  }
0x63: {  	_ =	shalt  }
0x64: {  	_ =	shalt  }
0x65: {  	_ =	shalt  }
0x66: {  	_ =	shalt  }
0x67: {  	_ =	shalt  }
0x68: {  	_ =	shalt  }
0x69: {  	_ =	shalt  }
0x6a: {  	_ =	shalt  }
0x6b: {  	_ =	shalt  }
0x6c: {  	_ =	shalt  }
0x6d: {  	_ =	shalt  }
0x6e: {  	_ =	shalt  }
0x6f: {  	_ =	shalt  }
0x70: {  	_ =	shalt  }
0x71: {  	_ =	shalt  }
0x72: {  	_ =	shalt  }
0x73: {  	_ =	shalt  }
0x74: {  	_ =	shalt  }
0x75: {  	_ =	shalt  }
0x76: {  	_ =	shalt  }
0x77: {  	_ =	shalt  }
0x78: {  	_ =	shalt  }
0x79: {  	_ =	shalt  }
0x7a: {  	_ =	shalt  }
0x7b: {  	_ =	shalt  }
0x7c: {  	_ =	shalt  }
0x7d: {  	_ =	shalt  }
0x7e: {  	_ =	shalt  }
0x7f: {  	_ =	shalt  }
0x80: {  	_ =	shalt  }
0x81: {  	_ =	shalt  }
0x82: {  	_ =	shalt  }
0x83: {  	_ =	shalt  }
0x84: {  	_ =	shalt  }
0x85: {  	_ =	shalt  }
0x86: {  	_ =	shalt  }
0x87: {  	_ =	shalt  }
.Lfunc_end0:
.L_simem_size_0:
called_computation.1_lowered:
.L_overlay_start_0:
0x88: {  	s2 =	sld [smem:$0x3FD9]  }
0x89: {  	s3 =	sld [smem:$0x3FFE];
	_ =	sdelay $0x1  }
0x8a: {  	s1 =	srdreg.scid  }
0x8b: {  	s0 =	sand.u32 $0x1, s1  }
0x8c: {  	s16 =	sshll.u32 s0, $0xA;
	s2 =	sadd.s32 s3, s2  }
0x8d: {  	s2 =	sadd.s32 s2, s16  }
0x8e: {  	[smem:$0x3FB3] =	sst s2  }
0x8f: {  	_ = 	snop  }
0x90: {  	(tm) =	ssettm $0x1  }
0x91: {  	s17 =	sld [smem:$0x3FFB];
	_ =	sdelay $0x3  }
0x92: {  	_ =	strace s17  }
0x93: {  	s2 =	sld [smem:$0x3FFC];
	_ =	sdelay $0x3  }
0x94: {  	_ =	strace s2  }
0x95: {  	s2 =	sld [smem:$0x3FFD];
	_ =	sdelay $0x3  }
0x96: {  	_ =	strace s2  }
0x97: {  	_ =	strace $0x8FFFFFFF  }
0x98: {  	s18 =	sld [smem:$0x3FDB];
	_ =	sdelay $0x1  }
0x99: {  	s19 =	simm.s32 $_scs_section_size  }
0x9a: {  	s4 =	simm.s32 $_size__tile_overlayer_lowered;
	s5 =	simm.s32 $_tile_overlayer_lowered  }
0x9b: {  	s22 =	simm.s32 $0x1BFF;
	s21 =	sshll.u32 s5, $0x1;
	s2 =	sadd.s32 s19, s18  }
0x9c: {  	s6 =	simm.s32 $0x0;
	s20 =	sshll.u32 s4, $0x1;
	s4 =	sadd.s32 s21, s2  }
0x9d: {  	[timem:s6], [sflag:s22] =	dma.local [hbm:s4], s20  }
0x9e: {  	_ =	swait.ge [sflag:s22], s20  }
0x9f: {  	s3 =	ssub.s32 $0x0, s20;
	[sflag:s22] =	ssyncset.done $0x0  }
0xa0: {  	[sflag:s22] =	ssyncadd.s32 s3;
	_ =	sdelay $0x1  }
0xa1: {  	s23 =	simm.s32 $0x1B8B  }
0xa2: {  	_ =	swait.ge [sflag:s23], $0x1  }
0xa3: {  	[sflag:s23] =	ssyncset.done $0x0  }
0xa4: {  	s25 =	simm.s32 $0x1B8E;
	s24 =	sld [smem:$0x3FFE];
	[sflag:s23] =	ssyncadd.s32 $0xFFFFFFFF  }
0xa5: {  	s26 =	simm.s32 $execute0_lowered;
	[smem:$0x3FD2] =	sst s25  }
0xa6: {  	s4 =	sshll.u32 s26, $0x1;
	_ =	strace $0x80000049;
	[dreg:$0x1] =	wrdreg $0xFFFFFFFF  }
0xa7: {  	s28 =	simm.s32 $_size_execute0_lowered;
	s2 =	sadd.s32 s2, s4;
	[dreg:$0x0] =	wrdreg $0x0  }
0xa8: {  	s4 =	sshll.u32 s28, $0x1;
	[dreg:$0x2] =	wrdreg s2  }
0xa9: {  	[dreg:$0x3] =	wrdreg s4  }
0xaa: {  	[dreg:$0x4] =	wrdreg $0xC0  }
0xab: {  	_ =	task [dreg:s6], $0x5FFFF  }
0xac: {  	[dreg:$0x1] =	wrdreg $0xFFFFFFFF  }
0xad: {  	[dreg:$0x0] =	wrdreg $0x60  }
0xae: {  	[dreg:$0x2] =	wrdreg s24  }
0xaf: {  	[dreg:$0x3] =	wrdreg $0x150000  }
0xb0: {  	[dreg:$0x4] =	wrdreg $0x9  }
0xb1: {  	_ =	task.clear_ibuf [dreg:s6], $0x5FFFF;
	_ =	strace $0x90000049  }
0xb2: {  	s29 =	simm.s32 $0x9;
	_ =	strace $0x8000004B  }
0xb3: {  	_ =	swait.ge [sflag:s29], $0x1  }
0xb4: {  	[sflag:s29] =	ssyncadd.s32 $0xFFFFFFFF  }
0xb5: {  	_ =	strace $0x9000004B  }
0xb6: {  	_ =	sfence  }
0xb7: {  	s30 =	sld [smem:$0x0];
	_ =	sdelay $0x2  }
0xb8: {  	s31 =	sshll.u32 s1, $0xD;
	s1 =	sshrl.u32 s1, $0x2  }
0xb9: {  	s3 =	sand.u32 $0x4000, s31;
	s1 =	sadd.s32 s1, s30  }
0xba: {  	s0 =	sor.u32 s3, s0;
	s1 =	sshll.u32 s1, $0x11  }
0xbb: {  	s0 =	sor.u32 s1, s0  }
0xbc: {  	s0 =	sadd.s32 $0x8F2B, s0  }
0xbd: {  	[sflag:s0] =	ssyncadd.remote.s32 $0x1  }
0xbe: {  	_ =	sfence.sel $0xFFFF  }
0xbf: {  	[dreg:$0x0] =	wrdreg $0xFFFFFFFF;
	(pc) =	sbr.abs _section_cstart, $3  }
0xc0: {  	[dreg:$0x1] =	wrdreg $0xFFFFFFFF  }
0xc1: {  	_ =	task.clear_ibuf [dreg:s6], $0x2FFFF;
	_ =	strace $0x9FFFFFFF  }
0xc2: {  	(tm) =	ssettm $0x7FFFFFFF  }
0xc3: {  	_ =	shalt  }
tec
execute0_lowered:
.L_overlay_start_1:
0x0: {  	(tag) =	ssettag $0x1  }
0x1: {  	s7 =	rddreg [dreg:$0x0]  }
0x2: {  	s0 =	srdreg.scid;
	s2 =	rddreg [dreg:$0x1]  }
0x3: {  	s3 =	simm.s32 $0x0;
	s15 =	simm.s32 $0x2800;
	s16 =	simm.s32 $0x80  }
0x4: {  	s17 =	simm.s32 $0x7000;
	s18 =	simm.s32 $0x9000;
	s19 =	simm.s32 $0xB000  }
0x5: {  	s20 =	simm.s32 $0xD000;
	s21 =	simm.s32 $0x1;
	s22 =	simm.s32 $0x2  }
0x6: {  	s6 =	sand.u32 $0x1, s0;
	s0 =	stileid.u32;
	[smem:$0x7FF] =	sst s3  }
0x7: {  	s4 =	sadd.s32 $0x9C00, s7;
	s5 =	sadd.s32 $0x56F000, s7;
	s9 =	smul.u32 $0x9E00, s0  }
0x8: {  	s1 =	sshll.u32 s6, $0x4;
	s11 =	smul.u32 $0x9E000, s6;
	_ =	strace $0x8000004A  }
0x9: {  	s12 =	smul.u32 $0x27800, s0;
	s6 =	ssub.s32 $0x2, s6;
	s10 =	sor.u32 s0, s1  }
0xa: {  	s30 =	sshrl.u32 s6, $0x1;
	s8 =	smul.u32 $0x500, s10;
	s26 =	sadd.s32 s9, s11  }
0xb: {  	s28 =	sshrl.u32 s12, $0x2;
	s14 =	ssub.s32 s6, s30;
	s6 =	sadd.s32 s9, s2  }
0xc: {  	s10 =	smul.u32 $0xA0000, s10;
	s31 =	sadd.s32 s28, s2;
	s12 =	smax.u32 s14, $0x1  }
0xd: {  	s14 =	simm.s32 $0x3;
	s13 =	sadd.s32 s8, s7;
	s8 =	sshrl.u32 s26, $0x3  }
0xe: {  	s29 =	sadd.s32 s8, s7;
	s7 =	sadd.s32 $0x8000, s31;
	s8 =	sadd.s32 $0x2DB000, s13  }
0xf: {  	v0 =	vimm.f32 $0.0e+00;
	s9 =	sadd.s32 $0x2E5000, s13;
	s13 =	simm.s32 $0x5000;
	s11 =	sadd.s32 $0x31000, s29  }
.LBB2_1:
0x10: {  	s24 =	simm.s32 $0x100;
	s23 =	simm.s32 $0x0  }
.LBB2_2:
0x11: {  	p0 =	sne.s32 s24, $0x1FF00;
	[tilespmem:s23+$0x5030] =	vst v0;
	s25 =	smov.u32 s24;
	s24 =	sadd.s32 $0x100, s24  }
.Ltmp0:
0x12: {  	[tilespmem:s23+$0x5020] =	vst v0;
	(pc) =	sbr.rel @p0 .LBB2_2-.Ltmp0, $3  }
0x13: {  	[tilespmem:s23+$0x5000] =	vst v0  }
0x14: {  	[tilespmem:s23+$0x5010] =	vst v0;
	_ =	sdelay $0x1  }
0x15: {  	s23 =	sshra.s32 s25, $0x2  }
0x16: {  	[tilespmem:s23+$0x5030] =	vst v0  }
0x17: {  	[tilespmem:s23+$0x5020] =	vst v0  }
0x18: {  	[tilespmem:s23+$0x5000] =	vst v0  }
0x19: {  	[tilespmem:s23+$0x5010] =	vst v0  }
0x1a: {  	[spmem:s6] =	stream.linear.scatter [tilespmem:s13], [sflag:$0x3], $0x8000, $0x38;
	[tilespmem:$0x1EE00] =	vst v63  }
0x1b: {  	_ =	swait.ge [sflag:s14], $0x8000  }
0x1c: {  	[sflag:s14] =	ssyncset.done $0x0  }
0x1d: {  	[sflag:s14] =	ssyncadd.s32 $0xFFFF8000  }
0x1e: {  	[spmem:s7] =	stream.linear.scatter [tilespmem:s13], [sflag:$0x3], $0x1E00, $0x38;
	[tilespmem:$0x1EE00] =	vst v63  }
0x1f: {  	_ =	swait.ge [sflag:s14], $0x1E00  }
0x20: {  	[sflag:s14] =	ssyncset.done $0x0  }
0x21: {  	[sflag:s14] =	ssyncadd.s32 $0xFFFFE200  }
0x22: {  	s23 =	simm.s32 $0x0;
	[bflag:$0x0] =	sbarrier.arrive $0xFFFF  }
0x23: {  	[tilespmem:s23], [sflag:$0x3] =	stream.linear.gather [hbm4b:s8+s23], $0x2800, $0x38;
	[tilespmem:$0x1EE00] =	vst v63  }
0x24: {  	_ =	swait.ge [sflag:s14], $0x2800  }
0x25: {  	[sflag:s14] =	ssyncset.done $0x0  }
0x26: {  	[sflag:s14] =	ssyncadd.s32 $0xFFFFD800  }
0x27: {  	[tilespmem:s15], [sflag:$0x3] =	stream.linear.gather [hbm4b:s9+s23], $0x2800, $0x38;
	[tilespmem:$0x1EE00] =	vst v63  }
0x28: {  	_ =	swait.ge [sflag:s14], $0x2800  }
0x29: {  	[sflag:s14] =	ssyncset.done $0x0  }
0x2a: {  	s24 =	simm.s32 $0x0;
	[sflag:s14] =	ssyncadd.s32 $0xFFFFD800  }
.LBB2_4:
0x2b: {  	s29 =	sshll.u32 s24, $0x9  }
0x2c: {  	[tilespmem:s13], [sflag:$0x1] =	stream.indirect.gather [hbm4b:s4+s16], $0x40, s29, s16, $0xb8;
	[tilespmem:$0x1EE00] =	vst v63  }
0x2d: {  	s30 =	sshll.u32 s24, $0xF;
	s28 =	sor.u32 $0x80, s29  }
0x2e: {  	[tilespmem:s17], [sflag:$0x1] =	stream.indirect.gather [hbm4b:s4+s16], $0x40, s28, s16, $0xb8;
	[tilespmem:$0x1EE00] =	vst v63  }
0x2f: {  	s26 =	sor.u32 $0x100, s29;
	s30 =	sadd.s32 s10, s30  }
0x30: {  	[tilespmem:s18], [sflag:$0x1] =	stream.indirect.gather [hbm4b:s4+s16], $0x40, s26, s16, $0xb8;
	[tilespmem:$0x1EE00] =	vst v63  }
0x31: {  	s25 =	sor.u32 $0x180, s29;
	s30 =	sshrl.u32 s30, $0x3  }
0x32: {  	[tilespmem:s19], [sflag:$0x1] =	stream.indirect.gather [hbm4b:s4+s16], $0x40, s25, s16, $0xb8;
	[tilespmem:$0x1EE00] =	vst v63  }
0x33: {  	s30 =	sadd.s32 s5, s30  }
0x34: {  	[tilespmem:s20], [sflag:$0x2] =	stream.linear.gather [hbm4b:s30+s23], $0x8000, $0x38;
	[tilespmem:$0x1EE00] =	vst v63  }
0x35: {  	_ =	swait.ge [sflag:s21], $0x2000  }
0x36: {  	[sflag:s21] =	ssyncset.done $0x0  }
0x37: {  	[sflag:s21] =	ssyncadd.s32 $0xFFFFE000  }
0x38: {  	_ =	swait.ge [sflag:s21], $0x2000  }
0x39: {  	[sflag:s21] =	ssyncset.done $0x0  }
0x3a: {  	[sflag:s21] =	ssyncadd.s32 $0xFFFFE000  }
0x3b: {  	_ =	swait.ge [sflag:s21], $0x2000  }
0x3c: {  	[sflag:s21] =	ssyncset.done $0x0  }
0x3d: {  	[sflag:s21] =	ssyncadd.s32 $0xFFFFE000  }
0x3e: {  	_ =	swait.ge [sflag:s21], $0x2000  }
0x3f: {  	[sflag:s21] =	ssyncset.done $0x0  }
0x40: {  	[sflag:s21] =	ssyncadd.s32 $0xFFFFE000  }
0x41: {  	_ =	swait.ge [sflag:s22], $0x8000  }
0x42: {  	[sflag:s22] =	ssyncset.done $0x0  }
0x43: {  	s30 =	simm.s32 $0x0;
	[sflag:s22] =	ssyncadd.s32 $0xFFFF8000  }
0x44: {  	v7 =	vld [tilespmem:s30+$0xD000]  }
0x45: {  	v12 =	vld [tilespmem:s30+$0xD010]  }
0x46: {  	v6 =	vld [tilespmem:s30+$0xD020]  }
0x47: {  	v5 =	vld [tilespmem:s30+$0xD030]  }
0x48: {  	v4 =	vld [tilespmem:s30+$0xD040]  }
0x49: {  	v3 =	vld [tilespmem:s30+$0xD050]  }
0x4a: {  	v2 =	vld [tilespmem:s30+$0xD060]  }
0x4b: {  	v1 =	vld [tilespmem:s30+$0xD070]  }
0x4c: {  	v13 =	vld [tilespmem:s30+$0x5000]  }
0x4d: {  	v14 =	vld [tilespmem:s30+$0x5010]  }
0x4e: {  	v11 =	vld [tilespmem:s30+$0x5020]  }
0x4f: {  	v10 =	vld [tilespmem:s30+$0x5030]  }
0x50: {  	v9 =	vld [tilespmem:s30+$0x5040]  }
0x51: {  	v8 =	vld [tilespmem:s30+$0x5050];
	v13 =	vadd.f32 v7, v13  }
0x52: {  	s31 =	simm.s32 $0x200;
	v12 =	vadd.f32 v12, v14;
	v7 =	vld [tilespmem:s30+$0x5060]  }
.LBB2_5:
0x53: {  	s1 =	sshra.s32 s31, $0x2;
	p0 =	sne.s32 s31, $0x1FE00;
	v13 =	vmax.f32 v13, $0.0e+00;
	v6 =	vadd.f32 v6, v11;
	v11 =	vld [tilespmem:s30+$0x5070]  }
0x54: {  	v14 =	vld [tilespmem:s1+$0xD000];
	[tilespmem:s30+$0x5000] =	vst v13;
	v12 =	vmax.f32 v12, $0.0e+00;
	v5 =	vadd.f32 v5, v10  }
0x55: {  	v15 =	vld [tilespmem:s1+$0xD010];
	[tilespmem:s30+$0x5010] =	vst v12;
	v10 =	vmax.f32 v6, $0.0e+00;
	v4 =	vadd.f32 v4, v9  }
0x56: {  	v6 =	vld [tilespmem:s1+$0xD020];
	[tilespmem:s30+$0x5020] =	vst v10;
	v9 =	vmax.f32 v5, $0.0e+00;
	v3 =	vadd.f32 v3, v8  }
0x57: {  	v5 =	vld [tilespmem:s1+$0xD030];
	[tilespmem:s30+$0x5030] =	vst v9;
	v8 =	vmax.f32 v4, $0.0e+00;
	v2 =	vadd.f32 v2, v7  }
0x58: {  	v4 =	vld [tilespmem:s1+$0xD040];
	[tilespmem:s30+$0x5040] =	vst v8;
	v7 =	vmax.f32 v3, $0.0e+00;
	v1 =	vadd.f32 v1, v11  }
0x59: {  	v3 =	vld [tilespmem:s1+$0xD050];
	[tilespmem:s30+$0x5050] =	vst v7;
	v7 =	vmax.f32 v2, $0.0e+00  }
0x5a: {  	v2 =	vld [tilespmem:s1+$0xD060];
	[tilespmem:s30+$0x5060] =	vst v7;
	v7 =	vmax.f32 v1, $0.0e+00  }
0x5b: {  	v1 =	vld [tilespmem:s1+$0xD070];
	[tilespmem:s30+$0x5070] =	vst v7;
	s30 =	smov.u32 s1  }
0x5c: {  	v7 =	vld [tilespmem:s30+$0x5000]  }
0x5d: {  	v12 =	vld [tilespmem:s30+$0x5010]  }
.Ltmp1:
0x5e: {  	v11 =	vld [tilespmem:s30+$0x5020];
	(pc) =	sbr.rel @p0 .LBB2_5-.Ltmp1, $4  }
0x5f: {  	v10 =	vld [tilespmem:s30+$0x5030]  }
0x60: {  	v9 =	vld [tilespmem:s30+$0x5040]  }
0x61: {  	v13 =	vadd.f32 v14, v7;
	v8 =	vld [tilespmem:s30+$0x5050]  }
0x62: {  	s31 =	sadd.s32 $0x200, s31;
	v12 =	vadd.f32 v15, v12;
	v7 =	vld [tilespmem:s30+$0x5060]  }
0x63: {  	v13 =	vmax.f32 v13, $0.0e+00;
	v6 =	vadd.f32 v6, v11;
	v63 =	vld [tilespmem:s30+$0x5070]  }
0x64: {  	[tilespmem:s30+$0x5000] =	vst v13;
	v12 =	vmax.f32 v12, $0.0e+00;
	v5 =	vadd.f32 v5, v10  }
0x65: {  	[tilespmem:s30+$0x5010] =	vst v12;
	v6 =	vmax.f32 v6, $0.0e+00;
	v4 =	vadd.f32 v4, v9  }
0x66: {  	[tilespmem:s30+$0x5020] =	vst v6;
	v5 =	vmax.f32 v5, $0.0e+00;
	v3 =	vadd.f32 v3, v8  }
0x67: {  	[tilespmem:s30+$0x5030] =	vst v5;
	v4 =	vmax.f32 v4, $0.0e+00;
	v2 =	vadd.f32 v2, v7  }
0x68: {  	[tilespmem:s30+$0x5040] =	vst v4;
	v3 =	vmax.f32 v3, $0.0e+00;
	v1 =	vadd.f32 v1, v63  }
0x69: {  	[tilespmem:s30+$0x5050] =	vst v3;
	v2 =	vmax.f32 v2, $0.0e+00  }
0x6a: {  	[tilespmem:s30+$0x5060] =	vst v2;
	v1 =	vmax.f32 v1, $0.0e+00  }
0x6b: {  	s1 =	sadd.s32 $0x2800, s29;
	[tilespmem:s30+$0x5070] =	vst v1  }
0x6c: {  	[spmem:s2] =	stream.indirect.scatter.add.f32 [tilespmem:s13], [sflag:$0x3], $0x40, s1, s16, $0xb8;
	[tilespmem:$0x1EE00] =	vst v63  }
0x6d: {  	_ =	swait.ge [sflag:s14], $0x2000  }
0x6e: {  	[sflag:s14] =	ssyncset.done $0x0  }
0x6f: {  	s29 =	sadd.s32 $0x2800, s28;
	[sflag:s14] =	ssyncadd.s32 $0xFFFFE000  }
0x70: {  	[spmem:s2] =	stream.indirect.scatter.add.f32 [tilespmem:s17], [sflag:$0x3], $0x40, s29, s16, $0xb8;
	[tilespmem:$0x1EE00] =	vst v63  }
0x71: {  	_ =	swait.ge [sflag:s14], $0x2000  }
0x72: {  	[sflag:s14] =	ssyncset.done $0x0  }
0x73: {  	s30 =	sadd.s32 $0x2800, s26;
	[sflag:s14] =	ssyncadd.s32 $0xFFFFE000  }
0x74: {  	[spmem:s2] =	stream.indirect.scatter.add.f32 [tilespmem:s18], [sflag:$0x3], $0x40, s30, s16, $0xb8;
	[tilespmem:$0x1EE00] =	vst v63  }
0x75: {  	s24 =	sadd.s32 $0x1, s24;
	_ =	swait.ge [sflag:s14], $0x2000  }
0x76: {  	p0 =	sne.s32 s24, $0x14;
	[sflag:s14] =	ssyncset.done $0x0  }
.Ltmp2:
0x77: {  	s31 =	sadd.s32 $0x2800, s25;
	[sflag:s14] =	ssyncadd.s32 $0xFFFFE000;
	(pc) =	sbr.rel @p0 .LBB2_4-.Ltmp2, $4  }
0x78: {  	[spmem:s2] =	stream.indirect.scatter.add.f32 [tilespmem:s19], [sflag:$0x3], $0x40, s31, s16, $0xb8;
	[tilespmem:$0x1EE00] =	vst v63  }
0x79: {  	_ =	swait.ge [sflag:s14], $0x2000  }
0x7a: {  	[sflag:s14] =	ssyncset.done $0x0  }
0x7b: {  	[sflag:s14] =	ssyncadd.s32 $0xFFFFE000  }
0x7c: {  	s3 =	sadd.s32 $0x1, s3  }
0x7d: {  	s1 =	sshll.u32 s0, $0x6;
	[bflag:$0x0] =	sbarrier.arrive $0xFFFF;
	p0 =	sne.s32 s3, s12  }
.Ltmp3:
0x7e: {  	s23 =	sshrl.u32 s6, $0x3;
	s1 =	sor.u32 $0x1C03, s1;
	(pc) =	sbr.rel @p0 .LBB2_1-.Ltmp3, $4  }
0x7f: {  	[hbm:s11], [sflag:s1] =	dma.local [spmem:s23], $0x13C0  }
0x80: {  	_ =	swait.ge [sflag:s14], $0x13C0  }
0x81: {  	[sflag:s14] =	ssyncset.done $0x0  }
0x82: {  	[sflag:s14] =	ssyncadd.s32 $0xFFFFEC40  }
0x83: {  	_ =	sfence.sel $0x180000  }
0x84: {  	[bflag:$0x0] =	sbarrier.arrive $0xFFFF  }
0x85: {  	_ =	strace $0x9000004A  }
0x86: {  	[bflag:$0x2] =	sbarrier.arrive $0xFFFF  }
0x87: {  	p0 =	sne.s32 s0, $0x0;
	s0 =	rddreg [dreg:$0x2]  }
0x88: {  	s0 =	sadd.s32 @!p0 $0x100000, s0  }
0x89: {  	[sflag:s0] =	ssyncadd.tile.s32 @!p0 $0x1;
	_ =	shalt  }
.Lfunc_end2:
_tile_overlayer_lowered:
.L_overlay_start_2:
0x8a: {  	(tag) =	ssettag $0x2  }
0x8b: {  	s0 =	rddreg [dreg:$0x0];
	s2 =	stileid.u32  }
0x8c: {  	s1 =	rddreg [dreg:$0x1];
	p0 =	sne.s32 s2, $0x0  }
0x8d: {  	s3 =	rddreg [dreg:$0x2];
	[bflag:$0x3] =	sbarrier.arrive $0xFFFF;
	s2 =	simm.s32 @!p0 $0x1C03  }
0x8e: {  	[timem:s3], [sflag:s2] =	dma.local @!p0 [hbm:s0], s1  }
0x8f: {  	s0 =	simm.s32 @!p0 $0x3  }
0x90: {  	_ =	swait.ge @!p0 [sflag:s0], s1  }
0x91: {  	s1 =	ssub.s32 @!p0 $0x0, s1;
	[sflag:s0] =	ssyncset.done @!p0 $0x0  }
0x92: {  	[sflag:s0] =	ssyncadd.s32 @!p0 s1  }
0x93: {  	[bflag:$0x3] =	sbarrier.arrive $0xFFFF  }
0x94: {  	_ =	shalt  }

// kernel: kernel.20.cloned.1.call-start
scs
__scs_entry_jumppad:
0x0: {  	(pc) =	sbr.rel $0x88, $3  }
0x1: {  	(tag) =	ssettag $0x0;
	lr =	simm.s32 $0x1  }
0x2: {  	[smem:$0x3F8C] =	sst lr;
	_ =	strace $0xD0000000  }
0x3: {  	_ = 	snop  }
0x4: {  	_ = 	snop  }
0x5: {  	_ = 	snop  }
0x6: {  	_ = 	snop  }
0x7: {  	_ = 	snop  }
__scs_overlays_trampoline_lowered:
0x8: {  	[smem:$0x3F9B] =	sst s0  }
0x9: {  	[smem:$0x3F9C] =	sst s1  }
0xa: {  	[smem:$0x3F9D] =	sst s2  }
0xb: {  	[smem:$0x3F9E] =	sst s3  }
0xc: {  	[smem:$0x3F9F] =	sst s4  }
0xd: {  	[smem:$0x3FA0] =	sst s5  }
0xe: {  	[smem:$0x3FA1] =	sst s6  }
0xf: {  	[smem:$0x3FA2] =	sst s7  }
0x10: {  	[smem:$0x3FA3] =	sst s8  }
0x11: {  	[smem:$0x3FA4] =	sst s9;
	s0 =	simm.s32 @!p0 $0x0  }
0x12: {  	s1 =	sld [smem:$0x3F8A];
	s0 =	simm.s32 @p0 $0x1  }
0x13: {  	[smem:$0x3FA5] =	sst s0;
	s0 =	simm.s32 @!p1 $0x0  }
0x14: {  	s2 =	sld [smem:$0x3F89];
	s0 =	simm.s32 @p1 $0x1  }
0x15: {  	[smem:$0x3FA6] =	sst s0;
	s0 =	simm.s32 @!p2 $0x0  }
0x16: {  	s3 =	sld [smem:$0x3FDB];
	s0 =	simm.s32 @p2 $0x1  }
0x17: {  	s4 =	simm.s32 $0x1BF5;
	[smem:$0x3FA8] =	sst s0  }
0x18: {  	s0 =	sld [smem:$0x3F8B];
	_ =	swait.ge [sflag:s4], $0x0  }
0x19: {  	s7 =	sld [smem:$0x3F8C]  }
0x1a: {  	s8 =	sadd.s32 $0xFFFFE003, lr  }
0x1b: {  	s9 =	sadd.s32 $0xFFFFFEF7, lr;
	s5 =	simm.s32 $0xFFFFFFFF;
	p2 =	slt.u32 s8, $0xFFFFF086  }
0x1c: {  	p1 =	slt.u32 s9, $0xF7A;
	s5 =	simm.s32 @!p2 $0x0  }
0x1d: {  	s5 =	simm.s32 @p1 $0x1;
	p0 =	seq.s32 s7, s2  }
0x1e: {  	s7 =	smul.u32 @!p0 $0xF7A, s2;
	p2 =	seq.s32 @!p0 s5, $0x0  }
0x1f: {  	s9 =	smul.u32 $0xF7A, s1;
	s8 =	simm.s32 @!p0 $0x1BF5;
	p2 =	por !p2, p0  }
0x20: {  	[sflag:s8] =	ssyncset.s32 @!p0 $0xFFFFF086;
	s6 =	sadd.s32 @!p0 s3, s7;
	s7 =	simm.s32 @!p0 $0x108  }
0x21: {  	s3 =	sadd.s32 s3, s9;
	s6 =	sadd.s32 @!p0 $0x88, s6;
	s7 =	simm.s32 @p2 $0x1082  }
0x22: {  	[simem:s7], [sflag:s8] =	dma.local @!p0 [hbm:s6], $0xF7A  }
0x23: {  	s9 =	sor.u32 $0xD0000000, s2;
	s6 =	simm.s32 $0x108;
	_ =	swait.ge @!p0 [sflag:s8], $0x0  }
0x24: {  	s3 =	sadd.s32 $0x88, s3;
	s6 =	simm.s32 @!p1 $0x1082;
	[sflag:s4] =	ssyncset.s32 $0xFFFFF086  }
0x25: {  	[simem:s6], [sflag:s4] =	dma.local [hbm:s3], $0xF7A  }
0x26: {  	[smem:$0x3F8C] =	sst s1;
	(tag) =	ssettag s2;
	_ =	strace s9  }
0x27: {  	s1 =	sld [smem:$0x3F9C]  }
0x28: {  	s2 =	sld [smem:$0x3F9D]  }
0x29: {  	s4 =	sld [smem:$0x3F9F]  }
0x2a: {  	p0 =	seq.s32 s5, $0x0;
	s5 =	sld [smem:$0x3FA0]  }
0x2b: {  	s6 =	sld [smem:$0x3FA1]  }
0x2c: {  	s7 =	sld [smem:$0x3FA2]  }
0x2d: {  	s3 =	simm.s32 $0x108;
	s8 =	sld [smem:$0x3FA3]  }
0x2e: {  	s3 =	simm.s32 @!p0 $0x1082;
	s9 =	sld [smem:$0x3FA4]  }
0x2f: {  	lr =	sadd.s32 s0, s3;
	s0 =	sld [smem:$0x3F9B]  }
0x30: {  	s3 =	sld [smem:$0x3F9E]  }
0x31: {  	[smem:$0x3FA7] =	sst s10  }
0x32: {  	s10 =	sld [smem:$0x3FA5];
	_ =	sdelay $0x3  }
0x33: {  	p0 =	seq.s32 s10, $0x1;
	s10 =	sld [smem:$0x3FA7];
	_ =	sdelay $0x3  }
0x34: {  	[smem:$0x3FA7] =	sst s10  }
0x35: {  	s10 =	sld [smem:$0x3FA6];
	_ =	sdelay $0x3  }
0x36: {  	p1 =	seq.s32 s10, $0x1;
	s10 =	sld [smem:$0x3FA7];
	_ =	sdelay $0x3  }
0x37: {  	[smem:$0x3FA7] =	sst s10  }
0x38: {  	s10 =	sld [smem:$0x3FA8]  }
0x39: {  	_ = 	snop;
	(pc) =	sbr.ind lr, $3  }
0x3a: {  	_ = 	snop  }
0x3b: {  	_ = 	snop  }
0x3c: {  	p2 =	seq.s32 s10, $0x1;
	s10 =	sld [smem:$0x3FA7]  }
0x3d: {  	_ =	shalt  }
0x3e: {  	_ =	shalt  }
0x3f: {  	_ =	shalt  }
0x40: {  	_ =	shalt  }
0x41: {  	_ =	shalt  }
0x42: {  	_ =	shalt  }
0x43: {  	_ =	shalt  }
0x44: {  	_ =	shalt  }
0x45: {  	_ =	shalt  }
0x46: {  	_ =	shalt  }
0x47: {  	_ =	shalt  }
0x48: {  	_ =	shalt  }
0x49: {  	_ =	shalt  }
0x4a: {  	_ =	shalt  }
0x4b: {  	_ =	shalt  }
0x4c: {  	_ =	shalt  }
0x4d: {  	_ =	shalt  }
0x4e: {  	_ =	shalt  }
0x4f: {  	_ =	shalt  }
0x50: {  	_ =	shalt  }
0x51: {  	_ =	shalt  }
0x52: {  	_ =	shalt  }
0x53: {  	_ =	shalt  }
0x54: {  	_ =	shalt  }
0x55: {  	_ =	shalt  }
0x56: {  	_ =	shalt  }
0x57: {  	_ =	shalt  }
0x58: {  	_ =	shalt  }
0x59: {  	_ =	shalt  }
0x5a: {  	_ =	shalt  }
0x5b: {  	_ =	shalt  }
0x5c: {  	_ =	shalt  }
0x5d: {  	_ =	shalt  }
0x5e: {  	_ =	shalt  }
0x5f: {  	_ =	shalt  }
0x60: {  	_ =	shalt  }
0x61: {  	_ =	shalt  }
0x62: {  	_ =	shalt  }
0x63: {  	_ =	shalt  }
0x64: {  	_ =	shalt  }
0x65: {  	_ =	shalt  }
0x66: {  	_ =	shalt  }
0x67: {  	_ =	shalt  }
0x68: {  	_ =	shalt  }
0x69: {  	_ =	shalt  }
0x6a: {  	_ =	shalt  }
0x6b: {  	_ =	shalt  }
0x6c: {  	_ =	shalt  }
0x6d: {  	_ =	shalt  }
0x6e: {  	_ =	shalt  }
0x6f: {  	_ =	shalt  }
0x70: {  	_ =	shalt  }
0x71: {  	_ =	shalt  }
0x72: {  	_ =	shalt  }
0x73: {  	_ =	shalt  }
0x74: {  	_ =	shalt  }
0x75: {  	_ =	shalt  }
0x76: {  	_ =	shalt  }
0x77: {  	_ =	shalt  }
0x78: {  	_ =	shalt  }
0x79: {  	_ =	shalt  }
0x7a: {  	_ =	shalt  }
0x7b: {  	_ =	shalt  }
0x7c: {  	_ =	shalt  }
0x7d: {  	_ =	shalt  }
0x7e: {  	_ =	shalt  }
0x7f: {  	_ =	shalt  }
0x80: {  	_ =	shalt  }
0x81: {  	_ =	shalt  }
0x82: {  	_ =	shalt  }
0x83: {  	_ =	shalt  }
0x84: {  	_ =	shalt  }
0x85: {  	_ =	shalt  }
0x86: {  	_ =	shalt  }
0x87: {  	_ =	shalt  }
.Lfunc_end0:
.L_simem_size_0:
called_computation.2_lowered:
.L_overlay_start_0:
0x88: {  	s2 =	sld [smem:$0x3FD9]  }
0x89: {  	s3 =	sld [smem:$0x3FFE];
	_ =	sdelay $0x1  }
0x8a: {  	s1 =	srdreg.scid  }
0x8b: {  	s0 =	sand.u32 $0x1, s1  }
0x8c: {  	s16 =	sshll.u32 s0, $0xA;
	s2 =	sadd.s32 s3, s2  }
0x8d: {  	s2 =	sadd.s32 s2, s16  }
0x8e: {  	[smem:$0x3FB3] =	sst s2  }
0x8f: {  	_ = 	snop  }
0x90: {  	(tm) =	ssettm $0x1  }
0x91: {  	s17 =	sld [smem:$0x3FFB];
	_ =	sdelay $0x3  }
0x92: {  	_ =	strace s17  }
0x93: {  	s2 =	sld [smem:$0x3FFC];
	_ =	sdelay $0x3  }
0x94: {  	_ =	strace s2  }
0x95: {  	s2 =	sld [smem:$0x3FFD];
	_ =	sdelay $0x3  }
0x96: {  	_ =	strace s2  }
0x97: {  	_ =	strace $0x8FFFFFFF  }
0x98: {  	s18 =	sld [smem:$0x3FDB];
	_ =	sdelay $0x1  }
0x99: {  	s19 =	simm.s32 $_scs_section_size  }
0x9a: {  	s4 =	simm.s32 $_size__tile_overlayer_lowered;
	s5 =	simm.s32 $_tile_overlayer_lowered  }
0x9b: {  	s22 =	simm.s32 $0x1BFF;
	s21 =	sshll.u32 s5, $0x1;
	s2 =	sadd.s32 s19, s18  }
0x9c: {  	s6 =	simm.s32 $0x0;
	s20 =	sshll.u32 s4, $0x1;
	s4 =	sadd.s32 s21, s2  }
0x9d: {  	[timem:s6], [sflag:s22] =	dma.local [hbm:s4], s20  }
0x9e: {  	_ =	swait.ge [sflag:s22], s20  }
0x9f: {  	s3 =	ssub.s32 $0x0, s20;
	[sflag:s22] =	ssyncset.done $0x0  }
0xa0: {  	[sflag:s22] =	ssyncadd.s32 s3;
	_ =	sdelay $0x1  }
0xa1: {  	s23 =	simm.s32 $0x1B8B  }
0xa2: {  	_ =	swait.ge [sflag:s23], $0x1  }
0xa3: {  	[sflag:s23] =	ssyncset.done $0x0  }
0xa4: {  	s25 =	simm.s32 $0x1B8E;
	s24 =	sld [smem:$0x3FFE];
	[sflag:s23] =	ssyncadd.s32 $0xFFFFFFFF  }
0xa5: {  	s26 =	simm.s32 $execute0_lowered;
	[smem:$0x3FD2] =	sst s25  }
0xa6: {  	s4 =	sshll.u32 s26, $0x1;
	_ =	strace $0x8000004C;
	[dreg:$0x1] =	wrdreg $0xFFFFFFFF  }
0xa7: {  	s28 =	simm.s32 $_size_execute0_lowered;
	s2 =	sadd.s32 s2, s4;
	[dreg:$0x0] =	wrdreg $0x0  }
0xa8: {  	s4 =	sshll.u32 s28, $0x1;
	[dreg:$0x2] =	wrdreg s2  }
0xa9: {  	[dreg:$0x3] =	wrdreg s4  }
0xaa: {  	[dreg:$0x4] =	wrdreg $0xC0  }
0xab: {  	_ =	task [dreg:s6], $0x5FFFF  }
0xac: {  	[dreg:$0x1] =	wrdreg $0xFFFFFFFF  }
0xad: {  	[dreg:$0x0] =	wrdreg $0x60  }
0xae: {  	[dreg:$0x2] =	wrdreg s24  }
0xaf: {  	[dreg:$0x3] =	wrdreg $0x150000  }
0xb0: {  	[dreg:$0x4] =	wrdreg $0x9  }
0xb1: {  	_ =	task.clear_ibuf [dreg:s6], $0x5FFFF;
	_ =	strace $0x9000004C  }
0xb2: {  	s29 =	simm.s32 $0x9;
	_ =	strace $0x8000004E  }
0xb3: {  	_ =	swait.ge [sflag:s29], $0x1  }
0xb4: {  	[sflag:s29] =	ssyncadd.s32 $0xFFFFFFFF  }
0xb5: {  	_ =	strace $0x9000004E  }
0xb6: {  	_ =	sfence  }
0xb7: {  	s30 =	sld [smem:$0x0];
	_ =	sdelay $0x2  }
0xb8: {  	s31 =	sshll.u32 s1, $0xD;
	s1 =	sshrl.u32 s1, $0x2  }
0xb9: {  	s3 =	sand.u32 $0x4000, s31;
	s1 =	sadd.s32 s1, s30  }
0xba: {  	s0 =	sor.u32 s3, s0;
	s1 =	sshll.u32 s1, $0x11  }
0xbb: {  	s0 =	sor.u32 s1, s0  }
0xbc: {  	s0 =	sadd.s32 $0x8F2B, s0  }
0xbd: {  	[sflag:s0] =	ssyncadd.remote.s32 $0x1  }
0xbe: {  	_ =	sfence.sel $0xFFFF  }
0xbf: {  	[dreg:$0x0] =	wrdreg $0xFFFFFFFF;
	(pc) =	sbr.abs _section_cstart, $3  }
0xc0: {  	[dreg:$0x1] =	wrdreg $0xFFFFFFFF  }
0xc1: {  	_ =	task.clear_ibuf [dreg:s6], $0x2FFFF;
	_ =	strace $0x9FFFFFFF  }
0xc2: {  	(tm) =	ssettm $0x7FFFFFFF  }
0xc3: {  	_ =	shalt  }
tec
execute0_lowered:
.L_overlay_start_1:
0x0: {  	(tag) =	ssettag $0x1  }
0x1: {  	s7 =	rddreg [dreg:$0x0]  }
0x2: {  	s0 =	srdreg.scid;
	s2 =	rddreg [dreg:$0x1]  }
0x3: {  	s3 =	simm.s32 $0x0;
	s15 =	simm.s32 $0x2800;
	s16 =	simm.s32 $0x80  }
0x4: {  	s17 =	simm.s32 $0x7000;
	s18 =	simm.s32 $0x9000;
	s19 =	simm.s32 $0xB000  }
0x5: {  	s20 =	simm.s32 $0xD000;
	s21 =	simm.s32 $0x1;
	s22 =	simm.s32 $0x2  }
0x6: {  	s6 =	sand.u32 $0x1, s0;
	s0 =	stileid.u32;
	[smem:$0x7FF] =	sst s3  }
0x7: {  	s4 =	sadd.s32 $0x9C00, s7;
	s5 =	sadd.s32 $0x7EF000, s7;
	s9 =	smul.u32 $0x9E00, s0  }
0x8: {  	s1 =	sshll.u32 s6, $0x4;
	s11 =	smul.u32 $0x9E000, s6;
	_ =	strace $0x8000004D  }
0x9: {  	s12 =	smul.u32 $0x27800, s0;
	s6 =	ssub.s32 $0x2, s6;
	s10 =	sor.u32 s0, s1  }
0xa: {  	s30 =	sshrl.u32 s6, $0x1;
	s8 =	smul.u32 $0x500, s10;
	s26 =	sadd.s32 s9, s11  }
0xb: {  	s28 =	sshrl.u32 s12, $0x2;
	s14 =	ssub.s32 s6, s30;
	s6 =	sadd.s32 s9, s2  }
0xc: {  	s10 =	smul.u32 $0xA0000, s10;
	s31 =	sadd.s32 s28, s2;
	s12 =	smax.u32 s14, $0x1  }
0xd: {  	s14 =	simm.s32 $0x3;
	s13 =	sadd.s32 s8, s7;
	s8 =	sshrl.u32 s26, $0x3  }
0xe: {  	s29 =	sadd.s32 s8, s7;
	s7 =	sadd.s32 $0x8000, s31;
	s8 =	sadd.s32 $0x2DB000, s13  }
0xf: {  	v0 =	vimm.f32 $0.0e+00;
	s9 =	sadd.s32 $0x2E5000, s13;
	s13 =	simm.s32 $0x5000;
	s11 =	sadd.s32 $0x31000, s29  }
.LBB2_1:
0x10: {  	s24 =	simm.s32 $0x100;
	s23 =	simm.s32 $0x0  }
.LBB2_2:
0x11: {  	p0 =	sne.s32 s24, $0x1FF00;
	[tilespmem:s23+$0x5030] =	vst v0;
	s25 =	smov.u32 s24;
	s24 =	sadd.s32 $0x100, s24  }
.Ltmp0:
0x12: {  	[tilespmem:s23+$0x5020] =	vst v0;
	(pc) =	sbr.rel @p0 .LBB2_2-.Ltmp0, $3  }
0x13: {  	[tilespmem:s23+$0x5000] =	vst v0  }
0x14: {  	[tilespmem:s23+$0x5010] =	vst v0;
	_ =	sdelay $0x1  }
0x15: {  	s23 =	sshra.s32 s25, $0x2  }
0x16: {  	[tilespmem:s23+$0x5030] =	vst v0  }
0x17: {  	[tilespmem:s23+$0x5020] =	vst v0  }
0x18: {  	[tilespmem:s23+$0x5000] =	vst v0  }
0x19: {  	[tilespmem:s23+$0x5010] =	vst v0  }
0x1a: {  	[spmem:s6] =	stream.linear.scatter [tilespmem:s13], [sflag:$0x3], $0x8000, $0x38;
	[tilespmem:$0x1EE00] =	vst v63  }
0x1b: {  	_ =	swait.ge [sflag:s14], $0x8000  }
0x1c: {  	[sflag:s14] =	ssyncset.done $0x0  }
0x1d: {  	[sflag:s14] =	ssyncadd.s32 $0xFFFF8000  }
0x1e: {  	[spmem:s7] =	stream.linear.scatter [tilespmem:s13], [sflag:$0x3], $0x1E00, $0x38;
	[tilespmem:$0x1EE00] =	vst v63  }
0x1f: {  	_ =	swait.ge [sflag:s14], $0x1E00  }
0x20: {  	[sflag:s14] =	ssyncset.done $0x0  }
0x21: {  	[sflag:s14] =	ssyncadd.s32 $0xFFFFE200  }
0x22: {  	s23 =	simm.s32 $0x0;
	[bflag:$0x0] =	sbarrier.arrive $0xFFFF  }
0x23: {  	[tilespmem:s23], [sflag:$0x3] =	stream.linear.gather [hbm4b:s8+s23], $0x2800, $0x38;
	[tilespmem:$0x1EE00] =	vst v63  }
0x24: {  	_ =	swait.ge [sflag:s14], $0x2800  }
0x25: {  	[sflag:s14] =	ssyncset.done $0x0  }
0x26: {  	[sflag:s14] =	ssyncadd.s32 $0xFFFFD800  }
0x27: {  	[tilespmem:s15], [sflag:$0x3] =	stream.linear.gather [hbm4b:s9+s23], $0x2800, $0x38;
	[tilespmem:$0x1EE00] =	vst v63  }
0x28: {  	_ =	swait.ge [sflag:s14], $0x2800  }
0x29: {  	[sflag:s14] =	ssyncset.done $0x0  }
0x2a: {  	s24 =	simm.s32 $0x0;
	[sflag:s14] =	ssyncadd.s32 $0xFFFFD800  }
.LBB2_4:
0x2b: {  	s29 =	sshll.u32 s24, $0x9  }
0x2c: {  	[tilespmem:s13], [sflag:$0x1] =	stream.indirect.gather [hbm4b:s4+s16], $0x40, s29, s16, $0xb8;
	[tilespmem:$0x1EE00] =	vst v63  }
0x2d: {  	s30 =	sshll.u32 s24, $0xF;
	s28 =	sor.u32 $0x80, s29  }
0x2e: {  	[tilespmem:s17], [sflag:$0x1] =	stream.indirect.gather [hbm4b:s4+s16], $0x40, s28, s16, $0xb8;
	[tilespmem:$0x1EE00] =	vst v63  }
0x2f: {  	s26 =	sor.u32 $0x100, s29;
	s30 =	sadd.s32 s10, s30  }
0x30: {  	[tilespmem:s18], [sflag:$0x1] =	stream.indirect.gather [hbm4b:s4+s16], $0x40, s26, s16, $0xb8;
	[tilespmem:$0x1EE00] =	vst v63  }
0x31: {  	s25 =	sor.u32 $0x180, s29;
	s30 =	sshrl.u32 s30, $0x3  }
0x32: {  	[tilespmem:s19], [sflag:$0x1] =	stream.indirect.gather [hbm4b:s4+s16], $0x40, s25, s16, $0xb8;
	[tilespmem:$0x1EE00] =	vst v63  }
0x33: {  	s30 =	sadd.s32 s5, s30  }
0x34: {  	[tilespmem:s20], [sflag:$0x2] =	stream.linear.gather [hbm4b:s30+s23], $0x8000, $0x38;
	[tilespmem:$0x1EE00] =	vst v63  }
0x35: {  	_ =	swait.ge [sflag:s21], $0x2000  }
0x36: {  	[sflag:s21] =	ssyncset.done $0x0  }
0x37: {  	[sflag:s21] =	ssyncadd.s32 $0xFFFFE000  }
0x38: {  	_ =	swait.ge [sflag:s21], $0x2000  }
0x39: {  	[sflag:s21] =	ssyncset.done $0x0  }
0x3a: {  	[sflag:s21] =	ssyncadd.s32 $0xFFFFE000  }
0x3b: {  	_ =	swait.ge [sflag:s21], $0x2000  }
0x3c: {  	[sflag:s21] =	ssyncset.done $0x0  }
0x3d: {  	[sflag:s21] =	ssyncadd.s32 $0xFFFFE000  }
0x3e: {  	_ =	swait.ge [sflag:s21], $0x2000  }
0x3f: {  	[sflag:s21] =	ssyncset.done $0x0  }
0x40: {  	[sflag:s21] =	ssyncadd.s32 $0xFFFFE000  }
0x41: {  	_ =	swait.ge [sflag:s22], $0x8000  }
0x42: {  	[sflag:s22] =	ssyncset.done $0x0  }
0x43: {  	s30 =	simm.s32 $0x0;
	[sflag:s22] =	ssyncadd.s32 $0xFFFF8000  }
0x44: {  	v7 =	vld [tilespmem:s30+$0xD000]  }
0x45: {  	v12 =	vld [tilespmem:s30+$0xD010]  }
0x46: {  	v6 =	vld [tilespmem:s30+$0xD020]  }
0x47: {  	v5 =	vld [tilespmem:s30+$0xD030]  }
0x48: {  	v4 =	vld [tilespmem:s30+$0xD040]  }
0x49: {  	v3 =	vld [tilespmem:s30+$0xD050]  }
0x4a: {  	v2 =	vld [tilespmem:s30+$0xD060]  }
0x4b: {  	v1 =	vld [tilespmem:s30+$0xD070]  }
0x4c: {  	v13 =	vld [tilespmem:s30+$0x5000]  }
0x4d: {  	v14 =	vld [tilespmem:s30+$0x5010]  }
0x4e: {  	v11 =	vld [tilespmem:s30+$0x5020]  }
0x4f: {  	v10 =	vld [tilespmem:s30+$0x5030]  }
0x50: {  	v9 =	vld [tilespmem:s30+$0x5040]  }
0x51: {  	v8 =	vld [tilespmem:s30+$0x5050];
	v13 =	vadd.f32 v7, v13  }
0x52: {  	s31 =	simm.s32 $0x200;
	v12 =	vadd.f32 v12, v14;
	v7 =	vld [tilespmem:s30+$0x5060]  }
.LBB2_5:
0x53: {  	s1 =	sshra.s32 s31, $0x2;
	p0 =	sne.s32 s31, $0x1FE00;
	v13 =	vmax.f32 v13, $0.0e+00;
	v6 =	vadd.f32 v6, v11;
	v11 =	vld [tilespmem:s30+$0x5070]  }
0x54: {  	v14 =	vld [tilespmem:s1+$0xD000];
	[tilespmem:s30+$0x5000] =	vst v13;
	v12 =	vmax.f32 v12, $0.0e+00;
	v5 =	vadd.f32 v5, v10  }
0x55: {  	v15 =	vld [tilespmem:s1+$0xD010];
	[tilespmem:s30+$0x5010] =	vst v12;
	v10 =	vmax.f32 v6, $0.0e+00;
	v4 =	vadd.f32 v4, v9  }
0x56: {  	v6 =	vld [tilespmem:s1+$0xD020];
	[tilespmem:s30+$0x5020] =	vst v10;
	v9 =	vmax.f32 v5, $0.0e+00;
	v3 =	vadd.f32 v3, v8  }
0x57: {  	v5 =	vld [tilespmem:s1+$0xD030];
	[tilespmem:s30+$0x5030] =	vst v9;
	v8 =	vmax.f32 v4, $0.0e+00;
	v2 =	vadd.f32 v2, v7  }
0x58: {  	v4 =	vld [tilespmem:s1+$0xD040];
	[tilespmem:s30+$0x5040] =	vst v8;
	v7 =	vmax.f32 v3, $0.0e+00;
	v1 =	vadd.f32 v1, v11  }
0x59: {  	v3 =	vld [tilespmem:s1+$0xD050];
	[tilespmem:s30+$0x5050] =	vst v7;
	v7 =	vmax.f32 v2, $0.0e+00  }
0x5a: {  	v2 =	vld [tilespmem:s1+$0xD060];
	[tilespmem:s30+$0x5060] =	vst v7;
	v7 =	vmax.f32 v1, $0.0e+00  }
0x5b: {  	v1 =	vld [tilespmem:s1+$0xD070];
	[tilespmem:s30+$0x5070] =	vst v7;
	s30 =	smov.u32 s1  }
0x5c: {  	v7 =	vld [tilespmem:s30+$0x5000]  }
0x5d: {  	v12 =	vld [tilespmem:s30+$0x5010]  }
.Ltmp1:
0x5e: {  	v11 =	vld [tilespmem:s30+$0x5020];
	(pc) =	sbr.rel @p0 .LBB2_5-.Ltmp1, $4  }
0x5f: {  	v10 =	vld [tilespmem:s30+$0x5030]  }
0x60: {  	v9 =	vld [tilespmem:s30+$0x5040]  }
0x61: {  	v13 =	vadd.f32 v14, v7;
	v8 =	vld [tilespmem:s30+$0x5050]  }
0x62: {  	s31 =	sadd.s32 $0x200, s31;
	v12 =	vadd.f32 v15, v12;
	v7 =	vld [tilespmem:s30+$0x5060]  }
0x63: {  	v13 =	vmax.f32 v13, $0.0e+00;
	v6 =	vadd.f32 v6, v11;
	v63 =	vld [tilespmem:s30+$0x5070]  }
0x64: {  	[tilespmem:s30+$0x5000] =	vst v13;
	v12 =	vmax.f32 v12, $0.0e+00;
	v5 =	vadd.f32 v5, v10  }
0x65: {  	[tilespmem:s30+$0x5010] =	vst v12;
	v6 =	vmax.f32 v6, $0.0e+00;
	v4 =	vadd.f32 v4, v9  }
0x66: {  	[tilespmem:s30+$0x5020] =	vst v6;
	v5 =	vmax.f32 v5, $0.0e+00;
	v3 =	vadd.f32 v3, v8  }
0x67: {  	[tilespmem:s30+$0x5030] =	vst v5;
	v4 =	vmax.f32 v4, $0.0e+00;
	v2 =	vadd.f32 v2, v7  }
0x68: {  	[tilespmem:s30+$0x5040] =	vst v4;
	v3 =	vmax.f32 v3, $0.0e+00;
	v1 =	vadd.f32 v1, v63  }
0x69: {  	[tilespmem:s30+$0x5050] =	vst v3;
	v2 =	vmax.f32 v2, $0.0e+00  }
0x6a: {  	[tilespmem:s30+$0x5060] =	vst v2;
	v1 =	vmax.f32 v1, $0.0e+00  }
0x6b: {  	s1 =	sadd.s32 $0x2800, s29;
	[tilespmem:s30+$0x5070] =	vst v1  }
0x6c: {  	[spmem:s2] =	stream.indirect.scatter.add.f32 [tilespmem:s13], [sflag:$0x3], $0x40, s1, s16, $0xb8;
	[tilespmem:$0x1EE00] =	vst v63  }
0x6d: {  	_ =	swait.ge [sflag:s14], $0x2000  }
0x6e: {  	[sflag:s14] =	ssyncset.done $0x0  }
0x6f: {  	s29 =	sadd.s32 $0x2800, s28;
	[sflag:s14] =	ssyncadd.s32 $0xFFFFE000  }
0x70: {  	[spmem:s2] =	stream.indirect.scatter.add.f32 [tilespmem:s17], [sflag:$0x3], $0x40, s29, s16, $0xb8;
	[tilespmem:$0x1EE00] =	vst v63  }
0x71: {  	_ =	swait.ge [sflag:s14], $0x2000  }
0x72: {  	[sflag:s14] =	ssyncset.done $0x0  }
0x73: {  	s30 =	sadd.s32 $0x2800, s26;
	[sflag:s14] =	ssyncadd.s32 $0xFFFFE000  }
0x74: {  	[spmem:s2] =	stream.indirect.scatter.add.f32 [tilespmem:s18], [sflag:$0x3], $0x40, s30, s16, $0xb8;
	[tilespmem:$0x1EE00] =	vst v63  }
0x75: {  	s24 =	sadd.s32 $0x1, s24;
	_ =	swait.ge [sflag:s14], $0x2000  }
0x76: {  	p0 =	sne.s32 s24, $0x14;
	[sflag:s14] =	ssyncset.done $0x0  }
.Ltmp2:
0x77: {  	s31 =	sadd.s32 $0x2800, s25;
	[sflag:s14] =	ssyncadd.s32 $0xFFFFE000;
	(pc) =	sbr.rel @p0 .LBB2_4-.Ltmp2, $4  }
0x78: {  	[spmem:s2] =	stream.indirect.scatter.add.f32 [tilespmem:s19], [sflag:$0x3], $0x40, s31, s16, $0xb8;
	[tilespmem:$0x1EE00] =	vst v63  }
0x79: {  	_ =	swait.ge [sflag:s14], $0x2000  }
0x7a: {  	[sflag:s14] =	ssyncset.done $0x0  }
0x7b: {  	[sflag:s14] =	ssyncadd.s32 $0xFFFFE000  }
0x7c: {  	s3 =	sadd.s32 $0x1, s3  }
0x7d: {  	s1 =	sshll.u32 s0, $0x6;
	[bflag:$0x0] =	sbarrier.arrive $0xFFFF;
	p0 =	sne.s32 s3, s12  }
.Ltmp3:
0x7e: {  	s23 =	sshrl.u32 s6, $0x3;
	s1 =	sor.u32 $0x1C03, s1;
	(pc) =	sbr.rel @p0 .LBB2_1-.Ltmp3, $4  }
0x7f: {  	[hbm:s11], [sflag:s1] =	dma.local [spmem:s23], $0x13C0  }
0x80: {  	_ =	swait.ge [sflag:s14], $0x13C0  }
0x81: {  	[sflag:s14] =	ssyncset.done $0x0  }
0x82: {  	[sflag:s14] =	ssyncadd.s32 $0xFFFFEC40  }
0x83: {  	_ =	sfence.sel $0x180000  }
0x84: {  	[bflag:$0x0] =	sbarrier.arrive $0xFFFF  }
0x85: {  	_ =	strace $0x9000004D  }
0x86: {  	[bflag:$0x2] =	sbarrier.arrive $0xFFFF  }
0x87: {  	p0 =	sne.s32 s0, $0x0;
	s0 =	rddreg [dreg:$0x2]  }
0x88: {  	s0 =	sadd.s32 @!p0 $0x100000, s0  }
0x89: {  	[sflag:s0] =	ssyncadd.tile.s32 @!p0 $0x1;
	_ =	shalt  }
.Lfunc_end2:
_tile_overlayer_lowered:
.L_overlay_start_2:
0x8a: {  	(tag) =	ssettag $0x2  }
0x8b: {  	s0 =	rddreg [dreg:$0x0];
	s2 =	stileid.u32  }
0x8c: {  	s1 =	rddreg [dreg:$0x1];
	p0 =	sne.s32 s2, $0x0  }
0x8d: {  	s3 =	rddreg [dreg:$0x2];
	[bflag:$0x3] =	sbarrier.arrive $0xFFFF;
	s2 =	simm.s32 @!p0 $0x1C03  }
0x8e: {  	[timem:s3], [sflag:s2] =	dma.local @!p0 [hbm:s0], s1  }
0x8f: {  	s0 =	simm.s32 @!p0 $0x3  }
0x90: {  	_ =	swait.ge @!p0 [sflag:s0], s1  }
0x91: {  	s1 =	ssub.s32 @!p0 $0x0, s1;
	[sflag:s0] =	ssyncset.done @!p0 $0x0  }
0x92: {  	[sflag:s0] =	ssyncadd.s32 @!p0 s1  }
0x93: {  	[bflag:$0x3] =	sbarrier.arrive $0xFFFF  }
0x94: {  	_ =	shalt  }

// kernel: kernel.23.cloned.1.call-start
scs
__scs_entry_jumppad:
0x0: {  	(pc) =	sbr.rel $0x88, $3  }
0x1: {  	(tag) =	ssettag $0x0;
	lr =	simm.s32 $0x1  }
0x2: {  	[smem:$0x3F8C] =	sst lr;
	_ =	strace $0xD0000000  }
0x3: {  	_ = 	snop  }
0x4: {  	_ = 	snop  }
0x5: {  	_ = 	snop  }
0x6: {  	_ = 	snop  }
0x7: {  	_ = 	snop  }
__scs_overlays_trampoline_lowered:
0x8: {  	[smem:$0x3F9B] =	sst s0  }
0x9: {  	[smem:$0x3F9C] =	sst s1  }
0xa: {  	[smem:$0x3F9D] =	sst s2  }
0xb: {  	[smem:$0x3F9E] =	sst s3  }
0xc: {  	[smem:$0x3F9F] =	sst s4  }
0xd: {  	[smem:$0x3FA0] =	sst s5  }
0xe: {  	[smem:$0x3FA1] =	sst s6  }
0xf: {  	[smem:$0x3FA2] =	sst s7  }
0x10: {  	[smem:$0x3FA3] =	sst s8  }
0x11: {  	[smem:$0x3FA4] =	sst s9;
	s0 =	simm.s32 @!p0 $0x0  }
0x12: {  	s1 =	sld [smem:$0x3F8A];
	s0 =	simm.s32 @p0 $0x1  }
0x13: {  	[smem:$0x3FA5] =	sst s0;
	s0 =	simm.s32 @!p1 $0x0  }
0x14: {  	s2 =	sld [smem:$0x3F89];
	s0 =	simm.s32 @p1 $0x1  }
0x15: {  	[smem:$0x3FA6] =	sst s0;
	s0 =	simm.s32 @!p2 $0x0  }
0x16: {  	s3 =	sld [smem:$0x3FDB];
	s0 =	simm.s32 @p2 $0x1  }
0x17: {  	s4 =	simm.s32 $0x1BF5;
	[smem:$0x3FA8] =	sst s0  }
0x18: {  	s0 =	sld [smem:$0x3F8B];
	_ =	swait.ge [sflag:s4], $0x0  }
0x19: {  	s7 =	sld [smem:$0x3F8C]  }
0x1a: {  	s8 =	sadd.s32 $0xFFFFE003, lr  }
0x1b: {  	s9 =	sadd.s32 $0xFFFFFEF7, lr;
	s5 =	simm.s32 $0xFFFFFFFF;
	p2 =	slt.u32 s8, $0xFFFFF086  }
0x1c: {  	p1 =	slt.u32 s9, $0xF7A;
	s5 =	simm.s32 @!p2 $0x0  }
0x1d: {  	s5 =	simm.s32 @p1 $0x1;
	p0 =	seq.s32 s7, s2  }
0x1e: {  	s7 =	smul.u32 @!p0 $0xF7A, s2;
	p2 =	seq.s32 @!p0 s5, $0x0  }
0x1f: {  	s9 =	smul.u32 $0xF7A, s1;
	s8 =	simm.s32 @!p0 $0x1BF5;
	p2 =	por !p2, p0  }
0x20: {  	[sflag:s8] =	ssyncset.s32 @!p0 $0xFFFFF086;
	s6 =	sadd.s32 @!p0 s3, s7;
	s7 =	simm.s32 @!p0 $0x108  }
0x21: {  	s3 =	sadd.s32 s3, s9;
	s6 =	sadd.s32 @!p0 $0x88, s6;
	s7 =	simm.s32 @p2 $0x1082  }
0x22: {  	[simem:s7], [sflag:s8] =	dma.local @!p0 [hbm:s6], $0xF7A  }
0x23: {  	s9 =	sor.u32 $0xD0000000, s2;
	s6 =	simm.s32 $0x108;
	_ =	swait.ge @!p0 [sflag:s8], $0x0  }
0x24: {  	s3 =	sadd.s32 $0x88, s3;
	s6 =	simm.s32 @!p1 $0x1082;
	[sflag:s4] =	ssyncset.s32 $0xFFFFF086  }
0x25: {  	[simem:s6], [sflag:s4] =	dma.local [hbm:s3], $0xF7A  }
0x26: {  	[smem:$0x3F8C] =	sst s1;
	(tag) =	ssettag s2;
	_ =	strace s9  }
0x27: {  	s1 =	sld [smem:$0x3F9C]  }
0x28: {  	s2 =	sld [smem:$0x3F9D]  }
0x29: {  	s4 =	sld [smem:$0x3F9F]  }
0x2a: {  	p0 =	seq.s32 s5, $0x0;
	s5 =	sld [smem:$0x3FA0]  }
0x2b: {  	s6 =	sld [smem:$0x3FA1]  }
0x2c: {  	s7 =	sld [smem:$0x3FA2]  }
0x2d: {  	s3 =	simm.s32 $0x108;
	s8 =	sld [smem:$0x3FA3]  }
0x2e: {  	s3 =	simm.s32 @!p0 $0x1082;
	s9 =	sld [smem:$0x3FA4]  }
0x2f: {  	lr =	sadd.s32 s0, s3;
	s0 =	sld [smem:$0x3F9B]  }
0x30: {  	s3 =	sld [smem:$0x3F9E]  }
0x31: {  	[smem:$0x3FA7] =	sst s10  }
0x32: {  	s10 =	sld [smem:$0x3FA5];
	_ =	sdelay $0x3  }
0x33: {  	p0 =	seq.s32 s10, $0x1;
	s10 =	sld [smem:$0x3FA7];
	_ =	sdelay $0x3  }
0x34: {  	[smem:$0x3FA7] =	sst s10  }
0x35: {  	s10 =	sld [smem:$0x3FA6];
	_ =	sdelay $0x3  }
0x36: {  	p1 =	seq.s32 s10, $0x1;
	s10 =	sld [smem:$0x3FA7];
	_ =	sdelay $0x3  }
0x37: {  	[smem:$0x3FA7] =	sst s10  }
0x38: {  	s10 =	sld [smem:$0x3FA8]  }
0x39: {  	_ = 	snop;
	(pc) =	sbr.ind lr, $3  }
0x3a: {  	_ = 	snop  }
0x3b: {  	_ = 	snop  }
0x3c: {  	p2 =	seq.s32 s10, $0x1;
	s10 =	sld [smem:$0x3FA7]  }
0x3d: {  	_ =	shalt  }
0x3e: {  	_ =	shalt  }
0x3f: {  	_ =	shalt  }
0x40: {  	_ =	shalt  }
0x41: {  	_ =	shalt  }
0x42: {  	_ =	shalt  }
0x43: {  	_ =	shalt  }
0x44: {  	_ =	shalt  }
0x45: {  	_ =	shalt  }
0x46: {  	_ =	shalt  }
0x47: {  	_ =	shalt  }
0x48: {  	_ =	shalt  }
0x49: {  	_ =	shalt  }
0x4a: {  	_ =	shalt  }
0x4b: {  	_ =	shalt  }
0x4c: {  	_ =	shalt  }
0x4d: {  	_ =	shalt  }
0x4e: {  	_ =	shalt  }
0x4f: {  	_ =	shalt  }
0x50: {  	_ =	shalt  }
0x51: {  	_ =	shalt  }
0x52: {  	_ =	shalt  }
0x53: {  	_ =	shalt  }
0x54: {  	_ =	shalt  }
0x55: {  	_ =	shalt  }
0x56: {  	_ =	shalt  }
0x57: {  	_ =	shalt  }
0x58: {  	_ =	shalt  }
0x59: {  	_ =	shalt  }
0x5a: {  	_ =	shalt  }
0x5b: {  	_ =	shalt  }
0x5c: {  	_ =	shalt  }
0x5d: {  	_ =	shalt  }
0x5e: {  	_ =	shalt  }
0x5f: {  	_ =	shalt  }
0x60: {  	_ =	shalt  }
0x61: {  	_ =	shalt  }
0x62: {  	_ =	shalt  }
0x63: {  	_ =	shalt  }
0x64: {  	_ =	shalt  }
0x65: {  	_ =	shalt  }
0x66: {  	_ =	shalt  }
0x67: {  	_ =	shalt  }
0x68: {  	_ =	shalt  }
0x69: {  	_ =	shalt  }
0x6a: {  	_ =	shalt  }
0x6b: {  	_ =	shalt  }
0x6c: {  	_ =	shalt  }
0x6d: {  	_ =	shalt  }
0x6e: {  	_ =	shalt  }
0x6f: {  	_ =	shalt  }
0x70: {  	_ =	shalt  }
0x71: {  	_ =	shalt  }
0x72: {  	_ =	shalt  }
0x73: {  	_ =	shalt  }
0x74: {  	_ =	shalt  }
0x75: {  	_ =	shalt  }
0x76: {  	_ =	shalt  }
0x77: {  	_ =	shalt  }
0x78: {  	_ =	shalt  }
0x79: {  	_ =	shalt  }
0x7a: {  	_ =	shalt  }
0x7b: {  	_ =	shalt  }
0x7c: {  	_ =	shalt  }
0x7d: {  	_ =	shalt  }
0x7e: {  	_ =	shalt  }
0x7f: {  	_ =	shalt  }
0x80: {  	_ =	shalt  }
0x81: {  	_ =	shalt  }
0x82: {  	_ =	shalt  }
0x83: {  	_ =	shalt  }
0x84: {  	_ =	shalt  }
0x85: {  	_ =	shalt  }
0x86: {  	_ =	shalt  }
0x87: {  	_ =	shalt  }
.Lfunc_end0:
.L_simem_size_0:
called_computation.3_lowered:
.L_overlay_start_0:
0x88: {  	s2 =	sld [smem:$0x3FD9]  }
0x89: {  	s3 =	sld [smem:$0x3FFE];
	_ =	sdelay $0x1  }
0x8a: {  	s1 =	srdreg.scid  }
0x8b: {  	s0 =	sand.u32 $0x1, s1  }
0x8c: {  	s16 =	sshll.u32 s0, $0xA;
	s2 =	sadd.s32 s3, s2  }
0x8d: {  	s2 =	sadd.s32 s2, s16  }
0x8e: {  	[smem:$0x3FB3] =	sst s2  }
0x8f: {  	_ = 	snop  }
0x90: {  	(tm) =	ssettm $0x1  }
0x91: {  	s17 =	sld [smem:$0x3FFB];
	_ =	sdelay $0x3  }
0x92: {  	_ =	strace s17  }
0x93: {  	s2 =	sld [smem:$0x3FFC];
	_ =	sdelay $0x3  }
0x94: {  	_ =	strace s2  }
0x95: {  	s2 =	sld [smem:$0x3FFD];
	_ =	sdelay $0x3  }
0x96: {  	_ =	strace s2  }
0x97: {  	_ =	strace $0x8FFFFFFF  }
0x98: {  	s18 =	sld [smem:$0x3FDB];
	_ =	sdelay $0x1  }
0x99: {  	s19 =	simm.s32 $_scs_section_size  }
0x9a: {  	s4 =	simm.s32 $_size__tile_overlayer_lowered;
	s5 =	simm.s32 $_tile_overlayer_lowered  }
0x9b: {  	s22 =	simm.s32 $0x1BFF;
	s21 =	sshll.u32 s5, $0x1;
	s2 =	sadd.s32 s19, s18  }
0x9c: {  	s6 =	simm.s32 $0x0;
	s20 =	sshll.u32 s4, $0x1;
	s4 =	sadd.s32 s21, s2  }
0x9d: {  	[timem:s6], [sflag:s22] =	dma.local [hbm:s4], s20  }
0x9e: {  	_ =	swait.ge [sflag:s22], s20  }
0x9f: {  	s3 =	ssub.s32 $0x0, s20;
	[sflag:s22] =	ssyncset.done $0x0  }
0xa0: {  	[sflag:s22] =	ssyncadd.s32 s3;
	_ =	sdelay $0x1  }
0xa1: {  	s23 =	simm.s32 $0x1B8B  }
0xa2: {  	_ =	swait.ge [sflag:s23], $0x1  }
0xa3: {  	[sflag:s23] =	ssyncset.done $0x0  }
0xa4: {  	s25 =	simm.s32 $0x1B8E;
	s24 =	sld [smem:$0x3FFE];
	[sflag:s23] =	ssyncadd.s32 $0xFFFFFFFF  }
0xa5: {  	s26 =	simm.s32 $execute0_lowered;
	[smem:$0x3FD2] =	sst s25  }
0xa6: {  	s4 =	sshll.u32 s26, $0x1;
	_ =	strace $0x8000004F;
	[dreg:$0x1] =	wrdreg $0xFFFFFFFF  }
0xa7: {  	s28 =	simm.s32 $_size_execute0_lowered;
	s2 =	sadd.s32 s2, s4;
	[dreg:$0x0] =	wrdreg $0x0  }
0xa8: {  	s4 =	sshll.u32 s28, $0x1;
	[dreg:$0x2] =	wrdreg s2  }
0xa9: {  	[dreg:$0x3] =	wrdreg s4  }
0xaa: {  	[dreg:$0x4] =	wrdreg $0xC0  }
0xab: {  	_ =	task [dreg:s6], $0x5FFFF  }
0xac: {  	[dreg:$0x1] =	wrdreg $0xFFFFFFFF  }
0xad: {  	[dreg:$0x0] =	wrdreg $0x60  }
0xae: {  	[dreg:$0x2] =	wrdreg s24  }
0xaf: {  	[dreg:$0x3] =	wrdreg $0x150000  }
0xb0: {  	[dreg:$0x4] =	wrdreg $0x9  }
0xb1: {  	_ =	task.clear_ibuf [dreg:s6], $0x5FFFF;
	_ =	strace $0x9000004F  }
0xb2: {  	s29 =	simm.s32 $0x9;
	_ =	strace $0x80000051  }
0xb3: {  	_ =	swait.ge [sflag:s29], $0x1  }
0xb4: {  	[sflag:s29] =	ssyncadd.s32 $0xFFFFFFFF  }
0xb5: {  	_ =	strace $0x90000051  }
0xb6: {  	_ =	sfence  }
0xb7: {  	s30 =	sld [smem:$0x0];
	_ =	sdelay $0x2  }
0xb8: {  	s31 =	sshll.u32 s1, $0xD;
	s1 =	sshrl.u32 s1, $0x2  }
0xb9: {  	s3 =	sand.u32 $0x4000, s31;
	s1 =	sadd.s32 s1, s30  }
0xba: {  	s0 =	sor.u32 s3, s0;
	s1 =	sshll.u32 s1, $0x11  }
0xbb: {  	s0 =	sor.u32 s1, s0  }
0xbc: {  	s0 =	sadd.s32 $0x8F2B, s0  }
0xbd: {  	[sflag:s0] =	ssyncadd.remote.s32 $0x1  }
0xbe: {  	_ =	sfence.sel $0xFFFF  }
0xbf: {  	[dreg:$0x0] =	wrdreg $0xFFFFFFFF;
	(pc) =	sbr.abs _section_cstart, $3  }
0xc0: {  	[dreg:$0x1] =	wrdreg $0xFFFFFFFF  }
0xc1: {  	_ =	task.clear_ibuf [dreg:s6], $0x2FFFF;
	_ =	strace $0x9FFFFFFF  }
0xc2: {  	(tm) =	ssettm $0x7FFFFFFF  }
0xc3: {  	_ =	shalt  }
tec
execute0_lowered:
.L_overlay_start_1:
0x0: {  	(tag) =	ssettag $0x1  }
0x1: {  	s7 =	rddreg [dreg:$0x0]  }
0x2: {  	s0 =	srdreg.scid;
	s2 =	rddreg [dreg:$0x1]  }
0x3: {  	s3 =	simm.s32 $0x0;
	s15 =	simm.s32 $0x2800;
	s16 =	simm.s32 $0x80  }
0x4: {  	s17 =	simm.s32 $0x7000;
	s18 =	simm.s32 $0x9000;
	s19 =	simm.s32 $0xB000  }
0x5: {  	s20 =	simm.s32 $0xD000;
	s21 =	simm.s32 $0x1;
	s22 =	simm.s32 $0x2  }
0x6: {  	s6 =	sand.u32 $0x1, s0;
	s0 =	stileid.u32;
	[smem:$0x7FF] =	sst s3  }
0x7: {  	s4 =	sadd.s32 $0x9000, s7;
	s5 =	sadd.s32 $0xA6F000, s7;
	s9 =	smul.u32 $0x9E00, s0  }
0x8: {  	s1 =	sshll.u32 s6, $0x4;
	s11 =	smul.u32 $0x9E000, s6;
	_ =	strace $0x80000050  }
0x9: {  	s12 =	smul.u32 $0x27800, s0;
	s6 =	ssub.s32 $0x2, s6;
	s10 =	sor.u32 s0, s1  }
0xa: {  	s30 =	sshrl.u32 s6, $0x1;
	s8 =	smul.u32 $0x500, s10;
	s26 =	sadd.s32 s9, s11  }
0xb: {  	s28 =	sshrl.u32 s12, $0x2;
	s14 =	ssub.s32 s6, s30;
	s6 =	sadd.s32 s9, s2  }
0xc: {  	s10 =	smul.u32 $0xA0000, s10;
	s31 =	sadd.s32 s28, s2;
	s12 =	smax.u32 s14, $0x1  }
0xd: {  	s14 =	simm.s32 $0x3;
	s13 =	sadd.s32 s8, s7;
	s8 =	sshrl.u32 s26, $0x3  }
0xe: {  	s29 =	sadd.s32 s8, s7;
	s7 =	sadd.s32 $0x8000, s31;
	s8 =	sadd.s32 $0x2DB000, s13  }
0xf: {  	v0 =	vimm.f32 $0.0e+00;
	s9 =	sadd.s32 $0x2E5000, s13;
	s13 =	simm.s32 $0x5000;
	s11 =	sadd.s32 $0x31000, s29  }
.LBB2_1:
0x10: {  	s24 =	simm.s32 $0x100;
	s23 =	simm.s32 $0x0  }
.LBB2_2:
0x11: {  	p0 =	sne.s32 s24, $0x1FF00;
	[tilespmem:s23+$0x5030] =	vst v0;
	s25 =	smov.u32 s24;
	s24 =	sadd.s32 $0x100, s24  }
.Ltmp0:
0x12: {  	[tilespmem:s23+$0x5020] =	vst v0;
	(pc) =	sbr.rel @p0 .LBB2_2-.Ltmp0, $3  }
0x13: {  	[tilespmem:s23+$0x5000] =	vst v0  }
0x14: {  	[tilespmem:s23+$0x5010] =	vst v0;
	_ =	sdelay $0x1  }
0x15: {  	s23 =	sshra.s32 s25, $0x2  }
0x16: {  	[tilespmem:s23+$0x5030] =	vst v0  }
0x17: {  	[tilespmem:s23+$0x5020] =	vst v0  }
0x18: {  	[tilespmem:s23+$0x5000] =	vst v0  }
0x19: {  	[tilespmem:s23+$0x5010] =	vst v0  }
0x1a: {  	[spmem:s6] =	stream.linear.scatter [tilespmem:s13], [sflag:$0x3], $0x8000, $0x38;
	[tilespmem:$0x1EE00] =	vst v63  }
0x1b: {  	_ =	swait.ge [sflag:s14], $0x8000  }
0x1c: {  	[sflag:s14] =	ssyncset.done $0x0  }
0x1d: {  	[sflag:s14] =	ssyncadd.s32 $0xFFFF8000  }
0x1e: {  	[spmem:s7] =	stream.linear.scatter [tilespmem:s13], [sflag:$0x3], $0x1E00, $0x38;
	[tilespmem:$0x1EE00] =	vst v63  }
0x1f: {  	_ =	swait.ge [sflag:s14], $0x1E00  }
0x20: {  	[sflag:s14] =	ssyncset.done $0x0  }
0x21: {  	[sflag:s14] =	ssyncadd.s32 $0xFFFFE200  }
0x22: {  	s23 =	simm.s32 $0x0;
	[bflag:$0x0] =	sbarrier.arrive $0xFFFF  }
0x23: {  	[tilespmem:s23], [sflag:$0x3] =	stream.linear.gather [hbm4b:s8+s23], $0x2800, $0x38;
	[tilespmem:$0x1EE00] =	vst v63  }
0x24: {  	_ =	swait.ge [sflag:s14], $0x2800  }
0x25: {  	[sflag:s14] =	ssyncset.done $0x0  }
0x26: {  	[sflag:s14] =	ssyncadd.s32 $0xFFFFD800  }
0x27: {  	[tilespmem:s15], [sflag:$0x3] =	stream.linear.gather [hbm4b:s9+s23], $0x2800, $0x38;
	[tilespmem:$0x1EE00] =	vst v63  }
0x28: {  	_ =	swait.ge [sflag:s14], $0x2800  }
0x29: {  	[sflag:s14] =	ssyncset.done $0x0  }
0x2a: {  	s24 =	simm.s32 $0x0;
	[sflag:s14] =	ssyncadd.s32 $0xFFFFD800  }
.LBB2_4:
0x2b: {  	s29 =	sshll.u32 s24, $0x9  }
0x2c: {  	[tilespmem:s13], [sflag:$0x1] =	stream.indirect.gather [hbm4b:s4+s16], $0x40, s29, s16, $0xb8;
	[tilespmem:$0x1EE00] =	vst v63  }
0x2d: {  	s30 =	sshll.u32 s24, $0xF;
	s28 =	sor.u32 $0x80, s29  }
0x2e: {  	[tilespmem:s17], [sflag:$0x1] =	stream.indirect.gather [hbm4b:s4+s16], $0x40, s28, s16, $0xb8;
	[tilespmem:$0x1EE00] =	vst v63  }
0x2f: {  	s26 =	sor.u32 $0x100, s29;
	s30 =	sadd.s32 s10, s30  }
0x30: {  	[tilespmem:s18], [sflag:$0x1] =	stream.indirect.gather [hbm4b:s4+s16], $0x40, s26, s16, $0xb8;
	[tilespmem:$0x1EE00] =	vst v63  }
0x31: {  	s25 =	sor.u32 $0x180, s29;
	s30 =	sshrl.u32 s30, $0x3  }
0x32: {  	[tilespmem:s19], [sflag:$0x1] =	stream.indirect.gather [hbm4b:s4+s16], $0x40, s25, s16, $0xb8;
	[tilespmem:$0x1EE00] =	vst v63  }
0x33: {  	s30 =	sadd.s32 s5, s30  }
0x34: {  	[tilespmem:s20], [sflag:$0x2] =	stream.linear.gather [hbm4b:s30+s23], $0x8000, $0x38;
	[tilespmem:$0x1EE00] =	vst v63  }
0x35: {  	_ =	swait.ge [sflag:s21], $0x2000  }
0x36: {  	[sflag:s21] =	ssyncset.done $0x0  }
0x37: {  	[sflag:s21] =	ssyncadd.s32 $0xFFFFE000  }
0x38: {  	_ =	swait.ge [sflag:s21], $0x2000  }
0x39: {  	[sflag:s21] =	ssyncset.done $0x0  }
0x3a: {  	[sflag:s21] =	ssyncadd.s32 $0xFFFFE000  }
0x3b: {  	_ =	swait.ge [sflag:s21], $0x2000  }
0x3c: {  	[sflag:s21] =	ssyncset.done $0x0  }
0x3d: {  	[sflag:s21] =	ssyncadd.s32 $0xFFFFE000  }
0x3e: {  	_ =	swait.ge [sflag:s21], $0x2000  }
0x3f: {  	[sflag:s21] =	ssyncset.done $0x0  }
0x40: {  	[sflag:s21] =	ssyncadd.s32 $0xFFFFE000  }
0x41: {  	_ =	swait.ge [sflag:s22], $0x8000  }
0x42: {  	[sflag:s22] =	ssyncset.done $0x0  }
0x43: {  	s30 =	simm.s32 $0x0;
	[sflag:s22] =	ssyncadd.s32 $0xFFFF8000  }
0x44: {  	v7 =	vld [tilespmem:s30+$0xD000]  }
0x45: {  	v12 =	vld [tilespmem:s30+$0xD010]  }
0x46: {  	v6 =	vld [tilespmem:s30+$0xD020]  }
0x47: {  	v5 =	vld [tilespmem:s30+$0xD030]  }
0x48: {  	v4 =	vld [tilespmem:s30+$0xD040]  }
0x49: {  	v3 =	vld [tilespmem:s30+$0xD050]  }
0x4a: {  	v2 =	vld [tilespmem:s30+$0xD060]  }
0x4b: {  	v1 =	vld [tilespmem:s30+$0xD070]  }
0x4c: {  	v13 =	vld [tilespmem:s30+$0x5000]  }
0x4d: {  	v14 =	vld [tilespmem:s30+$0x5010]  }
0x4e: {  	v11 =	vld [tilespmem:s30+$0x5020]  }
0x4f: {  	v10 =	vld [tilespmem:s30+$0x5030]  }
0x50: {  	v9 =	vld [tilespmem:s30+$0x5040]  }
0x51: {  	v8 =	vld [tilespmem:s30+$0x5050];
	v13 =	vadd.f32 v7, v13  }
0x52: {  	s31 =	simm.s32 $0x200;
	v12 =	vadd.f32 v12, v14;
	v7 =	vld [tilespmem:s30+$0x5060]  }
.LBB2_5:
0x53: {  	s1 =	sshra.s32 s31, $0x2;
	p0 =	sne.s32 s31, $0x1FE00;
	v13 =	vmax.f32 v13, $0.0e+00;
	v6 =	vadd.f32 v6, v11;
	v11 =	vld [tilespmem:s30+$0x5070]  }
0x54: {  	v14 =	vld [tilespmem:s1+$0xD000];
	[tilespmem:s30+$0x5000] =	vst v13;
	v12 =	vmax.f32 v12, $0.0e+00;
	v5 =	vadd.f32 v5, v10  }
0x55: {  	v15 =	vld [tilespmem:s1+$0xD010];
	[tilespmem:s30+$0x5010] =	vst v12;
	v10 =	vmax.f32 v6, $0.0e+00;
	v4 =	vadd.f32 v4, v9  }
0x56: {  	v6 =	vld [tilespmem:s1+$0xD020];
	[tilespmem:s30+$0x5020] =	vst v10;
	v9 =	vmax.f32 v5, $0.0e+00;
	v3 =	vadd.f32 v3, v8  }
0x57: {  	v5 =	vld [tilespmem:s1+$0xD030];
	[tilespmem:s30+$0x5030] =	vst v9;
	v8 =	vmax.f32 v4, $0.0e+00;
	v2 =	vadd.f32 v2, v7  }
0x58: {  	v4 =	vld [tilespmem:s1+$0xD040];
	[tilespmem:s30+$0x5040] =	vst v8;
	v7 =	vmax.f32 v3, $0.0e+00;
	v1 =	vadd.f32 v1, v11  }
0x59: {  	v3 =	vld [tilespmem:s1+$0xD050];
	[tilespmem:s30+$0x5050] =	vst v7;
	v7 =	vmax.f32 v2, $0.0e+00  }
0x5a: {  	v2 =	vld [tilespmem:s1+$0xD060];
	[tilespmem:s30+$0x5060] =	vst v7;
	v7 =	vmax.f32 v1, $0.0e+00  }
0x5b: {  	v1 =	vld [tilespmem:s1+$0xD070];
	[tilespmem:s30+$0x5070] =	vst v7;
	s30 =	smov.u32 s1  }
0x5c: {  	v7 =	vld [tilespmem:s30+$0x5000]  }
0x5d: {  	v12 =	vld [tilespmem:s30+$0x5010]  }
.Ltmp1:
0x5e: {  	v11 =	vld [tilespmem:s30+$0x5020];
	(pc) =	sbr.rel @p0 .LBB2_5-.Ltmp1, $4  }
0x5f: {  	v10 =	vld [tilespmem:s30+$0x5030]  }
0x60: {  	v9 =	vld [tilespmem:s30+$0x5040]  }
0x61: {  	v13 =	vadd.f32 v14, v7;
	v8 =	vld [tilespmem:s30+$0x5050]  }
0x62: {  	s31 =	sadd.s32 $0x200, s31;
	v12 =	vadd.f32 v15, v12;
	v7 =	vld [tilespmem:s30+$0x5060]  }
0x63: {  	v13 =	vmax.f32 v13, $0.0e+00;
	v6 =	vadd.f32 v6, v11;
	v63 =	vld [tilespmem:s30+$0x5070]  }
0x64: {  	[tilespmem:s30+$0x5000] =	vst v13;
	v12 =	vmax.f32 v12, $0.0e+00;
	v5 =	vadd.f32 v5, v10  }
0x65: {  	[tilespmem:s30+$0x5010] =	vst v12;
	v6 =	vmax.f32 v6, $0.0e+00;
	v4 =	vadd.f32 v4, v9  }
0x66: {  	[tilespmem:s30+$0x5020] =	vst v6;
	v5 =	vmax.f32 v5, $0.0e+00;
	v3 =	vadd.f32 v3, v8  }
0x67: {  	[tilespmem:s30+$0x5030] =	vst v5;
	v4 =	vmax.f32 v4, $0.0e+00;
	v2 =	vadd.f32 v2, v7  }
0x68: {  	[tilespmem:s30+$0x5040] =	vst v4;
	v3 =	vmax.f32 v3, $0.0e+00;
	v1 =	vadd.f32 v1, v63  }
0x69: {  	[tilespmem:s30+$0x5050] =	vst v3;
	v2 =	vmax.f32 v2, $0.0e+00  }
0x6a: {  	[tilespmem:s30+$0x5060] =	vst v2;
	v1 =	vmax.f32 v1, $0.0e+00  }
0x6b: {  	s1 =	sadd.s32 $0x2800, s29;
	[tilespmem:s30+$0x5070] =	vst v1  }
0x6c: {  	[spmem:s2] =	stream.indirect.scatter.add.f32 [tilespmem:s13], [sflag:$0x3], $0x40, s1, s16, $0xb8;
	[tilespmem:$0x1EE00] =	vst v63  }
0x6d: {  	_ =	swait.ge [sflag:s14], $0x2000  }
0x6e: {  	[sflag:s14] =	ssyncset.done $0x0  }
0x6f: {  	s29 =	sadd.s32 $0x2800, s28;
	[sflag:s14] =	ssyncadd.s32 $0xFFFFE000  }
0x70: {  	[spmem:s2] =	stream.indirect.scatter.add.f32 [tilespmem:s17], [sflag:$0x3], $0x40, s29, s16, $0xb8;
	[tilespmem:$0x1EE00] =	vst v63  }
0x71: {  	_ =	swait.ge [sflag:s14], $0x2000  }
0x72: {  	[sflag:s14] =	ssyncset.done $0x0  }
0x73: {  	s30 =	sadd.s32 $0x2800, s26;
	[sflag:s14] =	ssyncadd.s32 $0xFFFFE000  }
0x74: {  	[spmem:s2] =	stream.indirect.scatter.add.f32 [tilespmem:s18], [sflag:$0x3], $0x40, s30, s16, $0xb8;
	[tilespmem:$0x1EE00] =	vst v63  }
0x75: {  	s24 =	sadd.s32 $0x1, s24;
	_ =	swait.ge [sflag:s14], $0x2000  }
0x76: {  	p0 =	sne.s32 s24, $0x14;
	[sflag:s14] =	ssyncset.done $0x0  }
.Ltmp2:
0x77: {  	s31 =	sadd.s32 $0x2800, s25;
	[sflag:s14] =	ssyncadd.s32 $0xFFFFE000;
	(pc) =	sbr.rel @p0 .LBB2_4-.Ltmp2, $4  }
0x78: {  	[spmem:s2] =	stream.indirect.scatter.add.f32 [tilespmem:s19], [sflag:$0x3], $0x40, s31, s16, $0xb8;
	[tilespmem:$0x1EE00] =	vst v63  }
0x79: {  	_ =	swait.ge [sflag:s14], $0x2000  }
0x7a: {  	[sflag:s14] =	ssyncset.done $0x0  }
0x7b: {  	[sflag:s14] =	ssyncadd.s32 $0xFFFFE000  }
0x7c: {  	s3 =	sadd.s32 $0x1, s3  }
0x7d: {  	s1 =	sshll.u32 s0, $0x6;
	[bflag:$0x0] =	sbarrier.arrive $0xFFFF;
	p0 =	sne.s32 s3, s12  }
.Ltmp3:
0x7e: {  	s23 =	sshrl.u32 s6, $0x3;
	s1 =	sor.u32 $0x1C03, s1;
	(pc) =	sbr.rel @p0 .LBB2_1-.Ltmp3, $4  }
0x7f: {  	[hbm:s11], [sflag:s1] =	dma.local [spmem:s23], $0x13C0  }
0x80: {  	_ =	swait.ge [sflag:s14], $0x13C0  }
0x81: {  	[sflag:s14] =	ssyncset.done $0x0  }
0x82: {  	[sflag:s14] =	ssyncadd.s32 $0xFFFFEC40  }
0x83: {  	_ =	sfence.sel $0x180000  }
0x84: {  	[bflag:$0x0] =	sbarrier.arrive $0xFFFF  }
0x85: {  	_ =	strace $0x90000050  }
0x86: {  	[bflag:$0x2] =	sbarrier.arrive $0xFFFF  }
0x87: {  	p0 =	sne.s32 s0, $0x0;
	s0 =	rddreg [dreg:$0x2]  }
0x88: {  	s0 =	sadd.s32 @!p0 $0x100000, s0  }
0x89: {  	[sflag:s0] =	ssyncadd.tile.s32 @!p0 $0x1;
	_ =	shalt  }
.Lfunc_end2:
_tile_overlayer_lowered:
.L_overlay_start_2:
0x8a: {  	(tag) =	ssettag $0x2  }
0x8b: {  	s0 =	rddreg [dreg:$0x0];
	s2 =	stileid.u32  }
0x8c: {  	s1 =	rddreg [dreg:$0x1];
	p0 =	sne.s32 s2, $0x0  }
0x8d: {  	s3 =	rddreg [dreg:$0x2];
	[bflag:$0x3] =	sbarrier.arrive $0xFFFF;
	s2 =	simm.s32 @!p0 $0x1C03  }
0x8e: {  	[timem:s3], [sflag:s2] =	dma.local @!p0 [hbm:s0], s1  }
0x8f: {  	s0 =	simm.s32 @!p0 $0x3  }
0x90: {  	_ =	swait.ge @!p0 [sflag:s0], s1  }
0x91: {  	s1 =	ssub.s32 @!p0 $0x0, s1;
	[sflag:s0] =	ssyncset.done @!p0 $0x0  }
0x92: {  	[sflag:s0] =	ssyncadd.s32 @!p0 s1  }
0x93: {  	[bflag:$0x3] =	sbarrier.arrive $0xFFFF  }
0x94: {  	_ =	shalt  }

// kernel: kernel.26.cloned.1.call-start
scs
__scs_entry_jumppad:
0x0: {  	(pc) =	sbr.rel $0x88, $3  }
0x1: {  	(tag) =	ssettag $0x0;
	lr =	simm.s32 $0x1  }
0x2: {  	[smem:$0x3F8C] =	sst lr;
	_ =	strace $0xD0000000  }
0x3: {  	_ = 	snop  }
0x4: {  	_ = 	snop  }
0x5: {  	_ = 	snop  }
0x6: {  	_ = 	snop  }
0x7: {  	_ = 	snop  }
__scs_overlays_trampoline_lowered:
0x8: {  	[smem:$0x3F9B] =	sst s0  }
0x9: {  	[smem:$0x3F9C] =	sst s1  }
0xa: {  	[smem:$0x3F9D] =	sst s2  }
0xb: {  	[smem:$0x3F9E] =	sst s3  }
0xc: {  	[smem:$0x3F9F] =	sst s4  }
0xd: {  	[smem:$0x3FA0] =	sst s5  }
0xe: {  	[smem:$0x3FA1] =	sst s6  }
0xf: {  	[smem:$0x3FA2] =	sst s7  }
0x10: {  	[smem:$0x3FA3] =	sst s8  }
0x11: {  	[smem:$0x3FA4] =	sst s9;
	s0 =	simm.s32 @!p0 $0x0  }
0x12: {  	s1 =	sld [smem:$0x3F8A];
	s0 =	simm.s32 @p0 $0x1  }
0x13: {  	[smem:$0x3FA5] =	sst s0;
	s0 =	simm.s32 @!p1 $0x0  }
0x14: {  	s2 =	sld [smem:$0x3F89];
	s0 =	simm.s32 @p1 $0x1  }
0x15: {  	[smem:$0x3FA6] =	sst s0;
	s0 =	simm.s32 @!p2 $0x0  }
0x16: {  	s3 =	sld [smem:$0x3FDB];
	s0 =	simm.s32 @p2 $0x1  }
0x17: {  	s4 =	simm.s32 $0x1BF5;
	[smem:$0x3FA8] =	sst s0  }
0x18: {  	s0 =	sld [smem:$0x3F8B];
	_ =	swait.ge [sflag:s4], $0x0  }
0x19: {  	s7 =	sld [smem:$0x3F8C]  }
0x1a: {  	s8 =	sadd.s32 $0xFFFFE003, lr  }
0x1b: {  	s9 =	sadd.s32 $0xFFFFFEF7, lr;
	s5 =	simm.s32 $0xFFFFFFFF;
	p2 =	slt.u32 s8, $0xFFFFF086  }
0x1c: {  	p1 =	slt.u32 s9, $0xF7A;
	s5 =	simm.s32 @!p2 $0x0  }
0x1d: {  	s5 =	simm.s32 @p1 $0x1;
	p0 =	seq.s32 s7, s2  }
0x1e: {  	s7 =	smul.u32 @!p0 $0xF7A, s2;
	p2 =	seq.s32 @!p0 s5, $0x0  }
0x1f: {  	s9 =	smul.u32 $0xF7A, s1;
	s8 =	simm.s32 @!p0 $0x1BF5;
	p2 =	por !p2, p0  }
0x20: {  	[sflag:s8] =	ssyncset.s32 @!p0 $0xFFFFF086;
	s6 =	sadd.s32 @!p0 s3, s7;
	s7 =	simm.s32 @!p0 $0x108  }
0x21: {  	s3 =	sadd.s32 s3, s9;
	s6 =	sadd.s32 @!p0 $0x88, s6;
	s7 =	simm.s32 @p2 $0x1082  }
0x22: {  	[simem:s7], [sflag:s8] =	dma.local @!p0 [hbm:s6], $0xF7A  }
0x23: {  	s9 =	sor.u32 $0xD0000000, s2;
	s6 =	simm.s32 $0x108;
	_ =	swait.ge @!p0 [sflag:s8], $0x0  }
0x24: {  	s3 =	sadd.s32 $0x88, s3;
	s6 =	simm.s32 @!p1 $0x1082;
	[sflag:s4] =	ssyncset.s32 $0xFFFFF086  }
0x25: {  	[simem:s6], [sflag:s4] =	dma.local [hbm:s3], $0xF7A  }
0x26: {  	[smem:$0x3F8C] =	sst s1;
	(tag) =	ssettag s2;
	_ =	strace s9  }
0x27: {  	s1 =	sld [smem:$0x3F9C]  }
0x28: {  	s2 =	sld [smem:$0x3F9D]  }
0x29: {  	s4 =	sld [smem:$0x3F9F]  }
0x2a: {  	p0 =	seq.s32 s5, $0x0;
	s5 =	sld [smem:$0x3FA0]  }
0x2b: {  	s6 =	sld [smem:$0x3FA1]  }
0x2c: {  	s7 =	sld [smem:$0x3FA2]  }
0x2d: {  	s3 =	simm.s32 $0x108;
	s8 =	sld [smem:$0x3FA3]  }
0x2e: {  	s3 =	simm.s32 @!p0 $0x1082;
	s9 =	sld [smem:$0x3FA4]  }
0x2f: {  	lr =	sadd.s32 s0, s3;
	s0 =	sld [smem:$0x3F9B]  }
0x30: {  	s3 =	sld [smem:$0x3F9E]  }
0x31: {  	[smem:$0x3FA7] =	sst s10  }
0x32: {  	s10 =	sld [smem:$0x3FA5];
	_ =	sdelay $0x3  }
0x33: {  	p0 =	seq.s32 s10, $0x1;
	s10 =	sld [smem:$0x3FA7];
	_ =	sdelay $0x3  }
0x34: {  	[smem:$0x3FA7] =	sst s10  }
0x35: {  	s10 =	sld [smem:$0x3FA6];
	_ =	sdelay $0x3  }
0x36: {  	p1 =	seq.s32 s10, $0x1;
	s10 =	sld [smem:$0x3FA7];
	_ =	sdelay $0x3  }
0x37: {  	[smem:$0x3FA7] =	sst s10  }
0x38: {  	s10 =	sld [smem:$0x3FA8]  }
0x39: {  	_ = 	snop;
	(pc) =	sbr.ind lr, $3  }
0x3a: {  	_ = 	snop  }
0x3b: {  	_ = 	snop  }
0x3c: {  	p2 =	seq.s32 s10, $0x1;
	s10 =	sld [smem:$0x3FA7]  }
0x3d: {  	_ =	shalt  }
0x3e: {  	_ =	shalt  }
0x3f: {  	_ =	shalt  }
0x40: {  	_ =	shalt  }
0x41: {  	_ =	shalt  }
0x42: {  	_ =	shalt  }
0x43: {  	_ =	shalt  }
0x44: {  	_ =	shalt  }
0x45: {  	_ =	shalt  }
0x46: {  	_ =	shalt  }
0x47: {  	_ =	shalt  }
0x48: {  	_ =	shalt  }
0x49: {  	_ =	shalt  }
0x4a: {  	_ =	shalt  }
0x4b: {  	_ =	shalt  }
0x4c: {  	_ =	shalt  }
0x4d: {  	_ =	shalt  }
0x4e: {  	_ =	shalt  }
0x4f: {  	_ =	shalt  }
0x50: {  	_ =	shalt  }
0x51: {  	_ =	shalt  }
0x52: {  	_ =	shalt  }
0x53: {  	_ =	shalt  }
0x54: {  	_ =	shalt  }
0x55: {  	_ =	shalt  }
0x56: {  	_ =	shalt  }
0x57: {  	_ =	shalt  }
0x58: {  	_ =	shalt  }
0x59: {  	_ =	shalt  }
0x5a: {  	_ =	shalt  }
0x5b: {  	_ =	shalt  }
0x5c: {  	_ =	shalt  }
0x5d: {  	_ =	shalt  }
0x5e: {  	_ =	shalt  }
0x5f: {  	_ =	shalt  }
0x60: {  	_ =	shalt  }
0x61: {  	_ =	shalt  }
0x62: {  	_ =	shalt  }
0x63: {  	_ =	shalt  }
0x64: {  	_ =	shalt  }
0x65: {  	_ =	shalt  }
0x66: {  	_ =	shalt  }
0x67: {  	_ =	shalt  }
0x68: {  	_ =	shalt  }
0x69: {  	_ =	shalt  }
0x6a: {  	_ =	shalt  }
0x6b: {  	_ =	shalt  }
0x6c: {  	_ =	shalt  }
0x6d: {  	_ =	shalt  }
0x6e: {  	_ =	shalt  }
0x6f: {  	_ =	shalt  }
0x70: {  	_ =	shalt  }
0x71: {  	_ =	shalt  }
0x72: {  	_ =	shalt  }
0x73: {  	_ =	shalt  }
0x74: {  	_ =	shalt  }
0x75: {  	_ =	shalt  }
0x76: {  	_ =	shalt  }
0x77: {  	_ =	shalt  }
0x78: {  	_ =	shalt  }
0x79: {  	_ =	shalt  }
0x7a: {  	_ =	shalt  }
0x7b: {  	_ =	shalt  }
0x7c: {  	_ =	shalt  }
0x7d: {  	_ =	shalt  }
0x7e: {  	_ =	shalt  }
0x7f: {  	_ =	shalt  }
0x80: {  	_ =	shalt  }
0x81: {  	_ =	shalt  }
0x82: {  	_ =	shalt  }
0x83: {  	_ =	shalt  }
0x84: {  	_ =	shalt  }
0x85: {  	_ =	shalt  }
0x86: {  	_ =	shalt  }
0x87: {  	_ =	shalt  }
.Lfunc_end0:
.L_simem_size_0:
called_computation.4_lowered:
.L_overlay_start_0:
0x88: {  	s2 =	sld [smem:$0x3FD9]  }
0x89: {  	s3 =	sld [smem:$0x3FFE];
	_ =	sdelay $0x1  }
0x8a: {  	s1 =	srdreg.scid  }
0x8b: {  	s0 =	sand.u32 $0x1, s1  }
0x8c: {  	s17 =	sshll.u32 s0, $0xA;
	s2 =	sadd.s32 s3, s2  }
0x8d: {  	s2 =	sadd.s32 s2, s17  }
0x8e: {  	[smem:$0x3FB3] =	sst s2  }
0x8f: {  	_ = 	snop  }
0x90: {  	(tm) =	ssettm $0x1  }
0x91: {  	s18 =	sld [smem:$0x3FFB];
	_ =	sdelay $0x3  }
0x92: {  	_ =	strace s18  }
0x93: {  	s2 =	sld [smem:$0x3FFC];
	_ =	sdelay $0x3  }
0x94: {  	_ =	strace s2  }
0x95: {  	s2 =	sld [smem:$0x3FFD];
	_ =	sdelay $0x3  }
0x96: {  	_ =	strace s2  }
0x97: {  	_ =	strace $0x8FFFFFFF  }
0x98: {  	s19 =	sld [smem:$0x3FDB];
	_ =	sdelay $0x1  }
0x99: {  	s20 =	simm.s32 $_scs_section_size  }
0x9a: {  	s4 =	simm.s32 $_size__tile_overlayer_lowered;
	s5 =	simm.s32 $_tile_overlayer_lowered  }
0x9b: {  	s6 =	simm.s32 $0x1BFF;
	s21 =	sshll.u32 s5, $0x1;
	s3 =	sadd.s32 s20, s19  }
0x9c: {  	s22 =	simm.s32 $0x0;
	s4 =	sshll.u32 s4, $0x1;
	s5 =	sadd.s32 s21, s3  }
0x9d: {  	[timem:s22], [sflag:s6] =	dma.local [hbm:s5], s4  }
0x9e: {  	_ =	swait.ge [sflag:s6], s4  }
0x9f: {  	s4 =	ssub.s32 $0x0, s4;
	[sflag:s6] =	ssyncset.done $0x0  }
0xa0: {  	[sflag:s6] =	ssyncadd.s32 s4;
	_ =	sdelay $0x1  }
0xa1: {  	s23 =	simm.s32 $0x1B8B  }
0xa2: {  	_ =	swait.ge [sflag:s23], $0x1  }
0xa3: {  	[sflag:s23] =	ssyncset.done $0x0  }
0xa4: {  	[sflag:s23] =	ssyncadd.s32 $0xFFFFFFFF  }
0xa5: {  	s4 =	sld [smem:$0x0]  }
0xa6: {  	s5 =	sand.u32 $0xFFFFFFFE, s1  }
0xa7: {  	p0 =	sne.s32 s1, s5  }
0xa8: {  	s5 =	sshll.u32 @p0 s5, $0xE  }
0xa9: {  	s5 =	sadd.s32 @p0 $0x11B8D, s5;
	s6 =	sshll.u32 @p0 s4, $0x11  }
0xaa: {  	s5 =	sor.u32 @p0 s6, s5  }
0xab: {  	[sflag:s5] =	ssyncadd.remote.s32 @p0 $0x1;
	_ =	sdelay $0x1  }
0xac: {  	s5 =	simm.s32 @p0 $0x1B8D  }
0xad: {  	_ =	swait.eq @p0 [sflag:s5], $0x1  }
0xae: {  	[sflag:s5] =	ssyncadd.s32 @p0 $0xFFFFFFFF  }
0xaf: {  	s6 =	sshll.u32 @!p0 s1, $0xE  }
0xb0: {  	s6 =	sor.u32 @!p0 $0x4000, s6;
	s5 =	simm.s32 @!p0 $0x1B8D  }
0xb1: {  	s4 =	sshll.u32 @!p0 s4, $0x11;
	s6 =	sadd.s32 @!p0 $0x11B8D, s6;
	_ =	swait.eq @!p0 [sflag:s5], $0x1  }
0xb2: {  	s4 =	sor.u32 @!p0 s4, s6;
	[sflag:s5] =	ssyncadd.s32 @!p0 $0xFFFFFFFF  }
0xb3: {  	s25 =	simm.s32 $0x1B8E;
	s24 =	sld [smem:$0x3FFE];
	[sflag:s4] =	ssyncadd.remote.s32 @!p0 $0x1  }
0xb4: {  	s26 =	simm.s32 $execute0_lowered;
	[smem:$0x3FD2] =	sst s25  }
0xb5: {  	s5 =	sshll.u32 s26, $0x1;
	_ =	strace $0x80000052;
	[dreg:$0x1] =	wrdreg $0xFFFFFFFF  }
0xb6: {  	s28 =	simm.s32 $_size_execute0_lowered;
	s3 =	sadd.s32 s3, s5;
	[dreg:$0x0] =	wrdreg $0x0  }
0xb7: {  	s5 =	sshll.u32 s28, $0x1;
	[dreg:$0x2] =	wrdreg s3  }
0xb8: {  	[dreg:$0x3] =	wrdreg s5  }
0xb9: {  	[dreg:$0x4] =	wrdreg $0xC0  }
0xba: {  	_ =	task [dreg:s22], $0x5FFFF  }
0xbb: {  	[dreg:$0x1] =	wrdreg $0xFFFFFFFF  }
0xbc: {  	[dreg:$0x0] =	wrdreg $0x60  }
0xbd: {  	[dreg:$0x2] =	wrdreg s24  }
0xbe: {  	[dreg:$0x3] =	wrdreg $0xA8000  }
0xbf: {  	[dreg:$0x4] =	wrdreg $0xA  }
0xc0: {  	_ =	task.clear_ibuf [dreg:s22], $0x5FFFF;
	_ =	strace $0x90000052  }
0xc1: {  	s29 =	simm.s32 $0xA;
	_ =	strace $0x80000054  }
0xc2: {  	_ =	swait.ge [sflag:s29], $0x1  }
0xc3: {  	[sflag:s29] =	ssyncadd.s32 $0xFFFFFFFF  }
0xc4: {  	_ =	strace $0x90000054  }
0xc5: {  	_ =	sfence  }
0xc6: {  	s30 =	sld [smem:$0x0];
	_ =	sdelay $0x2  }
0xc7: {  	s31 =	sshll.u32 s1, $0xD;
	s1 =	sshrl.u32 s1, $0x2  }
0xc8: {  	s4 =	sand.u32 $0x4000, s31;
	s1 =	sadd.s32 s1, s30  }
0xc9: {  	s0 =	sor.u32 s4, s0;
	s1 =	sshll.u32 s1, $0x11  }
0xca: {  	s0 =	sor.u32 s1, s0  }
0xcb: {  	s0 =	sadd.s32 $0x8F2B, s0  }
0xcc: {  	[sflag:s0] =	ssyncadd.remote.s32 $0x1  }
0xcd: {  	_ =	sfence.sel $0xFFFF  }
0xce: {  	[dreg:$0x0] =	wrdreg $0xFFFFFFFF;
	(pc) =	sbr.abs _section_cstart, $3  }
0xcf: {  	[dreg:$0x1] =	wrdreg $0xFFFFFFFF  }
0xd0: {  	_ =	task.clear_ibuf [dreg:s22], $0x2FFFF;
	_ =	strace $0x9FFFFFFF  }
0xd1: {  	(tm) =	ssettm $0x7FFFFFFF  }
tec
execute0_lowered:
.L_overlay_start_1:
0x0: {  	(tag) =	ssettag $0x1  }
0x1: {  	s6 =	rddreg [dreg:$0x0]  }
0x2: {  	s0 =	srdreg.scid;
	s2 =	rddreg [dreg:$0x1]  }
0x3: {  	s3 =	simm.s32 $0x0;
	s13 =	simm.s32 $0x1400;
	s14 =	simm.s32 $0x80  }
0x4: {  	s15 =	simm.s32 $0x4800;
	s5 =	sand.u32 $0x1, s0;
	s0 =	stileid.u32  }
0x5: {  	s16 =	simm.s32 $0x6800;
	s17 =	simm.s32 $0x8800;
	s8 =	smul.u32 $0x9E00, s0  }
0x6: {  	s18 =	simm.s32 $0x1;
	[smem:$0x7FF] =	sst s3;
	s9 =	smul.u32 $0x9E000, s5  }
0x7: {  	s4 =	sadd.s32 $0x1D600, s6;
	s1 =	sshll.u32 s5, $0x4;
	s10 =	smul.u32 $0x27800, s0  }
0x8: {  	s5 =	ssub.s32 $0x2, s5;
	s19 =	sshll.u32 s0, $0x6;
	s1 =	sor.u32 s0, s1  }
0x9: {  	s30 =	sshrl.u32 s5, $0x1;
	s19 =	sor.u32 $0x1C02, s19;
	s7 =	smul.u32 $0x280, s1  }
0xa: {  	s1 =	rddreg [dreg:$0x2];
	_ =	strace $0x80000053;
	s26 =	sadd.s32 s8, s9  }
0xb: {  	s28 =	sshrl.u32 s10, $0x2;
	s12 =	ssub.s32 s5, s30;
	s5 =	sadd.s32 s8, s2  }
0xc: {  	s31 =	sadd.s32 s28, s2;
	s10 =	smax.u32 s12, $0x1;
	s12 =	simm.s32 $0x2  }
0xd: {  	s20 =	sshrl.u32 s5, $0x3;
	s11 =	sadd.s32 s7, s6;
	s7 =	sshrl.u32 s26, $0x3  }
0xe: {  	s29 =	sadd.s32 s7, s6;
	s6 =	sadd.s32 $0x8000, s31;
	s7 =	sadd.s32 $0x59800, s11  }
0xf: {  	v0 =	vimm.f32 $0.0e+00;
	s8 =	sadd.s32 $0x5E800, s11;
	s11 =	simm.s32 $0x2800;
	s9 =	sadd.s32 $0x63800, s29  }
.LBB2_1:
0x10: {  	s22 =	simm.s32 $0x100;
	s21 =	simm.s32 $0x0  }
.LBB2_2:
0x11: {  	p0 =	sne.s32 s22, $0x1FF00;
	[tilespmem:s21+$0x2830] =	vst v0;
	s23 =	smov.u32 s22;
	s22 =	sadd.s32 $0x100, s22  }
.Ltmp0:
0x12: {  	[tilespmem:s21+$0x2820] =	vst v0;
	(pc) =	sbr.rel @p0 .LBB2_2-.Ltmp0, $3  }
0x13: {  	[tilespmem:s21+$0x2800] =	vst v0  }
0x14: {  	[tilespmem:s21+$0x2810] =	vst v0;
	_ =	sdelay $0x1  }
0x15: {  	s21 =	sshra.s32 s23, $0x2  }
0x16: {  	[tilespmem:s21+$0x2830] =	vst v0  }
0x17: {  	[tilespmem:s21+$0x2820] =	vst v0  }
0x18: {  	[tilespmem:s21+$0x2800] =	vst v0  }
0x19: {  	[tilespmem:s21+$0x2810] =	vst v0  }
0x1a: {  	[spmem:s5] =	stream.linear.scatter [tilespmem:s11], [sflag:$0x2], $0x8000, $0x38;
	[tilespmem:$0x14600] =	vst v63  }
0x1b: {  	_ =	swait.ge [sflag:s12], $0x8000  }
0x1c: {  	[sflag:s12] =	ssyncset.done $0x0  }
0x1d: {  	[sflag:s12] =	ssyncadd.s32 $0xFFFF8000  }
0x1e: {  	[spmem:s6] =	stream.linear.scatter [tilespmem:s11], [sflag:$0x2], $0x1E00, $0x38;
	[tilespmem:$0x14600] =	vst v63  }
0x1f: {  	_ =	swait.ge [sflag:s12], $0x1E00  }
0x20: {  	[sflag:s12] =	ssyncset.done $0x0  }
0x21: {  	[sflag:s12] =	ssyncadd.s32 $0xFFFFE200  }
0x22: {  	s22 =	simm.s32 $0x0;
	[bflag:$0x0] =	sbarrier.arrive $0xFFFF  }
0x23: {  	[tilespmem:s22], [sflag:$0x2] =	stream.linear.gather [hbm4b:s7+s22], $0x1400, $0x38;
	[tilespmem:$0x14600] =	vst v63  }
0x24: {  	_ =	swait.ge [sflag:s12], $0x1400  }
0x25: {  	[sflag:s12] =	ssyncset.done $0x0  }
0x26: {  	[sflag:s12] =	ssyncadd.s32 $0xFFFFEC00  }
0x27: {  	[tilespmem:s13], [sflag:$0x2] =	stream.linear.gather [hbm4b:s8+s22], $0x1400, $0x38;
	[tilespmem:$0x14600] =	vst v63  }
0x28: {  	_ =	swait.ge [sflag:s12], $0x1400  }
0x29: {  	[sflag:s12] =	ssyncset.done $0x0  }
0x2a: {  	s23 =	simm.s32 $0x0;
	[sflag:s12] =	ssyncadd.s32 $0xFFFFEC00  }
0x2b: {  	[tilespmem:s11], [sflag:$0x1] =	stream.indirect.gather [hbm4b:s4+s14], $0x40, s23, s14, $0xb8;
	[tilespmem:$0x14600] =	vst v63  }
0x2c: {  	s24 =	simm.s32 $0x80  }
0x2d: {  	[tilespmem:s15], [sflag:$0x1] =	stream.indirect.gather [hbm4b:s4+s14], $0x40, s24, s14, $0xb8;
	[tilespmem:$0x14600] =	vst v63  }
0x2e: {  	s25 =	simm.s32 $0x100  }
0x2f: {  	[tilespmem:s16], [sflag:$0x1] =	stream.indirect.gather [hbm4b:s4+s14], $0x40, s25, s14, $0xb8;
	[tilespmem:$0x14600] =	vst v63  }
0x30: {  	s26 =	simm.s32 $0x180  }
0x31: {  	[tilespmem:s17], [sflag:$0x1] =	stream.indirect.gather [hbm4b:s4+s14], $0x40, s26, s14, $0xb8;
	[tilespmem:$0x14600] =	vst v63  }
0x32: {  	_ =	swait.ge [sflag:s18], $0x2000  }
0x33: {  	[sflag:s18] =	ssyncset.done $0x0  }
0x34: {  	[sflag:s18] =	ssyncadd.s32 $0xFFFFE000  }
0x35: {  	_ =	swait.ge [sflag:s18], $0x2000  }
0x36: {  	[sflag:s18] =	ssyncset.done $0x0  }
0x37: {  	[sflag:s18] =	ssyncadd.s32 $0xFFFFE000  }
0x38: {  	_ =	swait.ge [sflag:s18], $0x2000  }
0x39: {  	[sflag:s18] =	ssyncset.done $0x0  }
0x3a: {  	[sflag:s18] =	ssyncadd.s32 $0xFFFFE000  }
0x3b: {  	_ =	swait.ge [sflag:s18], $0x2000  }
0x3c: {  	[sflag:s18] =	ssyncset.done $0x0  }
0x3d: {  	s28 =	simm.s32 $0x1400;
	[sflag:s18] =	ssyncadd.s32 $0xFFFFE000  }
0x3e: {  	[spmem:s2] =	stream.indirect.scatter.add.f32 [tilespmem:s11], [sflag:$0x2], $0x40, s28, s14, $0xb8;
	[tilespmem:$0x14600] =	vst v63  }
0x3f: {  	_ =	swait.ge [sflag:s12], $0x2000  }
0x40: {  	[sflag:s12] =	ssyncset.done $0x0  }
0x41: {  	s29 =	simm.s32 $0x1480;
	[sflag:s12] =	ssyncadd.s32 $0xFFFFE000  }
0x42: {  	[spmem:s2] =	stream.indirect.scatter.add.f32 [tilespmem:s15], [sflag:$0x2], $0x40, s29, s14, $0xb8;
	[tilespmem:$0x14600] =	vst v63  }
0x43: {  	_ =	swait.ge [sflag:s12], $0x2000  }
0x44: {  	[sflag:s12] =	ssyncset.done $0x0  }
0x45: {  	s30 =	simm.s32 $0x1500;
	[sflag:s12] =	ssyncadd.s32 $0xFFFFE000  }
0x46: {  	[spmem:s2] =	stream.indirect.scatter.add.f32 [tilespmem:s16], [sflag:$0x2], $0x40, s30, s14, $0xb8;
	[tilespmem:$0x14600] =	vst v63  }
0x47: {  	_ =	swait.ge [sflag:s12], $0x2000  }
0x48: {  	[sflag:s12] =	ssyncset.done $0x0  }
0x49: {  	s31 =	simm.s32 $0x1580;
	[sflag:s12] =	ssyncadd.s32 $0xFFFFE000  }
0x4a: {  	[spmem:s2] =	stream.indirect.scatter.add.f32 [tilespmem:s17], [sflag:$0x2], $0x40, s31, s14, $0xb8;
	[tilespmem:$0x14600] =	vst v63  }
0x4b: {  	_ =	swait.ge [sflag:s12], $0x2000  }
0x4c: {  	s21 =	simm.s32 $0x800;
	s24 =	simm.s32 $0x1000;
	[sflag:s12] =	ssyncset.done $0x0  }
.LBB2_4:
0x4d: {  	s23 =	sshra.s32 s21, $0x2  }
0x4e: {  	[sflag:s12] =	ssyncadd.s32 $0xFFFFE000;
	s21 =	smov.u32 s24;
	s22 =	sadd.s32 $0x800, s24  }
0x4f: {  	[tilespmem:s11], [sflag:$0x1] =	stream.indirect.gather [hbm4b:s4+s14], $0x40, s23, s14, $0xb8;
	[tilespmem:$0x14600] =	vst v63  }
0x50: {  	p0 =	sne.s32 s24, $0x4800;
	s24 =	sadd.s32 $0x80, s23  }
0x51: {  	[tilespmem:s15], [sflag:$0x1] =	stream.indirect.gather [hbm4b:s4+s14], $0x40, s24, s14, $0xb8;
	[tilespmem:$0x14600] =	vst v63  }
0x52: {  	s24 =	sadd.s32 $0x100, s23  }
0x53: {  	[tilespmem:s16], [sflag:$0x1] =	stream.indirect.gather [hbm4b:s4+s14], $0x40, s24, s14, $0xb8;
	[tilespmem:$0x14600] =	vst v63  }
0x54: {  	s24 =	sadd.s32 $0x180, s23  }
0x55: {  	[tilespmem:s17], [sflag:$0x1] =	stream.indirect.gather [hbm4b:s4+s14], $0x40, s24, s14, $0xb8;
	[tilespmem:$0x14600] =	vst v63  }
0x56: {  	_ =	swait.ge [sflag:s18], $0x2000  }
0x57: {  	[sflag:s18] =	ssyncset.done $0x0  }
0x58: {  	[sflag:s18] =	ssyncadd.s32 $0xFFFFE000  }
0x59: {  	_ =	swait.ge [sflag:s18], $0x2000  }
0x5a: {  	[sflag:s18] =	ssyncset.done $0x0  }
0x5b: {  	[sflag:s18] =	ssyncadd.s32 $0xFFFFE000  }
0x5c: {  	_ =	swait.ge [sflag:s18], $0x2000  }
0x5d: {  	[sflag:s18] =	ssyncset.done $0x0  }
0x5e: {  	[sflag:s18] =	ssyncadd.s32 $0xFFFFE000  }
0x5f: {  	_ =	swait.ge [sflag:s18], $0x2000  }
0x60: {  	[sflag:s18] =	ssyncset.done $0x0  }
0x61: {  	s24 =	sadd.s32 $0x1400, s23;
	[sflag:s18] =	ssyncadd.s32 $0xFFFFE000  }
0x62: {  	[spmem:s2] =	stream.indirect.scatter.add.f32 [tilespmem:s11], [sflag:$0x2], $0x40, s24, s14, $0xb8;
	[tilespmem:$0x14600] =	vst v63  }
0x63: {  	_ =	swait.ge [sflag:s12], $0x2000  }
0x64: {  	[sflag:s12] =	ssyncset.done $0x0  }
0x65: {  	s24 =	sadd.s32 $0x1480, s23;
	[sflag:s12] =	ssyncadd.s32 $0xFFFFE000  }
0x66: {  	[spmem:s2] =	stream.indirect.scatter.add.f32 [tilespmem:s15], [sflag:$0x2], $0x40, s24, s14, $0xb8;
	[tilespmem:$0x14600] =	vst v63  }
0x67: {  	_ =	swait.ge [sflag:s12], $0x2000  }
0x68: {  	[sflag:s12] =	ssyncset.done $0x0  }
0x69: {  	s24 =	sadd.s32 $0x1500, s23;
	[sflag:s12] =	ssyncadd.s32 $0xFFFFE000  }
0x6a: {  	[spmem:s2] =	stream.indirect.scatter.add.f32 [tilespmem:s16], [sflag:$0x2], $0x40, s24, s14, $0xb8;
	[tilespmem:$0x14600] =	vst v63  }
0x6b: {  	_ =	swait.ge [sflag:s12], $0x2000  }
.Ltmp1:
0x6c: {  	[sflag:s12] =	ssyncset.done $0x0;
	(pc) =	sbr.rel @p0 .LBB2_4-.Ltmp1, $4  }
0x6d: {  	s23 =	sadd.s32 $0x1580, s23;
	[sflag:s12] =	ssyncadd.s32 $0xFFFFE000  }
0x6e: {  	[spmem:s2] =	stream.indirect.scatter.add.f32 [tilespmem:s17], [sflag:$0x2], $0x40, s23, s14, $0xb8;
	[tilespmem:$0x14600] =	vst v63  }
0x6f: {  	_ =	swait.ge [sflag:s12], $0x2000  }
0x70: {  	s24 =	smov.u32 s22;
	[sflag:s12] =	ssyncset.done $0x0  }
0x71: {  	s21 =	sshra.s32 s21, $0x2;
	[sflag:s12] =	ssyncadd.s32 $0xFFFFE000  }
0x72: {  	[tilespmem:s11], [sflag:$0x1] =	stream.indirect.gather [hbm4b:s4+s14], $0x40, s21, s14, $0xb8;
	[tilespmem:$0x14600] =	vst v63  }
0x73: {  	s22 =	sadd.s32 $0x80, s21  }
0x74: {  	[tilespmem:s15], [sflag:$0x1] =	stream.indirect.gather [hbm4b:s4+s14], $0x40, s22, s14, $0xb8;
	[tilespmem:$0x14600] =	vst v63  }
0x75: {  	s26 =	sadd.s32 $0x100, s21  }
0x76: {  	[tilespmem:s16], [sflag:$0x1] =	stream.indirect.gather [hbm4b:s4+s14], $0x40, s26, s14, $0xb8;
	[tilespmem:$0x14600] =	vst v63  }
0x77: {  	s28 =	sadd.s32 $0x180, s21  }
0x78: {  	[tilespmem:s17], [sflag:$0x1] =	stream.indirect.gather [hbm4b:s4+s14], $0x40, s28, s14, $0xb8;
	[tilespmem:$0x14600] =	vst v63  }
0x79: {  	_ =	swait.ge [sflag:s18], $0x2000  }
0x7a: {  	[sflag:s18] =	ssyncset.done $0x0  }
0x7b: {  	[sflag:s18] =	ssyncadd.s32 $0xFFFFE000  }
0x7c: {  	_ =	swait.ge [sflag:s18], $0x2000  }
0x7d: {  	[sflag:s18] =	ssyncset.done $0x0  }
0x7e: {  	[sflag:s18] =	ssyncadd.s32 $0xFFFFE000  }
0x7f: {  	_ =	swait.ge [sflag:s18], $0x2000  }
0x80: {  	[sflag:s18] =	ssyncset.done $0x0  }
0x81: {  	[sflag:s18] =	ssyncadd.s32 $0xFFFFE000  }
0x82: {  	_ =	swait.ge [sflag:s18], $0x2000  }
0x83: {  	[sflag:s18] =	ssyncset.done $0x0  }
0x84: {  	s29 =	sadd.s32 $0x1400, s21;
	[sflag:s18] =	ssyncadd.s32 $0xFFFFE000  }
0x85: {  	[spmem:s2] =	stream.indirect.scatter.add.f32 [tilespmem:s11], [sflag:$0x2], $0x40, s29, s14, $0xb8;
	[tilespmem:$0x14600] =	vst v63  }
0x86: {  	_ =	swait.ge [sflag:s12], $0x2000  }
0x87: {  	[sflag:s12] =	ssyncset.done $0x0  }
0x88: {  	s30 =	sadd.s32 $0x1480, s21;
	[sflag:s12] =	ssyncadd.s32 $0xFFFFE000  }
0x89: {  	[spmem:s2] =	stream.indirect.scatter.add.f32 [tilespmem:s15], [sflag:$0x2], $0x40, s30, s14, $0xb8;
	[tilespmem:$0x14600] =	vst v63  }
0x8a: {  	_ =	swait.ge [sflag:s12], $0x2000  }
0x8b: {  	[sflag:s12] =	ssyncset.done $0x0  }
0x8c: {  	s31 =	sadd.s32 $0x1500, s21;
	[sflag:s12] =	ssyncadd.s32 $0xFFFFE000  }
0x8d: {  	[spmem:s2] =	stream.indirect.scatter.add.f32 [tilespmem:s16], [sflag:$0x2], $0x40, s31, s14, $0xb8;
	[tilespmem:$0x14600] =	vst v63  }
0x8e: {  	_ =	swait.ge [sflag:s12], $0x2000  }
0x8f: {  	[sflag:s12] =	ssyncset.done $0x0  }
0x90: {  	s21 =	sadd.s32 $0x1580, s21;
	[sflag:s12] =	ssyncadd.s32 $0xFFFFE000  }
0x91: {  	[spmem:s2] =	stream.indirect.scatter.add.f32 [tilespmem:s17], [sflag:$0x2], $0x40, s21, s14, $0xb8;
	[tilespmem:$0x14600] =	vst v63  }
0x92: {  	_ =	swait.ge [sflag:s12], $0x2000  }
0x93: {  	s3 =	sadd.s32 $0x1, s3;
	[sflag:s12] =	ssyncset.done $0x0  }
0x94: {  	p0 =	sne.s32 s3, s10;
	[sflag:s12] =	ssyncadd.s32 $0xFFFFE000  }
.Ltmp2:
0x95: {  	[bflag:$0x0] =	sbarrier.arrive $0xFFFF;
	(pc) =	sbr.rel @p0 .LBB2_1-.Ltmp2, $4  }
0x96: {  	[hbm:s9], [sflag:s19] =	dma.local [spmem:s20], $0x13C0  }
0x97: {  	_ =	swait.ge [sflag:s12], $0x13C0  }
0x98: {  	[sflag:s12] =	ssyncset.done $0x0  }
0x99: {  	[sflag:s12] =	ssyncadd.s32 $0xFFFFEC40  }
0x9a: {  	_ =	sfence.sel $0x180000  }
0x9b: {  	[bflag:$0x0] =	sbarrier.arrive $0xFFFF  }
0x9c: {  	p0 =	sne.s32 s0, $0x0;
	_ =	strace $0x90000053  }
0x9d: {  	s0 =	sadd.s32 @!p0 $0x100000, s1;
	[bflag:$0x2] =	sbarrier.arrive $0xFFFF  }
0x9e: {  	[sflag:s0] =	ssyncadd.tile.s32 @!p0 $0x1;
	_ =	shalt  }
.Lfunc_end2:
_tile_overlayer_lowered:
.L_overlay_start_2:
0x9f: {  	(tag) =	ssettag $0x2  }
0xa0: {  	s0 =	rddreg [dreg:$0x0];
	s2 =	stileid.u32  }
0xa1: {  	s1 =	rddreg [dreg:$0x1];
	p0 =	sne.s32 s2, $0x0  }
0xa2: {  	s3 =	rddreg [dreg:$0x2];
	[bflag:$0x3] =	sbarrier.arrive $0xFFFF;
	s2 =	simm.s32 @!p0 $0x1C02  }
0xa3: {  	[timem:s3], [sflag:s2] =	dma.local @!p0 [hbm:s0], s1  }
0xa4: {  	s0 =	simm.s32 @!p0 $0x2  }
0xa5: {  	_ =	swait.ge @!p0 [sflag:s0], s1  }
0xa6: {  	s1 =	ssub.s32 @!p0 $0x0, s1;
	[sflag:s0] =	ssyncset.done @!p0 $0x0  }
0xa7: {  	[sflag:s0] =	ssyncadd.s32 @!p0 s1  }
0xa8: {  	[bflag:$0x3] =	sbarrier.arrive $0xFFFF  }
0xa9: {  	_ =	shalt  }

</sc_bundles>
